<compile_context>
chip_gen: v7x
topology: tpu7x:2x2x1
jax: 0.10.2.dev20260603
libtpu: 0.0.44.dev20260713+nightly
codegen_flags: <defaults>
</compile_context>

<pallas_src>
import functools

import jax
import jax.numpy as jnp
from jax import lax
from jax.experimental import pallas as pl
from jax.experimental.pallas import tpu as pltpu
from jax.experimental.pallas import tpu_sc as plsc

B, S, D = 1024, 200, 64
N = B * S
VOCAB, HBK = 1000000, 10000
NC, NS, L = 2, 16, 16
NW = NC * NS
RPT = N // NW
C = 400
NCHUNK = RPT // C
G = C // L
EPS = 1e-5
MIX = 0.7


def _rsqrt(x):
    i = lax.bitcast_convert_type(x, jnp.int32)
    y = lax.bitcast_convert_type(
        jnp.int32(0x5F3759DF) - lax.shift_right_logical(i, 1), jnp.float32)
    for _ in range(3):
        y = y * (1.5 - 0.5 * x * y * y)
    return y


@functools.partial(
    pl.kernel,
    out_type=(
        jax.ShapeDtypeStruct((N, D), jnp.float32),
        jax.ShapeDtypeStruct((NW * 2 * L,), jnp.float32),
    ),
    mesh=plsc.VectorSubcoreMesh(core_axis_name="c", subcore_axis_name="s",
                                num_cores=NC, num_subcores=NS),
    compiler_params=pltpu.CompilerParams(use_tc_tiling_on_sc=False,
                                         needs_layout_passes=False),
    scratch_types=[
        pltpu.VMEM((2, C), jnp.int32),
        pltpu.VMEM((2, C), jnp.int32),
        pltpu.VMEM((2, C, D), jnp.float32),
        pltpu.VMEM((2, C, D), jnp.float32),
        pltpu.VMEM((3 * D + L,), jnp.float32),
        pltpu.VMEM((2 * L,), jnp.float32),
        pltpu.SemaphoreType.DMA,
        pltpu.SemaphoreType.DMA,
        pltpu.SemaphoreType.DMA,
        pltpu.SemaphoreType.DMA,
        pltpu.SemaphoreType.DMA,
        pltpu.SemaphoreType.DMA,
    ],
)
def _sc_forward(ids_hbm, tok_hbm, hsh_hbm, cons_hbm, out_hbm, part_hbm,
                tidx, hidx, buf, outb, cons, ptb,
                sem_t0, sem_t1, sem_a0, sem_a1, sem_o0, sem_o1):
    sem_t = (sem_t0, sem_t1)
    sem_a = (sem_a0, sem_a1)
    sem_o = (sem_o0, sem_o1)
    wid = lax.axis_index("s") * NC + lax.axis_index("c")
    base = wid * RPT
    pltpu.sync_copy(cons_hbm, cons)

    def load_ids(k, b):
        pltpu.sync_copy(ids_hbm.at[pl.ds(base + k * C, C)], tidx.at[b])

        def hx(i, acc):
            v = tidx[b, pl.ds(i * L, L)]
            hidx[b, pl.ds(i * L, L)] = (v * 31) % HBK
            return acc

        lax.fori_loop(0, G, hx, 0)

    def start_tok(k, b):
        return pltpu.async_copy(tok_hbm.at[tidx.at[b]], buf.at[b], sem_t[b])

    def start_hash_add(b):
        return pltpu.async_copy(hsh_hbm.at[hidx.at[b]], buf.at[b], sem_a[b],
                                add=True)

    load_ids(0, 0)
    start_tok(0, 0)
    load_ids(1, 1)
    pltpu.make_async_copy(tok_hbm.at[tidx.at[0]], buf.at[0], sem_t[0]).wait()
    start_hash_add(0)
    start_tok(1, 1)

    def compute_chunk(k, b, carry):
        bref = buf.at[b]
        oref = outb.at[b]
        NV = D // L
        w = [cons[pl.ds(j * L, L)] for j in range(NV)]
        gam = [cons[pl.ds(D + j * L, L)] for j in range(NV)]
        bet = [cons[pl.ds(2 * D + j * L, L)] for j in range(NV)]
        bgv = cons[pl.ds(3 * D, L)]
        UR = 4

        def row_blk(blk, acc):
            cnt, nrm = acc
            for u in range(UR):
                r = blk * UR + u
                c = [bref[r, pl.ds(j * L, L)] for j in range(NV)]
                lgv = ((c[0] * w[0] + bgv) + c[1] * w[1]) + (
                    c[2] * w[2] + c[3] * w[3])
                s1v = (c[0] + c[1]) + (c[2] + c[3])
                s2v = (c[0] * c[0] + c[1] * c[1]) + (
                    c[2] * c[2] + c[3] * c[3])
                lg = jnp.sum(lgv)
                s1 = jnp.sum(s1v)
                s2 = jnp.sum(s2v)
                m = jnp.where(lg > 0.0, 1.0, 0.0).astype(jnp.float32)
                mu = m * s1 * (MIX / D)
                var = m * s2 * (MIX * MIX / D) - mu * mu
                rinv = _rsqrt(var + EPS)
                av = jnp.full((L,), MIX * m * rinv, jnp.float32)
                bv2 = jnp.full((L,), mu * rinv, jnp.float32)
                o = [(av * c[j] - bv2) * gam[j] + bet[j] for j in range(NV)]
                qv = (o[0] * o[0] + o[1] * o[1]) + (o[2] * o[2] + o[3] * o[3])
                for j in range(NV):
                    oref[r, pl.ds(j * L, L)] = o[j]
                q = jnp.sum(qv)
                nq = jnp.where(q > 0.0, q * _rsqrt(q), 0.0)
                cnt = cnt + m
                nrm = nrm + nq
            return (cnt, nrm)

        return lax.fori_loop(0, C // UR, row_blk, carry)

    def loop_body(kk, carry):
        for b in (0, 1):
            k = 2 * kk + b
            @pl.when(k + 1 < NCHUNK)
            def _():
                pltpu.make_async_copy(tok_hbm.at[tidx.at[1 - b]],
                                      buf.at[1 - b], sem_t[1 - b]).wait()
                start_hash_add(1 - b)

            pltpu.make_async_copy(hsh_hbm.at[hidx.at[b]], buf.at[b],
                                  sem_a[b]).wait()

            @pl.when(kk >= 1)
            def _():
                pltpu.make_async_copy(
                    outb.at[b], out_hbm.at[pl.ds(base + (k - 2) * C, C)],
                    sem_o[b]).wait()

            carry = compute_chunk(k, b, carry)
            pltpu.async_copy(outb.at[b],
                             out_hbm.at[pl.ds(base + k * C, C)], sem_o[b])

            @pl.when(k + 2 < NCHUNK)
            def _():
                load_ids(k + 2, b)
                start_tok(k + 2, b)

        return carry

    cnt, nrm = lax.fori_loop(0, NCHUNK // 2, loop_body,
                             (jnp.float32(0.0), jnp.float32(0.0)))

    pltpu.make_async_copy(outb.at[0],
                          out_hbm.at[pl.ds(base + (NCHUNK - 2) * C, C)],
                          sem_o[0]).wait()
    pltpu.make_async_copy(outb.at[1],
                          out_hbm.at[pl.ds(base + (NCHUNK - 1) * C, C)],
                          sem_o[1]).wait()

    ptb[pl.ds(0, L)] = jnp.full((L,), cnt, jnp.float32)
    ptb[pl.ds(L, L)] = jnp.full((L,), nrm, jnp.float32)
    pltpu.sync_copy(ptb, part_hbm.at[pl.ds(wid * 2 * L, 2 * L)])


def kernel(input_ids, token_table, hash_table, Wg, bg, gamma, beta):
    ids = input_ids.reshape(N)
    hsh = hash_table * jnp.float32(0.3 / MIX)
    cons = jnp.concatenate([
        Wg.reshape(D).astype(jnp.float32) * jnp.float32(MIX),
        gamma.reshape(D).astype(jnp.float32),
        beta.reshape(D).astype(jnp.float32),
        bg.astype(jnp.float32).reshape(1),
        jnp.zeros((L - 1,), jnp.float32),
    ])
    out_flat, part = _sc_forward(ids, token_table, hsh, cons)
    out = out_flat.reshape(B, S, D)
    pm = part.reshape(NW, 2 * L)
    cnt = pm[:, :L].sum() / L
    nrm = pm[:, L:].sum() / L
    nf = jnp.float32(N)
    sparsity = (cnt / nf).astype(jnp.float32)
    plo = jnp.float32(1e-8)
    e0 = -(plo * jnp.log(plo) + (1 - plo) * jnp.log(1 - plo))
    gate_entropy = jnp.where(cnt > 0, jnp.float32(jnp.nan),
                             e0).astype(jnp.float32)
    emb_norm = (nrm / nf).astype(jnp.float32)
    return (out, sparsity, gate_entropy, emb_norm)

# --- scband reference (transcript-rebuilt; emitter-appended) ---
"""Pipeline reference for scband-sparse-embedding-model-63513976373311 (READ-ONLY COPY).

The authoritative reference and input builder live on the scoring server;
editing this copy changes nothing except your own understanding.
"""

import jax, jax.numpy as jnp
import numpy as np

VOCAB = 1000000
HASH_BUCKETS = 10000
D = 64
B = 1024
S = 200
EPS = 1e-5


def setup_inputs(seed: int = 0) -> dict:
    key = jax.random.key(seed)
    k1, k2, k3, k4 = jax.random.split(key, 4)
    input_ids = jax.random.randint(k1, (B, S), 0, VOCAB, dtype=jnp.int32)
    # xavier uniform init for embedding tables
    a_tok = float(np.sqrt(6.0 / (VOCAB + D)))
    token_table = jax.random.uniform(k2, (VOCAB, D), minval=-a_tok, maxval=a_tok, dtype=jnp.float32)
    a_hash = float(np.sqrt(6.0 / (HASH_BUCKETS + D)))
    hash_table = jax.random.uniform(k3, (HASH_BUCKETS, D), minval=-a_hash, maxval=a_hash, dtype=jnp.float32)
    # sparse gate linear: [D, 1] weight, bias init to 2.0
    Wg = jax.random.normal(k4, (D, 1), dtype=jnp.float32) / jnp.sqrt(float(D))
    bg = jnp.array(2.0, dtype=jnp.float32)
    # layer norm params
    gamma = jnp.ones((D,), dtype=jnp.float32)
    beta = jnp.zeros((D,), dtype=jnp.float32)
    return {"input_ids": input_ids, "token_table": token_table, "hash_table": hash_table,
            "Wg": Wg, "bg": bg, "gamma": gamma, "beta": beta}


def reference(input_ids, token_table, hash_table, Wg, bg, gamma, beta):
    # embedding gathers (eval mode: dropout = identity, hard sparsity mask)
    token_embeds = jnp.take(token_table, input_ids, axis=0)  # [B, S, D]
    hash_indices = (input_ids * 31) % HASH_BUCKETS
    hash_embeds = jnp.take(hash_table, hash_indices, axis=0)  # [B, S, D]
    # token_frequencies is None -> fixed mixing
    combined = 0.7 * token_embeds + 0.3 * hash_embeds
    # sparsity gate (eval path: hard threshold)
    gate_logits = combined @ Wg + bg  # [B, S, 1]
    gate_probs = jax.nn.sigmoid(gate_logits)
    sparsity_mask = (gate_probs > 0.5).astype(jnp.float32)  # [B, S, 1]
    sparse_embeds = combined * sparsity_mask
    # layer norm over last dim
    mu = jnp.mean(sparse_embeds, axis=-1, keepdims=True)
    var = jnp.var(sparse_embeds, axis=-1, keepdims=True)
    xhat = (sparse_embeds - mu) / jnp.sqrt(var + EPS)
    output_embeds = gamma * xhat + beta
    # aux outputs
    sparsity_ratio = sparsity_mask.mean()
    p = jnp.clip(sparsity_mask.mean(axis=-1), 1e-8, 1 - 1e-8)
    gate_entropy = -(p * jnp.log(p) + (1 - p) * jnp.log(1 - p)).mean()
    embedding_norm = jnp.linalg.norm(output_embeds, axis=-1).mean()
    return (output_embeds, sparsity_ratio, gate_entropy, embedding_norm)

if __name__ == "__main__":
    import jax
    _d = setup_inputs()
    print(jax.jit(kernel)(*tuple(_d.values())))

</pallas_src>

<mosaic_0001>
#map = affine_map<(d0, d1) -> (0)>
#map1 = affine_map<(d0, d1) -> (0, 0)>
module attributes {stable_mosaic.version = 14 : i64} {
  func.func @_sc_forward(%arg0: i32, %arg1: i32, %arg2: memref<204800xi32, #tpu.memory_space<hbm>>, %arg3: memref<1000000x64xf32, #tpu.memory_space<hbm>>, %arg4: memref<10000x64xf32, #tpu.memory_space<hbm>>, %arg5: memref<208xf32, #tpu.memory_space<hbm>>, %arg6: memref<204800x64xf32, #tpu.memory_space<hbm>>, %arg7: memref<1024xf32, #tpu.memory_space<hbm>>, %arg8: memref<2x400xi32, #tpu.memory_space<vmem>>, %arg9: memref<2x400xi32, #tpu.memory_space<vmem>>, %arg10: memref<2x400x64xf32, #tpu.memory_space<vmem>>, %arg11: memref<2x400x64xf32, #tpu.memory_space<vmem>>, %arg12: memref<208xf32, #tpu.memory_space<vmem>>, %arg13: memref<32xf32, #tpu.memory_space<vmem>>, %arg14: memref<!tpu.dma_semaphore, #tpu.memory_space<semaphore_mem>>, %arg15: memref<!tpu.dma_semaphore, #tpu.memory_space<semaphore_mem>>, %arg16: memref<!tpu.dma_semaphore, #tpu.memory_space<semaphore_mem>>, %arg17: memref<!tpu.dma_semaphore, #tpu.memory_space<semaphore_mem>>, %arg18: memref<!tpu.dma_semaphore, #tpu.memory_space<semaphore_mem>>, %arg19: memref<!tpu.dma_semaphore, #tpu.memory_space<semaphore_mem>>) attributes {dimension_semantics = [#tpu.dimension_semantics<core_parallel>, #tpu.dimension_semantics<subcore_parallel>], iteration_bounds = array<i64: 2, 16>, scalar_prefetch = 0 : i64, scratch_operands = 12 : i64, tpu.core_type = #tpu.core_type<sc_vector_subcore>, window_params = [{transform_indices = #map}, {transform_indices = #map1}, {transform_indices = #map1}, {transform_indices = #map}, {transform_indices = #map1}, {transform_indices = #map}]} {
    %mul3A = arith.constant 2 : i32
    %mul3A_0 = arith.muli %arg1, %mul3A : i32
    %add3A = arith.addi %mul3A_0, %arg0 : i32
    %mul3A_1 = arith.constant 6400 : i32
    %mul3A_2 = arith.muli %add3A, %mul3A_1 : i32
    "tpu.region"() ({
      %run_scoped3A_111 = tpu.sem_alloc : memref<!tpu.dma_semaphore, #tpu.memory_space<semaphore_mem>>
      tpu.enqueue_dma source(%arg5 : memref<208xf32, #tpu.memory_space<hbm>>) target(%arg12 : memref<208xf32, #tpu.memory_space<vmem>>) target_semaphore(%run_scoped3A_111 : memref<!tpu.dma_semaphore, #tpu.memory_space<semaphore_mem>>)
      tpu.wait_dma2 semaphore(%run_scoped3A_111 : memref<!tpu.dma_semaphore, #tpu.memory_space<semaphore_mem>>) src(%arg5 : memref<208xf32, #tpu.memory_space<hbm>>) dst(%arg12 : memref<208xf32, #tpu.memory_space<vmem>>)
      tpu.yield
    }) : () -> ()
    %add3A_3 = arith.constant 0 : i32
    %add3A_4 = arith.addi %mul3A_2, %add3A_3 : i32
    %run_scoped3A = arith.constant 0 : i32
    "tpu.region"() ({
      %run_scoped3A_111 = tpu.sem_alloc : memref<!tpu.dma_semaphore, #tpu.memory_space<semaphore_mem>>
      %dma_start3A_112 = arith.constant 0 : i32
      %dma_start3A_113 = tpu.memref_slice %arg8[%run_scoped3A, %dma_start3A_112] : memref<2x400xi32, #tpu.memory_space<vmem>> -> memref<1x400xi32, #tpu.memory_space<vmem>>
      %dma_start3A_114 = tpu.memref_squeeze %dma_start3A_113 : memref<1x400xi32, #tpu.memory_space<vmem>> -> memref<400xi32, #tpu.memory_space<vmem>>
      %dma_start3A_115 = tpu.memref_slice %arg2[%add3A_4] : memref<204800xi32, #tpu.memory_space<hbm>> -> memref<400xi32, #tpu.memory_space<hbm>>
      %dma_start3A_116 = arith.constant 0 : i32
      %dma_start3A_117 = tpu.memref_slice %arg8[%run_scoped3A, %dma_start3A_116] : memref<2x400xi32, #tpu.memory_space<vmem>> -> memref<1x400xi32, #tpu.memory_space<vmem>>
      %dma_start3A_118 = tpu.memref_squeeze %dma_start3A_117 : memref<1x400xi32, #tpu.memory_space<vmem>> -> memref<400xi32, #tpu.memory_space<vmem>>
      %dma_start3A_119 = tpu.memref_slice %arg2[%add3A_4] : memref<204800xi32, #tpu.memory_space<hbm>> -> memref<400xi32, #tpu.memory_space<hbm>>
      tpu.enqueue_dma source(%dma_start3A_119 : memref<400xi32, #tpu.memory_space<hbm>>) target(%dma_start3A_118 : memref<400xi32, #tpu.memory_space<vmem>>) target_semaphore(%run_scoped3A_111 : memref<!tpu.dma_semaphore, #tpu.memory_space<semaphore_mem>>)
      %dma_wait3A_120 = arith.constant 0 : i32
      %dma_wait3A_121 = tpu.memref_slice %arg8[%run_scoped3A, %dma_wait3A_120] : memref<2x400xi32, #tpu.memory_space<vmem>> -> memref<1x400xi32, #tpu.memory_space<vmem>>
      %dma_wait3A_122 = tpu.memref_squeeze %dma_wait3A_121 : memref<1x400xi32, #tpu.memory_space<vmem>> -> memref<400xi32, #tpu.memory_space<vmem>>
      %dma_wait3A_123 = tpu.memref_slice %arg2[%add3A_4] : memref<204800xi32, #tpu.memory_space<hbm>> -> memref<400xi32, #tpu.memory_space<hbm>>
      %dma_wait3A_124 = arith.constant 0 : i32
      %dma_wait3A_125 = tpu.memref_slice %arg8[%run_scoped3A, %dma_wait3A_124] : memref<2x400xi32, #tpu.memory_space<vmem>> -> memref<1x400xi32, #tpu.memory_space<vmem>>
      %dma_wait3A_126 = tpu.memref_squeeze %dma_wait3A_125 : memref<1x400xi32, #tpu.memory_space<vmem>> -> memref<400xi32, #tpu.memory_space<vmem>>
      %dma_wait3A_127 = tpu.memref_slice %arg2[%add3A_4] : memref<204800xi32, #tpu.memory_space<hbm>> -> memref<400xi32, #tpu.memory_space<hbm>>
      tpu.wait_dma2 semaphore(%run_scoped3A_111 : memref<!tpu.dma_semaphore, #tpu.memory_space<semaphore_mem>>) src(%dma_wait3A_127 : memref<400xi32, #tpu.memory_space<hbm>>) dst(%dma_wait3A_126 : memref<400xi32, #tpu.memory_space<vmem>>)
      tpu.yield
    }) : () -> ()
    %scan3A = arith.constant 0 : i32
    %scan3A_5 = arith.constant 0 : i32
    %scan3A_6 = arith.constant 25 : i32
    %scan3A_7 = arith.addi %scan3A_5, %scan3A_6 : i32
    %scan3A_8 = arith.constant 1 : i32
    scf.for %scan3A_111 = %scan3A_5 to %scan3A_7 step %scan3A_8  : i32 {
      %mul3A_112 = arith.constant 16 : i32
      %mul3A_113 = arith.muli %scan3A_111, %mul3A_112 : i32
      %get3A = arith.constant 0 : i32
      %get3A_114 = arith.index_cast %get3A : i32 to index
      %get3A_115 = arith.index_cast %mul3A_113 : i32 to index
      %get3A_116 = tpu.vector_load %arg8[%get3A_114, %get3A_115] {strides = array<i32>} : memref<2x400xi32, #tpu.memory_space<vmem>>, vector<16xi32>,
      %mul3A_117 = arith.constant 31 : i32
      %mul3A_118 = vector.broadcast %mul3A_117 : i32 to vector<16xi32>
      %mul3A_119 = arith.muli %get3A_116, %mul3A_118 : vector<16xi32>
      %jit3A = arith.constant 10000 : i32
      %eq3A = arith.constant 0 : i32
      %eq3A_120 = arith.cmpi eq, %jit3A, %eq3A : i32
      %jit3A_121 = arith.constant 1 : i32
      %select_n3A = arith.select %eq3A_120, %jit3A_121, %jit3A : i32
      %rem3A = vector.broadcast %select_n3A : i32 to vector<16xi32>
      %rem3A_122 = arith.remsi %mul3A_119, %rem3A : vector<16xi32>
      %ne3A = arith.constant 0 : i32
      %ne3A_123 = vector.broadcast %ne3A : i32 to vector<16xi32>
      %ne3A_124 = arith.cmpi ne, %rem3A_122, %ne3A_123 : vector<16xi32>
      %lt3A = arith.constant 0 : i32
      %lt3A_125 = vector.broadcast %lt3A : i32 to vector<16xi32>
      %lt3A_126 = arith.cmpi slt, %rem3A_122, %lt3A_125 : vector<16xi32>
      %lt3A_127 = arith.constant 0 : i32
      %lt3A_128 = arith.cmpi slt, %select_n3A, %lt3A_127 : i32
      %ne3A_129 = vector.broadcast %lt3A_128 : i1 to vector<16xi1>
      %ne3A_130 = vector.broadcast %ne3A_129 : vector<16xi1> to vector<16xi1>
      %ne3A_131 = arith.xori %lt3A_126, %ne3A_130 : vector<16xi1>
      %and3A = arith.andi %ne3A_131, %ne3A_124 : vector<16xi1>
      %add3A_132 = vector.broadcast %select_n3A : i32 to vector<16xi32>
      %add3A_133 = arith.addi %rem3A_122, %add3A_132 : vector<16xi32>
      %select_n3A_134 = arith.select %and3A, %add3A_133, %rem3A_122 : vector<16xi1>, vector<16xi32>
      %mul3A_135 = arith.constant 16 : i32
      %mul3A_136 = arith.muli %scan3A_111, %mul3A_135 : i32
      %swap3A_137 = arith.constant 0 : i32
      %swap3A_138 = arith.index_cast %swap3A_137 : i32 to index
      %swap3A_139 = arith.index_cast %mul3A_136 : i32 to index
      %swap3A_140 = tpu.vector_load %arg9[%swap3A_138, %swap3A_139] {strides = array<i32>} : memref<2x400xi32, #tpu.memory_space<vmem>>, vector<16xi32>,
      tpu.vector_store %arg9[%swap3A_138, %swap3A_139], %select_n3A_134 {strides = array<i32>} : memref<2x400xi32, #tpu.memory_space<vmem>>, vector<16xi32>,
    }
    %scan3A_9 = arith.constant 25 : i32
    %dma_start3A = arith.constant 0 : i32
    %dma_start3A_10 = arith.constant 0 : i32
    %dma_start3A_11 = arith.constant 0 : i32
    %dma_start3A_12 = arith.constant 0 : i32
    %dma_start3A_13 = tpu.memref_slice %arg10[%dma_start3A_10, %dma_start3A_11, %dma_start3A_12] : memref<2x400x64xf32, #tpu.memory_space<vmem>> -> memref<1x400x64xf32, #tpu.memory_space<vmem>>
    %dma_start3A_14 = tpu.memref_squeeze %dma_start3A_13 : memref<1x400x64xf32, #tpu.memory_space<vmem>> -> memref<400x64xf32, #tpu.memory_space<vmem>>
    %dma_start3A_15 = arith.constant 0 : i32
    %dma_start3A_16 = tpu.memref_slice %arg8[%dma_start3A, %dma_start3A_15] : memref<2x400xi32, #tpu.memory_space<vmem>> -> memref<1x400xi32, #tpu.memory_space<vmem>>
    %dma_start3A_17 = tpu.memref_squeeze %dma_start3A_16 : memref<1x400xi32, #tpu.memory_space<vmem>> -> memref<400xi32, #tpu.memory_space<vmem>>
    %dma_start3A_18 = arith.constant 0 : i32
    %dma_start3A_19 = arith.constant 0 : i32
    %dma_start3A_20 = tpu.memref_slice %arg3[%dma_start3A_18, %dma_start3A_19] : memref<1000000x64xf32, #tpu.memory_space<hbm>> -> memref<1000000x64xf32, #tpu.memory_space<hbm>>
    tpu.enqueue_indirect_dma source(%dma_start3A_20 : memref<1000000x64xf32, #tpu.memory_space<hbm>>) target(%dma_start3A_14 : memref<400x64xf32, #tpu.memory_space<vmem>>) offsets(%dma_start3A_17 : memref<400xi32, #tpu.memory_space<vmem>>) semaphore(%arg14 : memref<!tpu.dma_semaphore, #tpu.memory_space<semaphore_mem>>)
    %add3A_21 = arith.constant 400 : i32
    %add3A_22 = arith.addi %mul3A_2, %add3A_21 : i32
    %run_scoped3A_23 = arith.constant 1 : i32
    "tpu.region"() ({
      %run_scoped3A_111 = tpu.sem_alloc : memref<!tpu.dma_semaphore, #tpu.memory_space<semaphore_mem>>
      %dma_start3A_112 = arith.constant 0 : i32
      %dma_start3A_113 = tpu.memref_slice %arg8[%run_scoped3A_23, %dma_start3A_112] : memref<2x400xi32, #tpu.memory_space<vmem>> -> memref<1x400xi32, #tpu.memory_space<vmem>>
      %dma_start3A_114 = tpu.memref_squeeze %dma_start3A_113 : memref<1x400xi32, #tpu.memory_space<vmem>> -> memref<400xi32, #tpu.memory_space<vmem>>
      %dma_start3A_115 = tpu.memref_slice %arg2[%add3A_22] : memref<204800xi32, #tpu.memory_space<hbm>> -> memref<400xi32, #tpu.memory_space<hbm>>
      %dma_start3A_116 = arith.constant 0 : i32
      %dma_start3A_117 = tpu.memref_slice %arg8[%run_scoped3A_23, %dma_start3A_116] : memref<2x400xi32, #tpu.memory_space<vmem>> -> memref<1x400xi32, #tpu.memory_space<vmem>>
      %dma_start3A_118 = tpu.memref_squeeze %dma_start3A_117 : memref<1x400xi32, #tpu.memory_space<vmem>> -> memref<400xi32, #tpu.memory_space<vmem>>
      %dma_start3A_119 = tpu.memref_slice %arg2[%add3A_22] : memref<204800xi32, #tpu.memory_space<hbm>> -> memref<400xi32, #tpu.memory_space<hbm>>
      tpu.enqueue_dma source(%dma_start3A_119 : memref<400xi32, #tpu.memory_space<hbm>>) target(%dma_start3A_118 : memref<400xi32, #tpu.memory_space<vmem>>) target_semaphore(%run_scoped3A_111 : memref<!tpu.dma_semaphore, #tpu.memory_space<semaphore_mem>>)
      %dma_wait3A_120 = arith.constant 0 : i32
      %dma_wait3A_121 = tpu.memref_slice %arg8[%run_scoped3A_23, %dma_wait3A_120] : memref<2x400xi32, #tpu.memory_space<vmem>> -> memref<1x400xi32, #tpu.memory_space<vmem>>
      %dma_wait3A_122 = tpu.memref_squeeze %dma_wait3A_121 : memref<1x400xi32, #tpu.memory_space<vmem>> -> memref<400xi32, #tpu.memory_space<vmem>>
      %dma_wait3A_123 = tpu.memref_slice %arg2[%add3A_22] : memref<204800xi32, #tpu.memory_space<hbm>> -> memref<400xi32, #tpu.memory_space<hbm>>
      %dma_wait3A_124 = arith.constant 0 : i32
      %dma_wait3A_125 = tpu.memref_slice %arg8[%run_scoped3A_23, %dma_wait3A_124] : memref<2x400xi32, #tpu.memory_space<vmem>> -> memref<1x400xi32, #tpu.memory_space<vmem>>
      %dma_wait3A_126 = tpu.memref_squeeze %dma_wait3A_125 : memref<1x400xi32, #tpu.memory_space<vmem>> -> memref<400xi32, #tpu.memory_space<vmem>>
      %dma_wait3A_127 = tpu.memref_slice %arg2[%add3A_22] : memref<204800xi32, #tpu.memory_space<hbm>> -> memref<400xi32, #tpu.memory_space<hbm>>
      tpu.wait_dma2 semaphore(%run_scoped3A_111 : memref<!tpu.dma_semaphore, #tpu.memory_space<semaphore_mem>>) src(%dma_wait3A_127 : memref<400xi32, #tpu.memory_space<hbm>>) dst(%dma_wait3A_126 : memref<400xi32, #tpu.memory_space<vmem>>)
      tpu.yield
    }) : () -> ()
    %scan3A_24 = arith.constant 0 : i32
    %scan3A_25 = arith.constant 0 : i32
    %scan3A_26 = arith.constant 25 : i32
    %scan3A_27 = arith.addi %scan3A_25, %scan3A_26 : i32
    %scan3A_28 = arith.constant 1 : i32
    scf.for %scan3A_111 = %scan3A_25 to %scan3A_27 step %scan3A_28  : i32 {
      %mul3A_112 = arith.constant 16 : i32
      %mul3A_113 = arith.muli %scan3A_111, %mul3A_112 : i32
      %get3A = arith.constant 1 : i32
      %get3A_114 = arith.index_cast %get3A : i32 to index
      %get3A_115 = arith.index_cast %mul3A_113 : i32 to index
      %get3A_116 = tpu.vector_load %arg8[%get3A_114, %get3A_115] {strides = array<i32>} : memref<2x400xi32, #tpu.memory_space<vmem>>, vector<16xi32>,
      %mul3A_117 = arith.constant 31 : i32
      %mul3A_118 = vector.broadcast %mul3A_117 : i32 to vector<16xi32>
      %mul3A_119 = arith.muli %get3A_116, %mul3A_118 : vector<16xi32>
      %jit3A = arith.constant 10000 : i32
      %eq3A = arith.constant 0 : i32
      %eq3A_120 = arith.cmpi eq, %jit3A, %eq3A : i32
      %jit3A_121 = arith.constant 1 : i32
      %select_n3A = arith.select %eq3A_120, %jit3A_121, %jit3A : i32
      %rem3A = vector.broadcast %select_n3A : i32 to vector<16xi32>
      %rem3A_122 = arith.remsi %mul3A_119, %rem3A : vector<16xi32>
      %ne3A = arith.constant 0 : i32
      %ne3A_123 = vector.broadcast %ne3A : i32 to vector<16xi32>
      %ne3A_124 = arith.cmpi ne, %rem3A_122, %ne3A_123 : vector<16xi32>
      %lt3A = arith.constant 0 : i32
      %lt3A_125 = vector.broadcast %lt3A : i32 to vector<16xi32>
      %lt3A_126 = arith.cmpi slt, %rem3A_122, %lt3A_125 : vector<16xi32>
      %lt3A_127 = arith.constant 0 : i32
      %lt3A_128 = arith.cmpi slt, %select_n3A, %lt3A_127 : i32
      %ne3A_129 = vector.broadcast %lt3A_128 : i1 to vector<16xi1>
      %ne3A_130 = vector.broadcast %ne3A_129 : vector<16xi1> to vector<16xi1>
      %ne3A_131 = arith.xori %lt3A_126, %ne3A_130 : vector<16xi1>
      %and3A = arith.andi %ne3A_131, %ne3A_124 : vector<16xi1>
      %add3A_132 = vector.broadcast %select_n3A : i32 to vector<16xi32>
      %add3A_133 = arith.addi %rem3A_122, %add3A_132 : vector<16xi32>
      %select_n3A_134 = arith.select %and3A, %add3A_133, %rem3A_122 : vector<16xi1>, vector<16xi32>
      %mul3A_135 = arith.constant 16 : i32
      %mul3A_136 = arith.muli %scan3A_111, %mul3A_135 : i32
      %swap3A_137 = arith.constant 1 : i32
      %swap3A_138 = arith.index_cast %swap3A_137 : i32 to index
      %swap3A_139 = arith.index_cast %mul3A_136 : i32 to index
      %swap3A_140 = tpu.vector_load %arg9[%swap3A_138, %swap3A_139] {strides = array<i32>} : memref<2x400xi32, #tpu.memory_space<vmem>>, vector<16xi32>,
      tpu.vector_store %arg9[%swap3A_138, %swap3A_139], %select_n3A_134 {strides = array<i32>} : memref<2x400xi32, #tpu.memory_space<vmem>>, vector<16xi32>,
    }
    %scan3A_29 = arith.constant 25 : i32
    %dma_wait3A = arith.constant 0 : i32
    %dma_wait3A_30 = arith.constant 0 : i32
    %dma_wait3A_31 = arith.constant 0 : i32
    %dma_wait3A_32 = arith.constant 0 : i32
    %dma_wait3A_33 = tpu.memref_slice %arg10[%dma_wait3A_30, %dma_wait3A_31, %dma_wait3A_32] : memref<2x400x64xf32, #tpu.memory_space<vmem>> -> memref<1x400x64xf32, #tpu.memory_space<vmem>>
    %dma_wait3A_34 = tpu.memref_squeeze %dma_wait3A_33 : memref<1x400x64xf32, #tpu.memory_space<vmem>> -> memref<400x64xf32, #tpu.memory_space<vmem>>
    %dma_wait3A_35 = arith.constant 0 : i32
    %dma_wait3A_36 = tpu.memref_slice %arg8[%dma_wait3A, %dma_wait3A_35] : memref<2x400xi32, #tpu.memory_space<vmem>> -> memref<1x400xi32, #tpu.memory_space<vmem>>
    %dma_wait3A_37 = tpu.memref_squeeze %dma_wait3A_36 : memref<1x400xi32, #tpu.memory_space<vmem>> -> memref<400xi32, #tpu.memory_space<vmem>>
    %dma_wait3A_38 = arith.constant 0 : i32
    %dma_wait3A_39 = arith.constant 0 : i32
    %dma_wait3A_40 = tpu.memref_slice %arg3[%dma_wait3A_38, %dma_wait3A_39] : memref<1000000x64xf32, #tpu.memory_space<hbm>> -> memref<1000000x64xf32, #tpu.memory_space<hbm>>
    tpu.wait_indirect_dma semaphore(%arg14 : memref<!tpu.dma_semaphore, #tpu.memory_space<semaphore_mem>>) src(%dma_wait3A_40 : memref<1000000x64xf32, #tpu.memory_space<hbm>>) dst(%dma_wait3A_34 : memref<400x64xf32, #tpu.memory_space<vmem>>)
    %dma_start3A_41 = arith.constant 0 : i32
    %dma_start3A_42 = arith.constant 0 : i32
    %dma_start3A_43 = arith.constant 0 : i32
    %dma_start3A_44 = arith.constant 0 : i32
    %dma_start3A_45 = tpu.memref_slice %arg10[%dma_start3A_42, %dma_start3A_43, %dma_start3A_44] : memref<2x400x64xf32, #tpu.memory_space<vmem>> -> memref<1x400x64xf32, #tpu.memory_space<vmem>>
    %dma_start3A_46 = tpu.memref_squeeze %dma_start3A_45 : memref<1x400x64xf32, #tpu.memory_space<vmem>> -> memref<400x64xf32, #tpu.memory_space<vmem>>
    %dma_start3A_47 = arith.constant 0 : i32
    %dma_start3A_48 = tpu.memref_slice %arg9[%dma_start3A_41, %dma_start3A_47] : memref<2x400xi32, #tpu.memory_space<vmem>> -> memref<1x400xi32, #tpu.memory_space<vmem>>
    %dma_start3A_49 = tpu.memref_squeeze %dma_start3A_48 : memref<1x400xi32, #tpu.memory_space<vmem>> -> memref<400xi32, #tpu.memory_space<vmem>>
    %dma_start3A_50 = arith.constant 0 : i32
    %dma_start3A_51 = arith.constant 0 : i32
    %dma_start3A_52 = tpu.memref_slice %arg4[%dma_start3A_50, %dma_start3A_51] : memref<10000x64xf32, #tpu.memory_space<hbm>> -> memref<10000x64xf32, #tpu.memory_space<hbm>>
    tpu.enqueue_indirect_dma source(%dma_start3A_52 : memref<10000x64xf32, #tpu.memory_space<hbm>>) target(%dma_start3A_46 : memref<400x64xf32, #tpu.memory_space<vmem>>) offsets(%dma_start3A_49 : memref<400xi32, #tpu.memory_space<vmem>>) semaphore(%arg16 : memref<!tpu.dma_semaphore, #tpu.memory_space<semaphore_mem>>) {add = true}
    %dma_start3A_53 = arith.constant 1 : i32
    %dma_start3A_54 = arith.constant 1 : i32
    %dma_start3A_55 = arith.constant 0 : i32
    %dma_start3A_56 = arith.constant 0 : i32
    %dma_start3A_57 = tpu.memref_slice %arg10[%dma_start3A_54, %dma_start3A_55, %dma_start3A_56] : memref<2x400x64xf32, #tpu.memory_space<vmem>> -> memref<1x400x64xf32, #tpu.memory_space<vmem>>
    %dma_start3A_58 = tpu.memref_squeeze %dma_start3A_57 : memref<1x400x64xf32, #tpu.memory_space<vmem>> -> memref<400x64xf32, #tpu.memory_space<vmem>>
    %dma_start3A_59 = arith.constant 0 : i32
    %dma_start3A_60 = tpu.memref_slice %arg8[%dma_start3A_53, %dma_start3A_59] : memref<2x400xi32, #tpu.memory_space<vmem>> -> memref<1x400xi32, #tpu.memory_space<vmem>>
    %dma_start3A_61 = tpu.memref_squeeze %dma_start3A_60 : memref<1x400xi32, #tpu.memory_space<vmem>> -> memref<400xi32, #tpu.memory_space<vmem>>
    %dma_start3A_62 = arith.constant 0 : i32
    %dma_start3A_63 = arith.constant 0 : i32
    %dma_start3A_64 = tpu.memref_slice %arg3[%dma_start3A_62, %dma_start3A_63] : memref<1000000x64xf32, #tpu.memory_space<hbm>> -> memref<1000000x64xf32, #tpu.memory_space<hbm>>
    tpu.enqueue_indirect_dma source(%dma_start3A_64 : memref<1000000x64xf32, #tpu.memory_space<hbm>>) target(%dma_start3A_58 : memref<400x64xf32, #tpu.memory_space<vmem>>) offsets(%dma_start3A_61 : memref<400xi32, #tpu.memory_space<vmem>>) semaphore(%arg15 : memref<!tpu.dma_semaphore, #tpu.memory_space<semaphore_mem>>)
    %scan3A_65 = arith.constant 0.000000e+00 : f32
    %scan3A_66 = arith.constant 0.000000e+00 : f32
    %scan3A_67 = arith.constant 0 : i32
    %scan3A_68 = arith.constant 8 : i32
    %scan3A_69 = arith.addi %scan3A_67, %scan3A_68 : i32
    %scan3A_70 = arith.constant 1 : i32
    %scan3A_71:2 = scf.for %scan3A_111 = %scan3A_67 to %scan3A_69 step %scan3A_70 iter_args(%scan3A_112 = %scan3A_65, %scan3A_113 = %scan3A_66) -> (f32, f32)  : i32 {
      %mul3A_114 = arith.constant 2 : i32
      %mul3A_115 = arith.muli %mul3A_114, %scan3A_111 : i32
      %add3A_116 = arith.constant 0 : i32
      %add3A_117 = arith.addi %mul3A_115, %add3A_116 : i32
      %add3A_118 = arith.constant 1 : i32
      %add3A_119 = arith.addi %add3A_117, %add3A_118 : i32
      %lt3A = arith.constant 16 : i32
      %lt3A_120 = arith.cmpi slt, %add3A_119, %lt3A : i32
      %convert_element_type3A = arith.extui %lt3A_120 : i1 to i32
      %cond3A = arith.constant 0 : i32
      %cond3A_121 = arith.cmpi ne, %convert_element_type3A, %cond3A : i32
      scf.if %cond3A_121 {
        %dma_wait3A_279 = arith.constant 1 : i32
        %dma_wait3A_280 = arith.constant 1 : i32
        %dma_wait3A_281 = arith.constant 0 : i32
        %dma_wait3A_282 = arith.constant 0 : i32
        %dma_wait3A_283 = tpu.memref_slice %arg10[%dma_wait3A_280, %dma_wait3A_281, %dma_wait3A_282] : memref<2x400x64xf32, #tpu.memory_space<vmem>> -> memref<1x400x64xf32, #tpu.memory_space<vmem>>
        %dma_wait3A_284 = tpu.memref_squeeze %dma_wait3A_283 : memref<1x400x64xf32, #tpu.memory_space<vmem>> -> memref<400x64xf32, #tpu.memory_space<vmem>>
        %dma_wait3A_285 = arith.constant 0 : i32
        %dma_wait3A_286 = tpu.memref_slice %arg8[%dma_wait3A_279, %dma_wait3A_285] : memref<2x400xi32, #tpu.memory_space<vmem>> -> memref<1x400xi32, #tpu.memory_space<vmem>>
        %dma_wait3A_287 = tpu.memref_squeeze %dma_wait3A_286 : memref<1x400xi32, #tpu.memory_space<vmem>> -> memref<400xi32, #tpu.memory_space<vmem>>
        %dma_wait3A_288 = arith.constant 0 : i32
        %dma_wait3A_289 = arith.constant 0 : i32
        %dma_wait3A_290 = tpu.memref_slice %arg3[%dma_wait3A_288, %dma_wait3A_289] : memref<1000000x64xf32, #tpu.memory_space<hbm>> -> memref<1000000x64xf32, #tpu.memory_space<hbm>>
        tpu.wait_indirect_dma semaphore(%arg15 : memref<!tpu.dma_semaphore, #tpu.memory_space<semaphore_mem>>) src(%dma_wait3A_290 : memref<1000000x64xf32, #tpu.memory_space<hbm>>) dst(%dma_wait3A_284 : memref<400x64xf32, #tpu.memory_space<vmem>>)
        %dma_start3A_291 = arith.constant 1 : i32
        %dma_start3A_292 = arith.constant 1 : i32
        %dma_start3A_293 = arith.constant 0 : i32
        %dma_start3A_294 = arith.constant 0 : i32
        %dma_start3A_295 = tpu.memref_slice %arg10[%dma_start3A_292, %dma_start3A_293, %dma_start3A_294] : memref<2x400x64xf32, #tpu.memory_space<vmem>> -> memref<1x400x64xf32, #tpu.memory_space<vmem>>
        %dma_start3A_296 = tpu.memref_squeeze %dma_start3A_295 : memref<1x400x64xf32, #tpu.memory_space<vmem>> -> memref<400x64xf32, #tpu.memory_space<vmem>>
        %dma_start3A_297 = arith.constant 0 : i32
        %dma_start3A_298 = tpu.memref_slice %arg9[%dma_start3A_291, %dma_start3A_297] : memref<2x400xi32, #tpu.memory_space<vmem>> -> memref<1x400xi32, #tpu.memory_space<vmem>>
        %dma_start3A_299 = tpu.memref_squeeze %dma_start3A_298 : memref<1x400xi32, #tpu.memory_space<vmem>> -> memref<400xi32, #tpu.memory_space<vmem>>
        %dma_start3A_300 = arith.constant 0 : i32
        %dma_start3A_301 = arith.constant 0 : i32
        %dma_start3A_302 = tpu.memref_slice %arg4[%dma_start3A_300, %dma_start3A_301] : memref<10000x64xf32, #tpu.memory_space<hbm>> -> memref<10000x64xf32, #tpu.memory_space<hbm>>
        tpu.enqueue_indirect_dma source(%dma_start3A_302 : memref<10000x64xf32, #tpu.memory_space<hbm>>) target(%dma_start3A_296 : memref<400x64xf32, #tpu.memory_space<vmem>>) offsets(%dma_start3A_299 : memref<400xi32, #tpu.memory_space<vmem>>) semaphore(%arg17 : memref<!tpu.dma_semaphore, #tpu.memory_space<semaphore_mem>>) {add = true}
      } else {
      }
      %dma_wait3A_122 = arith.constant 0 : i32
      %dma_wait3A_123 = arith.constant 0 : i32
      %dma_wait3A_124 = arith.constant 0 : i32
      %dma_wait3A_125 = arith.constant 0 : i32
      %dma_wait3A_126 = tpu.memref_slice %arg10[%dma_wait3A_123, %dma_wait3A_124, %dma_wait3A_125] : memref<2x400x64xf32, #tpu.memory_space<vmem>> -> memref<1x400x64xf32, #tpu.memory_space<vmem>>
      %dma_wait3A_127 = tpu.memref_squeeze %dma_wait3A_126 : memref<1x400x64xf32, #tpu.memory_space<vmem>> -> memref<400x64xf32, #tpu.memory_space<vmem>>
      %dma_wait3A_128 = arith.constant 0 : i32
      %dma_wait3A_129 = tpu.memref_slice %arg9[%dma_wait3A_122, %dma_wait3A_128] : memref<2x400xi32, #tpu.memory_space<vmem>> -> memref<1x400xi32, #tpu.memory_space<vmem>>
      %dma_wait3A_130 = tpu.memref_squeeze %dma_wait3A_129 : memref<1x400xi32, #tpu.memory_space<vmem>> -> memref<400xi32, #tpu.memory_space<vmem>>
      %dma_wait3A_131 = arith.constant 0 : i32
      %dma_wait3A_132 = arith.constant 0 : i32
      %dma_wait3A_133 = tpu.memref_slice %arg4[%dma_wait3A_131, %dma_wait3A_132] : memref<10000x64xf32, #tpu.memory_space<hbm>> -> memref<10000x64xf32, #tpu.memory_space<hbm>>
      tpu.wait_indirect_dma semaphore(%arg16 : memref<!tpu.dma_semaphore, #tpu.memory_space<semaphore_mem>>) src(%dma_wait3A_133 : memref<10000x64xf32, #tpu.memory_space<hbm>>) dst(%dma_wait3A_127 : memref<400x64xf32, #tpu.memory_space<vmem>>)
      %ge3A = arith.constant 1 : i32
      %ge3A_134 = arith.cmpi sge, %scan3A_111, %ge3A : i32
      %convert_element_type3A_135 = arith.extui %ge3A_134 : i1 to i32
      %cond3A_136 = arith.constant 0 : i32
      %cond3A_137 = arith.cmpi ne, %convert_element_type3A_135, %cond3A_136 : i32
      scf.if %cond3A_137 {
        %sub3A = arith.constant 2 : i32
        %sub3A_279 = arith.subi %add3A_117, %sub3A : i32
        %mul3A_280 = arith.constant 400 : i32
        %mul3A_281 = arith.muli %sub3A_279, %mul3A_280 : i32
        %add3A_282 = arith.addi %mul3A_2, %mul3A_281 : i32
        %dma_wait3A_283 = arith.constant 0 : i32
        %dma_wait3A_284 = arith.constant 0 : i32
        %dma_wait3A_285 = arith.constant 0 : i32
        %dma_wait3A_286 = tpu.memref_slice %arg11[%dma_wait3A_283, %dma_wait3A_284, %dma_wait3A_285] : memref<2x400x64xf32, #tpu.memory_space<vmem>> -> memref<1x400x64xf32, #tpu.memory_space<vmem>>
        %dma_wait3A_287 = tpu.memref_squeeze %dma_wait3A_286 : memref<1x400x64xf32, #tpu.memory_space<vmem>> -> memref<400x64xf32, #tpu.memory_space<vmem>>
        %dma_wait3A_288 = arith.constant 0 : i32
        %dma_wait3A_289 = tpu.memref_slice %arg6[%add3A_282, %dma_wait3A_288] : memref<204800x64xf32, #tpu.memory_space<hbm>> -> memref<400x64xf32, #tpu.memory_space<hbm>>
        %dma_wait3A_290 = arith.constant 0 : i32
        %dma_wait3A_291 = tpu.memref_slice %arg6[%add3A_282, %dma_wait3A_290] : memref<204800x64xf32, #tpu.memory_space<hbm>> -> memref<400x64xf32, #tpu.memory_space<hbm>>
        %dma_wait3A_292 = arith.constant 0 : i32
        %dma_wait3A_293 = arith.constant 0 : i32
        %dma_wait3A_294 = tpu.memref_slice %arg11[%dma_wait3A_283, %dma_wait3A_292, %dma_wait3A_293] : memref<2x400x64xf32, #tpu.memory_space<vmem>> -> memref<1x400x64xf32, #tpu.memory_space<vmem>>
        %dma_wait3A_295 = tpu.memref_squeeze %dma_wait3A_294 : memref<1x400x64xf32, #tpu.memory_space<vmem>> -> memref<400x64xf32, #tpu.memory_space<vmem>>
        tpu.wait_dma2 semaphore(%arg18 : memref<!tpu.dma_semaphore, #tpu.memory_space<semaphore_mem>>) src(%dma_wait3A_295 : memref<400x64xf32, #tpu.memory_space<vmem>>) dst(%dma_wait3A_291 : memref<400x64xf32, #tpu.memory_space<hbm>>)
      } else {
      }
      %get3A = arith.constant 0 : index
      %get3A_138 = tpu.vector_load %arg12[%get3A] {strides = array<i32>} : memref<208xf32, #tpu.memory_space<vmem>>, vector<16xf32>,
      %get3A_139 = arith.constant 16 : index
      %get3A_140 = tpu.vector_load %arg12[%get3A_139] {strides = array<i32>} : memref<208xf32, #tpu.memory_space<vmem>>, vector<16xf32>,
      %get3A_141 = arith.constant 32 : index
      %get3A_142 = tpu.vector_load %arg12[%get3A_141] {strides = array<i32>} : memref<208xf32, #tpu.memory_space<vmem>>, vector<16xf32>,
      %get3A_143 = arith.constant 48 : index
      %get3A_144 = tpu.vector_load %arg12[%get3A_143] {strides = array<i32>} : memref<208xf32, #tpu.memory_space<vmem>>, vector<16xf32>,
      %get3A_145 = arith.constant 64 : index
      %get3A_146 = tpu.vector_load %arg12[%get3A_145] {strides = array<i32>} : memref<208xf32, #tpu.memory_space<vmem>>, vector<16xf32>,
      %get3A_147 = arith.constant 80 : index
      %get3A_148 = tpu.vector_load %arg12[%get3A_147] {strides = array<i32>} : memref<208xf32, #tpu.memory_space<vmem>>, vector<16xf32>,
      %get3A_149 = arith.constant 96 : index
      %get3A_150 = tpu.vector_load %arg12[%get3A_149] {strides = array<i32>} : memref<208xf32, #tpu.memory_space<vmem>>, vector<16xf32>,
      %get3A_151 = arith.constant 112 : index
      %get3A_152 = tpu.vector_load %arg12[%get3A_151] {strides = array<i32>} : memref<208xf32, #tpu.memory_space<vmem>>, vector<16xf32>,
      %get3A_153 = arith.constant 128 : index
      %get3A_154 = tpu.vector_load %arg12[%get3A_153] {strides = array<i32>} : memref<208xf32, #tpu.memory_space<vmem>>, vector<16xf32>,
      %get3A_155 = arith.constant 144 : index
      %get3A_156 = tpu.vector_load %arg12[%get3A_155] {strides = array<i32>} : memref<208xf32, #tpu.memory_space<vmem>>, vector<16xf32>,
      %get3A_157 = arith.constant 160 : index
      %get3A_158 = tpu.vector_load %arg12[%get3A_157] {strides = array<i32>} : memref<208xf32, #tpu.memory_space<vmem>>, vector<16xf32>,
      %get3A_159 = arith.constant 176 : index
      %get3A_160 = tpu.vector_load %arg12[%get3A_159] {strides = array<i32>} : memref<208xf32, #tpu.memory_space<vmem>>, vector<16xf32>,
      %get3A_161 = arith.constant 192 : index
      %get3A_162 = tpu.vector_load %arg12[%get3A_161] {strides = array<i32>} : memref<208xf32, #tpu.memory_space<vmem>>, vector<16xf32>,
      %scan3A_163 = arith.constant 0 : i32
      %scan3A_164 = arith.constant 0 : i32
      %scan3A_165 = arith.constant 0 : i32
      %scan3A_166 = arith.constant 100 : i32
      %scan3A_167 = arith.addi %scan3A_165, %scan3A_166 : i32
      %scan3A_168 = arith.constant 1 : i32
      %scan3A_169:2 = scf.for %scan3A_279 = %scan3A_165 to %scan3A_167 step %scan3A_168 iter_args(%scan3A_280 = %scan3A_112, %scan3A_281 = %scan3A_113) -> (f32, f32)  : i32 {
        %mul3A_282 = arith.constant 4 : i32
        %mul3A_283 = arith.muli %scan3A_279, %mul3A_282 : i32
        %add3A_284 = arith.constant 0 : i32
        %add3A_285 = arith.addi %mul3A_283, %add3A_284 : i32
        %get3A_286 = arith.constant 0 : i32
        %get3A_287 = arith.constant 0 : i32
        %get3A_288 = tpu.memref_slice %arg10[%scan3A_163, %get3A_286, %get3A_287] : memref<2x400x64xf32, #tpu.memory_space<vmem>> -> memref<1x400x64xf32, #tpu.memory_space<vmem>>
        %get3A_289 = tpu.memref_squeeze %get3A_288 : memref<1x400x64xf32, #tpu.memory_space<vmem>> -> memref<400x64xf32, #tpu.memory_space<vmem>>
        %get3A_290 = arith.index_cast %add3A_285 : i32 to index
        %get3A_291 = arith.constant 0 : index
        %get3A_292 = tpu.vector_load %get3A_289[%get3A_290, %get3A_291] {strides = array<i32>} : memref<400x64xf32, #tpu.memory_space<vmem>>, vector<16xf32>,
        %get3A_293 = arith.constant 0 : i32
        %get3A_294 = arith.constant 0 : i32
        %get3A_295 = tpu.memref_slice %arg10[%scan3A_163, %get3A_293, %get3A_294] : memref<2x400x64xf32, #tpu.memory_space<vmem>> -> memref<1x400x64xf32, #tpu.memory_space<vmem>>
        %get3A_296 = tpu.memref_squeeze %get3A_295 : memref<1x400x64xf32, #tpu.memory_space<vmem>> -> memref<400x64xf32, #tpu.memory_space<vmem>>
        %get3A_297 = arith.index_cast %add3A_285 : i32 to index
        %get3A_298 = arith.constant 16 : index
        %get3A_299 = tpu.vector_load %get3A_296[%get3A_297, %get3A_298] {strides = array<i32>} : memref<400x64xf32, #tpu.memory_space<vmem>>, vector<16xf32>,
        %get3A_300 = arith.constant 0 : i32
        %get3A_301 = arith.constant 0 : i32
        %get3A_302 = tpu.memref_slice %arg10[%scan3A_163, %get3A_300, %get3A_301] : memref<2x400x64xf32, #tpu.memory_space<vmem>> -> memref<1x400x64xf32, #tpu.memory_space<vmem>>
        %get3A_303 = tpu.memref_squeeze %get3A_302 : memref<1x400x64xf32, #tpu.memory_space<vmem>> -> memref<400x64xf32, #tpu.memory_space<vmem>>
        %get3A_304 = arith.index_cast %add3A_285 : i32 to index
        %get3A_305 = arith.constant 32 : index
        %get3A_306 = tpu.vector_load %get3A_303[%get3A_304, %get3A_305] {strides = array<i32>} : memref<400x64xf32, #tpu.memory_space<vmem>>, vector<16xf32>,
        %get3A_307 = arith.constant 0 : i32
        %get3A_308 = arith.constant 0 : i32
        %get3A_309 = tpu.memref_slice %arg10[%scan3A_163, %get3A_307, %get3A_308] : memref<2x400x64xf32, #tpu.memory_space<vmem>> -> memref<1x400x64xf32, #tpu.memory_space<vmem>>
        %get3A_310 = tpu.memref_squeeze %get3A_309 : memref<1x400x64xf32, #tpu.memory_space<vmem>> -> memref<400x64xf32, #tpu.memory_space<vmem>>
        %get3A_311 = arith.index_cast %add3A_285 : i32 to index
        %get3A_312 = arith.constant 48 : index
        %get3A_313 = tpu.vector_load %get3A_310[%get3A_311, %get3A_312] {strides = array<i32>} : memref<400x64xf32, #tpu.memory_space<vmem>>, vector<16xf32>,
        %mul3A_314 = arith.mulf %get3A_292, %get3A_138 : vector<16xf32>
        %add3A_315 = arith.addf %mul3A_314, %get3A_162 : vector<16xf32>
        %mul3A_316 = arith.mulf %get3A_299, %get3A_140 : vector<16xf32>
        %add3A_317 = arith.addf %add3A_315, %mul3A_316 : vector<16xf32>
        %mul3A_318 = arith.mulf %get3A_306, %get3A_142 : vector<16xf32>
        %mul3A_319 = arith.mulf %get3A_313, %get3A_144 : vector<16xf32>
        %add3A_320 = arith.addf %mul3A_318, %mul3A_319 : vector<16xf32>
        %add3A_321 = arith.addf %add3A_317, %add3A_320 : vector<16xf32>
        %add3A_322 = arith.addf %get3A_292, %get3A_299 : vector<16xf32>
        %add3A_323 = arith.addf %get3A_306, %get3A_313 : vector<16xf32>
        %add3A_324 = arith.addf %add3A_322, %add3A_323 : vector<16xf32>
        %mul3A_325 = arith.mulf %get3A_292, %get3A_292 : vector<16xf32>
        %mul3A_326 = arith.mulf %get3A_299, %get3A_299 : vector<16xf32>
        %add3A_327 = arith.addf %mul3A_325, %mul3A_326 : vector<16xf32>
        %mul3A_328 = arith.mulf %get3A_306, %get3A_306 : vector<16xf32>
        %mul3A_329 = arith.mulf %get3A_313, %get3A_313 : vector<16xf32>
        %add3A_330 = arith.addf %mul3A_328, %mul3A_329 : vector<16xf32>
        %add3A_331 = arith.addf %add3A_327, %add3A_330 : vector<16xf32>
        %reduce_sum3A = arith.constant true
        %reduce_sum3A_332 = vector.broadcast %reduce_sum3A : i1 to vector<16xi1>
        %reduce_sum3A_333 = tpu.scan <sum>, %add3A_321 masked %reduce_sum3A_332 : vector<16xf32>, vector<16xi1> -> vector<16xf32>
        %reduce_sum3A_334 = vector.extract %reduce_sum3A_333[15] : f32 from vector<16xf32>
        %reduce_sum3A_335 = arith.constant true
        %reduce_sum3A_336 = vector.broadcast %reduce_sum3A_335 : i1 to vector<16xi1>
        %reduce_sum3A_337 = tpu.scan <sum>, %add3A_324 masked %reduce_sum3A_336 : vector<16xf32>, vector<16xi1> -> vector<16xf32>
        %reduce_sum3A_338 = vector.extract %reduce_sum3A_337[15] : f32 from vector<16xf32>
        %reduce_sum3A_339 = arith.constant true
        %reduce_sum3A_340 = vector.broadcast %reduce_sum3A_339 : i1 to vector<16xi1>
        %reduce_sum3A_341 = tpu.scan <sum>, %add3A_331 masked %reduce_sum3A_340 : vector<16xf32>, vector<16xi1> -> vector<16xf32>
        %reduce_sum3A_342 = vector.extract %reduce_sum3A_341[15] : f32 from vector<16xf32>
        %gt3A = arith.constant 0.000000e+00 : f32
        %gt3A_343 = arith.cmpf ogt, %reduce_sum3A_334, %gt3A : f32
        %jit3A = arith.constant 1.000000e+00 : f32
        %jit3A_344 = arith.constant 0.000000e+00 : f32
        %select_n3A = arith.select %gt3A_343, %jit3A, %jit3A_344 : f32
        %mul3A_345 = arith.mulf %select_n3A, %reduce_sum3A_338 : f32
        %mul3A_346 = arith.constant 1.093750e-02 : f32
        %mul3A_347 = arith.mulf %mul3A_345, %mul3A_346 : f32
        %mul3A_348 = arith.mulf %select_n3A, %reduce_sum3A_342 : f32
        %mul3A_349 = arith.constant 7.656250e-03 : f32
        %mul3A_350 = arith.mulf %mul3A_348, %mul3A_349 : f32
        %mul3A_351 = arith.mulf %mul3A_347, %mul3A_347 : f32
        %sub3A = arith.subf %mul3A_350, %mul3A_351 : f32
        %add3A_352 = arith.constant 9.99999974E-6 : f32
        %add3A_353 = arith.addf %sub3A, %add3A_352 : f32
        %bitcast_convert_type3A = arith.bitcast %add3A_353 : f32 to i32
        %shift_right_logical3A = arith.constant 1 : i32
        %shift_right_logical3A_354 = arith.shrui %bitcast_convert_type3A, %shift_right_logical3A : i32
        %sub3A_355 = arith.constant 1597463007 : i32
        %sub3A_356 = arith.subi %sub3A_355, %shift_right_logical3A_354 : i32
        %bitcast_convert_type3A_357 = arith.bitcast %sub3A_356 : i32 to f32
        %mul3A_358 = arith.constant 5.000000e-01 : f32
        %mul3A_359 = arith.mulf %mul3A_358, %add3A_353 : f32
        %mul3A_360 = arith.mulf %mul3A_359, %bitcast_convert_type3A_357 : f32
        %mul3A_361 = arith.mulf %mul3A_360, %bitcast_convert_type3A_357 : f32
        %sub3A_362 = arith.constant 1.500000e+00 : f32
        %sub3A_363 = arith.subf %sub3A_362, %mul3A_361 : f32
        %mul3A_364 = arith.mulf %bitcast_convert_type3A_357, %sub3A_363 : f32
        %mul3A_365 = arith.constant 5.000000e-01 : f32
        %mul3A_366 = arith.mulf %mul3A_365, %add3A_353 : f32
        %mul3A_367 = arith.mulf %mul3A_366, %mul3A_364 : f32
        %mul3A_368 = arith.mulf %mul3A_367, %mul3A_364 : f32
        %sub3A_369 = arith.constant 1.500000e+00 : f32
        %sub3A_370 = arith.subf %sub3A_369, %mul3A_368 : f32
        %mul3A_371 = arith.mulf %mul3A_364, %sub3A_370 : f32
        %mul3A_372 = arith.constant 5.000000e-01 : f32
        %mul3A_373 = arith.mulf %mul3A_372, %add3A_353 : f32
        %mul3A_374 = arith.mulf %mul3A_373, %mul3A_371 : f32
        %mul3A_375 = arith.mulf %mul3A_374, %mul3A_371 : f32
        %sub3A_376 = arith.constant 1.500000e+00 : f32
        %sub3A_377 = arith.subf %sub3A_376, %mul3A_375 : f32
        %mul3A_378 = arith.mulf %mul3A_371, %sub3A_377 : f32
        %mul3A_379 = arith.constant 0.699999988 : f32
        %mul3A_380 = arith.mulf %mul3A_379, %select_n3A : f32
        %mul3A_381 = arith.mulf %mul3A_380, %mul3A_378 : f32
        %broadcast_in_dim3A_382 = vector.broadcast %mul3A_381 : f32 to vector<16xf32>
        %mul3A_383 = arith.mulf %mul3A_347, %mul3A_378 : f32
        %broadcast_in_dim3A_384 = vector.broadcast %mul3A_383 : f32 to vector<16xf32>
        %mul3A_385 = arith.mulf %broadcast_in_dim3A_382, %get3A_292 : vector<16xf32>
        %sub3A_386 = arith.subf %mul3A_385, %broadcast_in_dim3A_384 : vector<16xf32>
        %mul3A_387 = arith.mulf %sub3A_386, %get3A_146 : vector<16xf32>
        %add3A_388 = arith.addf %mul3A_387, %get3A_154 : vector<16xf32>
        %mul3A_389 = arith.mulf %broadcast_in_dim3A_382, %get3A_299 : vector<16xf32>
        %sub3A_390 = arith.subf %mul3A_389, %broadcast_in_dim3A_384 : vector<16xf32>
        %mul3A_391 = arith.mulf %sub3A_390, %get3A_148 : vector<16xf32>
        %add3A_392 = arith.addf %mul3A_391, %get3A_156 : vector<16xf32>
        %mul3A_393 = arith.mulf %broadcast_in_dim3A_382, %get3A_306 : vector<16xf32>
        %sub3A_394 = arith.subf %mul3A_393, %broadcast_in_dim3A_384 : vector<16xf32>
        %mul3A_395 = arith.mulf %sub3A_394, %get3A_150 : vector<16xf32>
        %add3A_396 = arith.addf %mul3A_395, %get3A_158 : vector<16xf32>
        %mul3A_397 = arith.mulf %broadcast_in_dim3A_382, %get3A_313 : vector<16xf32>
        %sub3A_398 = arith.subf %mul3A_397, %broadcast_in_dim3A_384 : vector<16xf32>
        %mul3A_399 = arith.mulf %sub3A_398, %get3A_152 : vector<16xf32>
        %add3A_400 = arith.addf %mul3A_399, %get3A_160 : vector<16xf32>
        %mul3A_401 = arith.mulf %add3A_388, %add3A_388 : vector<16xf32>
        %mul3A_402 = arith.mulf %add3A_392, %add3A_392 : vector<16xf32>
        %add3A_403 = arith.addf %mul3A_401, %mul3A_402 : vector<16xf32>
        %mul3A_404 = arith.mulf %add3A_396, %add3A_396 : vector<16xf32>
        %mul3A_405 = arith.mulf %add3A_400, %add3A_400 : vector<16xf32>
        %add3A_406 = arith.addf %mul3A_404, %mul3A_405 : vector<16xf32>
        %add3A_407 = arith.addf %add3A_403, %add3A_406 : vector<16xf32>
        %swap3A_408 = arith.constant 0 : i32
        %swap3A_409 = arith.constant 0 : i32
        %swap3A_410 = tpu.memref_slice %arg11[%scan3A_164, %swap3A_408, %swap3A_409] : memref<2x400x64xf32, #tpu.memory_space<vmem>> -> memref<1x400x64xf32, #tpu.memory_space<vmem>>
        %swap3A_411 = tpu.memref_squeeze %swap3A_410 : memref<1x400x64xf32, #tpu.memory_space<vmem>> -> memref<400x64xf32, #tpu.memory_space<vmem>>
        %swap3A_412 = arith.index_cast %add3A_285 : i32 to index
        %swap3A_413 = arith.constant 0 : index
        %swap3A_414 = tpu.vector_load %swap3A_411[%swap3A_412, %swap3A_413] {strides = array<i32>} : memref<400x64xf32, #tpu.memory_space<vmem>>, vector<16xf32>,
        tpu.vector_store %swap3A_411[%swap3A_412, %swap3A_413], %add3A_388 {strides = array<i32>} : memref<400x64xf32, #tpu.memory_space<vmem>>, vector<16xf32>,
        %swap3A_415 = arith.constant 0 : i32
        %swap3A_416 = arith.constant 0 : i32
        %swap3A_417 = tpu.memref_slice %arg11[%scan3A_164, %swap3A_415, %swap3A_416] : memref<2x400x64xf32, #tpu.memory_space<vmem>> -> memref<1x400x64xf32, #tpu.memory_space<vmem>>
        %swap3A_418 = tpu.memref_squeeze %swap3A_417 : memref<1x400x64xf32, #tpu.memory_space<vmem>> -> memref<400x64xf32, #tpu.memory_space<vmem>>
        %swap3A_419 = arith.index_cast %add3A_285 : i32 to index
        %swap3A_420 = arith.constant 16 : index
        %swap3A_421 = tpu.vector_load %swap3A_418[%swap3A_419, %swap3A_420] {strides = array<i32>} : memref<400x64xf32, #tpu.memory_space<vmem>>, vector<16xf32>,
        tpu.vector_store %swap3A_418[%swap3A_419, %swap3A_420], %add3A_392 {strides = array<i32>} : memref<400x64xf32, #tpu.memory_space<vmem>>, vector<16xf32>,
        %swap3A_422 = arith.constant 0 : i32
        %swap3A_423 = arith.constant 0 : i32
        %swap3A_424 = tpu.memref_slice %arg11[%scan3A_164, %swap3A_422, %swap3A_423] : memref<2x400x64xf32, #tpu.memory_space<vmem>> -> memref<1x400x64xf32, #tpu.memory_space<vmem>>
        %swap3A_425 = tpu.memref_squeeze %swap3A_424 : memref<1x400x64xf32, #tpu.memory_space<vmem>> -> memref<400x64xf32, #tpu.memory_space<vmem>>
        %swap3A_426 = arith.index_cast %add3A_285 : i32 to index
        %swap3A_427 = arith.constant 32 : index
        %swap3A_428 = tpu.vector_load %swap3A_425[%swap3A_426, %swap3A_427] {strides = array<i32>} : memref<400x64xf32, #tpu.memory_space<vmem>>, vector<16xf32>,
        tpu.vector_store %swap3A_425[%swap3A_426, %swap3A_427], %add3A_396 {strides = array<i32>} : memref<400x64xf32, #tpu.memory_space<vmem>>, vector<16xf32>,
        %swap3A_429 = arith.constant 0 : i32
        %swap3A_430 = arith.constant 0 : i32
        %swap3A_431 = tpu.memref_slice %arg11[%scan3A_164, %swap3A_429, %swap3A_430] : memref<2x400x64xf32, #tpu.memory_space<vmem>> -> memref<1x400x64xf32, #tpu.memory_space<vmem>>
        %swap3A_432 = tpu.memref_squeeze %swap3A_431 : memref<1x400x64xf32, #tpu.memory_space<vmem>> -> memref<400x64xf32, #tpu.memory_space<vmem>>
        %swap3A_433 = arith.index_cast %add3A_285 : i32 to index
        %swap3A_434 = arith.constant 48 : index
        %swap3A_435 = tpu.vector_load %swap3A_432[%swap3A_433, %swap3A_434] {strides = array<i32>} : memref<400x64xf32, #tpu.memory_space<vmem>>, vector<16xf32>,
        tpu.vector_store %swap3A_432[%swap3A_433, %swap3A_434], %add3A_400 {strides = array<i32>} : memref<400x64xf32, #tpu.memory_space<vmem>>, vector<16xf32>,
        %reduce_sum3A_436 = arith.constant true
        %reduce_sum3A_437 = vector.broadcast %reduce_sum3A_436 : i1 to vector<16xi1>
        %reduce_sum3A_438 = tpu.scan <sum>, %add3A_407 masked %reduce_sum3A_437 : vector<16xf32>, vector<16xi1> -> vector<16xf32>
        %reduce_sum3A_439 = vector.extract %reduce_sum3A_438[15] : f32 from vector<16xf32>
        %gt3A_440 = arith.constant 0.000000e+00 : f32
        %gt3A_441 = arith.cmpf ogt, %reduce_sum3A_439, %gt3A_440 : f32
        %bitcast_convert_type3A_442 = arith.bitcast %reduce_sum3A_439 : f32 to i32
        %shift_right_logical3A_443 = arith.constant 1 : i32
        %shift_right_logical3A_444 = arith.shrui %bitcast_convert_type3A_442, %shift_right_logical3A_443 : i32
        %sub3A_445 = arith.constant 1597463007 : i32
        %sub3A_446 = arith.subi %sub3A_445, %shift_right_logical3A_444 : i32
        %bitcast_convert_type3A_447 = arith.bitcast %sub3A_446 : i32 to f32
        %mul3A_448 = arith.constant 5.000000e-01 : f32
        %mul3A_449 = arith.mulf %mul3A_448, %reduce_sum3A_439 : f32
        %mul3A_450 = arith.mulf %mul3A_449, %bitcast_convert_type3A_447 : f32
        %mul3A_451 = arith.mulf %mul3A_450, %bitcast_convert_type3A_447 : f32
        %sub3A_452 = arith.constant 1.500000e+00 : f32
        %sub3A_453 = arith.subf %sub3A_452, %mul3A_451 : f32
        %mul3A_454 = arith.mulf %bitcast_convert_type3A_447, %sub3A_453 : f32
        %mul3A_455 = arith.constant 5.000000e-01 : f32
        %mul3A_456 = arith.mulf %mul3A_455, %reduce_sum3A_439 : f32
        %mul3A_457 = arith.mulf %mul3A_456, %mul3A_454 : f32
        %mul3A_458 = arith.mulf %mul3A_457, %mul3A_454 : f32
        %sub3A_459 = arith.constant 1.500000e+00 : f32
        %sub3A_460 = arith.subf %sub3A_459, %mul3A_458 : f32
        %mul3A_461 = arith.mulf %mul3A_454, %sub3A_460 : f32
        %mul3A_462 = arith.constant 5.000000e-01 : f32
        %mul3A_463 = arith.mulf %mul3A_462, %reduce_sum3A_439 : f32
        %mul3A_464 = arith.mulf %mul3A_463, %mul3A_461 : f32
        %mul3A_465 = arith.mulf %mul3A_464, %mul3A_461 : f32
        %sub3A_466 = arith.constant 1.500000e+00 : f32
        %sub3A_467 = arith.subf %sub3A_466, %mul3A_465 : f32
        %mul3A_468 = arith.mulf %mul3A_461, %sub3A_467 : f32
        %mul3A_469 = arith.mulf %reduce_sum3A_439, %mul3A_468 : f32
        %jit3A_470 = arith.constant 0.000000e+00 : f32
        %select_n3A_471 = arith.select %gt3A_441, %mul3A_469, %jit3A_470 : f32
        %add3A_472 = arith.addf %scan3A_280, %select_n3A : f32
        %add3A_473 = arith.addf %scan3A_281, %select_n3A_471 : f32
        %mul3A_474 = arith.constant 4 : i32
        %mul3A_475 = arith.muli %scan3A_279, %mul3A_474 : i32
        %add3A_476 = arith.constant 1 : i32
        %add3A_477 = arith.addi %mul3A_475, %add3A_476 : i32
        %get3A_478 = arith.constant 0 : i32
        %get3A_479 = arith.constant 0 : i32
        %get3A_480 = tpu.memref_slice %arg10[%scan3A_163, %get3A_478, %get3A_479] : memref<2x400x64xf32, #tpu.memory_space<vmem>> -> memref<1x400x64xf32, #tpu.memory_space<vmem>>
        %get3A_481 = tpu.memref_squeeze %get3A_480 : memref<1x400x64xf32, #tpu.memory_space<vmem>> -> memref<400x64xf32, #tpu.memory_space<vmem>>
        %get3A_482 = arith.index_cast %add3A_477 : i32 to index
        %get3A_483 = arith.constant 0 : index
        %get3A_484 = tpu.vector_load %get3A_481[%get3A_482, %get3A_483] {strides = array<i32>} : memref<400x64xf32, #tpu.memory_space<vmem>>, vector<16xf32>,
        %get3A_485 = arith.constant 0 : i32
        %get3A_486 = arith.constant 0 : i32
        %get3A_487 = tpu.memref_slice %arg10[%scan3A_163, %get3A_485, %get3A_486] : memref<2x400x64xf32, #tpu.memory_space<vmem>> -> memref<1x400x64xf32, #tpu.memory_space<vmem>>
        %get3A_488 = tpu.memref_squeeze %get3A_487 : memref<1x400x64xf32, #tpu.memory_space<vmem>> -> memref<400x64xf32, #tpu.memory_space<vmem>>
        %get3A_489 = arith.index_cast %add3A_477 : i32 to index
        %get3A_490 = arith.constant 16 : index
        %get3A_491 = tpu.vector_load %get3A_488[%get3A_489, %get3A_490] {strides = array<i32>} : memref<400x64xf32, #tpu.memory_space<vmem>>, vector<16xf32>,
        %get3A_492 = arith.constant 0 : i32
        %get3A_493 = arith.constant 0 : i32
        %get3A_494 = tpu.memref_slice %arg10[%scan3A_163, %get3A_492, %get3A_493] : memref<2x400x64xf32, #tpu.memory_space<vmem>> -> memref<1x400x64xf32, #tpu.memory_space<vmem>>
        %get3A_495 = tpu.memref_squeeze %get3A_494 : memref<1x400x64xf32, #tpu.memory_space<vmem>> -> memref<400x64xf32, #tpu.memory_space<vmem>>
        %get3A_496 = arith.index_cast %add3A_477 : i32 to index
        %get3A_497 = arith.constant 32 : index
        %get3A_498 = tpu.vector_load %get3A_495[%get3A_496, %get3A_497] {strides = array<i32>} : memref<400x64xf32, #tpu.memory_space<vmem>>, vector<16xf32>,
        %get3A_499 = arith.constant 0 : i32
        %get3A_500 = arith.constant 0 : i32
        %get3A_501 = tpu.memref_slice %arg10[%scan3A_163, %get3A_499, %get3A_500] : memref<2x400x64xf32, #tpu.memory_space<vmem>> -> memref<1x400x64xf32, #tpu.memory_space<vmem>>
        %get3A_502 = tpu.memref_squeeze %get3A_501 : memref<1x400x64xf32, #tpu.memory_space<vmem>> -> memref<400x64xf32, #tpu.memory_space<vmem>>
        %get3A_503 = arith.index_cast %add3A_477 : i32 to index
        %get3A_504 = arith.constant 48 : index
        %get3A_505 = tpu.vector_load %get3A_502[%get3A_503, %get3A_504] {strides = array<i32>} : memref<400x64xf32, #tpu.memory_space<vmem>>, vector<16xf32>,
        %mul3A_506 = arith.mulf %get3A_484, %get3A_138 : vector<16xf32>
        %add3A_507 = arith.addf %mul3A_506, %get3A_162 : vector<16xf32>
        %mul3A_508 = arith.mulf %get3A_491, %get3A_140 : vector<16xf32>
        %add3A_509 = arith.addf %add3A_507, %mul3A_508 : vector<16xf32>
        %mul3A_510 = arith.mulf %get3A_498, %get3A_142 : vector<16xf32>
        %mul3A_511 = arith.mulf %get3A_505, %get3A_144 : vector<16xf32>
        %add3A_512 = arith.addf %mul3A_510, %mul3A_511 : vector<16xf32>
        %add3A_513 = arith.addf %add3A_509, %add3A_512 : vector<16xf32>
        %add3A_514 = arith.addf %get3A_484, %get3A_491 : vector<16xf32>
        %add3A_515 = arith.addf %get3A_498, %get3A_505 : vector<16xf32>
        %add3A_516 = arith.addf %add3A_514, %add3A_515 : vector<16xf32>
        %mul3A_517 = arith.mulf %get3A_484, %get3A_484 : vector<16xf32>
        %mul3A_518 = arith.mulf %get3A_491, %get3A_491 : vector<16xf32>
        %add3A_519 = arith.addf %mul3A_517, %mul3A_518 : vector<16xf32>
        %mul3A_520 = arith.mulf %get3A_498, %get3A_498 : vector<16xf32>
        %mul3A_521 = arith.mulf %get3A_505, %get3A_505 : vector<16xf32>
        %add3A_522 = arith.addf %mul3A_520, %mul3A_521 : vector<16xf32>
        %add3A_523 = arith.addf %add3A_519, %add3A_522 : vector<16xf32>
        %reduce_sum3A_524 = arith.constant true
        %reduce_sum3A_525 = vector.broadcast %reduce_sum3A_524 : i1 to vector<16xi1>
        %reduce_sum3A_526 = tpu.scan <sum>, %add3A_513 masked %reduce_sum3A_525 : vector<16xf32>, vector<16xi1> -> vector<16xf32>
        %reduce_sum3A_527 = vector.extract %reduce_sum3A_526[15] : f32 from vector<16xf32>
        %reduce_sum3A_528 = arith.constant true
        %reduce_sum3A_529 = vector.broadcast %reduce_sum3A_528 : i1 to vector<16xi1>
        %reduce_sum3A_530 = tpu.scan <sum>, %add3A_516 masked %reduce_sum3A_529 : vector<16xf32>, vector<16xi1> -> vector<16xf32>
        %reduce_sum3A_531 = vector.extract %reduce_sum3A_530[15] : f32 from vector<16xf32>
        %reduce_sum3A_532 = arith.constant true
        %reduce_sum3A_533 = vector.broadcast %reduce_sum3A_532 : i1 to vector<16xi1>
        %reduce_sum3A_534 = tpu.scan <sum>, %add3A_523 masked %reduce_sum3A_533 : vector<16xf32>, vector<16xi1> -> vector<16xf32>
        %reduce_sum3A_535 = vector.extract %reduce_sum3A_534[15] : f32 from vector<16xf32>
        %gt3A_536 = arith.constant 0.000000e+00 : f32
        %gt3A_537 = arith.cmpf ogt, %reduce_sum3A_527, %gt3A_536 : f32
        %jit3A_538 = arith.constant 1.000000e+00 : f32
        %jit3A_539 = arith.constant 0.000000e+00 : f32
        %select_n3A_540 = arith.select %gt3A_537, %jit3A_538, %jit3A_539 : f32
        %mul3A_541 = arith.mulf %select_n3A_540, %reduce_sum3A_531 : f32
        %mul3A_542 = arith.constant 1.093750e-02 : f32
        %mul3A_543 = arith.mulf %mul3A_541, %mul3A_542 : f32
        %mul3A_544 = arith.mulf %select_n3A_540, %reduce_sum3A_535 : f32
        %mul3A_545 = arith.constant 7.656250e-03 : f32
        %mul3A_546 = arith.mulf %mul3A_544, %mul3A_545 : f32
        %mul3A_547 = arith.mulf %mul3A_543, %mul3A_543 : f32
        %sub3A_548 = arith.subf %mul3A_546, %mul3A_547 : f32
        %add3A_549 = arith.constant 9.99999974E-6 : f32
        %add3A_550 = arith.addf %sub3A_548, %add3A_549 : f32
        %bitcast_convert_type3A_551 = arith.bitcast %add3A_550 : f32 to i32
        %shift_right_logical3A_552 = arith.constant 1 : i32
        %shift_right_logical3A_553 = arith.shrui %bitcast_convert_type3A_551, %shift_right_logical3A_552 : i32
        %sub3A_554 = arith.constant 1597463007 : i32
        %sub3A_555 = arith.subi %sub3A_554, %shift_right_logical3A_553 : i32
        %bitcast_convert_type3A_556 = arith.bitcast %sub3A_555 : i32 to f32
        %mul3A_557 = arith.constant 5.000000e-01 : f32
        %mul3A_558 = arith.mulf %mul3A_557, %add3A_550 : f32
        %mul3A_559 = arith.mulf %mul3A_558, %bitcast_convert_type3A_556 : f32
        %mul3A_560 = arith.mulf %mul3A_559, %bitcast_convert_type3A_556 : f32
        %sub3A_561 = arith.constant 1.500000e+00 : f32
        %sub3A_562 = arith.subf %sub3A_561, %mul3A_560 : f32
        %mul3A_563 = arith.mulf %bitcast_convert_type3A_556, %sub3A_562 : f32
        %mul3A_564 = arith.constant 5.000000e-01 : f32
        %mul3A_565 = arith.mulf %mul3A_564, %add3A_550 : f32
        %mul3A_566 = arith.mulf %mul3A_565, %mul3A_563 : f32
        %mul3A_567 = arith.mulf %mul3A_566, %mul3A_563 : f32
        %sub3A_568 = arith.constant 1.500000e+00 : f32
        %sub3A_569 = arith.subf %sub3A_568, %mul3A_567 : f32
        %mul3A_570 = arith.mulf %mul3A_563, %sub3A_569 : f32
        %mul3A_571 = arith.constant 5.000000e-01 : f32
        %mul3A_572 = arith.mulf %mul3A_571, %add3A_550 : f32
        %mul3A_573 = arith.mulf %mul3A_572, %mul3A_570 : f32
        %mul3A_574 = arith.mulf %mul3A_573, %mul3A_570 : f32
        %sub3A_575 = arith.constant 1.500000e+00 : f32
        %sub3A_576 = arith.subf %sub3A_575, %mul3A_574 : f32
        %mul3A_577 = arith.mulf %mul3A_570, %sub3A_576 : f32
        %mul3A_578 = arith.constant 0.699999988 : f32
        %mul3A_579 = arith.mulf %mul3A_578, %select_n3A_540 : f32
        %mul3A_580 = arith.mulf %mul3A_579, %mul3A_577 : f32
        %broadcast_in_dim3A_581 = vector.broadcast %mul3A_580 : f32 to vector<16xf32>
        %mul3A_582 = arith.mulf %mul3A_543, %mul3A_577 : f32
        %broadcast_in_dim3A_583 = vector.broadcast %mul3A_582 : f32 to vector<16xf32>
        %mul3A_584 = arith.mulf %broadcast_in_dim3A_581, %get3A_484 : vector<16xf32>
        %sub3A_585 = arith.subf %mul3A_584, %broadcast_in_dim3A_583 : vector<16xf32>
        %mul3A_586 = arith.mulf %sub3A_585, %get3A_146 : vector<16xf32>
        %add3A_587 = arith.addf %mul3A_586, %get3A_154 : vector<16xf32>
        %mul3A_588 = arith.mulf %broadcast_in_dim3A_581, %get3A_491 : vector<16xf32>
        %sub3A_589 = arith.subf %mul3A_588, %broadcast_in_dim3A_583 : vector<16xf32>
        %mul3A_590 = arith.mulf %sub3A_589, %get3A_148 : vector<16xf32>
        %add3A_591 = arith.addf %mul3A_590, %get3A_156 : vector<16xf32>
        %mul3A_592 = arith.mulf %broadcast_in_dim3A_581, %get3A_498 : vector<16xf32>
        %sub3A_593 = arith.subf %mul3A_592, %broadcast_in_dim3A_583 : vector<16xf32>
        %mul3A_594 = arith.mulf %sub3A_593, %get3A_150 : vector<16xf32>
        %add3A_595 = arith.addf %mul3A_594, %get3A_158 : vector<16xf32>
        %mul3A_596 = arith.mulf %broadcast_in_dim3A_581, %get3A_505 : vector<16xf32>
        %sub3A_597 = arith.subf %mul3A_596, %broadcast_in_dim3A_583 : vector<16xf32>
        %mul3A_598 = arith.mulf %sub3A_597, %get3A_152 : vector<16xf32>
        %add3A_599 = arith.addf %mul3A_598, %get3A_160 : vector<16xf32>
        %mul3A_600 = arith.mulf %add3A_587, %add3A_587 : vector<16xf32>
        %mul3A_601 = arith.mulf %add3A_591, %add3A_591 : vector<16xf32>
        %add3A_602 = arith.addf %mul3A_600, %mul3A_601 : vector<16xf32>
        %mul3A_603 = arith.mulf %add3A_595, %add3A_595 : vector<16xf32>
        %mul3A_604 = arith.mulf %add3A_599, %add3A_599 : vector<16xf32>
        %add3A_605 = arith.addf %mul3A_603, %mul3A_604 : vector<16xf32>
        %add3A_606 = arith.addf %add3A_602, %add3A_605 : vector<16xf32>
        %swap3A_607 = arith.constant 0 : i32
        %swap3A_608 = arith.constant 0 : i32
        %swap3A_609 = tpu.memref_slice %arg11[%scan3A_164, %swap3A_607, %swap3A_608] : memref<2x400x64xf32, #tpu.memory_space<vmem>> -> memref<1x400x64xf32, #tpu.memory_space<vmem>>
        %swap3A_610 = tpu.memref_squeeze %swap3A_609 : memref<1x400x64xf32, #tpu.memory_space<vmem>> -> memref<400x64xf32, #tpu.memory_space<vmem>>
        %swap3A_611 = arith.index_cast %add3A_477 : i32 to index
        %swap3A_612 = arith.constant 0 : index
        %swap3A_613 = tpu.vector_load %swap3A_610[%swap3A_611, %swap3A_612] {strides = array<i32>} : memref<400x64xf32, #tpu.memory_space<vmem>>, vector<16xf32>,
        tpu.vector_store %swap3A_610[%swap3A_611, %swap3A_612], %add3A_587 {strides = array<i32>} : memref<400x64xf32, #tpu.memory_space<vmem>>, vector<16xf32>,
        %swap3A_614 = arith.constant 0 : i32
        %swap3A_615 = arith.constant 0 : i32
        %swap3A_616 = tpu.memref_slice %arg11[%scan3A_164, %swap3A_614, %swap3A_615] : memref<2x400x64xf32, #tpu.memory_space<vmem>> -> memref<1x400x64xf32, #tpu.memory_space<vmem>>
        %swap3A_617 = tpu.memref_squeeze %swap3A_616 : memref<1x400x64xf32, #tpu.memory_space<vmem>> -> memref<400x64xf32, #tpu.memory_space<vmem>>
        %swap3A_618 = arith.index_cast %add3A_477 : i32 to index
        %swap3A_619 = arith.constant 16 : index
        %swap3A_620 = tpu.vector_load %swap3A_617[%swap3A_618, %swap3A_619] {strides = array<i32>} : memref<400x64xf32, #tpu.memory_space<vmem>>, vector<16xf32>,
        tpu.vector_store %swap3A_617[%swap3A_618, %swap3A_619], %add3A_591 {strides = array<i32>} : memref<400x64xf32, #tpu.memory_space<vmem>>, vector<16xf32>,
        %swap3A_621 = arith.constant 0 : i32
        %swap3A_622 = arith.constant 0 : i32
        %swap3A_623 = tpu.memref_slice %arg11[%scan3A_164, %swap3A_621, %swap3A_622] : memref<2x400x64xf32, #tpu.memory_space<vmem>> -> memref<1x400x64xf32, #tpu.memory_space<vmem>>
        %swap3A_624 = tpu.memref_squeeze %swap3A_623 : memref<1x400x64xf32, #tpu.memory_space<vmem>> -> memref<400x64xf32, #tpu.memory_space<vmem>>
        %swap3A_625 = arith.index_cast %add3A_477 : i32 to index
        %swap3A_626 = arith.constant 32 : index
        %swap3A_627 = tpu.vector_load %swap3A_624[%swap3A_625, %swap3A_626] {strides = array<i32>} : memref<400x64xf32, #tpu.memory_space<vmem>>, vector<16xf32>,
        tpu.vector_store %swap3A_624[%swap3A_625, %swap3A_626], %add3A_595 {strides = array<i32>} : memref<400x64xf32, #tpu.memory_space<vmem>>, vector<16xf32>,
        %swap3A_628 = arith.constant 0 : i32
        %swap3A_629 = arith.constant 0 : i32
        %swap3A_630 = tpu.memref_slice %arg11[%scan3A_164, %swap3A_628, %swap3A_629] : memref<2x400x64xf32, #tpu.memory_space<vmem>> -> memref<1x400x64xf32, #tpu.memory_space<vmem>>
        %swap3A_631 = tpu.memref_squeeze %swap3A_630 : memref<1x400x64xf32, #tpu.memory_space<vmem>> -> memref<400x64xf32, #tpu.memory_space<vmem>>
        %swap3A_632 = arith.index_cast %add3A_477 : i32 to index
        %swap3A_633 = arith.constant 48 : index
        %swap3A_634 = tpu.vector_load %swap3A_631[%swap3A_632, %swap3A_633] {strides = array<i32>} : memref<400x64xf32, #tpu.memory_space<vmem>>, vector<16xf32>,
        tpu.vector_store %swap3A_631[%swap3A_632, %swap3A_633], %add3A_599 {strides = array<i32>} : memref<400x64xf32, #tpu.memory_space<vmem>>, vector<16xf32>,
        %reduce_sum3A_635 = arith.constant true
        %reduce_sum3A_636 = vector.broadcast %reduce_sum3A_635 : i1 to vector<16xi1>
        %reduce_sum3A_637 = tpu.scan <sum>, %add3A_606 masked %reduce_sum3A_636 : vector<16xf32>, vector<16xi1> -> vector<16xf32>
        %reduce_sum3A_638 = vector.extract %reduce_sum3A_637[15] : f32 from vector<16xf32>
        %gt3A_639 = arith.constant 0.000000e+00 : f32
        %gt3A_640 = arith.cmpf ogt, %reduce_sum3A_638, %gt3A_639 : f32
        %bitcast_convert_type3A_641 = arith.bitcast %reduce_sum3A_638 : f32 to i32
        %shift_right_logical3A_642 = arith.constant 1 : i32
        %shift_right_logical3A_643 = arith.shrui %bitcast_convert_type3A_641, %shift_right_logical3A_642 : i32
        %sub3A_644 = arith.constant 1597463007 : i32
        %sub3A_645 = arith.subi %sub3A_644, %shift_right_logical3A_643 : i32
        %bitcast_convert_type3A_646 = arith.bitcast %sub3A_645 : i32 to f32
        %mul3A_647 = arith.constant 5.000000e-01 : f32
        %mul3A_648 = arith.mulf %mul3A_647, %reduce_sum3A_638 : f32
        %mul3A_649 = arith.mulf %mul3A_648, %bitcast_convert_type3A_646 : f32
        %mul3A_650 = arith.mulf %mul3A_649, %bitcast_convert_type3A_646 : f32
        %sub3A_651 = arith.constant 1.500000e+00 : f32
        %sub3A_652 = arith.subf %sub3A_651, %mul3A_650 : f32
        %mul3A_653 = arith.mulf %bitcast_convert_type3A_646, %sub3A_652 : f32
        %mul3A_654 = arith.constant 5.000000e-01 : f32
        %mul3A_655 = arith.mulf %mul3A_654, %reduce_sum3A_638 : f32
        %mul3A_656 = arith.mulf %mul3A_655, %mul3A_653 : f32
        %mul3A_657 = arith.mulf %mul3A_656, %mul3A_653 : f32
        %sub3A_658 = arith.constant 1.500000e+00 : f32
        %sub3A_659 = arith.subf %sub3A_658, %mul3A_657 : f32
        %mul3A_660 = arith.mulf %mul3A_653, %sub3A_659 : f32
        %mul3A_661 = arith.constant 5.000000e-01 : f32
        %mul3A_662 = arith.mulf %mul3A_661, %reduce_sum3A_638 : f32
        %mul3A_663 = arith.mulf %mul3A_662, %mul3A_660 : f32
        %mul3A_664 = arith.mulf %mul3A_663, %mul3A_660 : f32
        %sub3A_665 = arith.constant 1.500000e+00 : f32
        %sub3A_666 = arith.subf %sub3A_665, %mul3A_664 : f32
        %mul3A_667 = arith.mulf %mul3A_660, %sub3A_666 : f32
        %mul3A_668 = arith.mulf %reduce_sum3A_638, %mul3A_667 : f32
        %jit3A_669 = arith.constant 0.000000e+00 : f32
        %select_n3A_670 = arith.select %gt3A_640, %mul3A_668, %jit3A_669 : f32
        %add3A_671 = arith.addf %add3A_472, %select_n3A_540 : f32
        %add3A_672 = arith.addf %add3A_473, %select_n3A_670 : f32
        %mul3A_673 = arith.constant 4 : i32
        %mul3A_674 = arith.muli %scan3A_279, %mul3A_673 : i32
        %add3A_675 = arith.constant 2 : i32
        %add3A_676 = arith.addi %mul3A_674, %add3A_675 : i32
        %get3A_677 = arith.constant 0 : i32
        %get3A_678 = arith.constant 0 : i32
        %get3A_679 = tpu.memref_slice %arg10[%scan3A_163, %get3A_677, %get3A_678] : memref<2x400x64xf32, #tpu.memory_space<vmem>> -> memref<1x400x64xf32, #tpu.memory_space<vmem>>
        %get3A_680 = tpu.memref_squeeze %get3A_679 : memref<1x400x64xf32, #tpu.memory_space<vmem>> -> memref<400x64xf32, #tpu.memory_space<vmem>>
        %get3A_681 = arith.index_cast %add3A_676 : i32 to index
        %get3A_682 = arith.constant 0 : index
        %get3A_683 = tpu.vector_load %get3A_680[%get3A_681, %get3A_682] {strides = array<i32>} : memref<400x64xf32, #tpu.memory_space<vmem>>, vector<16xf32>,
        %get3A_684 = arith.constant 0 : i32
        %get3A_685 = arith.constant 0 : i32
        %get3A_686 = tpu.memref_slice %arg10[%scan3A_163, %get3A_684, %get3A_685] : memref<2x400x64xf32, #tpu.memory_space<vmem>> -> memref<1x400x64xf32, #tpu.memory_space<vmem>>
        %get3A_687 = tpu.memref_squeeze %get3A_686 : memref<1x400x64xf32, #tpu.memory_space<vmem>> -> memref<400x64xf32, #tpu.memory_space<vmem>>
        %get3A_688 = arith.index_cast %add3A_676 : i32 to index
        %get3A_689 = arith.constant 16 : index
        %get3A_690 = tpu.vector_load %get3A_687[%get3A_688, %get3A_689] {strides = array<i32>} : memref<400x64xf32, #tpu.memory_space<vmem>>, vector<16xf32>,
        %get3A_691 = arith.constant 0 : i32
        %get3A_692 = arith.constant 0 : i32
        %get3A_693 = tpu.memref_slice %arg10[%scan3A_163, %get3A_691, %get3A_692] : memref<2x400x64xf32, #tpu.memory_space<vmem>> -> memref<1x400x64xf32, #tpu.memory_space<vmem>>
        %get3A_694 = tpu.memref_squeeze %get3A_693 : memref<1x400x64xf32, #tpu.memory_space<vmem>> -> memref<400x64xf32, #tpu.memory_space<vmem>>
        %get3A_695 = arith.index_cast %add3A_676 : i32 to index
        %get3A_696 = arith.constant 32 : index
        %get3A_697 = tpu.vector_load %get3A_694[%get3A_695, %get3A_696] {strides = array<i32>} : memref<400x64xf32, #tpu.memory_space<vmem>>, vector<16xf32>,
        %get3A_698 = arith.constant 0 : i32
        %get3A_699 = arith.constant 0 : i32
        %get3A_700 = tpu.memref_slice %arg10[%scan3A_163, %get3A_698, %get3A_699] : memref<2x400x64xf32, #tpu.memory_space<vmem>> -> memref<1x400x64xf32, #tpu.memory_space<vmem>>
        %get3A_701 = tpu.memref_squeeze %get3A_700 : memref<1x400x64xf32, #tpu.memory_space<vmem>> -> memref<400x64xf32, #tpu.memory_space<vmem>>
        %get3A_702 = arith.index_cast %add3A_676 : i32 to index
        %get3A_703 = arith.constant 48 : index
        %get3A_704 = tpu.vector_load %get3A_701[%get3A_702, %get3A_703] {strides = array<i32>} : memref<400x64xf32, #tpu.memory_space<vmem>>, vector<16xf32>,
        %mul3A_705 = arith.mulf %get3A_683, %get3A_138 : vector<16xf32>
        %add3A_706 = arith.addf %mul3A_705, %get3A_162 : vector<16xf32>
        %mul3A_707 = arith.mulf %get3A_690, %get3A_140 : vector<16xf32>
        %add3A_708 = arith.addf %add3A_706, %mul3A_707 : vector<16xf32>
        %mul3A_709 = arith.mulf %get3A_697, %get3A_142 : vector<16xf32>
        %mul3A_710 = arith.mulf %get3A_704, %get3A_144 : vector<16xf32>
        %add3A_711 = arith.addf %mul3A_709, %mul3A_710 : vector<16xf32>
        %add3A_712 = arith.addf %add3A_708, %add3A_711 : vector<16xf32>
        %add3A_713 = arith.addf %get3A_683, %get3A_690 : vector<16xf32>
        %add3A_714 = arith.addf %get3A_697, %get3A_704 : vector<16xf32>
        %add3A_715 = arith.addf %add3A_713, %add3A_714 : vector<16xf32>
        %mul3A_716 = arith.mulf %get3A_683, %get3A_683 : vector<16xf32>
        %mul3A_717 = arith.mulf %get3A_690, %get3A_690 : vector<16xf32>
        %add3A_718 = arith.addf %mul3A_716, %mul3A_717 : vector<16xf32>
        %mul3A_719 = arith.mulf %get3A_697, %get3A_697 : vector<16xf32>
        %mul3A_720 = arith.mulf %get3A_704, %get3A_704 : vector<16xf32>
        %add3A_721 = arith.addf %mul3A_719, %mul3A_720 : vector<16xf32>
        %add3A_722 = arith.addf %add3A_718, %add3A_721 : vector<16xf32>
        %reduce_sum3A_723 = arith.constant true
        %reduce_sum3A_724 = vector.broadcast %reduce_sum3A_723 : i1 to vector<16xi1>
        %reduce_sum3A_725 = tpu.scan <sum>, %add3A_712 masked %reduce_sum3A_724 : vector<16xf32>, vector<16xi1> -> vector<16xf32>
        %reduce_sum3A_726 = vector.extract %reduce_sum3A_725[15] : f32 from vector<16xf32>
        %reduce_sum3A_727 = arith.constant true
        %reduce_sum3A_728 = vector.broadcast %reduce_sum3A_727 : i1 to vector<16xi1>
        %reduce_sum3A_729 = tpu.scan <sum>, %add3A_715 masked %reduce_sum3A_728 : vector<16xf32>, vector<16xi1> -> vector<16xf32>
        %reduce_sum3A_730 = vector.extract %reduce_sum3A_729[15] : f32 from vector<16xf32>
        %reduce_sum3A_731 = arith.constant true
        %reduce_sum3A_732 = vector.broadcast %reduce_sum3A_731 : i1 to vector<16xi1>
        %reduce_sum3A_733 = tpu.scan <sum>, %add3A_722 masked %reduce_sum3A_732 : vector<16xf32>, vector<16xi1> -> vector<16xf32>
        %reduce_sum3A_734 = vector.extract %reduce_sum3A_733[15] : f32 from vector<16xf32>
        %gt3A_735 = arith.constant 0.000000e+00 : f32
        %gt3A_736 = arith.cmpf ogt, %reduce_sum3A_726, %gt3A_735 : f32
        %jit3A_737 = arith.constant 1.000000e+00 : f32
        %jit3A_738 = arith.constant 0.000000e+00 : f32
        %select_n3A_739 = arith.select %gt3A_736, %jit3A_737, %jit3A_738 : f32
        %mul3A_740 = arith.mulf %select_n3A_739, %reduce_sum3A_730 : f32
        %mul3A_741 = arith.constant 1.093750e-02 : f32
        %mul3A_742 = arith.mulf %mul3A_740, %mul3A_741 : f32
        %mul3A_743 = arith.mulf %select_n3A_739, %reduce_sum3A_734 : f32
        %mul3A_744 = arith.constant 7.656250e-03 : f32
        %mul3A_745 = arith.mulf %mul3A_743, %mul3A_744 : f32
        %mul3A_746 = arith.mulf %mul3A_742, %mul3A_742 : f32
        %sub3A_747 = arith.subf %mul3A_745, %mul3A_746 : f32
        %add3A_748 = arith.constant 9.99999974E-6 : f32
        %add3A_749 = arith.addf %sub3A_747, %add3A_748 : f32
        %bitcast_convert_type3A_750 = arith.bitcast %add3A_749 : f32 to i32
        %shift_right_logical3A_751 = arith.constant 1 : i32
        %shift_right_logical3A_752 = arith.shrui %bitcast_convert_type3A_750, %shift_right_logical3A_751 : i32
        %sub3A_753 = arith.constant 1597463007 : i32
        %sub3A_754 = arith.subi %sub3A_753, %shift_right_logical3A_752 : i32
        %bitcast_convert_type3A_755 = arith.bitcast %sub3A_754 : i32 to f32
        %mul3A_756 = arith.constant 5.000000e-01 : f32
        %mul3A_757 = arith.mulf %mul3A_756, %add3A_749 : f32
        %mul3A_758 = arith.mulf %mul3A_757, %bitcast_convert_type3A_755 : f32
        %mul3A_759 = arith.mulf %mul3A_758, %bitcast_convert_type3A_755 : f32
        %sub3A_760 = arith.constant 1.500000e+00 : f32
        %sub3A_761 = arith.subf %sub3A_760, %mul3A_759 : f32
        %mul3A_762 = arith.mulf %bitcast_convert_type3A_755, %sub3A_761 : f32
        %mul3A_763 = arith.constant 5.000000e-01 : f32
        %mul3A_764 = arith.mulf %mul3A_763, %add3A_749 : f32
        %mul3A_765 = arith.mulf %mul3A_764, %mul3A_762 : f32
        %mul3A_766 = arith.mulf %mul3A_765, %mul3A_762 : f32
        %sub3A_767 = arith.constant 1.500000e+00 : f32
        %sub3A_768 = arith.subf %sub3A_767, %mul3A_766 : f32
        %mul3A_769 = arith.mulf %mul3A_762, %sub3A_768 : f32
        %mul3A_770 = arith.constant 5.000000e-01 : f32
        %mul3A_771 = arith.mulf %mul3A_770, %add3A_749 : f32
        %mul3A_772 = arith.mulf %mul3A_771, %mul3A_769 : f32
        %mul3A_773 = arith.mulf %mul3A_772, %mul3A_769 : f32
        %sub3A_774 = arith.constant 1.500000e+00 : f32
        %sub3A_775 = arith.subf %sub3A_774, %mul3A_773 : f32
        %mul3A_776 = arith.mulf %mul3A_769, %sub3A_775 : f32
        %mul3A_777 = arith.constant 0.699999988 : f32
        %mul3A_778 = arith.mulf %mul3A_777, %select_n3A_739 : f32
        %mul3A_779 = arith.mulf %mul3A_778, %mul3A_776 : f32
        %broadcast_in_dim3A_780 = vector.broadcast %mul3A_779 : f32 to vector<16xf32>
        %mul3A_781 = arith.mulf %mul3A_742, %mul3A_776 : f32
        %broadcast_in_dim3A_782 = vector.broadcast %mul3A_781 : f32 to vector<16xf32>
        %mul3A_783 = arith.mulf %broadcast_in_dim3A_780, %get3A_683 : vector<16xf32>
        %sub3A_784 = arith.subf %mul3A_783, %broadcast_in_dim3A_782 : vector<16xf32>
        %mul3A_785 = arith.mulf %sub3A_784, %get3A_146 : vector<16xf32>
        %add3A_786 = arith.addf %mul3A_785, %get3A_154 : vector<16xf32>
        %mul3A_787 = arith.mulf %broadcast_in_dim3A_780, %get3A_690 : vector<16xf32>
        %sub3A_788 = arith.subf %mul3A_787, %broadcast_in_dim3A_782 : vector<16xf32>
        %mul3A_789 = arith.mulf %sub3A_788, %get3A_148 : vector<16xf32>
        %add3A_790 = arith.addf %mul3A_789, %get3A_156 : vector<16xf32>
        %mul3A_791 = arith.mulf %broadcast_in_dim3A_780, %get3A_697 : vector<16xf32>
        %sub3A_792 = arith.subf %mul3A_791, %broadcast_in_dim3A_782 : vector<16xf32>
        %mul3A_793 = arith.mulf %sub3A_792, %get3A_150 : vector<16xf32>
        %add3A_794 = arith.addf %mul3A_793, %get3A_158 : vector<16xf32>
        %mul3A_795 = arith.mulf %broadcast_in_dim3A_780, %get3A_704 : vector<16xf32>
        %sub3A_796 = arith.subf %mul3A_795, %broadcast_in_dim3A_782 : vector<16xf32>
        %mul3A_797 = arith.mulf %sub3A_796, %get3A_152 : vector<16xf32>
        %add3A_798 = arith.addf %mul3A_797, %get3A_160 : vector<16xf32>
        %mul3A_799 = arith.mulf %add3A_786, %add3A_786 : vector<16xf32>
        %mul3A_800 = arith.mulf %add3A_790, %add3A_790 : vector<16xf32>
        %add3A_801 = arith.addf %mul3A_799, %mul3A_800 : vector<16xf32>
        %mul3A_802 = arith.mulf %add3A_794, %add3A_794 : vector<16xf32>
        %mul3A_803 = arith.mulf %add3A_798, %add3A_798 : vector<16xf32>
        %add3A_804 = arith.addf %mul3A_802, %mul3A_803 : vector<16xf32>
        %add3A_805 = arith.addf %add3A_801, %add3A_804 : vector<16xf32>
        %swap3A_806 = arith.constant 0 : i32
        %swap3A_807 = arith.constant 0 : i32
        %swap3A_808 = tpu.memref_slice %arg11[%scan3A_164, %swap3A_806, %swap3A_807] : memref<2x400x64xf32, #tpu.memory_space<vmem>> -> memref<1x400x64xf32, #tpu.memory_space<vmem>>
        %swap3A_809 = tpu.memref_squeeze %swap3A_808 : memref<1x400x64xf32, #tpu.memory_space<vmem>> -> memref<400x64xf32, #tpu.memory_space<vmem>>
        %swap3A_810 = arith.index_cast %add3A_676 : i32 to index
        %swap3A_811 = arith.constant 0 : index
        %swap3A_812 = tpu.vector_load %swap3A_809[%swap3A_810, %swap3A_811] {strides = array<i32>} : memref<400x64xf32, #tpu.memory_space<vmem>>, vector<16xf32>,
        tpu.vector_store %swap3A_809[%swap3A_810, %swap3A_811], %add3A_786 {strides = array<i32>} : memref<400x64xf32, #tpu.memory_space<vmem>>, vector<16xf32>,
        %swap3A_813 = arith.constant 0 : i32
        %swap3A_814 = arith.constant 0 : i32
        %swap3A_815 = tpu.memref_slice %arg11[%scan3A_164, %swap3A_813, %swap3A_814] : memref<2x400x64xf32, #tpu.memory_space<vmem>> -> memref<1x400x64xf32, #tpu.memory_space<vmem>>
        %swap3A_816 = tpu.memref_squeeze %swap3A_815 : memref<1x400x64xf32, #tpu.memory_space<vmem>> -> memref<400x64xf32, #tpu.memory_space<vmem>>
        %swap3A_817 = arith.index_cast %add3A_676 : i32 to index
        %swap3A_818 = arith.constant 16 : index
        %swap3A_819 = tpu.vector_load %swap3A_816[%swap3A_817, %swap3A_818] {strides = array<i32>} : memref<400x64xf32, #tpu.memory_space<vmem>>, vector<16xf32>,
        tpu.vector_store %swap3A_816[%swap3A_817, %swap3A_818], %add3A_790 {strides = array<i32>} : memref<400x64xf32, #tpu.memory_space<vmem>>, vector<16xf32>,
        %swap3A_820 = arith.constant 0 : i32
        %swap3A_821 = arith.constant 0 : i32
        %swap3A_822 = tpu.memref_slice %arg11[%scan3A_164, %swap3A_820, %swap3A_821] : memref<2x400x64xf32, #tpu.memory_space<vmem>> -> memref<1x400x64xf32, #tpu.memory_space<vmem>>
        %swap3A_823 = tpu.memref_squeeze %swap3A_822 : memref<1x400x64xf32, #tpu.memory_space<vmem>> -> memref<400x64xf32, #tpu.memory_space<vmem>>
        %swap3A_824 = arith.index_cast %add3A_676 : i32 to index
        %swap3A_825 = arith.constant 32 : index
        %swap3A_826 = tpu.vector_load %swap3A_823[%swap3A_824, %swap3A_825] {strides = array<i32>} : memref<400x64xf32, #tpu.memory_space<vmem>>, vector<16xf32>,
        tpu.vector_store %swap3A_823[%swap3A_824, %swap3A_825], %add3A_794 {strides = array<i32>} : memref<400x64xf32, #tpu.memory_space<vmem>>, vector<16xf32>,
        %swap3A_827 = arith.constant 0 : i32
        %swap3A_828 = arith.constant 0 : i32
        %swap3A_829 = tpu.memref_slice %arg11[%scan3A_164, %swap3A_827, %swap3A_828] : memref<2x400x64xf32, #tpu.memory_space<vmem>> -> memref<1x400x64xf32, #tpu.memory_space<vmem>>
        %swap3A_830 = tpu.memref_squeeze %swap3A_829 : memref<1x400x64xf32, #tpu.memory_space<vmem>> -> memref<400x64xf32, #tpu.memory_space<vmem>>
        %swap3A_831 = arith.index_cast %add3A_676 : i32 to index
        %swap3A_832 = arith.constant 48 : index
        %swap3A_833 = tpu.vector_load %swap3A_830[%swap3A_831, %swap3A_832] {strides = array<i32>} : memref<400x64xf32, #tpu.memory_space<vmem>>, vector<16xf32>,
        tpu.vector_store %swap3A_830[%swap3A_831, %swap3A_832], %add3A_798 {strides = array<i32>} : memref<400x64xf32, #tpu.memory_space<vmem>>, vector<16xf32>,
        %reduce_sum3A_834 = arith.constant true
        %reduce_sum3A_835 = vector.broadcast %reduce_sum3A_834 : i1 to vector<16xi1>
        %reduce_sum3A_836 = tpu.scan <sum>, %add3A_805 masked %reduce_sum3A_835 : vector<16xf32>, vector<16xi1> -> vector<16xf32>
        %reduce_sum3A_837 = vector.extract %reduce_sum3A_836[15] : f32 from vector<16xf32>
        %gt3A_838 = arith.constant 0.000000e+00 : f32
        %gt3A_839 = arith.cmpf ogt, %reduce_sum3A_837, %gt3A_838 : f32
        %bitcast_convert_type3A_840 = arith.bitcast %reduce_sum3A_837 : f32 to i32
        %shift_right_logical3A_841 = arith.constant 1 : i32
        %shift_right_logical3A_842 = arith.shrui %bitcast_convert_type3A_840, %shift_right_logical3A_841 : i32
        %sub3A_843 = arith.constant 1597463007 : i32
        %sub3A_844 = arith.subi %sub3A_843, %shift_right_logical3A_842 : i32
        %bitcast_convert_type3A_845 = arith.bitcast %sub3A_844 : i32 to f32
        %mul3A_846 = arith.constant 5.000000e-01 : f32
        %mul3A_847 = arith.mulf %mul3A_846, %reduce_sum3A_837 : f32
        %mul3A_848 = arith.mulf %mul3A_847, %bitcast_convert_type3A_845 : f32
        %mul3A_849 = arith.mulf %mul3A_848, %bitcast_convert_type3A_845 : f32
        %sub3A_850 = arith.constant 1.500000e+00 : f32
        %sub3A_851 = arith.subf %sub3A_850, %mul3A_849 : f32
        %mul3A_852 = arith.mulf %bitcast_convert_type3A_845, %sub3A_851 : f32
        %mul3A_853 = arith.constant 5.000000e-01 : f32
        %mul3A_854 = arith.mulf %mul3A_853, %reduce_sum3A_837 : f32
        %mul3A_855 = arith.mulf %mul3A_854, %mul3A_852 : f32
        %mul3A_856 = arith.mulf %mul3A_855, %mul3A_852 : f32
        %sub3A_857 = arith.constant 1.500000e+00 : f32
        %sub3A_858 = arith.subf %sub3A_857, %mul3A_856 : f32
        %mul3A_859 = arith.mulf %mul3A_852, %sub3A_858 : f32
        %mul3A_860 = arith.constant 5.000000e-01 : f32
        %mul3A_861 = arith.mulf %mul3A_860, %reduce_sum3A_837 : f32
        %mul3A_862 = arith.mulf %mul3A_861, %mul3A_859 : f32
        %mul3A_863 = arith.mulf %mul3A_862, %mul3A_859 : f32
        %sub3A_864 = arith.constant 1.500000e+00 : f32
        %sub3A_865 = arith.subf %sub3A_864, %mul3A_863 : f32
        %mul3A_866 = arith.mulf %mul3A_859, %sub3A_865 : f32
        %mul3A_867 = arith.mulf %reduce_sum3A_837, %mul3A_866 : f32
        %jit3A_868 = arith.constant 0.000000e+00 : f32
        %select_n3A_869 = arith.select %gt3A_839, %mul3A_867, %jit3A_868 : f32
        %add3A_870 = arith.addf %add3A_671, %select_n3A_739 : f32
        %add3A_871 = arith.addf %add3A_672, %select_n3A_869 : f32
        %mul3A_872 = arith.constant 4 : i32
        %mul3A_873 = arith.muli %scan3A_279, %mul3A_872 : i32
        %add3A_874 = arith.constant 3 : i32
        %add3A_875 = arith.addi %mul3A_873, %add3A_874 : i32
        %get3A_876 = arith.constant 0 : i32
        %get3A_877 = arith.constant 0 : i32
        %get3A_878 = tpu.memref_slice %arg10[%scan3A_163, %get3A_876, %get3A_877] : memref<2x400x64xf32, #tpu.memory_space<vmem>> -> memref<1x400x64xf32, #tpu.memory_space<vmem>>
        %get3A_879 = tpu.memref_squeeze %get3A_878 : memref<1x400x64xf32, #tpu.memory_space<vmem>> -> memref<400x64xf32, #tpu.memory_space<vmem>>
        %get3A_880 = arith.index_cast %add3A_875 : i32 to index
        %get3A_881 = arith.constant 0 : index
        %get3A_882 = tpu.vector_load %get3A_879[%get3A_880, %get3A_881] {strides = array<i32>} : memref<400x64xf32, #tpu.memory_space<vmem>>, vector<16xf32>,
        %get3A_883 = arith.constant 0 : i32
        %get3A_884 = arith.constant 0 : i32
        %get3A_885 = tpu.memref_slice %arg10[%scan3A_163, %get3A_883, %get3A_884] : memref<2x400x64xf32, #tpu.memory_space<vmem>> -> memref<1x400x64xf32, #tpu.memory_space<vmem>>
        %get3A_886 = tpu.memref_squeeze %get3A_885 : memref<1x400x64xf32, #tpu.memory_space<vmem>> -> memref<400x64xf32, #tpu.memory_space<vmem>>
        %get3A_887 = arith.index_cast %add3A_875 : i32 to index
        %get3A_888 = arith.constant 16 : index
        %get3A_889 = tpu.vector_load %get3A_886[%get3A_887, %get3A_888] {strides = array<i32>} : memref<400x64xf32, #tpu.memory_space<vmem>>, vector<16xf32>,
        %get3A_890 = arith.constant 0 : i32
        %get3A_891 = arith.constant 0 : i32
        %get3A_892 = tpu.memref_slice %arg10[%scan3A_163, %get3A_890, %get3A_891] : memref<2x400x64xf32, #tpu.memory_space<vmem>> -> memref<1x400x64xf32, #tpu.memory_space<vmem>>
        %get3A_893 = tpu.memref_squeeze %get3A_892 : memref<1x400x64xf32, #tpu.memory_space<vmem>> -> memref<400x64xf32, #tpu.memory_space<vmem>>
        %get3A_894 = arith.index_cast %add3A_875 : i32 to index
        %get3A_895 = arith.constant 32 : index
        %get3A_896 = tpu.vector_load %get3A_893[%get3A_894, %get3A_895] {strides = array<i32>} : memref<400x64xf32, #tpu.memory_space<vmem>>, vector<16xf32>,
        %get3A_897 = arith.constant 0 : i32
        %get3A_898 = arith.constant 0 : i32
        %get3A_899 = tpu.memref_slice %arg10[%scan3A_163, %get3A_897, %get3A_898] : memref<2x400x64xf32, #tpu.memory_space<vmem>> -> memref<1x400x64xf32, #tpu.memory_space<vmem>>
        %get3A_900 = tpu.memref_squeeze %get3A_899 : memref<1x400x64xf32, #tpu.memory_space<vmem>> -> memref<400x64xf32, #tpu.memory_space<vmem>>
        %get3A_901 = arith.index_cast %add3A_875 : i32 to index
        %get3A_902 = arith.constant 48 : index
        %get3A_903 = tpu.vector_load %get3A_900[%get3A_901, %get3A_902] {strides = array<i32>} : memref<400x64xf32, #tpu.memory_space<vmem>>, vector<16xf32>,
        %mul3A_904 = arith.mulf %get3A_882, %get3A_138 : vector<16xf32>
        %add3A_905 = arith.addf %mul3A_904, %get3A_162 : vector<16xf32>
        %mul3A_906 = arith.mulf %get3A_889, %get3A_140 : vector<16xf32>
        %add3A_907 = arith.addf %add3A_905, %mul3A_906 : vector<16xf32>
        %mul3A_908 = arith.mulf %get3A_896, %get3A_142 : vector<16xf32>
        %mul3A_909 = arith.mulf %get3A_903, %get3A_144 : vector<16xf32>
        %add3A_910 = arith.addf %mul3A_908, %mul3A_909 : vector<16xf32>
        %add3A_911 = arith.addf %add3A_907, %add3A_910 : vector<16xf32>
        %add3A_912 = arith.addf %get3A_882, %get3A_889 : vector<16xf32>
        %add3A_913 = arith.addf %get3A_896, %get3A_903 : vector<16xf32>
        %add3A_914 = arith.addf %add3A_912, %add3A_913 : vector<16xf32>
        %mul3A_915 = arith.mulf %get3A_882, %get3A_882 : vector<16xf32>
        %mul3A_916 = arith.mulf %get3A_889, %get3A_889 : vector<16xf32>
        %add3A_917 = arith.addf %mul3A_915, %mul3A_916 : vector<16xf32>
        %mul3A_918 = arith.mulf %get3A_896, %get3A_896 : vector<16xf32>
        %mul3A_919 = arith.mulf %get3A_903, %get3A_903 : vector<16xf32>
        %add3A_920 = arith.addf %mul3A_918, %mul3A_919 : vector<16xf32>
        %add3A_921 = arith.addf %add3A_917, %add3A_920 : vector<16xf32>
        %reduce_sum3A_922 = arith.constant true
        %reduce_sum3A_923 = vector.broadcast %reduce_sum3A_922 : i1 to vector<16xi1>
        %reduce_sum3A_924 = tpu.scan <sum>, %add3A_911 masked %reduce_sum3A_923 : vector<16xf32>, vector<16xi1> -> vector<16xf32>
        %reduce_sum3A_925 = vector.extract %reduce_sum3A_924[15] : f32 from vector<16xf32>
        %reduce_sum3A_926 = arith.constant true
        %reduce_sum3A_927 = vector.broadcast %reduce_sum3A_926 : i1 to vector<16xi1>
        %reduce_sum3A_928 = tpu.scan <sum>, %add3A_914 masked %reduce_sum3A_927 : vector<16xf32>, vector<16xi1> -> vector<16xf32>
        %reduce_sum3A_929 = vector.extract %reduce_sum3A_928[15] : f32 from vector<16xf32>
        %reduce_sum3A_930 = arith.constant true
        %reduce_sum3A_931 = vector.broadcast %reduce_sum3A_930 : i1 to vector<16xi1>
        %reduce_sum3A_932 = tpu.scan <sum>, %add3A_921 masked %reduce_sum3A_931 : vector<16xf32>, vector<16xi1> -> vector<16xf32>
        %reduce_sum3A_933 = vector.extract %reduce_sum3A_932[15] : f32 from vector<16xf32>
        %gt3A_934 = arith.constant 0.000000e+00 : f32
        %gt3A_935 = arith.cmpf ogt, %reduce_sum3A_925, %gt3A_934 : f32
        %jit3A_936 = arith.constant 1.000000e+00 : f32
        %jit3A_937 = arith.constant 0.000000e+00 : f32
        %select_n3A_938 = arith.select %gt3A_935, %jit3A_936, %jit3A_937 : f32
        %mul3A_939 = arith.mulf %select_n3A_938, %reduce_sum3A_929 : f32
        %mul3A_940 = arith.constant 1.093750e-02 : f32
        %mul3A_941 = arith.mulf %mul3A_939, %mul3A_940 : f32
        %mul3A_942 = arith.mulf %select_n3A_938, %reduce_sum3A_933 : f32
        %mul3A_943 = arith.constant 7.656250e-03 : f32
        %mul3A_944 = arith.mulf %mul3A_942, %mul3A_943 : f32
        %mul3A_945 = arith.mulf %mul3A_941, %mul3A_941 : f32
        %sub3A_946 = arith.subf %mul3A_944, %mul3A_945 : f32
        %add3A_947 = arith.constant 9.99999974E-6 : f32
        %add3A_948 = arith.addf %sub3A_946, %add3A_947 : f32
        %bitcast_convert_type3A_949 = arith.bitcast %add3A_948 : f32 to i32
        %shift_right_logical3A_950 = arith.constant 1 : i32
        %shift_right_logical3A_951 = arith.shrui %bitcast_convert_type3A_949, %shift_right_logical3A_950 : i32
        %sub3A_952 = arith.constant 1597463007 : i32
        %sub3A_953 = arith.subi %sub3A_952, %shift_right_logical3A_951 : i32
        %bitcast_convert_type3A_954 = arith.bitcast %sub3A_953 : i32 to f32
        %mul3A_955 = arith.constant 5.000000e-01 : f32
        %mul3A_956 = arith.mulf %mul3A_955, %add3A_948 : f32
        %mul3A_957 = arith.mulf %mul3A_956, %bitcast_convert_type3A_954 : f32
        %mul3A_958 = arith.mulf %mul3A_957, %bitcast_convert_type3A_954 : f32
        %sub3A_959 = arith.constant 1.500000e+00 : f32
        %sub3A_960 = arith.subf %sub3A_959, %mul3A_958 : f32
        %mul3A_961 = arith.mulf %bitcast_convert_type3A_954, %sub3A_960 : f32
        %mul3A_962 = arith.constant 5.000000e-01 : f32
        %mul3A_963 = arith.mulf %mul3A_962, %add3A_948 : f32
        %mul3A_964 = arith.mulf %mul3A_963, %mul3A_961 : f32
        %mul3A_965 = arith.mulf %mul3A_964, %mul3A_961 : f32
        %sub3A_966 = arith.constant 1.500000e+00 : f32
        %sub3A_967 = arith.subf %sub3A_966, %mul3A_965 : f32
        %mul3A_968 = arith.mulf %mul3A_961, %sub3A_967 : f32
        %mul3A_969 = arith.constant 5.000000e-01 : f32
        %mul3A_970 = arith.mulf %mul3A_969, %add3A_948 : f32
        %mul3A_971 = arith.mulf %mul3A_970, %mul3A_968 : f32
        %mul3A_972 = arith.mulf %mul3A_971, %mul3A_968 : f32
        %sub3A_973 = arith.constant 1.500000e+00 : f32
        %sub3A_974 = arith.subf %sub3A_973, %mul3A_972 : f32
        %mul3A_975 = arith.mulf %mul3A_968, %sub3A_974 : f32
        %mul3A_976 = arith.constant 0.699999988 : f32
        %mul3A_977 = arith.mulf %mul3A_976, %select_n3A_938 : f32
        %mul3A_978 = arith.mulf %mul3A_977, %mul3A_975 : f32
        %broadcast_in_dim3A_979 = vector.broadcast %mul3A_978 : f32 to vector<16xf32>
        %mul3A_980 = arith.mulf %mul3A_941, %mul3A_975 : f32
        %broadcast_in_dim3A_981 = vector.broadcast %mul3A_980 : f32 to vector<16xf32>
        %mul3A_982 = arith.mulf %broadcast_in_dim3A_979, %get3A_882 : vector<16xf32>
        %sub3A_983 = arith.subf %mul3A_982, %broadcast_in_dim3A_981 : vector<16xf32>
        %mul3A_984 = arith.mulf %sub3A_983, %get3A_146 : vector<16xf32>
        %add3A_985 = arith.addf %mul3A_984, %get3A_154 : vector<16xf32>
        %mul3A_986 = arith.mulf %broadcast_in_dim3A_979, %get3A_889 : vector<16xf32>
        %sub3A_987 = arith.subf %mul3A_986, %broadcast_in_dim3A_981 : vector<16xf32>
        %mul3A_988 = arith.mulf %sub3A_987, %get3A_148 : vector<16xf32>
        %add3A_989 = arith.addf %mul3A_988, %get3A_156 : vector<16xf32>
        %mul3A_990 = arith.mulf %broadcast_in_dim3A_979, %get3A_896 : vector<16xf32>
        %sub3A_991 = arith.subf %mul3A_990, %broadcast_in_dim3A_981 : vector<16xf32>
        %mul3A_992 = arith.mulf %sub3A_991, %get3A_150 : vector<16xf32>
        %add3A_993 = arith.addf %mul3A_992, %get3A_158 : vector<16xf32>
        %mul3A_994 = arith.mulf %broadcast_in_dim3A_979, %get3A_903 : vector<16xf32>
        %sub3A_995 = arith.subf %mul3A_994, %broadcast_in_dim3A_981 : vector<16xf32>
        %mul3A_996 = arith.mulf %sub3A_995, %get3A_152 : vector<16xf32>
        %add3A_997 = arith.addf %mul3A_996, %get3A_160 : vector<16xf32>
        %mul3A_998 = arith.mulf %add3A_985, %add3A_985 : vector<16xf32>
        %mul3A_999 = arith.mulf %add3A_989, %add3A_989 : vector<16xf32>
        %add3A_1000 = arith.addf %mul3A_998, %mul3A_999 : vector<16xf32>
        %mul3A_1001 = arith.mulf %add3A_993, %add3A_993 : vector<16xf32>
        %mul3A_1002 = arith.mulf %add3A_997, %add3A_997 : vector<16xf32>
        %add3A_1003 = arith.addf %mul3A_1001, %mul3A_1002 : vector<16xf32>
        %add3A_1004 = arith.addf %add3A_1000, %add3A_1003 : vector<16xf32>
        %swap3A_1005 = arith.constant 0 : i32
        %swap3A_1006 = arith.constant 0 : i32
        %swap3A_1007 = tpu.memref_slice %arg11[%scan3A_164, %swap3A_1005, %swap3A_1006] : memref<2x400x64xf32, #tpu.memory_space<vmem>> -> memref<1x400x64xf32, #tpu.memory_space<vmem>>
        %swap3A_1008 = tpu.memref_squeeze %swap3A_1007 : memref<1x400x64xf32, #tpu.memory_space<vmem>> -> memref<400x64xf32, #tpu.memory_space<vmem>>
        %swap3A_1009 = arith.index_cast %add3A_875 : i32 to index
        %swap3A_1010 = arith.constant 0 : index
        %swap3A_1011 = tpu.vector_load %swap3A_1008[%swap3A_1009, %swap3A_1010] {strides = array<i32>} : memref<400x64xf32, #tpu.memory_space<vmem>>, vector<16xf32>,
        tpu.vector_store %swap3A_1008[%swap3A_1009, %swap3A_1010], %add3A_985 {strides = array<i32>} : memref<400x64xf32, #tpu.memory_space<vmem>>, vector<16xf32>,
        %swap3A_1012 = arith.constant 0 : i32
        %swap3A_1013 = arith.constant 0 : i32
        %swap3A_1014 = tpu.memref_slice %arg11[%scan3A_164, %swap3A_1012, %swap3A_1013] : memref<2x400x64xf32, #tpu.memory_space<vmem>> -> memref<1x400x64xf32, #tpu.memory_space<vmem>>
        %swap3A_1015 = tpu.memref_squeeze %swap3A_1014 : memref<1x400x64xf32, #tpu.memory_space<vmem>> -> memref<400x64xf32, #tpu.memory_space<vmem>>
        %swap3A_1016 = arith.index_cast %add3A_875 : i32 to index
        %swap3A_1017 = arith.constant 16 : index
        %swap3A_1018 = tpu.vector_load %swap3A_1015[%swap3A_1016, %swap3A_1017] {strides = array<i32>} : memref<400x64xf32, #tpu.memory_space<vmem>>, vector<16xf32>,
        tpu.vector_store %swap3A_1015[%swap3A_1016, %swap3A_1017], %add3A_989 {strides = array<i32>} : memref<400x64xf32, #tpu.memory_space<vmem>>, vector<16xf32>,
        %swap3A_1019 = arith.constant 0 : i32
        %swap3A_1020 = arith.constant 0 : i32
        %swap3A_1021 = tpu.memref_slice %arg11[%scan3A_164, %swap3A_1019, %swap3A_1020] : memref<2x400x64xf32, #tpu.memory_space<vmem>> -> memref<1x400x64xf32, #tpu.memory_space<vmem>>
        %swap3A_1022 = tpu.memref_squeeze %swap3A_1021 : memref<1x400x64xf32, #tpu.memory_space<vmem>> -> memref<400x64xf32, #tpu.memory_space<vmem>>
        %swap3A_1023 = arith.index_cast %add3A_875 : i32 to index
        %swap3A_1024 = arith.constant 32 : index
        %swap3A_1025 = tpu.vector_load %swap3A_1022[%swap3A_1023, %swap3A_1024] {strides = array<i32>} : memref<400x64xf32, #tpu.memory_space<vmem>>, vector<16xf32>,
        tpu.vector_store %swap3A_1022[%swap3A_1023, %swap3A_1024], %add3A_993 {strides = array<i32>} : memref<400x64xf32, #tpu.memory_space<vmem>>, vector<16xf32>,
        %swap3A_1026 = arith.constant 0 : i32
        %swap3A_1027 = arith.constant 0 : i32
        %swap3A_1028 = tpu.memref_slice %arg11[%scan3A_164, %swap3A_1026, %swap3A_1027] : memref<2x400x64xf32, #tpu.memory_space<vmem>> -> memref<1x400x64xf32, #tpu.memory_space<vmem>>
        %swap3A_1029 = tpu.memref_squeeze %swap3A_1028 : memref<1x400x64xf32, #tpu.memory_space<vmem>> -> memref<400x64xf32, #tpu.memory_space<vmem>>
        %swap3A_1030 = arith.index_cast %add3A_875 : i32 to index
        %swap3A_1031 = arith.constant 48 : index
        %swap3A_1032 = tpu.vector_load %swap3A_1029[%swap3A_1030, %swap3A_1031] {strides = array<i32>} : memref<400x64xf32, #tpu.memory_space<vmem>>, vector<16xf32>,
        tpu.vector_store %swap3A_1029[%swap3A_1030, %swap3A_1031], %add3A_997 {strides = array<i32>} : memref<400x64xf32, #tpu.memory_space<vmem>>, vector<16xf32>,
        %reduce_sum3A_1033 = arith.constant true
        %reduce_sum3A_1034 = vector.broadcast %reduce_sum3A_1033 : i1 to vector<16xi1>
        %reduce_sum3A_1035 = tpu.scan <sum>, %add3A_1004 masked %reduce_sum3A_1034 : vector<16xf32>, vector<16xi1> -> vector<16xf32>
        %reduce_sum3A_1036 = vector.extract %reduce_sum3A_1035[15] : f32 from vector<16xf32>
        %gt3A_1037 = arith.constant 0.000000e+00 : f32
        %gt3A_1038 = arith.cmpf ogt, %reduce_sum3A_1036, %gt3A_1037 : f32
        %bitcast_convert_type3A_1039 = arith.bitcast %reduce_sum3A_1036 : f32 to i32
        %shift_right_logical3A_1040 = arith.constant 1 : i32
        %shift_right_logical3A_1041 = arith.shrui %bitcast_convert_type3A_1039, %shift_right_logical3A_1040 : i32
        %sub3A_1042 = arith.constant 1597463007 : i32
        %sub3A_1043 = arith.subi %sub3A_1042, %shift_right_logical3A_1041 : i32
        %bitcast_convert_type3A_1044 = arith.bitcast %sub3A_1043 : i32 to f32
        %mul3A_1045 = arith.constant 5.000000e-01 : f32
        %mul3A_1046 = arith.mulf %mul3A_1045, %reduce_sum3A_1036 : f32
        %mul3A_1047 = arith.mulf %mul3A_1046, %bitcast_convert_type3A_1044 : f32
        %mul3A_1048 = arith.mulf %mul3A_1047, %bitcast_convert_type3A_1044 : f32
        %sub3A_1049 = arith.constant 1.500000e+00 : f32
        %sub3A_1050 = arith.subf %sub3A_1049, %mul3A_1048 : f32
        %mul3A_1051 = arith.mulf %bitcast_convert_type3A_1044, %sub3A_1050 : f32
        %mul3A_1052 = arith.constant 5.000000e-01 : f32
        %mul3A_1053 = arith.mulf %mul3A_1052, %reduce_sum3A_1036 : f32
        %mul3A_1054 = arith.mulf %mul3A_1053, %mul3A_1051 : f32
        %mul3A_1055 = arith.mulf %mul3A_1054, %mul3A_1051 : f32
        %sub3A_1056 = arith.constant 1.500000e+00 : f32
        %sub3A_1057 = arith.subf %sub3A_1056, %mul3A_1055 : f32
        %mul3A_1058 = arith.mulf %mul3A_1051, %sub3A_1057 : f32
        %mul3A_1059 = arith.constant 5.000000e-01 : f32
        %mul3A_1060 = arith.mulf %mul3A_1059, %reduce_sum3A_1036 : f32
        %mul3A_1061 = arith.mulf %mul3A_1060, %mul3A_1058 : f32
        %mul3A_1062 = arith.mulf %mul3A_1061, %mul3A_1058 : f32
        %sub3A_1063 = arith.constant 1.500000e+00 : f32
        %sub3A_1064 = arith.subf %sub3A_1063, %mul3A_1062 : f32
        %mul3A_1065 = arith.mulf %mul3A_1058, %sub3A_1064 : f32
        %mul3A_1066 = arith.mulf %reduce_sum3A_1036, %mul3A_1065 : f32
        %jit3A_1067 = arith.constant 0.000000e+00 : f32
        %select_n3A_1068 = arith.select %gt3A_1038, %mul3A_1066, %jit3A_1067 : f32
        %add3A_1069 = arith.addf %add3A_870, %select_n3A_938 : f32
        %add3A_1070 = arith.addf %add3A_871, %select_n3A_1068 : f32
        scf.yield %add3A_1069, %add3A_1070 : f32, f32
      }
      %scan3A_170 = arith.constant 100 : i32
      %mul3A_171 = arith.constant 400 : i32
      %mul3A_172 = arith.muli %add3A_117, %mul3A_171 : i32
      %add3A_173 = arith.addi %mul3A_2, %mul3A_172 : i32
      %dma_start3A_174 = arith.constant 0 : i32
      %dma_start3A_175 = arith.constant 0 : i32
      %dma_start3A_176 = arith.constant 0 : i32
      %dma_start3A_177 = tpu.memref_slice %arg11[%dma_start3A_174, %dma_start3A_175, %dma_start3A_176] : memref<2x400x64xf32, #tpu.memory_space<vmem>> -> memref<1x400x64xf32, #tpu.memory_space<vmem>>
      %dma_start3A_178 = tpu.memref_squeeze %dma_start3A_177 : memref<1x400x64xf32, #tpu.memory_space<vmem>> -> memref<400x64xf32, #tpu.memory_space<vmem>>
      %dma_start3A_179 = arith.constant 0 : i32
      %dma_start3A_180 = tpu.memref_slice %arg6[%add3A_173, %dma_start3A_179] : memref<204800x64xf32, #tpu.memory_space<hbm>> -> memref<400x64xf32, #tpu.memory_space<hbm>>
      %dma_start3A_181 = arith.constant 0 : i32
      %dma_start3A_182 = tpu.memref_slice %arg6[%add3A_173, %dma_start3A_181] : memref<204800x64xf32, #tpu.memory_space<hbm>> -> memref<400x64xf32, #tpu.memory_space<hbm>>
      %dma_start3A_183 = arith.constant 0 : i32
      %dma_start3A_184 = arith.constant 0 : i32
      %dma_start3A_185 = tpu.memref_slice %arg11[%dma_start3A_174, %dma_start3A_183, %dma_start3A_184] : memref<2x400x64xf32, #tpu.memory_space<vmem>> -> memref<1x400x64xf32, #tpu.memory_space<vmem>>
      %dma_start3A_186 = tpu.memref_squeeze %dma_start3A_185 : memref<1x400x64xf32, #tpu.memory_space<vmem>> -> memref<400x64xf32, #tpu.memory_space<vmem>>
      tpu.enqueue_dma source(%dma_start3A_186 : memref<400x64xf32, #tpu.memory_space<vmem>>) target(%dma_start3A_182 : memref<400x64xf32, #tpu.memory_space<hbm>>) target_semaphore(%arg18 : memref<!tpu.dma_semaphore, #tpu.memory_space<semaphore_mem>>)
      %add3A_187 = arith.constant 2 : i32
      %add3A_188 = arith.addi %add3A_117, %add3A_187 : i32
      %lt3A_189 = arith.constant 16 : i32
      %lt3A_190 = arith.cmpi slt, %add3A_188, %lt3A_189 : i32
      %convert_element_type3A_191 = arith.extui %lt3A_190 : i1 to i32
      %cond3A_192 = arith.constant 0 : i32
      %cond3A_193 = arith.cmpi ne, %convert_element_type3A_191, %cond3A_192 : i32
      scf.if %cond3A_193 {
        %add3A_279 = arith.constant 2 : i32
        %add3A_280 = arith.addi %add3A_117, %add3A_279 : i32
        %mul3A_281 = arith.constant 400 : i32
        %mul3A_282 = arith.muli %add3A_280, %mul3A_281 : i32
        %add3A_283 = arith.addi %mul3A_2, %mul3A_282 : i32
        %run_scoped3A_284 = arith.constant 0 : i32
        "tpu.region"() ({
          %run_scoped3A_305 = tpu.sem_alloc : memref<!tpu.dma_semaphore, #tpu.memory_space<semaphore_mem>>
          %dma_start3A_306 = arith.constant 0 : i32
          %dma_start3A_307 = tpu.memref_slice %arg8[%run_scoped3A_284, %dma_start3A_306] : memref<2x400xi32, #tpu.memory_space<vmem>> -> memref<1x400xi32, #tpu.memory_space<vmem>>
          %dma_start3A_308 = tpu.memref_squeeze %dma_start3A_307 : memref<1x400xi32, #tpu.memory_space<vmem>> -> memref<400xi32, #tpu.memory_space<vmem>>
          %dma_start3A_309 = tpu.memref_slice %arg2[%add3A_283] : memref<204800xi32, #tpu.memory_space<hbm>> -> memref<400xi32, #tpu.memory_space<hbm>>
          %dma_start3A_310 = arith.constant 0 : i32
          %dma_start3A_311 = tpu.memref_slice %arg8[%run_scoped3A_284, %dma_start3A_310] : memref<2x400xi32, #tpu.memory_space<vmem>> -> memref<1x400xi32, #tpu.memory_space<vmem>>
          %dma_start3A_312 = tpu.memref_squeeze %dma_start3A_311 : memref<1x400xi32, #tpu.memory_space<vmem>> -> memref<400xi32, #tpu.memory_space<vmem>>
          %dma_start3A_313 = tpu.memref_slice %arg2[%add3A_283] : memref<204800xi32, #tpu.memory_space<hbm>> -> memref<400xi32, #tpu.memory_space<hbm>>
          tpu.enqueue_dma source(%dma_start3A_313 : memref<400xi32, #tpu.memory_space<hbm>>) target(%dma_start3A_312 : memref<400xi32, #tpu.memory_space<vmem>>) target_semaphore(%run_scoped3A_305 : memref<!tpu.dma_semaphore, #tpu.memory_space<semaphore_mem>>)
          %dma_wait3A_314 = arith.constant 0 : i32
          %dma_wait3A_315 = tpu.memref_slice %arg8[%run_scoped3A_284, %dma_wait3A_314] : memref<2x400xi32, #tpu.memory_space<vmem>> -> memref<1x400xi32, #tpu.memory_space<vmem>>
          %dma_wait3A_316 = tpu.memref_squeeze %dma_wait3A_315 : memref<1x400xi32, #tpu.memory_space<vmem>> -> memref<400xi32, #tpu.memory_space<vmem>>
          %dma_wait3A_317 = tpu.memref_slice %arg2[%add3A_283] : memref<204800xi32, #tpu.memory_space<hbm>> -> memref<400xi32, #tpu.memory_space<hbm>>
          %dma_wait3A_318 = arith.constant 0 : i32
          %dma_wait3A_319 = tpu.memref_slice %arg8[%run_scoped3A_284, %dma_wait3A_318] : memref<2x400xi32, #tpu.memory_space<vmem>> -> memref<1x400xi32, #tpu.memory_space<vmem>>
          %dma_wait3A_320 = tpu.memref_squeeze %dma_wait3A_319 : memref<1x400xi32, #tpu.memory_space<vmem>> -> memref<400xi32, #tpu.memory_space<vmem>>
          %dma_wait3A_321 = tpu.memref_slice %arg2[%add3A_283] : memref<204800xi32, #tpu.memory_space<hbm>> -> memref<400xi32, #tpu.memory_space<hbm>>
          tpu.wait_dma2 semaphore(%run_scoped3A_305 : memref<!tpu.dma_semaphore, #tpu.memory_space<semaphore_mem>>) src(%dma_wait3A_321 : memref<400xi32, #tpu.memory_space<hbm>>) dst(%dma_wait3A_320 : memref<400xi32, #tpu.memory_space<vmem>>)
          tpu.yield
        }) : () -> ()
        %scan3A_285 = arith.constant 0 : i32
        %scan3A_286 = arith.constant 0 : i32
        %scan3A_287 = arith.constant 25 : i32
        %scan3A_288 = arith.addi %scan3A_286, %scan3A_287 : i32
        %scan3A_289 = arith.constant 1 : i32
        scf.for %scan3A_305 = %scan3A_286 to %scan3A_288 step %scan3A_289  : i32 {
          %mul3A_306 = arith.constant 16 : i32
          %mul3A_307 = arith.muli %scan3A_305, %mul3A_306 : i32
          %get3A_308 = arith.constant 0 : i32
          %get3A_309 = arith.index_cast %get3A_308 : i32 to index
          %get3A_310 = arith.index_cast %mul3A_307 : i32 to index
          %get3A_311 = tpu.vector_load %arg8[%get3A_309, %get3A_310] {strides = array<i32>} : memref<2x400xi32, #tpu.memory_space<vmem>>, vector<16xi32>,
          %mul3A_312 = arith.constant 31 : i32
          %mul3A_313 = vector.broadcast %mul3A_312 : i32 to vector<16xi32>
          %mul3A_314 = arith.muli %get3A_311, %mul3A_313 : vector<16xi32>
          %jit3A = arith.constant 10000 : i32
          %eq3A = arith.constant 0 : i32
          %eq3A_315 = arith.cmpi eq, %jit3A, %eq3A : i32
          %jit3A_316 = arith.constant 1 : i32
          %select_n3A = arith.select %eq3A_315, %jit3A_316, %jit3A : i32
          %rem3A = vector.broadcast %select_n3A : i32 to vector<16xi32>
          %rem3A_317 = arith.remsi %mul3A_314, %rem3A : vector<16xi32>
          %ne3A = arith.constant 0 : i32
          %ne3A_318 = vector.broadcast %ne3A : i32 to vector<16xi32>
          %ne3A_319 = arith.cmpi ne, %rem3A_317, %ne3A_318 : vector<16xi32>
          %lt3A_320 = arith.constant 0 : i32
          %lt3A_321 = vector.broadcast %lt3A_320 : i32 to vector<16xi32>
          %lt3A_322 = arith.cmpi slt, %rem3A_317, %lt3A_321 : vector<16xi32>
          %lt3A_323 = arith.constant 0 : i32
          %lt3A_324 = arith.cmpi slt, %select_n3A, %lt3A_323 : i32
          %ne3A_325 = vector.broadcast %lt3A_324 : i1 to vector<16xi1>
          %ne3A_326 = vector.broadcast %ne3A_325 : vector<16xi1> to vector<16xi1>
          %ne3A_327 = arith.xori %lt3A_322, %ne3A_326 : vector<16xi1>
          %and3A = arith.andi %ne3A_327, %ne3A_319 : vector<16xi1>
          %add3A_328 = vector.broadcast %select_n3A : i32 to vector<16xi32>
          %add3A_329 = arith.addi %rem3A_317, %add3A_328 : vector<16xi32>
          %select_n3A_330 = arith.select %and3A, %add3A_329, %rem3A_317 : vector<16xi1>, vector<16xi32>
          %mul3A_331 = arith.constant 16 : i32
          %mul3A_332 = arith.muli %scan3A_305, %mul3A_331 : i32
          %swap3A_333 = arith.constant 0 : i32
          %swap3A_334 = arith.index_cast %swap3A_333 : i32 to index
          %swap3A_335 = arith.index_cast %mul3A_332 : i32 to index
          %swap3A_336 = tpu.vector_load %arg9[%swap3A_334, %swap3A_335] {strides = array<i32>} : memref<2x400xi32, #tpu.memory_space<vmem>>, vector<16xi32>,
          tpu.vector_store %arg9[%swap3A_334, %swap3A_335], %select_n3A_330 {strides = array<i32>} : memref<2x400xi32, #tpu.memory_space<vmem>>, vector<16xi32>,
        }
        %scan3A_290 = arith.constant 25 : i32
        %add3A_291 = arith.constant 2 : i32
        %add3A_292 = arith.addi %add3A_117, %add3A_291 : i32
        %dma_start3A_293 = arith.constant 0 : i32
        %dma_start3A_294 = arith.constant 0 : i32
        %dma_start3A_295 = arith.constant 0 : i32
        %dma_start3A_296 = arith.constant 0 : i32
        %dma_start3A_297 = tpu.memref_slice %arg10[%dma_start3A_294, %dma_start3A_295, %dma_start3A_296] : memref<2x400x64xf32, #tpu.memory_space<vmem>> -> memref<1x400x64xf32, #tpu.memory_space<vmem>>
        %dma_start3A_298 = tpu.memref_squeeze %dma_start3A_297 : memref<1x400x64xf32, #tpu.memory_space<vmem>> -> memref<400x64xf32, #tpu.memory_space<vmem>>
        %dma_start3A_299 = arith.constant 0 : i32
        %dma_start3A_300 = tpu.memref_slice %arg8[%dma_start3A_293, %dma_start3A_299] : memref<2x400xi32, #tpu.memory_space<vmem>> -> memref<1x400xi32, #tpu.memory_space<vmem>>
        %dma_start3A_301 = tpu.memref_squeeze %dma_start3A_300 : memref<1x400xi32, #tpu.memory_space<vmem>> -> memref<400xi32, #tpu.memory_space<vmem>>
        %dma_start3A_302 = arith.constant 0 : i32
        %dma_start3A_303 = arith.constant 0 : i32
        %dma_start3A_304 = tpu.memref_slice %arg3[%dma_start3A_302, %dma_start3A_303] : memref<1000000x64xf32, #tpu.memory_space<hbm>> -> memref<1000000x64xf32, #tpu.memory_space<hbm>>
        tpu.enqueue_indirect_dma source(%dma_start3A_304 : memref<1000000x64xf32, #tpu.memory_space<hbm>>) target(%dma_start3A_298 : memref<400x64xf32, #tpu.memory_space<vmem>>) offsets(%dma_start3A_301 : memref<400xi32, #tpu.memory_space<vmem>>) semaphore(%arg14 : memref<!tpu.dma_semaphore, #tpu.memory_space<semaphore_mem>>)
      } else {
      }
      %mul3A_194 = arith.constant 2 : i32
      %mul3A_195 = arith.muli %mul3A_194, %scan3A_111 : i32
      %add3A_196 = arith.constant 1 : i32
      %add3A_197 = arith.addi %mul3A_195, %add3A_196 : i32
      %add3A_198 = arith.constant 1 : i32
      %add3A_199 = arith.addi %add3A_197, %add3A_198 : i32
      %lt3A_200 = arith.constant 16 : i32
      %lt3A_201 = arith.cmpi slt, %add3A_199, %lt3A_200 : i32
      %convert_element_type3A_202 = arith.extui %lt3A_201 : i1 to i32
      %cond3A_203 = arith.constant 0 : i32
      %cond3A_204 = arith.cmpi ne, %convert_element_type3A_202, %cond3A_203 : i32
      scf.if %cond3A_204 {
        %dma_wait3A_279 = arith.constant 0 : i32
        %dma_wait3A_280 = arith.constant 0 : i32
        %dma_wait3A_281 = arith.constant 0 : i32
        %dma_wait3A_282 = arith.constant 0 : i32
        %dma_wait3A_283 = tpu.memref_slice %arg10[%dma_wait3A_280, %dma_wait3A_281, %dma_wait3A_282] : memref<2x400x64xf32, #tpu.memory_space<vmem>> -> memref<1x400x64xf32, #tpu.memory_space<vmem>>
        %dma_wait3A_284 = tpu.memref_squeeze %dma_wait3A_283 : memref<1x400x64xf32, #tpu.memory_space<vmem>> -> memref<400x64xf32, #tpu.memory_space<vmem>>
        %dma_wait3A_285 = arith.constant 0 : i32
        %dma_wait3A_286 = tpu.memref_slice %arg8[%dma_wait3A_279, %dma_wait3A_285] : memref<2x400xi32, #tpu.memory_space<vmem>> -> memref<1x400xi32, #tpu.memory_space<vmem>>
        %dma_wait3A_287 = tpu.memref_squeeze %dma_wait3A_286 : memref<1x400xi32, #tpu.memory_space<vmem>> -> memref<400xi32, #tpu.memory_space<vmem>>
        %dma_wait3A_288 = arith.constant 0 : i32
        %dma_wait3A_289 = arith.constant 0 : i32
        %dma_wait3A_290 = tpu.memref_slice %arg3[%dma_wait3A_288, %dma_wait3A_289] : memref<1000000x64xf32, #tpu.memory_space<hbm>> -> memref<1000000x64xf32, #tpu.memory_space<hbm>>
        tpu.wait_indirect_dma semaphore(%arg14 : memref<!tpu.dma_semaphore, #tpu.memory_space<semaphore_mem>>) src(%dma_wait3A_290 : memref<1000000x64xf32, #tpu.memory_space<hbm>>) dst(%dma_wait3A_284 : memref<400x64xf32, #tpu.memory_space<vmem>>)
        %dma_start3A_291 = arith.constant 0 : i32
        %dma_start3A_292 = arith.constant 0 : i32
        %dma_start3A_293 = arith.constant 0 : i32
        %dma_start3A_294 = arith.constant 0 : i32
        %dma_start3A_295 = tpu.memref_slice %arg10[%dma_start3A_292, %dma_start3A_293, %dma_start3A_294] : memref<2x400x64xf32, #tpu.memory_space<vmem>> -> memref<1x400x64xf32, #tpu.memory_space<vmem>>
        %dma_start3A_296 = tpu.memref_squeeze %dma_start3A_295 : memref<1x400x64xf32, #tpu.memory_space<vmem>> -> memref<400x64xf32, #tpu.memory_space<vmem>>
        %dma_start3A_297 = arith.constant 0 : i32
        %dma_start3A_298 = tpu.memref_slice %arg9[%dma_start3A_291, %dma_start3A_297] : memref<2x400xi32, #tpu.memory_space<vmem>> -> memref<1x400xi32, #tpu.memory_space<vmem>>
        %dma_start3A_299 = tpu.memref_squeeze %dma_start3A_298 : memref<1x400xi32, #tpu.memory_space<vmem>> -> memref<400xi32, #tpu.memory_space<vmem>>
        %dma_start3A_300 = arith.constant 0 : i32
        %dma_start3A_301 = arith.constant 0 : i32
        %dma_start3A_302 = tpu.memref_slice %arg4[%dma_start3A_300, %dma_start3A_301] : memref<10000x64xf32, #tpu.memory_space<hbm>> -> memref<10000x64xf32, #tpu.memory_space<hbm>>
        tpu.enqueue_indirect_dma source(%dma_start3A_302 : memref<10000x64xf32, #tpu.memory_space<hbm>>) target(%dma_start3A_296 : memref<400x64xf32, #tpu.memory_space<vmem>>) offsets(%dma_start3A_299 : memref<400xi32, #tpu.memory_space<vmem>>) semaphore(%arg16 : memref<!tpu.dma_semaphore, #tpu.memory_space<semaphore_mem>>) {add = true}
      } else {
      }
      %dma_wait3A_205 = arith.constant 1 : i32
      %dma_wait3A_206 = arith.constant 1 : i32
      %dma_wait3A_207 = arith.constant 0 : i32
      %dma_wait3A_208 = arith.constant 0 : i32
      %dma_wait3A_209 = tpu.memref_slice %arg10[%dma_wait3A_206, %dma_wait3A_207, %dma_wait3A_208] : memref<2x400x64xf32, #tpu.memory_space<vmem>> -> memref<1x400x64xf32, #tpu.memory_space<vmem>>
      %dma_wait3A_210 = tpu.memref_squeeze %dma_wait3A_209 : memref<1x400x64xf32, #tpu.memory_space<vmem>> -> memref<400x64xf32, #tpu.memory_space<vmem>>
      %dma_wait3A_211 = arith.constant 0 : i32
      %dma_wait3A_212 = tpu.memref_slice %arg9[%dma_wait3A_205, %dma_wait3A_211] : memref<2x400xi32, #tpu.memory_space<vmem>> -> memref<1x400xi32, #tpu.memory_space<vmem>>
      %dma_wait3A_213 = tpu.memref_squeeze %dma_wait3A_212 : memref<1x400xi32, #tpu.memory_space<vmem>> -> memref<400xi32, #tpu.memory_space<vmem>>
      %dma_wait3A_214 = arith.constant 0 : i32
      %dma_wait3A_215 = arith.constant 0 : i32
      %dma_wait3A_216 = tpu.memref_slice %arg4[%dma_wait3A_214, %dma_wait3A_215] : memref<10000x64xf32, #tpu.memory_space<hbm>> -> memref<10000x64xf32, #tpu.memory_space<hbm>>
      tpu.wait_indirect_dma semaphore(%arg17 : memref<!tpu.dma_semaphore, #tpu.memory_space<semaphore_mem>>) src(%dma_wait3A_216 : memref<10000x64xf32, #tpu.memory_space<hbm>>) dst(%dma_wait3A_210 : memref<400x64xf32, #tpu.memory_space<vmem>>)
      %ge3A_217 = arith.constant 1 : i32
      %ge3A_218 = arith.cmpi sge, %scan3A_111, %ge3A_217 : i32
      %convert_element_type3A_219 = arith.extui %ge3A_218 : i1 to i32
      %cond3A_220 = arith.constant 0 : i32
      %cond3A_221 = arith.cmpi ne, %convert_element_type3A_219, %cond3A_220 : i32
      scf.if %cond3A_221 {
        %sub3A = arith.constant 2 : i32
        %sub3A_279 = arith.subi %add3A_197, %sub3A : i32
        %mul3A_280 = arith.constant 400 : i32
        %mul3A_281 = arith.muli %sub3A_279, %mul3A_280 : i32
        %add3A_282 = arith.addi %mul3A_2, %mul3A_281 : i32
        %dma_wait3A_283 = arith.constant 1 : i32
        %dma_wait3A_284 = arith.constant 0 : i32
        %dma_wait3A_285 = arith.constant 0 : i32
        %dma_wait3A_286 = tpu.memref_slice %arg11[%dma_wait3A_283, %dma_wait3A_284, %dma_wait3A_285] : memref<2x400x64xf32, #tpu.memory_space<vmem>> -> memref<1x400x64xf32, #tpu.memory_space<vmem>>
        %dma_wait3A_287 = tpu.memref_squeeze %dma_wait3A_286 : memref<1x400x64xf32, #tpu.memory_space<vmem>> -> memref<400x64xf32, #tpu.memory_space<vmem>>
        %dma_wait3A_288 = arith.constant 0 : i32
        %dma_wait3A_289 = tpu.memref_slice %arg6[%add3A_282, %dma_wait3A_288] : memref<204800x64xf32, #tpu.memory_space<hbm>> -> memref<400x64xf32, #tpu.memory_space<hbm>>
        %dma_wait3A_290 = arith.constant 0 : i32
        %dma_wait3A_291 = tpu.memref_slice %arg6[%add3A_282, %dma_wait3A_290] : memref<204800x64xf32, #tpu.memory_space<hbm>> -> memref<400x64xf32, #tpu.memory_space<hbm>>
        %dma_wait3A_292 = arith.constant 0 : i32
        %dma_wait3A_293 = arith.constant 0 : i32
        %dma_wait3A_294 = tpu.memref_slice %arg11[%dma_wait3A_283, %dma_wait3A_292, %dma_wait3A_293] : memref<2x400x64xf32, #tpu.memory_space<vmem>> -> memref<1x400x64xf32, #tpu.memory_space<vmem>>
        %dma_wait3A_295 = tpu.memref_squeeze %dma_wait3A_294 : memref<1x400x64xf32, #tpu.memory_space<vmem>> -> memref<400x64xf32, #tpu.memory_space<vmem>>
        tpu.wait_dma2 semaphore(%arg19 : memref<!tpu.dma_semaphore, #tpu.memory_space<semaphore_mem>>) src(%dma_wait3A_295 : memref<400x64xf32, #tpu.memory_space<vmem>>) dst(%dma_wait3A_291 : memref<400x64xf32, #tpu.memory_space<hbm>>)
      } else {
      }
      %get3A_222 = arith.constant 0 : index
      %get3A_223 = tpu.vector_load %arg12[%get3A_222] {strides = array<i32>} : memref<208xf32, #tpu.memory_space<vmem>>, vector<16xf32>,
      %get3A_224 = arith.constant 16 : index
      %get3A_225 = tpu.vector_load %arg12[%get3A_224] {strides = array<i32>} : memref<208xf32, #tpu.memory_space<vmem>>, vector<16xf32>,
      %get3A_226 = arith.constant 32 : index
      %get3A_227 = tpu.vector_load %arg12[%get3A_226] {strides = array<i32>} : memref<208xf32, #tpu.memory_space<vmem>>, vector<16xf32>,
      %get3A_228 = arith.constant 48 : index
      %get3A_229 = tpu.vector_load %arg12[%get3A_228] {strides = array<i32>} : memref<208xf32, #tpu.memory_space<vmem>>, vector<16xf32>,
      %get3A_230 = arith.constant 64 : index
      %get3A_231 = tpu.vector_load %arg12[%get3A_230] {strides = array<i32>} : memref<208xf32, #tpu.memory_space<vmem>>, vector<16xf32>,
      %get3A_232 = arith.constant 80 : index
      %get3A_233 = tpu.vector_load %arg12[%get3A_232] {strides = array<i32>} : memref<208xf32, #tpu.memory_space<vmem>>, vector<16xf32>,
      %get3A_234 = arith.constant 96 : index
      %get3A_235 = tpu.vector_load %arg12[%get3A_234] {strides = array<i32>} : memref<208xf32, #tpu.memory_space<vmem>>, vector<16xf32>,
      %get3A_236 = arith.constant 112 : index
      %get3A_237 = tpu.vector_load %arg12[%get3A_236] {strides = array<i32>} : memref<208xf32, #tpu.memory_space<vmem>>, vector<16xf32>,
      %get3A_238 = arith.constant 128 : index
      %get3A_239 = tpu.vector_load %arg12[%get3A_238] {strides = array<i32>} : memref<208xf32, #tpu.memory_space<vmem>>, vector<16xf32>,
      %get3A_240 = arith.constant 144 : index
      %get3A_241 = tpu.vector_load %arg12[%get3A_240] {strides = array<i32>} : memref<208xf32, #tpu.memory_space<vmem>>, vector<16xf32>,
      %get3A_242 = arith.constant 160 : index
      %get3A_243 = tpu.vector_load %arg12[%get3A_242] {strides = array<i32>} : memref<208xf32, #tpu.memory_space<vmem>>, vector<16xf32>,
      %get3A_244 = arith.constant 176 : index
      %get3A_245 = tpu.vector_load %arg12[%get3A_244] {strides = array<i32>} : memref<208xf32, #tpu.memory_space<vmem>>, vector<16xf32>,
      %get3A_246 = arith.constant 192 : index
      %get3A_247 = tpu.vector_load %arg12[%get3A_246] {strides = array<i32>} : memref<208xf32, #tpu.memory_space<vmem>>, vector<16xf32>,
      %scan3A_248 = arith.constant 1 : i32
      %scan3A_249 = arith.constant 1 : i32
      %scan3A_250 = arith.constant 0 : i32
      %scan3A_251 = arith.constant 100 : i32
      %scan3A_252 = arith.addi %scan3A_250, %scan3A_251 : i32
      %scan3A_253 = arith.constant 1 : i32
      %scan3A_254:2 = scf.for %scan3A_279 = %scan3A_250 to %scan3A_252 step %scan3A_253 iter_args(%scan3A_280 = %scan3A_169#0, %scan3A_281 = %scan3A_169#1) -> (f32, f32)  : i32 {
        %mul3A_282 = arith.constant 4 : i32
        %mul3A_283 = arith.muli %scan3A_279, %mul3A_282 : i32
        %add3A_284 = arith.constant 0 : i32
        %add3A_285 = arith.addi %mul3A_283, %add3A_284 : i32
        %get3A_286 = arith.constant 0 : i32
        %get3A_287 = arith.constant 0 : i32
        %get3A_288 = tpu.memref_slice %arg10[%scan3A_248, %get3A_286, %get3A_287] : memref<2x400x64xf32, #tpu.memory_space<vmem>> -> memref<1x400x64xf32, #tpu.memory_space<vmem>>
        %get3A_289 = tpu.memref_squeeze %get3A_288 : memref<1x400x64xf32, #tpu.memory_space<vmem>> -> memref<400x64xf32, #tpu.memory_space<vmem>>
        %get3A_290 = arith.index_cast %add3A_285 : i32 to index
        %get3A_291 = arith.constant 0 : index
        %get3A_292 = tpu.vector_load %get3A_289[%get3A_290, %get3A_291] {strides = array<i32>} : memref<400x64xf32, #tpu.memory_space<vmem>>, vector<16xf32>,
        %get3A_293 = arith.constant 0 : i32
        %get3A_294 = arith.constant 0 : i32
        %get3A_295 = tpu.memref_slice %arg10[%scan3A_248, %get3A_293, %get3A_294] : memref<2x400x64xf32, #tpu.memory_space<vmem>> -> memref<1x400x64xf32, #tpu.memory_space<vmem>>
        %get3A_296 = tpu.memref_squeeze %get3A_295 : memref<1x400x64xf32, #tpu.memory_space<vmem>> -> memref<400x64xf32, #tpu.memory_space<vmem>>
        %get3A_297 = arith.index_cast %add3A_285 : i32 to index
        %get3A_298 = arith.constant 16 : index
        %get3A_299 = tpu.vector_load %get3A_296[%get3A_297, %get3A_298] {strides = array<i32>} : memref<400x64xf32, #tpu.memory_space<vmem>>, vector<16xf32>,
        %get3A_300 = arith.constant 0 : i32
        %get3A_301 = arith.constant 0 : i32
        %get3A_302 = tpu.memref_slice %arg10[%scan3A_248, %get3A_300, %get3A_301] : memref<2x400x64xf32, #tpu.memory_space<vmem>> -> memref<1x400x64xf32, #tpu.memory_space<vmem>>
        %get3A_303 = tpu.memref_squeeze %get3A_302 : memref<1x400x64xf32, #tpu.memory_space<vmem>> -> memref<400x64xf32, #tpu.memory_space<vmem>>
        %get3A_304 = arith.index_cast %add3A_285 : i32 to index
        %get3A_305 = arith.constant 32 : index
        %get3A_306 = tpu.vector_load %get3A_303[%get3A_304, %get3A_305] {strides = array<i32>} : memref<400x64xf32, #tpu.memory_space<vmem>>, vector<16xf32>,
        %get3A_307 = arith.constant 0 : i32
        %get3A_308 = arith.constant 0 : i32
        %get3A_309 = tpu.memref_slice %arg10[%scan3A_248, %get3A_307, %get3A_308] : memref<2x400x64xf32, #tpu.memory_space<vmem>> -> memref<1x400x64xf32, #tpu.memory_space<vmem>>
        %get3A_310 = tpu.memref_squeeze %get3A_309 : memref<1x400x64xf32, #tpu.memory_space<vmem>> -> memref<400x64xf32, #tpu.memory_space<vmem>>
        %get3A_311 = arith.index_cast %add3A_285 : i32 to index
        %get3A_312 = arith.constant 48 : index
        %get3A_313 = tpu.vector_load %get3A_310[%get3A_311, %get3A_312] {strides = array<i32>} : memref<400x64xf32, #tpu.memory_space<vmem>>, vector<16xf32>,
        %mul3A_314 = arith.mulf %get3A_292, %get3A_223 : vector<16xf32>
        %add3A_315 = arith.addf %mul3A_314, %get3A_247 : vector<16xf32>
        %mul3A_316 = arith.mulf %get3A_299, %get3A_225 : vector<16xf32>
        %add3A_317 = arith.addf %add3A_315, %mul3A_316 : vector<16xf32>
        %mul3A_318 = arith.mulf %get3A_306, %get3A_227 : vector<16xf32>
        %mul3A_319 = arith.mulf %get3A_313, %get3A_229 : vector<16xf32>
        %add3A_320 = arith.addf %mul3A_318, %mul3A_319 : vector<16xf32>
        %add3A_321 = arith.addf %add3A_317, %add3A_320 : vector<16xf32>
        %add3A_322 = arith.addf %get3A_292, %get3A_299 : vector<16xf32>
        %add3A_323 = arith.addf %get3A_306, %get3A_313 : vector<16xf32>
        %add3A_324 = arith.addf %add3A_322, %add3A_323 : vector<16xf32>
        %mul3A_325 = arith.mulf %get3A_292, %get3A_292 : vector<16xf32>
        %mul3A_326 = arith.mulf %get3A_299, %get3A_299 : vector<16xf32>
        %add3A_327 = arith.addf %mul3A_325, %mul3A_326 : vector<16xf32>
        %mul3A_328 = arith.mulf %get3A_306, %get3A_306 : vector<16xf32>
        %mul3A_329 = arith.mulf %get3A_313, %get3A_313 : vector<16xf32>
        %add3A_330 = arith.addf %mul3A_328, %mul3A_329 : vector<16xf32>
        %add3A_331 = arith.addf %add3A_327, %add3A_330 : vector<16xf32>
        %reduce_sum3A = arith.constant true
        %reduce_sum3A_332 = vector.broadcast %reduce_sum3A : i1 to vector<16xi1>
        %reduce_sum3A_333 = tpu.scan <sum>, %add3A_321 masked %reduce_sum3A_332 : vector<16xf32>, vector<16xi1> -> vector<16xf32>
        %reduce_sum3A_334 = vector.extract %reduce_sum3A_333[15] : f32 from vector<16xf32>
        %reduce_sum3A_335 = arith.constant true
        %reduce_sum3A_336 = vector.broadcast %reduce_sum3A_335 : i1 to vector<16xi1>
        %reduce_sum3A_337 = tpu.scan <sum>, %add3A_324 masked %reduce_sum3A_336 : vector<16xf32>, vector<16xi1> -> vector<16xf32>
        %reduce_sum3A_338 = vector.extract %reduce_sum3A_337[15] : f32 from vector<16xf32>
        %reduce_sum3A_339 = arith.constant true
        %reduce_sum3A_340 = vector.broadcast %reduce_sum3A_339 : i1 to vector<16xi1>
        %reduce_sum3A_341 = tpu.scan <sum>, %add3A_331 masked %reduce_sum3A_340 : vector<16xf32>, vector<16xi1> -> vector<16xf32>
        %reduce_sum3A_342 = vector.extract %reduce_sum3A_341[15] : f32 from vector<16xf32>
        %gt3A = arith.constant 0.000000e+00 : f32
        %gt3A_343 = arith.cmpf ogt, %reduce_sum3A_334, %gt3A : f32
        %jit3A = arith.constant 1.000000e+00 : f32
        %jit3A_344 = arith.constant 0.000000e+00 : f32
        %select_n3A = arith.select %gt3A_343, %jit3A, %jit3A_344 : f32
        %mul3A_345 = arith.mulf %select_n3A, %reduce_sum3A_338 : f32
        %mul3A_346 = arith.constant 1.093750e-02 : f32
        %mul3A_347 = arith.mulf %mul3A_345, %mul3A_346 : f32
        %mul3A_348 = arith.mulf %select_n3A, %reduce_sum3A_342 : f32
        %mul3A_349 = arith.constant 7.656250e-03 : f32
        %mul3A_350 = arith.mulf %mul3A_348, %mul3A_349 : f32
        %mul3A_351 = arith.mulf %mul3A_347, %mul3A_347 : f32
        %sub3A = arith.subf %mul3A_350, %mul3A_351 : f32
        %add3A_352 = arith.constant 9.99999974E-6 : f32
        %add3A_353 = arith.addf %sub3A, %add3A_352 : f32
        %bitcast_convert_type3A = arith.bitcast %add3A_353 : f32 to i32
        %shift_right_logical3A = arith.constant 1 : i32
        %shift_right_logical3A_354 = arith.shrui %bitcast_convert_type3A, %shift_right_logical3A : i32
        %sub3A_355 = arith.constant 1597463007 : i32
        %sub3A_356 = arith.subi %sub3A_355, %shift_right_logical3A_354 : i32
        %bitcast_convert_type3A_357 = arith.bitcast %sub3A_356 : i32 to f32
        %mul3A_358 = arith.constant 5.000000e-01 : f32
        %mul3A_359 = arith.mulf %mul3A_358, %add3A_353 : f32
        %mul3A_360 = arith.mulf %mul3A_359, %bitcast_convert_type3A_357 : f32
        %mul3A_361 = arith.mulf %mul3A_360, %bitcast_convert_type3A_357 : f32
        %sub3A_362 = arith.constant 1.500000e+00 : f32
        %sub3A_363 = arith.subf %sub3A_362, %mul3A_361 : f32
        %mul3A_364 = arith.mulf %bitcast_convert_type3A_357, %sub3A_363 : f32
        %mul3A_365 = arith.constant 5.000000e-01 : f32
        %mul3A_366 = arith.mulf %mul3A_365, %add3A_353 : f32
        %mul3A_367 = arith.mulf %mul3A_366, %mul3A_364 : f32
        %mul3A_368 = arith.mulf %mul3A_367, %mul3A_364 : f32
        %sub3A_369 = arith.constant 1.500000e+00 : f32
        %sub3A_370 = arith.subf %sub3A_369, %mul3A_368 : f32
        %mul3A_371 = arith.mulf %mul3A_364, %sub3A_370 : f32
        %mul3A_372 = arith.constant 5.000000e-01 : f32
        %mul3A_373 = arith.mulf %mul3A_372, %add3A_353 : f32
        %mul3A_374 = arith.mulf %mul3A_373, %mul3A_371 : f32
        %mul3A_375 = arith.mulf %mul3A_374, %mul3A_371 : f32
        %sub3A_376 = arith.constant 1.500000e+00 : f32
        %sub3A_377 = arith.subf %sub3A_376, %mul3A_375 : f32
        %mul3A_378 = arith.mulf %mul3A_371, %sub3A_377 : f32
        %mul3A_379 = arith.constant 0.699999988 : f32
        %mul3A_380 = arith.mulf %mul3A_379, %select_n3A : f32
        %mul3A_381 = arith.mulf %mul3A_380, %mul3A_378 : f32
        %broadcast_in_dim3A_382 = vector.broadcast %mul3A_381 : f32 to vector<16xf32>
        %mul3A_383 = arith.mulf %mul3A_347, %mul3A_378 : f32
        %broadcast_in_dim3A_384 = vector.broadcast %mul3A_383 : f32 to vector<16xf32>
        %mul3A_385 = arith.mulf %broadcast_in_dim3A_382, %get3A_292 : vector<16xf32>
        %sub3A_386 = arith.subf %mul3A_385, %broadcast_in_dim3A_384 : vector<16xf32>
        %mul3A_387 = arith.mulf %sub3A_386, %get3A_231 : vector<16xf32>
        %add3A_388 = arith.addf %mul3A_387, %get3A_239 : vector<16xf32>
        %mul3A_389 = arith.mulf %broadcast_in_dim3A_382, %get3A_299 : vector<16xf32>
        %sub3A_390 = arith.subf %mul3A_389, %broadcast_in_dim3A_384 : vector<16xf32>
        %mul3A_391 = arith.mulf %sub3A_390, %get3A_233 : vector<16xf32>
        %add3A_392 = arith.addf %mul3A_391, %get3A_241 : vector<16xf32>
        %mul3A_393 = arith.mulf %broadcast_in_dim3A_382, %get3A_306 : vector<16xf32>
        %sub3A_394 = arith.subf %mul3A_393, %broadcast_in_dim3A_384 : vector<16xf32>
        %mul3A_395 = arith.mulf %sub3A_394, %get3A_235 : vector<16xf32>
        %add3A_396 = arith.addf %mul3A_395, %get3A_243 : vector<16xf32>
        %mul3A_397 = arith.mulf %broadcast_in_dim3A_382, %get3A_313 : vector<16xf32>
        %sub3A_398 = arith.subf %mul3A_397, %broadcast_in_dim3A_384 : vector<16xf32>
        %mul3A_399 = arith.mulf %sub3A_398, %get3A_237 : vector<16xf32>
        %add3A_400 = arith.addf %mul3A_399, %get3A_245 : vector<16xf32>
        %mul3A_401 = arith.mulf %add3A_388, %add3A_388 : vector<16xf32>
        %mul3A_402 = arith.mulf %add3A_392, %add3A_392 : vector<16xf32>
        %add3A_403 = arith.addf %mul3A_401, %mul3A_402 : vector<16xf32>
        %mul3A_404 = arith.mulf %add3A_396, %add3A_396 : vector<16xf32>
        %mul3A_405 = arith.mulf %add3A_400, %add3A_400 : vector<16xf32>
        %add3A_406 = arith.addf %mul3A_404, %mul3A_405 : vector<16xf32>
        %add3A_407 = arith.addf %add3A_403, %add3A_406 : vector<16xf32>
        %swap3A_408 = arith.constant 0 : i32
        %swap3A_409 = arith.constant 0 : i32
        %swap3A_410 = tpu.memref_slice %arg11[%scan3A_249, %swap3A_408, %swap3A_409] : memref<2x400x64xf32, #tpu.memory_space<vmem>> -> memref<1x400x64xf32, #tpu.memory_space<vmem>>
        %swap3A_411 = tpu.memref_squeeze %swap3A_410 : memref<1x400x64xf32, #tpu.memory_space<vmem>> -> memref<400x64xf32, #tpu.memory_space<vmem>>
        %swap3A_412 = arith.index_cast %add3A_285 : i32 to index
        %swap3A_413 = arith.constant 0 : index
        %swap3A_414 = tpu.vector_load %swap3A_411[%swap3A_412, %swap3A_413] {strides = array<i32>} : memref<400x64xf32, #tpu.memory_space<vmem>>, vector<16xf32>,
        tpu.vector_store %swap3A_411[%swap3A_412, %swap3A_413], %add3A_388 {strides = array<i32>} : memref<400x64xf32, #tpu.memory_space<vmem>>, vector<16xf32>,
        %swap3A_415 = arith.constant 0 : i32
        %swap3A_416 = arith.constant 0 : i32
        %swap3A_417 = tpu.memref_slice %arg11[%scan3A_249, %swap3A_415, %swap3A_416] : memref<2x400x64xf32, #tpu.memory_space<vmem>> -> memref<1x400x64xf32, #tpu.memory_space<vmem>>
        %swap3A_418 = tpu.memref_squeeze %swap3A_417 : memref<1x400x64xf32, #tpu.memory_space<vmem>> -> memref<400x64xf32, #tpu.memory_space<vmem>>
        %swap3A_419 = arith.index_cast %add3A_285 : i32 to index
        %swap3A_420 = arith.constant 16 : index
        %swap3A_421 = tpu.vector_load %swap3A_418[%swap3A_419, %swap3A_420] {strides = array<i32>} : memref<400x64xf32, #tpu.memory_space<vmem>>, vector<16xf32>,
        tpu.vector_store %swap3A_418[%swap3A_419, %swap3A_420], %add3A_392 {strides = array<i32>} : memref<400x64xf32, #tpu.memory_space<vmem>>, vector<16xf32>,
        %swap3A_422 = arith.constant 0 : i32
        %swap3A_423 = arith.constant 0 : i32
        %swap3A_424 = tpu.memref_slice %arg11[%scan3A_249, %swap3A_422, %swap3A_423] : memref<2x400x64xf32, #tpu.memory_space<vmem>> -> memref<1x400x64xf32, #tpu.memory_space<vmem>>
        %swap3A_425 = tpu.memref_squeeze %swap3A_424 : memref<1x400x64xf32, #tpu.memory_space<vmem>> -> memref<400x64xf32, #tpu.memory_space<vmem>>
        %swap3A_426 = arith.index_cast %add3A_285 : i32 to index
        %swap3A_427 = arith.constant 32 : index
        %swap3A_428 = tpu.vector_load %swap3A_425[%swap3A_426, %swap3A_427] {strides = array<i32>} : memref<400x64xf32, #tpu.memory_space<vmem>>, vector<16xf32>,
        tpu.vector_store %swap3A_425[%swap3A_426, %swap3A_427], %add3A_396 {strides = array<i32>} : memref<400x64xf32, #tpu.memory_space<vmem>>, vector<16xf32>,
        %swap3A_429 = arith.constant 0 : i32
        %swap3A_430 = arith.constant 0 : i32
        %swap3A_431 = tpu.memref_slice %arg11[%scan3A_249, %swap3A_429, %swap3A_430] : memref<2x400x64xf32, #tpu.memory_space<vmem>> -> memref<1x400x64xf32, #tpu.memory_space<vmem>>
        %swap3A_432 = tpu.memref_squeeze %swap3A_431 : memref<1x400x64xf32, #tpu.memory_space<vmem>> -> memref<400x64xf32, #tpu.memory_space<vmem>>
        %swap3A_433 = arith.index_cast %add3A_285 : i32 to index
        %swap3A_434 = arith.constant 48 : index
        %swap3A_435 = tpu.vector_load %swap3A_432[%swap3A_433, %swap3A_434] {strides = array<i32>} : memref<400x64xf32, #tpu.memory_space<vmem>>, vector<16xf32>,
        tpu.vector_store %swap3A_432[%swap3A_433, %swap3A_434], %add3A_400 {strides = array<i32>} : memref<400x64xf32, #tpu.memory_space<vmem>>, vector<16xf32>,
        %reduce_sum3A_436 = arith.constant true
        %reduce_sum3A_437 = vector.broadcast %reduce_sum3A_436 : i1 to vector<16xi1>
        %reduce_sum3A_438 = tpu.scan <sum>, %add3A_407 masked %reduce_sum3A_437 : vector<16xf32>, vector<16xi1> -> vector<16xf32>
        %reduce_sum3A_439 = vector.extract %reduce_sum3A_438[15] : f32 from vector<16xf32>
        %gt3A_440 = arith.constant 0.000000e+00 : f32
        %gt3A_441 = arith.cmpf ogt, %reduce_sum3A_439, %gt3A_440 : f32
        %bitcast_convert_type3A_442 = arith.bitcast %reduce_sum3A_439 : f32 to i32
        %shift_right_logical3A_443 = arith.constant 1 : i32
        %shift_right_logical3A_444 = arith.shrui %bitcast_convert_type3A_442, %shift_right_logical3A_443 : i32
        %sub3A_445 = arith.constant 1597463007 : i32
        %sub3A_446 = arith.subi %sub3A_445, %shift_right_logical3A_444 : i32
        %bitcast_convert_type3A_447 = arith.bitcast %sub3A_446 : i32 to f32
        %mul3A_448 = arith.constant 5.000000e-01 : f32
        %mul3A_449 = arith.mulf %mul3A_448, %reduce_sum3A_439 : f32
        %mul3A_450 = arith.mulf %mul3A_449, %bitcast_convert_type3A_447 : f32
        %mul3A_451 = arith.mulf %mul3A_450, %bitcast_convert_type3A_447 : f32
        %sub3A_452 = arith.constant 1.500000e+00 : f32
        %sub3A_453 = arith.subf %sub3A_452, %mul3A_451 : f32
        %mul3A_454 = arith.mulf %bitcast_convert_type3A_447, %sub3A_453 : f32
        %mul3A_455 = arith.constant 5.000000e-01 : f32
        %mul3A_456 = arith.mulf %mul3A_455, %reduce_sum3A_439 : f32
        %mul3A_457 = arith.mulf %mul3A_456, %mul3A_454 : f32
        %mul3A_458 = arith.mulf %mul3A_457, %mul3A_454 : f32
        %sub3A_459 = arith.constant 1.500000e+00 : f32
        %sub3A_460 = arith.subf %sub3A_459, %mul3A_458 : f32
        %mul3A_461 = arith.mulf %mul3A_454, %sub3A_460 : f32
        %mul3A_462 = arith.constant 5.000000e-01 : f32
        %mul3A_463 = arith.mulf %mul3A_462, %reduce_sum3A_439 : f32
        %mul3A_464 = arith.mulf %mul3A_463, %mul3A_461 : f32
        %mul3A_465 = arith.mulf %mul3A_464, %mul3A_461 : f32
        %sub3A_466 = arith.constant 1.500000e+00 : f32
        %sub3A_467 = arith.subf %sub3A_466, %mul3A_465 : f32
        %mul3A_468 = arith.mulf %mul3A_461, %sub3A_467 : f32
        %mul3A_469 = arith.mulf %reduce_sum3A_439, %mul3A_468 : f32
        %jit3A_470 = arith.constant 0.000000e+00 : f32
        %select_n3A_471 = arith.select %gt3A_441, %mul3A_469, %jit3A_470 : f32
        %add3A_472 = arith.addf %scan3A_280, %select_n3A : f32
        %add3A_473 = arith.addf %scan3A_281, %select_n3A_471 : f32
        %mul3A_474 = arith.constant 4 : i32
        %mul3A_475 = arith.muli %scan3A_279, %mul3A_474 : i32
        %add3A_476 = arith.constant 1 : i32
        %add3A_477 = arith.addi %mul3A_475, %add3A_476 : i32
        %get3A_478 = arith.constant 0 : i32
        %get3A_479 = arith.constant 0 : i32
        %get3A_480 = tpu.memref_slice %arg10[%scan3A_248, %get3A_478, %get3A_479] : memref<2x400x64xf32, #tpu.memory_space<vmem>> -> memref<1x400x64xf32, #tpu.memory_space<vmem>>
        %get3A_481 = tpu.memref_squeeze %get3A_480 : memref<1x400x64xf32, #tpu.memory_space<vmem>> -> memref<400x64xf32, #tpu.memory_space<vmem>>
        %get3A_482 = arith.index_cast %add3A_477 : i32 to index
        %get3A_483 = arith.constant 0 : index
        %get3A_484 = tpu.vector_load %get3A_481[%get3A_482, %get3A_483] {strides = array<i32>} : memref<400x64xf32, #tpu.memory_space<vmem>>, vector<16xf32>,
        %get3A_485 = arith.constant 0 : i32
        %get3A_486 = arith.constant 0 : i32
        %get3A_487 = tpu.memref_slice %arg10[%scan3A_248, %get3A_485, %get3A_486] : memref<2x400x64xf32, #tpu.memory_space<vmem>> -> memref<1x400x64xf32, #tpu.memory_space<vmem>>
        %get3A_488 = tpu.memref_squeeze %get3A_487 : memref<1x400x64xf32, #tpu.memory_space<vmem>> -> memref<400x64xf32, #tpu.memory_space<vmem>>
        %get3A_489 = arith.index_cast %add3A_477 : i32 to index
        %get3A_490 = arith.constant 16 : index
        %get3A_491 = tpu.vector_load %get3A_488[%get3A_489, %get3A_490] {strides = array<i32>} : memref<400x64xf32, #tpu.memory_space<vmem>>, vector<16xf32>,
        %get3A_492 = arith.constant 0 : i32
        %get3A_493 = arith.constant 0 : i32
        %get3A_494 = tpu.memref_slice %arg10[%scan3A_248, %get3A_492, %get3A_493] : memref<2x400x64xf32, #tpu.memory_space<vmem>> -> memref<1x400x64xf32, #tpu.memory_space<vmem>>
        %get3A_495 = tpu.memref_squeeze %get3A_494 : memref<1x400x64xf32, #tpu.memory_space<vmem>> -> memref<400x64xf32, #tpu.memory_space<vmem>>
        %get3A_496 = arith.index_cast %add3A_477 : i32 to index
        %get3A_497 = arith.constant 32 : index
        %get3A_498 = tpu.vector_load %get3A_495[%get3A_496, %get3A_497] {strides = array<i32>} : memref<400x64xf32, #tpu.memory_space<vmem>>, vector<16xf32>,
        %get3A_499 = arith.constant 0 : i32
        %get3A_500 = arith.constant 0 : i32
        %get3A_501 = tpu.memref_slice %arg10[%scan3A_248, %get3A_499, %get3A_500] : memref<2x400x64xf32, #tpu.memory_space<vmem>> -> memref<1x400x64xf32, #tpu.memory_space<vmem>>
        %get3A_502 = tpu.memref_squeeze %get3A_501 : memref<1x400x64xf32, #tpu.memory_space<vmem>> -> memref<400x64xf32, #tpu.memory_space<vmem>>
        %get3A_503 = arith.index_cast %add3A_477 : i32 to index
        %get3A_504 = arith.constant 48 : index
        %get3A_505 = tpu.vector_load %get3A_502[%get3A_503, %get3A_504] {strides = array<i32>} : memref<400x64xf32, #tpu.memory_space<vmem>>, vector<16xf32>,
        %mul3A_506 = arith.mulf %get3A_484, %get3A_223 : vector<16xf32>
        %add3A_507 = arith.addf %mul3A_506, %get3A_247 : vector<16xf32>
        %mul3A_508 = arith.mulf %get3A_491, %get3A_225 : vector<16xf32>
        %add3A_509 = arith.addf %add3A_507, %mul3A_508 : vector<16xf32>
        %mul3A_510 = arith.mulf %get3A_498, %get3A_227 : vector<16xf32>
        %mul3A_511 = arith.mulf %get3A_505, %get3A_229 : vector<16xf32>
        %add3A_512 = arith.addf %mul3A_510, %mul3A_511 : vector<16xf32>
        %add3A_513 = arith.addf %add3A_509, %add3A_512 : vector<16xf32>
        %add3A_514 = arith.addf %get3A_484, %get3A_491 : vector<16xf32>
        %add3A_515 = arith.addf %get3A_498, %get3A_505 : vector<16xf32>
        %add3A_516 = arith.addf %add3A_514, %add3A_515 : vector<16xf32>
        %mul3A_517 = arith.mulf %get3A_484, %get3A_484 : vector<16xf32>
        %mul3A_518 = arith.mulf %get3A_491, %get3A_491 : vector<16xf32>
        %add3A_519 = arith.addf %mul3A_517, %mul3A_518 : vector<16xf32>
        %mul3A_520 = arith.mulf %get3A_498, %get3A_498 : vector<16xf32>
        %mul3A_521 = arith.mulf %get3A_505, %get3A_505 : vector<16xf32>
        %add3A_522 = arith.addf %mul3A_520, %mul3A_521 : vector<16xf32>
        %add3A_523 = arith.addf %add3A_519, %add3A_522 : vector<16xf32>
        %reduce_sum3A_524 = arith.constant true
        %reduce_sum3A_525 = vector.broadcast %reduce_sum3A_524 : i1 to vector<16xi1>
        %reduce_sum3A_526 = tpu.scan <sum>, %add3A_513 masked %reduce_sum3A_525 : vector<16xf32>, vector<16xi1> -> vector<16xf32>
        %reduce_sum3A_527 = vector.extract %reduce_sum3A_526[15] : f32 from vector<16xf32>
        %reduce_sum3A_528 = arith.constant true
        %reduce_sum3A_529 = vector.broadcast %reduce_sum3A_528 : i1 to vector<16xi1>
        %reduce_sum3A_530 = tpu.scan <sum>, %add3A_516 masked %reduce_sum3A_529 : vector<16xf32>, vector<16xi1> -> vector<16xf32>
        %reduce_sum3A_531 = vector.extract %reduce_sum3A_530[15] : f32 from vector<16xf32>
        %reduce_sum3A_532 = arith.constant true
        %reduce_sum3A_533 = vector.broadcast %reduce_sum3A_532 : i1 to vector<16xi1>
        %reduce_sum3A_534 = tpu.scan <sum>, %add3A_523 masked %reduce_sum3A_533 : vector<16xf32>, vector<16xi1> -> vector<16xf32>
        %reduce_sum3A_535 = vector.extract %reduce_sum3A_534[15] : f32 from vector<16xf32>
        %gt3A_536 = arith.constant 0.000000e+00 : f32
        %gt3A_537 = arith.cmpf ogt, %reduce_sum3A_527, %gt3A_536 : f32
        %jit3A_538 = arith.constant 1.000000e+00 : f32
        %jit3A_539 = arith.constant 0.000000e+00 : f32
        %select_n3A_540 = arith.select %gt3A_537, %jit3A_538, %jit3A_539 : f32
        %mul3A_541 = arith.mulf %select_n3A_540, %reduce_sum3A_531 : f32
        %mul3A_542 = arith.constant 1.093750e-02 : f32
        %mul3A_543 = arith.mulf %mul3A_541, %mul3A_542 : f32
        %mul3A_544 = arith.mulf %select_n3A_540, %reduce_sum3A_535 : f32
        %mul3A_545 = arith.constant 7.656250e-03 : f32
        %mul3A_546 = arith.mulf %mul3A_544, %mul3A_545 : f32
        %mul3A_547 = arith.mulf %mul3A_543, %mul3A_543 : f32
        %sub3A_548 = arith.subf %mul3A_546, %mul3A_547 : f32
        %add3A_549 = arith.constant 9.99999974E-6 : f32
        %add3A_550 = arith.addf %sub3A_548, %add3A_549 : f32
        %bitcast_convert_type3A_551 = arith.bitcast %add3A_550 : f32 to i32
        %shift_right_logical3A_552 = arith.constant 1 : i32
        %shift_right_logical3A_553 = arith.shrui %bitcast_convert_type3A_551, %shift_right_logical3A_552 : i32
        %sub3A_554 = arith.constant 1597463007 : i32
        %sub3A_555 = arith.subi %sub3A_554, %shift_right_logical3A_553 : i32
        %bitcast_convert_type3A_556 = arith.bitcast %sub3A_555 : i32 to f32
        %mul3A_557 = arith.constant 5.000000e-01 : f32
        %mul3A_558 = arith.mulf %mul3A_557, %add3A_550 : f32
        %mul3A_559 = arith.mulf %mul3A_558, %bitcast_convert_type3A_556 : f32
        %mul3A_560 = arith.mulf %mul3A_559, %bitcast_convert_type3A_556 : f32
        %sub3A_561 = arith.constant 1.500000e+00 : f32
        %sub3A_562 = arith.subf %sub3A_561, %mul3A_560 : f32
        %mul3A_563 = arith.mulf %bitcast_convert_type3A_556, %sub3A_562 : f32
        %mul3A_564 = arith.constant 5.000000e-01 : f32
        %mul3A_565 = arith.mulf %mul3A_564, %add3A_550 : f32
        %mul3A_566 = arith.mulf %mul3A_565, %mul3A_563 : f32
        %mul3A_567 = arith.mulf %mul3A_566, %mul3A_563 : f32
        %sub3A_568 = arith.constant 1.500000e+00 : f32
        %sub3A_569 = arith.subf %sub3A_568, %mul3A_567 : f32
        %mul3A_570 = arith.mulf %mul3A_563, %sub3A_569 : f32
        %mul3A_571 = arith.constant 5.000000e-01 : f32
        %mul3A_572 = arith.mulf %mul3A_571, %add3A_550 : f32
        %mul3A_573 = arith.mulf %mul3A_572, %mul3A_570 : f32
        %mul3A_574 = arith.mulf %mul3A_573, %mul3A_570 : f32
        %sub3A_575 = arith.constant 1.500000e+00 : f32
        %sub3A_576 = arith.subf %sub3A_575, %mul3A_574 : f32
        %mul3A_577 = arith.mulf %mul3A_570, %sub3A_576 : f32
        %mul3A_578 = arith.constant 0.699999988 : f32
        %mul3A_579 = arith.mulf %mul3A_578, %select_n3A_540 : f32
        %mul3A_580 = arith.mulf %mul3A_579, %mul3A_577 : f32
        %broadcast_in_dim3A_581 = vector.broadcast %mul3A_580 : f32 to vector<16xf32>
        %mul3A_582 = arith.mulf %mul3A_543, %mul3A_577 : f32
        %broadcast_in_dim3A_583 = vector.broadcast %mul3A_582 : f32 to vector<16xf32>
        %mul3A_584 = arith.mulf %broadcast_in_dim3A_581, %get3A_484 : vector<16xf32>
        %sub3A_585 = arith.subf %mul3A_584, %broadcast_in_dim3A_583 : vector<16xf32>
        %mul3A_586 = arith.mulf %sub3A_585, %get3A_231 : vector<16xf32>
        %add3A_587 = arith.addf %mul3A_586, %get3A_239 : vector<16xf32>
        %mul3A_588 = arith.mulf %broadcast_in_dim3A_581, %get3A_491 : vector<16xf32>
        %sub3A_589 = arith.subf %mul3A_588, %broadcast_in_dim3A_583 : vector<16xf32>
        %mul3A_590 = arith.mulf %sub3A_589, %get3A_233 : vector<16xf32>
        %add3A_591 = arith.addf %mul3A_590, %get3A_241 : vector<16xf32>
        %mul3A_592 = arith.mulf %broadcast_in_dim3A_581, %get3A_498 : vector<16xf32>
        %sub3A_593 = arith.subf %mul3A_592, %broadcast_in_dim3A_583 : vector<16xf32>
        %mul3A_594 = arith.mulf %sub3A_593, %get3A_235 : vector<16xf32>
        %add3A_595 = arith.addf %mul3A_594, %get3A_243 : vector<16xf32>
        %mul3A_596 = arith.mulf %broadcast_in_dim3A_581, %get3A_505 : vector<16xf32>
        %sub3A_597 = arith.subf %mul3A_596, %broadcast_in_dim3A_583 : vector<16xf32>
        %mul3A_598 = arith.mulf %sub3A_597, %get3A_237 : vector<16xf32>
        %add3A_599 = arith.addf %mul3A_598, %get3A_245 : vector<16xf32>
        %mul3A_600 = arith.mulf %add3A_587, %add3A_587 : vector<16xf32>
        %mul3A_601 = arith.mulf %add3A_591, %add3A_591 : vector<16xf32>
        %add3A_602 = arith.addf %mul3A_600, %mul3A_601 : vector<16xf32>
        %mul3A_603 = arith.mulf %add3A_595, %add3A_595 : vector<16xf32>
        %mul3A_604 = arith.mulf %add3A_599, %add3A_599 : vector<16xf32>
        %add3A_605 = arith.addf %mul3A_603, %mul3A_604 : vector<16xf32>
        %add3A_606 = arith.addf %add3A_602, %add3A_605 : vector<16xf32>
        %swap3A_607 = arith.constant 0 : i32
        %swap3A_608 = arith.constant 0 : i32
        %swap3A_609 = tpu.memref_slice %arg11[%scan3A_249, %swap3A_607, %swap3A_608] : memref<2x400x64xf32, #tpu.memory_space<vmem>> -> memref<1x400x64xf32, #tpu.memory_space<vmem>>
        %swap3A_610 = tpu.memref_squeeze %swap3A_609 : memref<1x400x64xf32, #tpu.memory_space<vmem>> -> memref<400x64xf32, #tpu.memory_space<vmem>>
        %swap3A_611 = arith.index_cast %add3A_477 : i32 to index
        %swap3A_612 = arith.constant 0 : index
        %swap3A_613 = tpu.vector_load %swap3A_610[%swap3A_611, %swap3A_612] {strides = array<i32>} : memref<400x64xf32, #tpu.memory_space<vmem>>, vector<16xf32>,
        tpu.vector_store %swap3A_610[%swap3A_611, %swap3A_612], %add3A_587 {strides = array<i32>} : memref<400x64xf32, #tpu.memory_space<vmem>>, vector<16xf32>,
        %swap3A_614 = arith.constant 0 : i32
        %swap3A_615 = arith.constant 0 : i32
        %swap3A_616 = tpu.memref_slice %arg11[%scan3A_249, %swap3A_614, %swap3A_615] : memref<2x400x64xf32, #tpu.memory_space<vmem>> -> memref<1x400x64xf32, #tpu.memory_space<vmem>>
        %swap3A_617 = tpu.memref_squeeze %swap3A_616 : memref<1x400x64xf32, #tpu.memory_space<vmem>> -> memref<400x64xf32, #tpu.memory_space<vmem>>
        %swap3A_618 = arith.index_cast %add3A_477 : i32 to index
        %swap3A_619 = arith.constant 16 : index
        %swap3A_620 = tpu.vector_load %swap3A_617[%swap3A_618, %swap3A_619] {strides = array<i32>} : memref<400x64xf32, #tpu.memory_space<vmem>>, vector<16xf32>,
        tpu.vector_store %swap3A_617[%swap3A_618, %swap3A_619], %add3A_591 {strides = array<i32>} : memref<400x64xf32, #tpu.memory_space<vmem>>, vector<16xf32>,
        %swap3A_621 = arith.constant 0 : i32
        %swap3A_622 = arith.constant 0 : i32
        %swap3A_623 = tpu.memref_slice %arg11[%scan3A_249, %swap3A_621, %swap3A_622] : memref<2x400x64xf32, #tpu.memory_space<vmem>> -> memref<1x400x64xf32, #tpu.memory_space<vmem>>
        %swap3A_624 = tpu.memref_squeeze %swap3A_623 : memref<1x400x64xf32, #tpu.memory_space<vmem>> -> memref<400x64xf32, #tpu.memory_space<vmem>>
        %swap3A_625 = arith.index_cast %add3A_477 : i32 to index
        %swap3A_626 = arith.constant 32 : index
        %swap3A_627 = tpu.vector_load %swap3A_624[%swap3A_625, %swap3A_626] {strides = array<i32>} : memref<400x64xf32, #tpu.memory_space<vmem>>, vector<16xf32>,
        tpu.vector_store %swap3A_624[%swap3A_625, %swap3A_626], %add3A_595 {strides = array<i32>} : memref<400x64xf32, #tpu.memory_space<vmem>>, vector<16xf32>,
        %swap3A_628 = arith.constant 0 : i32
        %swap3A_629 = arith.constant 0 : i32
        %swap3A_630 = tpu.memref_slice %arg11[%scan3A_249, %swap3A_628, %swap3A_629] : memref<2x400x64xf32, #tpu.memory_space<vmem>> -> memref<1x400x64xf32, #tpu.memory_space<vmem>>
        %swap3A_631 = tpu.memref_squeeze %swap3A_630 : memref<1x400x64xf32, #tpu.memory_space<vmem>> -> memref<400x64xf32, #tpu.memory_space<vmem>>
        %swap3A_632 = arith.index_cast %add3A_477 : i32 to index
        %swap3A_633 = arith.constant 48 : index
        %swap3A_634 = tpu.vector_load %swap3A_631[%swap3A_632, %swap3A_633] {strides = array<i32>} : memref<400x64xf32, #tpu.memory_space<vmem>>, vector<16xf32>,
        tpu.vector_store %swap3A_631[%swap3A_632, %swap3A_633], %add3A_599 {strides = array<i32>} : memref<400x64xf32, #tpu.memory_space<vmem>>, vector<16xf32>,
        %reduce_sum3A_635 = arith.constant true
        %reduce_sum3A_636 = vector.broadcast %reduce_sum3A_635 : i1 to vector<16xi1>
        %reduce_sum3A_637 = tpu.scan <sum>, %add3A_606 masked %reduce_sum3A_636 : vector<16xf32>, vector<16xi1> -> vector<16xf32>
        %reduce_sum3A_638 = vector.extract %reduce_sum3A_637[15] : f32 from vector<16xf32>
        %gt3A_639 = arith.constant 0.000000e+00 : f32
        %gt3A_640 = arith.cmpf ogt, %reduce_sum3A_638, %gt3A_639 : f32
        %bitcast_convert_type3A_641 = arith.bitcast %reduce_sum3A_638 : f32 to i32
        %shift_right_logical3A_642 = arith.constant 1 : i32
        %shift_right_logical3A_643 = arith.shrui %bitcast_convert_type3A_641, %shift_right_logical3A_642 : i32
        %sub3A_644 = arith.constant 1597463007 : i32
        %sub3A_645 = arith.subi %sub3A_644, %shift_right_logical3A_643 : i32
        %bitcast_convert_type3A_646 = arith.bitcast %sub3A_645 : i32 to f32
        %mul3A_647 = arith.constant 5.000000e-01 : f32
        %mul3A_648 = arith.mulf %mul3A_647, %reduce_sum3A_638 : f32
        %mul3A_649 = arith.mulf %mul3A_648, %bitcast_convert_type3A_646 : f32
        %mul3A_650 = arith.mulf %mul3A_649, %bitcast_convert_type3A_646 : f32
        %sub3A_651 = arith.constant 1.500000e+00 : f32
        %sub3A_652 = arith.subf %sub3A_651, %mul3A_650 : f32
        %mul3A_653 = arith.mulf %bitcast_convert_type3A_646, %sub3A_652 : f32
        %mul3A_654 = arith.constant 5.000000e-01 : f32
        %mul3A_655 = arith.mulf %mul3A_654, %reduce_sum3A_638 : f32
        %mul3A_656 = arith.mulf %mul3A_655, %mul3A_653 : f32
        %mul3A_657 = arith.mulf %mul3A_656, %mul3A_653 : f32
        %sub3A_658 = arith.constant 1.500000e+00 : f32
        %sub3A_659 = arith.subf %sub3A_658, %mul3A_657 : f32
        %mul3A_660 = arith.mulf %mul3A_653, %sub3A_659 : f32
        %mul3A_661 = arith.constant 5.000000e-01 : f32
        %mul3A_662 = arith.mulf %mul3A_661, %reduce_sum3A_638 : f32
        %mul3A_663 = arith.mulf %mul3A_662, %mul3A_660 : f32
        %mul3A_664 = arith.mulf %mul3A_663, %mul3A_660 : f32
        %sub3A_665 = arith.constant 1.500000e+00 : f32
        %sub3A_666 = arith.subf %sub3A_665, %mul3A_664 : f32
        %mul3A_667 = arith.mulf %mul3A_660, %sub3A_666 : f32
        %mul3A_668 = arith.mulf %reduce_sum3A_638, %mul3A_667 : f32
        %jit3A_669 = arith.constant 0.000000e+00 : f32
        %select_n3A_670 = arith.select %gt3A_640, %mul3A_668, %jit3A_669 : f32
        %add3A_671 = arith.addf %add3A_472, %select_n3A_540 : f32
        %add3A_672 = arith.addf %add3A_473, %select_n3A_670 : f32
        %mul3A_673 = arith.constant 4 : i32
        %mul3A_674 = arith.muli %scan3A_279, %mul3A_673 : i32
        %add3A_675 = arith.constant 2 : i32
        %add3A_676 = arith.addi %mul3A_674, %add3A_675 : i32
        %get3A_677 = arith.constant 0 : i32
        %get3A_678 = arith.constant 0 : i32
        %get3A_679 = tpu.memref_slice %arg10[%scan3A_248, %get3A_677, %get3A_678] : memref<2x400x64xf32, #tpu.memory_space<vmem>> -> memref<1x400x64xf32, #tpu.memory_space<vmem>>
        %get3A_680 = tpu.memref_squeeze %get3A_679 : memref<1x400x64xf32, #tpu.memory_space<vmem>> -> memref<400x64xf32, #tpu.memory_space<vmem>>
        %get3A_681 = arith.index_cast %add3A_676 : i32 to index
        %get3A_682 = arith.constant 0 : index
        %get3A_683 = tpu.vector_load %get3A_680[%get3A_681, %get3A_682] {strides = array<i32>} : memref<400x64xf32, #tpu.memory_space<vmem>>, vector<16xf32>,
        %get3A_684 = arith.constant 0 : i32
        %get3A_685 = arith.constant 0 : i32
        %get3A_686 = tpu.memref_slice %arg10[%scan3A_248, %get3A_684, %get3A_685] : memref<2x400x64xf32, #tpu.memory_space<vmem>> -> memref<1x400x64xf32, #tpu.memory_space<vmem>>
        %get3A_687 = tpu.memref_squeeze %get3A_686 : memref<1x400x64xf32, #tpu.memory_space<vmem>> -> memref<400x64xf32, #tpu.memory_space<vmem>>
        %get3A_688 = arith.index_cast %add3A_676 : i32 to index
        %get3A_689 = arith.constant 16 : index
        %get3A_690 = tpu.vector_load %get3A_687[%get3A_688, %get3A_689] {strides = array<i32>} : memref<400x64xf32, #tpu.memory_space<vmem>>, vector<16xf32>,
        %get3A_691 = arith.constant 0 : i32
        %get3A_692 = arith.constant 0 : i32
        %get3A_693 = tpu.memref_slice %arg10[%scan3A_248, %get3A_691, %get3A_692] : memref<2x400x64xf32, #tpu.memory_space<vmem>> -> memref<1x400x64xf32, #tpu.memory_space<vmem>>
        %get3A_694 = tpu.memref_squeeze %get3A_693 : memref<1x400x64xf32, #tpu.memory_space<vmem>> -> memref<400x64xf32, #tpu.memory_space<vmem>>
        %get3A_695 = arith.index_cast %add3A_676 : i32 to index
        %get3A_696 = arith.constant 32 : index
        %get3A_697 = tpu.vector_load %get3A_694[%get3A_695, %get3A_696] {strides = array<i32>} : memref<400x64xf32, #tpu.memory_space<vmem>>, vector<16xf32>,
        %get3A_698 = arith.constant 0 : i32
        %get3A_699 = arith.constant 0 : i32
        %get3A_700 = tpu.memref_slice %arg10[%scan3A_248, %get3A_698, %get3A_699] : memref<2x400x64xf32, #tpu.memory_space<vmem>> -> memref<1x400x64xf32, #tpu.memory_space<vmem>>
        %get3A_701 = tpu.memref_squeeze %get3A_700 : memref<1x400x64xf32, #tpu.memory_space<vmem>> -> memref<400x64xf32, #tpu.memory_space<vmem>>
        %get3A_702 = arith.index_cast %add3A_676 : i32 to index
        %get3A_703 = arith.constant 48 : index
        %get3A_704 = tpu.vector_load %get3A_701[%get3A_702, %get3A_703] {strides = array<i32>} : memref<400x64xf32, #tpu.memory_space<vmem>>, vector<16xf32>,
        %mul3A_705 = arith.mulf %get3A_683, %get3A_223 : vector<16xf32>
        %add3A_706 = arith.addf %mul3A_705, %get3A_247 : vector<16xf32>
        %mul3A_707 = arith.mulf %get3A_690, %get3A_225 : vector<16xf32>
        %add3A_708 = arith.addf %add3A_706, %mul3A_707 : vector<16xf32>
        %mul3A_709 = arith.mulf %get3A_697, %get3A_227 : vector<16xf32>
        %mul3A_710 = arith.mulf %get3A_704, %get3A_229 : vector<16xf32>
        %add3A_711 = arith.addf %mul3A_709, %mul3A_710 : vector<16xf32>
        %add3A_712 = arith.addf %add3A_708, %add3A_711 : vector<16xf32>
        %add3A_713 = arith.addf %get3A_683, %get3A_690 : vector<16xf32>
        %add3A_714 = arith.addf %get3A_697, %get3A_704 : vector<16xf32>
        %add3A_715 = arith.addf %add3A_713, %add3A_714 : vector<16xf32>
        %mul3A_716 = arith.mulf %get3A_683, %get3A_683 : vector<16xf32>
        %mul3A_717 = arith.mulf %get3A_690, %get3A_690 : vector<16xf32>
        %add3A_718 = arith.addf %mul3A_716, %mul3A_717 : vector<16xf32>
        %mul3A_719 = arith.mulf %get3A_697, %get3A_697 : vector<16xf32>
        %mul3A_720 = arith.mulf %get3A_704, %get3A_704 : vector<16xf32>
        %add3A_721 = arith.addf %mul3A_719, %mul3A_720 : vector<16xf32>
        %add3A_722 = arith.addf %add3A_718, %add3A_721 : vector<16xf32>
        %reduce_sum3A_723 = arith.constant true
        %reduce_sum3A_724 = vector.broadcast %reduce_sum3A_723 : i1 to vector<16xi1>
        %reduce_sum3A_725 = tpu.scan <sum>, %add3A_712 masked %reduce_sum3A_724 : vector<16xf32>, vector<16xi1> -> vector<16xf32>
        %reduce_sum3A_726 = vector.extract %reduce_sum3A_725[15] : f32 from vector<16xf32>
        %reduce_sum3A_727 = arith.constant true
        %reduce_sum3A_728 = vector.broadcast %reduce_sum3A_727 : i1 to vector<16xi1>
        %reduce_sum3A_729 = tpu.scan <sum>, %add3A_715 masked %reduce_sum3A_728 : vector<16xf32>, vector<16xi1> -> vector<16xf32>
        %reduce_sum3A_730 = vector.extract %reduce_sum3A_729[15] : f32 from vector<16xf32>
        %reduce_sum3A_731 = arith.constant true
        %reduce_sum3A_732 = vector.broadcast %reduce_sum3A_731 : i1 to vector<16xi1>
        %reduce_sum3A_733 = tpu.scan <sum>, %add3A_722 masked %reduce_sum3A_732 : vector<16xf32>, vector<16xi1> -> vector<16xf32>
        %reduce_sum3A_734 = vector.extract %reduce_sum3A_733[15] : f32 from vector<16xf32>
        %gt3A_735 = arith.constant 0.000000e+00 : f32
        %gt3A_736 = arith.cmpf ogt, %reduce_sum3A_726, %gt3A_735 : f32
        %jit3A_737 = arith.constant 1.000000e+00 : f32
        %jit3A_738 = arith.constant 0.000000e+00 : f32
        %select_n3A_739 = arith.select %gt3A_736, %jit3A_737, %jit3A_738 : f32
        %mul3A_740 = arith.mulf %select_n3A_739, %reduce_sum3A_730 : f32
        %mul3A_741 = arith.constant 1.093750e-02 : f32
        %mul3A_742 = arith.mulf %mul3A_740, %mul3A_741 : f32
        %mul3A_743 = arith.mulf %select_n3A_739, %reduce_sum3A_734 : f32
        %mul3A_744 = arith.constant 7.656250e-03 : f32
        %mul3A_745 = arith.mulf %mul3A_743, %mul3A_744 : f32
        %mul3A_746 = arith.mulf %mul3A_742, %mul3A_742 : f32
        %sub3A_747 = arith.subf %mul3A_745, %mul3A_746 : f32
        %add3A_748 = arith.constant 9.99999974E-6 : f32
        %add3A_749 = arith.addf %sub3A_747, %add3A_748 : f32
        %bitcast_convert_type3A_750 = arith.bitcast %add3A_749 : f32 to i32
        %shift_right_logical3A_751 = arith.constant 1 : i32
        %shift_right_logical3A_752 = arith.shrui %bitcast_convert_type3A_750, %shift_right_logical3A_751 : i32
        %sub3A_753 = arith.constant 1597463007 : i32
        %sub3A_754 = arith.subi %sub3A_753, %shift_right_logical3A_752 : i32
        %bitcast_convert_type3A_755 = arith.bitcast %sub3A_754 : i32 to f32
        %mul3A_756 = arith.constant 5.000000e-01 : f32
        %mul3A_757 = arith.mulf %mul3A_756, %add3A_749 : f32
        %mul3A_758 = arith.mulf %mul3A_757, %bitcast_convert_type3A_755 : f32
        %mul3A_759 = arith.mulf %mul3A_758, %bitcast_convert_type3A_755 : f32
        %sub3A_760 = arith.constant 1.500000e+00 : f32
        %sub3A_761 = arith.subf %sub3A_760, %mul3A_759 : f32
        %mul3A_762 = arith.mulf %bitcast_convert_type3A_755, %sub3A_761 : f32
        %mul3A_763 = arith.constant 5.000000e-01 : f32
        %mul3A_764 = arith.mulf %mul3A_763, %add3A_749 : f32
        %mul3A_765 = arith.mulf %mul3A_764, %mul3A_762 : f32
        %mul3A_766 = arith.mulf %mul3A_765, %mul3A_762 : f32
        %sub3A_767 = arith.constant 1.500000e+00 : f32
        %sub3A_768 = arith.subf %sub3A_767, %mul3A_766 : f32
        %mul3A_769 = arith.mulf %mul3A_762, %sub3A_768 : f32
        %mul3A_770 = arith.constant 5.000000e-01 : f32
        %mul3A_771 = arith.mulf %mul3A_770, %add3A_749 : f32
        %mul3A_772 = arith.mulf %mul3A_771, %mul3A_769 : f32
        %mul3A_773 = arith.mulf %mul3A_772, %mul3A_769 : f32
        %sub3A_774 = arith.constant 1.500000e+00 : f32
        %sub3A_775 = arith.subf %sub3A_774, %mul3A_773 : f32
        %mul3A_776 = arith.mulf %mul3A_769, %sub3A_775 : f32
        %mul3A_777 = arith.constant 0.699999988 : f32
        %mul3A_778 = arith.mulf %mul3A_777, %select_n3A_739 : f32
        %mul3A_779 = arith.mulf %mul3A_778, %mul3A_776 : f32
        %broadcast_in_dim3A_780 = vector.broadcast %mul3A_779 : f32 to vector<16xf32>
        %mul3A_781 = arith.mulf %mul3A_742, %mul3A_776 : f32
        %broadcast_in_dim3A_782 = vector.broadcast %mul3A_781 : f32 to vector<16xf32>
        %mul3A_783 = arith.mulf %broadcast_in_dim3A_780, %get3A_683 : vector<16xf32>
        %sub3A_784 = arith.subf %mul3A_783, %broadcast_in_dim3A_782 : vector<16xf32>
        %mul3A_785 = arith.mulf %sub3A_784, %get3A_231 : vector<16xf32>
        %add3A_786 = arith.addf %mul3A_785, %get3A_239 : vector<16xf32>
        %mul3A_787 = arith.mulf %broadcast_in_dim3A_780, %get3A_690 : vector<16xf32>
        %sub3A_788 = arith.subf %mul3A_787, %broadcast_in_dim3A_782 : vector<16xf32>
        %mul3A_789 = arith.mulf %sub3A_788, %get3A_233 : vector<16xf32>
        %add3A_790 = arith.addf %mul3A_789, %get3A_241 : vector<16xf32>
        %mul3A_791 = arith.mulf %broadcast_in_dim3A_780, %get3A_697 : vector<16xf32>
        %sub3A_792 = arith.subf %mul3A_791, %broadcast_in_dim3A_782 : vector<16xf32>
        %mul3A_793 = arith.mulf %sub3A_792, %get3A_235 : vector<16xf32>
        %add3A_794 = arith.addf %mul3A_793, %get3A_243 : vector<16xf32>
        %mul3A_795 = arith.mulf %broadcast_in_dim3A_780, %get3A_704 : vector<16xf32>
        %sub3A_796 = arith.subf %mul3A_795, %broadcast_in_dim3A_782 : vector<16xf32>
        %mul3A_797 = arith.mulf %sub3A_796, %get3A_237 : vector<16xf32>
        %add3A_798 = arith.addf %mul3A_797, %get3A_245 : vector<16xf32>
        %mul3A_799 = arith.mulf %add3A_786, %add3A_786 : vector<16xf32>
        %mul3A_800 = arith.mulf %add3A_790, %add3A_790 : vector<16xf32>
        %add3A_801 = arith.addf %mul3A_799, %mul3A_800 : vector<16xf32>
        %mul3A_802 = arith.mulf %add3A_794, %add3A_794 : vector<16xf32>
        %mul3A_803 = arith.mulf %add3A_798, %add3A_798 : vector<16xf32>
        %add3A_804 = arith.addf %mul3A_802, %mul3A_803 : vector<16xf32>
        %add3A_805 = arith.addf %add3A_801, %add3A_804 : vector<16xf32>
        %swap3A_806 = arith.constant 0 : i32
        %swap3A_807 = arith.constant 0 : i32
        %swap3A_808 = tpu.memref_slice %arg11[%scan3A_249, %swap3A_806, %swap3A_807] : memref<2x400x64xf32, #tpu.memory_space<vmem>> -> memref<1x400x64xf32, #tpu.memory_space<vmem>>
        %swap3A_809 = tpu.memref_squeeze %swap3A_808 : memref<1x400x64xf32, #tpu.memory_space<vmem>> -> memref<400x64xf32, #tpu.memory_space<vmem>>
        %swap3A_810 = arith.index_cast %add3A_676 : i32 to index
        %swap3A_811 = arith.constant 0 : index
        %swap3A_812 = tpu.vector_load %swap3A_809[%swap3A_810, %swap3A_811] {strides = array<i32>} : memref<400x64xf32, #tpu.memory_space<vmem>>, vector<16xf32>,
        tpu.vector_store %swap3A_809[%swap3A_810, %swap3A_811], %add3A_786 {strides = array<i32>} : memref<400x64xf32, #tpu.memory_space<vmem>>, vector<16xf32>,
        %swap3A_813 = arith.constant 0 : i32
        %swap3A_814 = arith.constant 0 : i32
        %swap3A_815 = tpu.memref_slice %arg11[%scan3A_249, %swap3A_813, %swap3A_814] : memref<2x400x64xf32, #tpu.memory_space<vmem>> -> memref<1x400x64xf32, #tpu.memory_space<vmem>>
        %swap3A_816 = tpu.memref_squeeze %swap3A_815 : memref<1x400x64xf32, #tpu.memory_space<vmem>> -> memref<400x64xf32, #tpu.memory_space<vmem>>
        %swap3A_817 = arith.index_cast %add3A_676 : i32 to index
        %swap3A_818 = arith.constant 16 : index
        %swap3A_819 = tpu.vector_load %swap3A_816[%swap3A_817, %swap3A_818] {strides = array<i32>} : memref<400x64xf32, #tpu.memory_space<vmem>>, vector<16xf32>,
        tpu.vector_store %swap3A_816[%swap3A_817, %swap3A_818], %add3A_790 {strides = array<i32>} : memref<400x64xf32, #tpu.memory_space<vmem>>, vector<16xf32>,
        %swap3A_820 = arith.constant 0 : i32
        %swap3A_821 = arith.constant 0 : i32
        %swap3A_822 = tpu.memref_slice %arg11[%scan3A_249, %swap3A_820, %swap3A_821] : memref<2x400x64xf32, #tpu.memory_space<vmem>> -> memref<1x400x64xf32, #tpu.memory_space<vmem>>
        %swap3A_823 = tpu.memref_squeeze %swap3A_822 : memref<1x400x64xf32, #tpu.memory_space<vmem>> -> memref<400x64xf32, #tpu.memory_space<vmem>>
        %swap3A_824 = arith.index_cast %add3A_676 : i32 to index
        %swap3A_825 = arith.constant 32 : index
        %swap3A_826 = tpu.vector_load %swap3A_823[%swap3A_824, %swap3A_825] {strides = array<i32>} : memref<400x64xf32, #tpu.memory_space<vmem>>, vector<16xf32>,
        tpu.vector_store %swap3A_823[%swap3A_824, %swap3A_825], %add3A_794 {strides = array<i32>} : memref<400x64xf32, #tpu.memory_space<vmem>>, vector<16xf32>,
        %swap3A_827 = arith.constant 0 : i32
        %swap3A_828 = arith.constant 0 : i32
        %swap3A_829 = tpu.memref_slice %arg11[%scan3A_249, %swap3A_827, %swap3A_828] : memref<2x400x64xf32, #tpu.memory_space<vmem>> -> memref<1x400x64xf32, #tpu.memory_space<vmem>>
        %swap3A_830 = tpu.memref_squeeze %swap3A_829 : memref<1x400x64xf32, #tpu.memory_space<vmem>> -> memref<400x64xf32, #tpu.memory_space<vmem>>
        %swap3A_831 = arith.index_cast %add3A_676 : i32 to index
        %swap3A_832 = arith.constant 48 : index
        %swap3A_833 = tpu.vector_load %swap3A_830[%swap3A_831, %swap3A_832] {strides = array<i32>} : memref<400x64xf32, #tpu.memory_space<vmem>>, vector<16xf32>,
        tpu.vector_store %swap3A_830[%swap3A_831, %swap3A_832], %add3A_798 {strides = array<i32>} : memref<400x64xf32, #tpu.memory_space<vmem>>, vector<16xf32>,
        %reduce_sum3A_834 = arith.constant true
        %reduce_sum3A_835 = vector.broadcast %reduce_sum3A_834 : i1 to vector<16xi1>
        %reduce_sum3A_836 = tpu.scan <sum>, %add3A_805 masked %reduce_sum3A_835 : vector<16xf32>, vector<16xi1> -> vector<16xf32>
        %reduce_sum3A_837 = vector.extract %reduce_sum3A_836[15] : f32 from vector<16xf32>
        %gt3A_838 = arith.constant 0.000000e+00 : f32
        %gt3A_839 = arith.cmpf ogt, %reduce_sum3A_837, %gt3A_838 : f32
        %bitcast_convert_type3A_840 = arith.bitcast %reduce_sum3A_837 : f32 to i32
        %shift_right_logical3A_841 = arith.constant 1 : i32
        %shift_right_logical3A_842 = arith.shrui %bitcast_convert_type3A_840, %shift_right_logical3A_841 : i32
        %sub3A_843 = arith.constant 1597463007 : i32
        %sub3A_844 = arith.subi %sub3A_843, %shift_right_logical3A_842 : i32
        %bitcast_convert_type3A_845 = arith.bitcast %sub3A_844 : i32 to f32
        %mul3A_846 = arith.constant 5.000000e-01 : f32
        %mul3A_847 = arith.mulf %mul3A_846, %reduce_sum3A_837 : f32
        %mul3A_848 = arith.mulf %mul3A_847, %bitcast_convert_type3A_845 : f32
        %mul3A_849 = arith.mulf %mul3A_848, %bitcast_convert_type3A_845 : f32
        %sub3A_850 = arith.constant 1.500000e+00 : f32
        %sub3A_851 = arith.subf %sub3A_850, %mul3A_849 : f32
        %mul3A_852 = arith.mulf %bitcast_convert_type3A_845, %sub3A_851 : f32
        %mul3A_853 = arith.constant 5.000000e-01 : f32
        %mul3A_854 = arith.mulf %mul3A_853, %reduce_sum3A_837 : f32
        %mul3A_855 = arith.mulf %mul3A_854, %mul3A_852 : f32
        %mul3A_856 = arith.mulf %mul3A_855, %mul3A_852 : f32
        %sub3A_857 = arith.constant 1.500000e+00 : f32
        %sub3A_858 = arith.subf %sub3A_857, %mul3A_856 : f32
        %mul3A_859 = arith.mulf %mul3A_852, %sub3A_858 : f32
        %mul3A_860 = arith.constant 5.000000e-01 : f32
        %mul3A_861 = arith.mulf %mul3A_860, %reduce_sum3A_837 : f32
        %mul3A_862 = arith.mulf %mul3A_861, %mul3A_859 : f32
        %mul3A_863 = arith.mulf %mul3A_862, %mul3A_859 : f32
        %sub3A_864 = arith.constant 1.500000e+00 : f32
        %sub3A_865 = arith.subf %sub3A_864, %mul3A_863 : f32
        %mul3A_866 = arith.mulf %mul3A_859, %sub3A_865 : f32
        %mul3A_867 = arith.mulf %reduce_sum3A_837, %mul3A_866 : f32
        %jit3A_868 = arith.constant 0.000000e+00 : f32
        %select_n3A_869 = arith.select %gt3A_839, %mul3A_867, %jit3A_868 : f32
        %add3A_870 = arith.addf %add3A_671, %select_n3A_739 : f32
        %add3A_871 = arith.addf %add3A_672, %select_n3A_869 : f32
        %mul3A_872 = arith.constant 4 : i32
        %mul3A_873 = arith.muli %scan3A_279, %mul3A_872 : i32
        %add3A_874 = arith.constant 3 : i32
        %add3A_875 = arith.addi %mul3A_873, %add3A_874 : i32
        %get3A_876 = arith.constant 0 : i32
        %get3A_877 = arith.constant 0 : i32
        %get3A_878 = tpu.memref_slice %arg10[%scan3A_248, %get3A_876, %get3A_877] : memref<2x400x64xf32, #tpu.memory_space<vmem>> -> memref<1x400x64xf32, #tpu.memory_space<vmem>>
        %get3A_879 = tpu.memref_squeeze %get3A_878 : memref<1x400x64xf32, #tpu.memory_space<vmem>> -> memref<400x64xf32, #tpu.memory_space<vmem>>
        %get3A_880 = arith.index_cast %add3A_875 : i32 to index
        %get3A_881 = arith.constant 0 : index
        %get3A_882 = tpu.vector_load %get3A_879[%get3A_880, %get3A_881] {strides = array<i32>} : memref<400x64xf32, #tpu.memory_space<vmem>>, vector<16xf32>,
        %get3A_883 = arith.constant 0 : i32
        %get3A_884 = arith.constant 0 : i32
        %get3A_885 = tpu.memref_slice %arg10[%scan3A_248, %get3A_883, %get3A_884] : memref<2x400x64xf32, #tpu.memory_space<vmem>> -> memref<1x400x64xf32, #tpu.memory_space<vmem>>
        %get3A_886 = tpu.memref_squeeze %get3A_885 : memref<1x400x64xf32, #tpu.memory_space<vmem>> -> memref<400x64xf32, #tpu.memory_space<vmem>>
        %get3A_887 = arith.index_cast %add3A_875 : i32 to index
        %get3A_888 = arith.constant 16 : index
        %get3A_889 = tpu.vector_load %get3A_886[%get3A_887, %get3A_888] {strides = array<i32>} : memref<400x64xf32, #tpu.memory_space<vmem>>, vector<16xf32>,
        %get3A_890 = arith.constant 0 : i32
        %get3A_891 = arith.constant 0 : i32
        %get3A_892 = tpu.memref_slice %arg10[%scan3A_248, %get3A_890, %get3A_891] : memref<2x400x64xf32, #tpu.memory_space<vmem>> -> memref<1x400x64xf32, #tpu.memory_space<vmem>>
        %get3A_893 = tpu.memref_squeeze %get3A_892 : memref<1x400x64xf32, #tpu.memory_space<vmem>> -> memref<400x64xf32, #tpu.memory_space<vmem>>
        %get3A_894 = arith.index_cast %add3A_875 : i32 to index
        %get3A_895 = arith.constant 32 : index
        %get3A_896 = tpu.vector_load %get3A_893[%get3A_894, %get3A_895] {strides = array<i32>} : memref<400x64xf32, #tpu.memory_space<vmem>>, vector<16xf32>,
        %get3A_897 = arith.constant 0 : i32
        %get3A_898 = arith.constant 0 : i32
        %get3A_899 = tpu.memref_slice %arg10[%scan3A_248, %get3A_897, %get3A_898] : memref<2x400x64xf32, #tpu.memory_space<vmem>> -> memref<1x400x64xf32, #tpu.memory_space<vmem>>
        %get3A_900 = tpu.memref_squeeze %get3A_899 : memref<1x400x64xf32, #tpu.memory_space<vmem>> -> memref<400x64xf32, #tpu.memory_space<vmem>>
        %get3A_901 = arith.index_cast %add3A_875 : i32 to index
        %get3A_902 = arith.constant 48 : index
        %get3A_903 = tpu.vector_load %get3A_900[%get3A_901, %get3A_902] {strides = array<i32>} : memref<400x64xf32, #tpu.memory_space<vmem>>, vector<16xf32>,
        %mul3A_904 = arith.mulf %get3A_882, %get3A_223 : vector<16xf32>
        %add3A_905 = arith.addf %mul3A_904, %get3A_247 : vector<16xf32>
        %mul3A_906 = arith.mulf %get3A_889, %get3A_225 : vector<16xf32>
        %add3A_907 = arith.addf %add3A_905, %mul3A_906 : vector<16xf32>
        %mul3A_908 = arith.mulf %get3A_896, %get3A_227 : vector<16xf32>
        %mul3A_909 = arith.mulf %get3A_903, %get3A_229 : vector<16xf32>
        %add3A_910 = arith.addf %mul3A_908, %mul3A_909 : vector<16xf32>
        %add3A_911 = arith.addf %add3A_907, %add3A_910 : vector<16xf32>
        %add3A_912 = arith.addf %get3A_882, %get3A_889 : vector<16xf32>
        %add3A_913 = arith.addf %get3A_896, %get3A_903 : vector<16xf32>
        %add3A_914 = arith.addf %add3A_912, %add3A_913 : vector<16xf32>
        %mul3A_915 = arith.mulf %get3A_882, %get3A_882 : vector<16xf32>
        %mul3A_916 = arith.mulf %get3A_889, %get3A_889 : vector<16xf32>
        %add3A_917 = arith.addf %mul3A_915, %mul3A_916 : vector<16xf32>
        %mul3A_918 = arith.mulf %get3A_896, %get3A_896 : vector<16xf32>
        %mul3A_919 = arith.mulf %get3A_903, %get3A_903 : vector<16xf32>
        %add3A_920 = arith.addf %mul3A_918, %mul3A_919 : vector<16xf32>
        %add3A_921 = arith.addf %add3A_917, %add3A_920 : vector<16xf32>
        %reduce_sum3A_922 = arith.constant true
        %reduce_sum3A_923 = vector.broadcast %reduce_sum3A_922 : i1 to vector<16xi1>
        %reduce_sum3A_924 = tpu.scan <sum>, %add3A_911 masked %reduce_sum3A_923 : vector<16xf32>, vector<16xi1> -> vector<16xf32>
        %reduce_sum3A_925 = vector.extract %reduce_sum3A_924[15] : f32 from vector<16xf32>
        %reduce_sum3A_926 = arith.constant true
        %reduce_sum3A_927 = vector.broadcast %reduce_sum3A_926 : i1 to vector<16xi1>
        %reduce_sum3A_928 = tpu.scan <sum>, %add3A_914 masked %reduce_sum3A_927 : vector<16xf32>, vector<16xi1> -> vector<16xf32>
        %reduce_sum3A_929 = vector.extract %reduce_sum3A_928[15] : f32 from vector<16xf32>
        %reduce_sum3A_930 = arith.constant true
        %reduce_sum3A_931 = vector.broadcast %reduce_sum3A_930 : i1 to vector<16xi1>
        %reduce_sum3A_932 = tpu.scan <sum>, %add3A_921 masked %reduce_sum3A_931 : vector<16xf32>, vector<16xi1> -> vector<16xf32>
        %reduce_sum3A_933 = vector.extract %reduce_sum3A_932[15] : f32 from vector<16xf32>
        %gt3A_934 = arith.constant 0.000000e+00 : f32
        %gt3A_935 = arith.cmpf ogt, %reduce_sum3A_925, %gt3A_934 : f32
        %jit3A_936 = arith.constant 1.000000e+00 : f32
        %jit3A_937 = arith.constant 0.000000e+00 : f32
        %select_n3A_938 = arith.select %gt3A_935, %jit3A_936, %jit3A_937 : f32
        %mul3A_939 = arith.mulf %select_n3A_938, %reduce_sum3A_929 : f32
        %mul3A_940 = arith.constant 1.093750e-02 : f32
        %mul3A_941 = arith.mulf %mul3A_939, %mul3A_940 : f32
        %mul3A_942 = arith.mulf %select_n3A_938, %reduce_sum3A_933 : f32
        %mul3A_943 = arith.constant 7.656250e-03 : f32
        %mul3A_944 = arith.mulf %mul3A_942, %mul3A_943 : f32
        %mul3A_945 = arith.mulf %mul3A_941, %mul3A_941 : f32
        %sub3A_946 = arith.subf %mul3A_944, %mul3A_945 : f32
        %add3A_947 = arith.constant 9.99999974E-6 : f32
        %add3A_948 = arith.addf %sub3A_946, %add3A_947 : f32
        %bitcast_convert_type3A_949 = arith.bitcast %add3A_948 : f32 to i32
        %shift_right_logical3A_950 = arith.constant 1 : i32
        %shift_right_logical3A_951 = arith.shrui %bitcast_convert_type3A_949, %shift_right_logical3A_950 : i32
        %sub3A_952 = arith.constant 1597463007 : i32
        %sub3A_953 = arith.subi %sub3A_952, %shift_right_logical3A_951 : i32
        %bitcast_convert_type3A_954 = arith.bitcast %sub3A_953 : i32 to f32
        %mul3A_955 = arith.constant 5.000000e-01 : f32
        %mul3A_956 = arith.mulf %mul3A_955, %add3A_948 : f32
        %mul3A_957 = arith.mulf %mul3A_956, %bitcast_convert_type3A_954 : f32
        %mul3A_958 = arith.mulf %mul3A_957, %bitcast_convert_type3A_954 : f32
        %sub3A_959 = arith.constant 1.500000e+00 : f32
        %sub3A_960 = arith.subf %sub3A_959, %mul3A_958 : f32
        %mul3A_961 = arith.mulf %bitcast_convert_type3A_954, %sub3A_960 : f32
        %mul3A_962 = arith.constant 5.000000e-01 : f32
        %mul3A_963 = arith.mulf %mul3A_962, %add3A_948 : f32
        %mul3A_964 = arith.mulf %mul3A_963, %mul3A_961 : f32
        %mul3A_965 = arith.mulf %mul3A_964, %mul3A_961 : f32
        %sub3A_966 = arith.constant 1.500000e+00 : f32
        %sub3A_967 = arith.subf %sub3A_966, %mul3A_965 : f32
        %mul3A_968 = arith.mulf %mul3A_961, %sub3A_967 : f32
        %mul3A_969 = arith.constant 5.000000e-01 : f32
        %mul3A_970 = arith.mulf %mul3A_969, %add3A_948 : f32
        %mul3A_971 = arith.mulf %mul3A_970, %mul3A_968 : f32
        %mul3A_972 = arith.mulf %mul3A_971, %mul3A_968 : f32
        %sub3A_973 = arith.constant 1.500000e+00 : f32
        %sub3A_974 = arith.subf %sub3A_973, %mul3A_972 : f32
        %mul3A_975 = arith.mulf %mul3A_968, %sub3A_974 : f32
        %mul3A_976 = arith.constant 0.699999988 : f32
        %mul3A_977 = arith.mulf %mul3A_976, %select_n3A_938 : f32
        %mul3A_978 = arith.mulf %mul3A_977, %mul3A_975 : f32
        %broadcast_in_dim3A_979 = vector.broadcast %mul3A_978 : f32 to vector<16xf32>
        %mul3A_980 = arith.mulf %mul3A_941, %mul3A_975 : f32
        %broadcast_in_dim3A_981 = vector.broadcast %mul3A_980 : f32 to vector<16xf32>
        %mul3A_982 = arith.mulf %broadcast_in_dim3A_979, %get3A_882 : vector<16xf32>
        %sub3A_983 = arith.subf %mul3A_982, %broadcast_in_dim3A_981 : vector<16xf32>
        %mul3A_984 = arith.mulf %sub3A_983, %get3A_231 : vector<16xf32>
        %add3A_985 = arith.addf %mul3A_984, %get3A_239 : vector<16xf32>
        %mul3A_986 = arith.mulf %broadcast_in_dim3A_979, %get3A_889 : vector<16xf32>
        %sub3A_987 = arith.subf %mul3A_986, %broadcast_in_dim3A_981 : vector<16xf32>
        %mul3A_988 = arith.mulf %sub3A_987, %get3A_233 : vector<16xf32>
        %add3A_989 = arith.addf %mul3A_988, %get3A_241 : vector<16xf32>
        %mul3A_990 = arith.mulf %broadcast_in_dim3A_979, %get3A_896 : vector<16xf32>
        %sub3A_991 = arith.subf %mul3A_990, %broadcast_in_dim3A_981 : vector<16xf32>
        %mul3A_992 = arith.mulf %sub3A_991, %get3A_235 : vector<16xf32>
        %add3A_993 = arith.addf %mul3A_992, %get3A_243 : vector<16xf32>
        %mul3A_994 = arith.mulf %broadcast_in_dim3A_979, %get3A_903 : vector<16xf32>
        %sub3A_995 = arith.subf %mul3A_994, %broadcast_in_dim3A_981 : vector<16xf32>
        %mul3A_996 = arith.mulf %sub3A_995, %get3A_237 : vector<16xf32>
        %add3A_997 = arith.addf %mul3A_996, %get3A_245 : vector<16xf32>
        %mul3A_998 = arith.mulf %add3A_985, %add3A_985 : vector<16xf32>
        %mul3A_999 = arith.mulf %add3A_989, %add3A_989 : vector<16xf32>
        %add3A_1000 = arith.addf %mul3A_998, %mul3A_999 : vector<16xf32>
        %mul3A_1001 = arith.mulf %add3A_993, %add3A_993 : vector<16xf32>
        %mul3A_1002 = arith.mulf %add3A_997, %add3A_997 : vector<16xf32>
        %add3A_1003 = arith.addf %mul3A_1001, %mul3A_1002 : vector<16xf32>
        %add3A_1004 = arith.addf %add3A_1000, %add3A_1003 : vector<16xf32>
        %swap3A_1005 = arith.constant 0 : i32
        %swap3A_1006 = arith.constant 0 : i32
        %swap3A_1007 = tpu.memref_slice %arg11[%scan3A_249, %swap3A_1005, %swap3A_1006] : memref<2x400x64xf32, #tpu.memory_space<vmem>> -> memref<1x400x64xf32, #tpu.memory_space<vmem>>
        %swap3A_1008 = tpu.memref_squeeze %swap3A_1007 : memref<1x400x64xf32, #tpu.memory_space<vmem>> -> memref<400x64xf32, #tpu.memory_space<vmem>>
        %swap3A_1009 = arith.index_cast %add3A_875 : i32 to index
        %swap3A_1010 = arith.constant 0 : index
        %swap3A_1011 = tpu.vector_load %swap3A_1008[%swap3A_1009, %swap3A_1010] {strides = array<i32>} : memref<400x64xf32, #tpu.memory_space<vmem>>, vector<16xf32>,
        tpu.vector_store %swap3A_1008[%swap3A_1009, %swap3A_1010], %add3A_985 {strides = array<i32>} : memref<400x64xf32, #tpu.memory_space<vmem>>, vector<16xf32>,
        %swap3A_1012 = arith.constant 0 : i32
        %swap3A_1013 = arith.constant 0 : i32
        %swap3A_1014 = tpu.memref_slice %arg11[%scan3A_249, %swap3A_1012, %swap3A_1013] : memref<2x400x64xf32, #tpu.memory_space<vmem>> -> memref<1x400x64xf32, #tpu.memory_space<vmem>>
        %swap3A_1015 = tpu.memref_squeeze %swap3A_1014 : memref<1x400x64xf32, #tpu.memory_space<vmem>> -> memref<400x64xf32, #tpu.memory_space<vmem>>
        %swap3A_1016 = arith.index_cast %add3A_875 : i32 to index
        %swap3A_1017 = arith.constant 16 : index
        %swap3A_1018 = tpu.vector_load %swap3A_1015[%swap3A_1016, %swap3A_1017] {strides = array<i32>} : memref<400x64xf32, #tpu.memory_space<vmem>>, vector<16xf32>,
        tpu.vector_store %swap3A_1015[%swap3A_1016, %swap3A_1017], %add3A_989 {strides = array<i32>} : memref<400x64xf32, #tpu.memory_space<vmem>>, vector<16xf32>,
        %swap3A_1019 = arith.constant 0 : i32
        %swap3A_1020 = arith.constant 0 : i32
        %swap3A_1021 = tpu.memref_slice %arg11[%scan3A_249, %swap3A_1019, %swap3A_1020] : memref<2x400x64xf32, #tpu.memory_space<vmem>> -> memref<1x400x64xf32, #tpu.memory_space<vmem>>
        %swap3A_1022 = tpu.memref_squeeze %swap3A_1021 : memref<1x400x64xf32, #tpu.memory_space<vmem>> -> memref<400x64xf32, #tpu.memory_space<vmem>>
        %swap3A_1023 = arith.index_cast %add3A_875 : i32 to index
        %swap3A_1024 = arith.constant 32 : index
        %swap3A_1025 = tpu.vector_load %swap3A_1022[%swap3A_1023, %swap3A_1024] {strides = array<i32>} : memref<400x64xf32, #tpu.memory_space<vmem>>, vector<16xf32>,
        tpu.vector_store %swap3A_1022[%swap3A_1023, %swap3A_1024], %add3A_993 {strides = array<i32>} : memref<400x64xf32, #tpu.memory_space<vmem>>, vector<16xf32>,
        %swap3A_1026 = arith.constant 0 : i32
        %swap3A_1027 = arith.constant 0 : i32
        %swap3A_1028 = tpu.memref_slice %arg11[%scan3A_249, %swap3A_1026, %swap3A_1027] : memref<2x400x64xf32, #tpu.memory_space<vmem>> -> memref<1x400x64xf32, #tpu.memory_space<vmem>>
        %swap3A_1029 = tpu.memref_squeeze %swap3A_1028 : memref<1x400x64xf32, #tpu.memory_space<vmem>> -> memref<400x64xf32, #tpu.memory_space<vmem>>
        %swap3A_1030 = arith.index_cast %add3A_875 : i32 to index
        %swap3A_1031 = arith.constant 48 : index
        %swap3A_1032 = tpu.vector_load %swap3A_1029[%swap3A_1030, %swap3A_1031] {strides = array<i32>} : memref<400x64xf32, #tpu.memory_space<vmem>>, vector<16xf32>,
        tpu.vector_store %swap3A_1029[%swap3A_1030, %swap3A_1031], %add3A_997 {strides = array<i32>} : memref<400x64xf32, #tpu.memory_space<vmem>>, vector<16xf32>,
        %reduce_sum3A_1033 = arith.constant true
        %reduce_sum3A_1034 = vector.broadcast %reduce_sum3A_1033 : i1 to vector<16xi1>
        %reduce_sum3A_1035 = tpu.scan <sum>, %add3A_1004 masked %reduce_sum3A_1034 : vector<16xf32>, vector<16xi1> -> vector<16xf32>
        %reduce_sum3A_1036 = vector.extract %reduce_sum3A_1035[15] : f32 from vector<16xf32>
        %gt3A_1037 = arith.constant 0.000000e+00 : f32
        %gt3A_1038 = arith.cmpf ogt, %reduce_sum3A_1036, %gt3A_1037 : f32
        %bitcast_convert_type3A_1039 = arith.bitcast %reduce_sum3A_1036 : f32 to i32
        %shift_right_logical3A_1040 = arith.constant 1 : i32
        %shift_right_logical3A_1041 = arith.shrui %bitcast_convert_type3A_1039, %shift_right_logical3A_1040 : i32
        %sub3A_1042 = arith.constant 1597463007 : i32
        %sub3A_1043 = arith.subi %sub3A_1042, %shift_right_logical3A_1041 : i32
        %bitcast_convert_type3A_1044 = arith.bitcast %sub3A_1043 : i32 to f32
        %mul3A_1045 = arith.constant 5.000000e-01 : f32
        %mul3A_1046 = arith.mulf %mul3A_1045, %reduce_sum3A_1036 : f32
        %mul3A_1047 = arith.mulf %mul3A_1046, %bitcast_convert_type3A_1044 : f32
        %mul3A_1048 = arith.mulf %mul3A_1047, %bitcast_convert_type3A_1044 : f32
        %sub3A_1049 = arith.constant 1.500000e+00 : f32
        %sub3A_1050 = arith.subf %sub3A_1049, %mul3A_1048 : f32
        %mul3A_1051 = arith.mulf %bitcast_convert_type3A_1044, %sub3A_1050 : f32
        %mul3A_1052 = arith.constant 5.000000e-01 : f32
        %mul3A_1053 = arith.mulf %mul3A_1052, %reduce_sum3A_1036 : f32
        %mul3A_1054 = arith.mulf %mul3A_1053, %mul3A_1051 : f32
        %mul3A_1055 = arith.mulf %mul3A_1054, %mul3A_1051 : f32
        %sub3A_1056 = arith.constant 1.500000e+00 : f32
        %sub3A_1057 = arith.subf %sub3A_1056, %mul3A_1055 : f32
        %mul3A_1058 = arith.mulf %mul3A_1051, %sub3A_1057 : f32
        %mul3A_1059 = arith.constant 5.000000e-01 : f32
        %mul3A_1060 = arith.mulf %mul3A_1059, %reduce_sum3A_1036 : f32
        %mul3A_1061 = arith.mulf %mul3A_1060, %mul3A_1058 : f32
        %mul3A_1062 = arith.mulf %mul3A_1061, %mul3A_1058 : f32
        %sub3A_1063 = arith.constant 1.500000e+00 : f32
        %sub3A_1064 = arith.subf %sub3A_1063, %mul3A_1062 : f32
        %mul3A_1065 = arith.mulf %mul3A_1058, %sub3A_1064 : f32
        %mul3A_1066 = arith.mulf %reduce_sum3A_1036, %mul3A_1065 : f32
        %jit3A_1067 = arith.constant 0.000000e+00 : f32
        %select_n3A_1068 = arith.select %gt3A_1038, %mul3A_1066, %jit3A_1067 : f32
        %add3A_1069 = arith.addf %add3A_870, %select_n3A_938 : f32
        %add3A_1070 = arith.addf %add3A_871, %select_n3A_1068 : f32
        scf.yield %add3A_1069, %add3A_1070 : f32, f32
      }
      %scan3A_255 = arith.constant 100 : i32
      %mul3A_256 = arith.constant 400 : i32
      %mul3A_257 = arith.muli %add3A_197, %mul3A_256 : i32
      %add3A_258 = arith.addi %mul3A_2, %mul3A_257 : i32
      %dma_start3A_259 = arith.constant 1 : i32
      %dma_start3A_260 = arith.constant 0 : i32
      %dma_start3A_261 = arith.constant 0 : i32
      %dma_start3A_262 = tpu.memref_slice %arg11[%dma_start3A_259, %dma_start3A_260, %dma_start3A_261] : memref<2x400x64xf32, #tpu.memory_space<vmem>> -> memref<1x400x64xf32, #tpu.memory_space<vmem>>
      %dma_start3A_263 = tpu.memref_squeeze %dma_start3A_262 : memref<1x400x64xf32, #tpu.memory_space<vmem>> -> memref<400x64xf32, #tpu.memory_space<vmem>>
      %dma_start3A_264 = arith.constant 0 : i32
      %dma_start3A_265 = tpu.memref_slice %arg6[%add3A_258, %dma_start3A_264] : memref<204800x64xf32, #tpu.memory_space<hbm>> -> memref<400x64xf32, #tpu.memory_space<hbm>>
      %dma_start3A_266 = arith.constant 0 : i32
      %dma_start3A_267 = tpu.memref_slice %arg6[%add3A_258, %dma_start3A_266] : memref<204800x64xf32, #tpu.memory_space<hbm>> -> memref<400x64xf32, #tpu.memory_space<hbm>>
      %dma_start3A_268 = arith.constant 0 : i32
      %dma_start3A_269 = arith.constant 0 : i32
      %dma_start3A_270 = tpu.memref_slice %arg11[%dma_start3A_259, %dma_start3A_268, %dma_start3A_269] : memref<2x400x64xf32, #tpu.memory_space<vmem>> -> memref<1x400x64xf32, #tpu.memory_space<vmem>>
      %dma_start3A_271 = tpu.memref_squeeze %dma_start3A_270 : memref<1x400x64xf32, #tpu.memory_space<vmem>> -> memref<400x64xf32, #tpu.memory_space<vmem>>
      tpu.enqueue_dma source(%dma_start3A_271 : memref<400x64xf32, #tpu.memory_space<vmem>>) target(%dma_start3A_267 : memref<400x64xf32, #tpu.memory_space<hbm>>) target_semaphore(%arg19 : memref<!tpu.dma_semaphore, #tpu.memory_space<semaphore_mem>>)
      %add3A_272 = arith.constant 2 : i32
      %add3A_273 = arith.addi %add3A_197, %add3A_272 : i32
      %lt3A_274 = arith.constant 16 : i32
      %lt3A_275 = arith.cmpi slt, %add3A_273, %lt3A_274 : i32
      %convert_element_type3A_276 = arith.extui %lt3A_275 : i1 to i32
      %cond3A_277 = arith.constant 0 : i32
      %cond3A_278 = arith.cmpi ne, %convert_element_type3A_276, %cond3A_277 : i32
      scf.if %cond3A_278 {
        %add3A_279 = arith.constant 2 : i32
        %add3A_280 = arith.addi %add3A_197, %add3A_279 : i32
        %mul3A_281 = arith.constant 400 : i32
        %mul3A_282 = arith.muli %add3A_280, %mul3A_281 : i32
        %add3A_283 = arith.addi %mul3A_2, %mul3A_282 : i32
        %run_scoped3A_284 = arith.constant 1 : i32
        "tpu.region"() ({
          %run_scoped3A_305 = tpu.sem_alloc : memref<!tpu.dma_semaphore, #tpu.memory_space<semaphore_mem>>
          %dma_start3A_306 = arith.constant 0 : i32
          %dma_start3A_307 = tpu.memref_slice %arg8[%run_scoped3A_284, %dma_start3A_306] : memref<2x400xi32, #tpu.memory_space<vmem>> -> memref<1x400xi32, #tpu.memory_space<vmem>>
          %dma_start3A_308 = tpu.memref_squeeze %dma_start3A_307 : memref<1x400xi32, #tpu.memory_space<vmem>> -> memref<400xi32, #tpu.memory_space<vmem>>
          %dma_start3A_309 = tpu.memref_slice %arg2[%add3A_283] : memref<204800xi32, #tpu.memory_space<hbm>> -> memref<400xi32, #tpu.memory_space<hbm>>
          %dma_start3A_310 = arith.constant 0 : i32
          %dma_start3A_311 = tpu.memref_slice %arg8[%run_scoped3A_284, %dma_start3A_310] : memref<2x400xi32, #tpu.memory_space<vmem>> -> memref<1x400xi32, #tpu.memory_space<vmem>>
          %dma_start3A_312 = tpu.memref_squeeze %dma_start3A_311 : memref<1x400xi32, #tpu.memory_space<vmem>> -> memref<400xi32, #tpu.memory_space<vmem>>
          %dma_start3A_313 = tpu.memref_slice %arg2[%add3A_283] : memref<204800xi32, #tpu.memory_space<hbm>> -> memref<400xi32, #tpu.memory_space<hbm>>
          tpu.enqueue_dma source(%dma_start3A_313 : memref<400xi32, #tpu.memory_space<hbm>>) target(%dma_start3A_312 : memref<400xi32, #tpu.memory_space<vmem>>) target_semaphore(%run_scoped3A_305 : memref<!tpu.dma_semaphore, #tpu.memory_space<semaphore_mem>>)
          %dma_wait3A_314 = arith.constant 0 : i32
          %dma_wait3A_315 = tpu.memref_slice %arg8[%run_scoped3A_284, %dma_wait3A_314] : memref<2x400xi32, #tpu.memory_space<vmem>> -> memref<1x400xi32, #tpu.memory_space<vmem>>
          %dma_wait3A_316 = tpu.memref_squeeze %dma_wait3A_315 : memref<1x400xi32, #tpu.memory_space<vmem>> -> memref<400xi32, #tpu.memory_space<vmem>>
          %dma_wait3A_317 = tpu.memref_slice %arg2[%add3A_283] : memref<204800xi32, #tpu.memory_space<hbm>> -> memref<400xi32, #tpu.memory_space<hbm>>
          %dma_wait3A_318 = arith.constant 0 : i32
          %dma_wait3A_319 = tpu.memref_slice %arg8[%run_scoped3A_284, %dma_wait3A_318] : memref<2x400xi32, #tpu.memory_space<vmem>> -> memref<1x400xi32, #tpu.memory_space<vmem>>
          %dma_wait3A_320 = tpu.memref_squeeze %dma_wait3A_319 : memref<1x400xi32, #tpu.memory_space<vmem>> -> memref<400xi32, #tpu.memory_space<vmem>>
          %dma_wait3A_321 = tpu.memref_slice %arg2[%add3A_283] : memref<204800xi32, #tpu.memory_space<hbm>> -> memref<400xi32, #tpu.memory_space<hbm>>
          tpu.wait_dma2 semaphore(%run_scoped3A_305 : memref<!tpu.dma_semaphore, #tpu.memory_space<semaphore_mem>>) src(%dma_wait3A_321 : memref<400xi32, #tpu.memory_space<hbm>>) dst(%dma_wait3A_320 : memref<400xi32, #tpu.memory_space<vmem>>)
          tpu.yield
        }) : () -> ()
        %scan3A_285 = arith.constant 0 : i32
        %scan3A_286 = arith.constant 0 : i32
        %scan3A_287 = arith.constant 25 : i32
        %scan3A_288 = arith.addi %scan3A_286, %scan3A_287 : i32
        %scan3A_289 = arith.constant 1 : i32
        scf.for %scan3A_305 = %scan3A_286 to %scan3A_288 step %scan3A_289  : i32 {
          %mul3A_306 = arith.constant 16 : i32
          %mul3A_307 = arith.muli %scan3A_305, %mul3A_306 : i32
          %get3A_308 = arith.constant 1 : i32
          %get3A_309 = arith.index_cast %get3A_308 : i32 to index
          %get3A_310 = arith.index_cast %mul3A_307 : i32 to index
          %get3A_311 = tpu.vector_load %arg8[%get3A_309, %get3A_310] {strides = array<i32>} : memref<2x400xi32, #tpu.memory_space<vmem>>, vector<16xi32>,
          %mul3A_312 = arith.constant 31 : i32
          %mul3A_313 = vector.broadcast %mul3A_312 : i32 to vector<16xi32>
          %mul3A_314 = arith.muli %get3A_311, %mul3A_313 : vector<16xi32>
          %jit3A = arith.constant 10000 : i32
          %eq3A = arith.constant 0 : i32
          %eq3A_315 = arith.cmpi eq, %jit3A, %eq3A : i32
          %jit3A_316 = arith.constant 1 : i32
          %select_n3A = arith.select %eq3A_315, %jit3A_316, %jit3A : i32
          %rem3A = vector.broadcast %select_n3A : i32 to vector<16xi32>
          %rem3A_317 = arith.remsi %mul3A_314, %rem3A : vector<16xi32>
          %ne3A = arith.constant 0 : i32
          %ne3A_318 = vector.broadcast %ne3A : i32 to vector<16xi32>
          %ne3A_319 = arith.cmpi ne, %rem3A_317, %ne3A_318 : vector<16xi32>
          %lt3A_320 = arith.constant 0 : i32
          %lt3A_321 = vector.broadcast %lt3A_320 : i32 to vector<16xi32>
          %lt3A_322 = arith.cmpi slt, %rem3A_317, %lt3A_321 : vector<16xi32>
          %lt3A_323 = arith.constant 0 : i32
          %lt3A_324 = arith.cmpi slt, %select_n3A, %lt3A_323 : i32
          %ne3A_325 = vector.broadcast %lt3A_324 : i1 to vector<16xi1>
          %ne3A_326 = vector.broadcast %ne3A_325 : vector<16xi1> to vector<16xi1>
          %ne3A_327 = arith.xori %lt3A_322, %ne3A_326 : vector<16xi1>
          %and3A = arith.andi %ne3A_327, %ne3A_319 : vector<16xi1>
          %add3A_328 = vector.broadcast %select_n3A : i32 to vector<16xi32>
          %add3A_329 = arith.addi %rem3A_317, %add3A_328 : vector<16xi32>
          %select_n3A_330 = arith.select %and3A, %add3A_329, %rem3A_317 : vector<16xi1>, vector<16xi32>
          %mul3A_331 = arith.constant 16 : i32
          %mul3A_332 = arith.muli %scan3A_305, %mul3A_331 : i32
          %swap3A_333 = arith.constant 1 : i32
          %swap3A_334 = arith.index_cast %swap3A_333 : i32 to index
          %swap3A_335 = arith.index_cast %mul3A_332 : i32 to index
          %swap3A_336 = tpu.vector_load %arg9[%swap3A_334, %swap3A_335] {strides = array<i32>} : memref<2x400xi32, #tpu.memory_space<vmem>>, vector<16xi32>,
          tpu.vector_store %arg9[%swap3A_334, %swap3A_335], %select_n3A_330 {strides = array<i32>} : memref<2x400xi32, #tpu.memory_space<vmem>>, vector<16xi32>,
        }
        %scan3A_290 = arith.constant 25 : i32
        %add3A_291 = arith.constant 2 : i32
        %add3A_292 = arith.addi %add3A_197, %add3A_291 : i32
        %dma_start3A_293 = arith.constant 1 : i32
        %dma_start3A_294 = arith.constant 1 : i32
        %dma_start3A_295 = arith.constant 0 : i32
        %dma_start3A_296 = arith.constant 0 : i32
        %dma_start3A_297 = tpu.memref_slice %arg10[%dma_start3A_294, %dma_start3A_295, %dma_start3A_296] : memref<2x400x64xf32, #tpu.memory_space<vmem>> -> memref<1x400x64xf32, #tpu.memory_space<vmem>>
        %dma_start3A_298 = tpu.memref_squeeze %dma_start3A_297 : memref<1x400x64xf32, #tpu.memory_space<vmem>> -> memref<400x64xf32, #tpu.memory_space<vmem>>
        %dma_start3A_299 = arith.constant 0 : i32
        %dma_start3A_300 = tpu.memref_slice %arg8[%dma_start3A_293, %dma_start3A_299] : memref<2x400xi32, #tpu.memory_space<vmem>> -> memref<1x400xi32, #tpu.memory_space<vmem>>
        %dma_start3A_301 = tpu.memref_squeeze %dma_start3A_300 : memref<1x400xi32, #tpu.memory_space<vmem>> -> memref<400xi32, #tpu.memory_space<vmem>>
        %dma_start3A_302 = arith.constant 0 : i32
        %dma_start3A_303 = arith.constant 0 : i32
        %dma_start3A_304 = tpu.memref_slice %arg3[%dma_start3A_302, %dma_start3A_303] : memref<1000000x64xf32, #tpu.memory_space<hbm>> -> memref<1000000x64xf32, #tpu.memory_space<hbm>>
        tpu.enqueue_indirect_dma source(%dma_start3A_304 : memref<1000000x64xf32, #tpu.memory_space<hbm>>) target(%dma_start3A_298 : memref<400x64xf32, #tpu.memory_space<vmem>>) offsets(%dma_start3A_301 : memref<400xi32, #tpu.memory_space<vmem>>) semaphore(%arg15 : memref<!tpu.dma_semaphore, #tpu.memory_space<semaphore_mem>>)
      } else {
      }
      scf.yield %scan3A_254#0, %scan3A_254#1 : f32, f32
    }
    %scan3A_72 = arith.constant 8 : i32
    %add3A_73 = arith.constant 5600 : i32
    %add3A_74 = arith.addi %mul3A_2, %add3A_73 : i32
    %dma_wait3A_75 = arith.constant 0 : i32
    %dma_wait3A_76 = arith.constant 0 : i32
    %dma_wait3A_77 = arith.constant 0 : i32
    %dma_wait3A_78 = tpu.memref_slice %arg11[%dma_wait3A_75, %dma_wait3A_76, %dma_wait3A_77] : memref<2x400x64xf32, #tpu.memory_space<vmem>> -> memref<1x400x64xf32, #tpu.memory_space<vmem>>
    %dma_wait3A_79 = tpu.memref_squeeze %dma_wait3A_78 : memref<1x400x64xf32, #tpu.memory_space<vmem>> -> memref<400x64xf32, #tpu.memory_space<vmem>>
    %dma_wait3A_80 = arith.constant 0 : i32
    %dma_wait3A_81 = tpu.memref_slice %arg6[%add3A_74, %dma_wait3A_80] : memref<204800x64xf32, #tpu.memory_space<hbm>> -> memref<400x64xf32, #tpu.memory_space<hbm>>
    %dma_wait3A_82 = arith.constant 0 : i32
    %dma_wait3A_83 = tpu.memref_slice %arg6[%add3A_74, %dma_wait3A_82] : memref<204800x64xf32, #tpu.memory_space<hbm>> -> memref<400x64xf32, #tpu.memory_space<hbm>>
    %dma_wait3A_84 = arith.constant 0 : i32
    %dma_wait3A_85 = arith.constant 0 : i32
    %dma_wait3A_86 = tpu.memref_slice %arg11[%dma_wait3A_75, %dma_wait3A_84, %dma_wait3A_85] : memref<2x400x64xf32, #tpu.memory_space<vmem>> -> memref<1x400x64xf32, #tpu.memory_space<vmem>>
    %dma_wait3A_87 = tpu.memref_squeeze %dma_wait3A_86 : memref<1x400x64xf32, #tpu.memory_space<vmem>> -> memref<400x64xf32, #tpu.memory_space<vmem>>
    tpu.wait_dma2 semaphore(%arg18 : memref<!tpu.dma_semaphore, #tpu.memory_space<semaphore_mem>>) src(%dma_wait3A_87 : memref<400x64xf32, #tpu.memory_space<vmem>>) dst(%dma_wait3A_83 : memref<400x64xf32, #tpu.memory_space<hbm>>)
    %add3A_88 = arith.constant 6000 : i32
    %add3A_89 = arith.addi %mul3A_2, %add3A_88 : i32
    %dma_wait3A_90 = arith.constant 1 : i32
    %dma_wait3A_91 = arith.constant 0 : i32
    %dma_wait3A_92 = arith.constant 0 : i32
    %dma_wait3A_93 = tpu.memref_slice %arg11[%dma_wait3A_90, %dma_wait3A_91, %dma_wait3A_92] : memref<2x400x64xf32, #tpu.memory_space<vmem>> -> memref<1x400x64xf32, #tpu.memory_space<vmem>>
    %dma_wait3A_94 = tpu.memref_squeeze %dma_wait3A_93 : memref<1x400x64xf32, #tpu.memory_space<vmem>> -> memref<400x64xf32, #tpu.memory_space<vmem>>
    %dma_wait3A_95 = arith.constant 0 : i32
    %dma_wait3A_96 = tpu.memref_slice %arg6[%add3A_89, %dma_wait3A_95] : memref<204800x64xf32, #tpu.memory_space<hbm>> -> memref<400x64xf32, #tpu.memory_space<hbm>>
    %dma_wait3A_97 = arith.constant 0 : i32
    %dma_wait3A_98 = tpu.memref_slice %arg6[%add3A_89, %dma_wait3A_97] : memref<204800x64xf32, #tpu.memory_space<hbm>> -> memref<400x64xf32, #tpu.memory_space<hbm>>
    %dma_wait3A_99 = arith.constant 0 : i32
    %dma_wait3A_100 = arith.constant 0 : i32
    %dma_wait3A_101 = tpu.memref_slice %arg11[%dma_wait3A_90, %dma_wait3A_99, %dma_wait3A_100] : memref<2x400x64xf32, #tpu.memory_space<vmem>> -> memref<1x400x64xf32, #tpu.memory_space<vmem>>
    %dma_wait3A_102 = tpu.memref_squeeze %dma_wait3A_101 : memref<1x400x64xf32, #tpu.memory_space<vmem>> -> memref<400x64xf32, #tpu.memory_space<vmem>>
    tpu.wait_dma2 semaphore(%arg19 : memref<!tpu.dma_semaphore, #tpu.memory_space<semaphore_mem>>) src(%dma_wait3A_102 : memref<400x64xf32, #tpu.memory_space<vmem>>) dst(%dma_wait3A_98 : memref<400x64xf32, #tpu.memory_space<hbm>>)
    %broadcast_in_dim3A = vector.broadcast %scan3A_71#0 : f32 to vector<16xf32>
    %swap3A = arith.constant 0 : index
    %swap3A_103 = tpu.vector_load %arg13[%swap3A] {strides = array<i32>} : memref<32xf32, #tpu.memory_space<vmem>>, vector<16xf32>,
    tpu.vector_store %arg13[%swap3A], %broadcast_in_dim3A {strides = array<i32>} : memref<32xf32, #tpu.memory_space<vmem>>, vector<16xf32>,
    %broadcast_in_dim3A_104 = vector.broadcast %scan3A_71#1 : f32 to vector<16xf32>
    %swap3A_105 = arith.constant 16 : index
    %swap3A_106 = tpu.vector_load %arg13[%swap3A_105] {strides = array<i32>} : memref<32xf32, #tpu.memory_space<vmem>>, vector<16xf32>,
    tpu.vector_store %arg13[%swap3A_105], %broadcast_in_dim3A_104 {strides = array<i32>} : memref<32xf32, #tpu.memory_space<vmem>>, vector<16xf32>,
    %mul3A_107 = arith.constant 2 : i32
    %mul3A_108 = arith.muli %add3A, %mul3A_107 : i32
    %mul3A_109 = arith.constant 16 : i32
    %mul3A_110 = arith.muli %mul3A_108, %mul3A_109 : i32
    "tpu.region"() ({
      %run_scoped3A_111 = tpu.sem_alloc : memref<!tpu.dma_semaphore, #tpu.memory_space<semaphore_mem>>
      %dma_start3A_112 = tpu.memref_slice %arg7[%mul3A_110] : memref<1024xf32, #tpu.memory_space<hbm>> -> memref<32xf32, #tpu.memory_space<hbm>>
      %dma_start3A_113 = tpu.memref_slice %arg7[%mul3A_110] : memref<1024xf32, #tpu.memory_space<hbm>> -> memref<32xf32, #tpu.memory_space<hbm>>
      tpu.enqueue_dma source(%arg13 : memref<32xf32, #tpu.memory_space<vmem>>) target(%dma_start3A_113 : memref<32xf32, #tpu.memory_space<hbm>>) target_semaphore(%run_scoped3A_111 : memref<!tpu.dma_semaphore, #tpu.memory_space<semaphore_mem>>)
      %dma_wait3A_114 = tpu.memref_slice %arg7[%mul3A_110] : memref<1024xf32, #tpu.memory_space<hbm>> -> memref<32xf32, #tpu.memory_space<hbm>>
      %dma_wait3A_115 = tpu.memref_slice %arg7[%mul3A_110] : memref<1024xf32, #tpu.memory_space<hbm>> -> memref<32xf32, #tpu.memory_space<hbm>>
      tpu.wait_dma2 semaphore(%run_scoped3A_111 : memref<!tpu.dma_semaphore, #tpu.memory_space<semaphore_mem>>) src(%arg13 : memref<32xf32, #tpu.memory_space<vmem>>) dst(%dma_wait3A_115 : memref<32xf32, #tpu.memory_space<hbm>>)
      tpu.yield
    }) : () -> ()
    return
  }
}

</mosaic_0001>

<sc_bundles>
// kernel: kernel.3.cloned.1.call-start
scs
__scs_entry_jumppad:
0x0: {  	(pc) =	sbr.rel $0x88, $3  }
0x1: {  	(tag) =	ssettag $0x0;
	lr =	simm.s32 $0x1  }
0x2: {  	[smem:$0x3F9A] =	sst lr;
	_ =	strace $0xD0000000  }
0x3: {  	_ = 	snop  }
0x4: {  	_ = 	snop  }
0x5: {  	_ = 	snop  }
0x6: {  	_ = 	snop  }
0x7: {  	_ = 	snop  }
__scs_overlays_trampoline_lowered:
0x8: {  	[smem:$0x3FA9] =	sst s0  }
0x9: {  	[smem:$0x3FAA] =	sst s1  }
0xa: {  	[smem:$0x3FAB] =	sst s2  }
0xb: {  	[smem:$0x3FAC] =	sst s3  }
0xc: {  	[smem:$0x3FAD] =	sst s4  }
0xd: {  	[smem:$0x3FAE] =	sst s5  }
0xe: {  	[smem:$0x3FAF] =	sst s6  }
0xf: {  	[smem:$0x3FB0] =	sst s7  }
0x10: {  	[smem:$0x3FB1] =	sst s8  }
0x11: {  	[smem:$0x3FB2] =	sst s9;
	s0 =	simm.s32 @!p0 $0x0  }
0x12: {  	s1 =	sld [smem:$0x3F98];
	s0 =	simm.s32 @p0 $0x1  }
0x13: {  	[smem:$0x3FB3] =	sst s0;
	s0 =	simm.s32 @!p1 $0x0  }
0x14: {  	s2 =	sld [smem:$0x3F97];
	s0 =	simm.s32 @p1 $0x1  }
0x15: {  	[smem:$0x3FB4] =	sst s0;
	s0 =	simm.s32 @!p2 $0x0  }
0x16: {  	s3 =	sld [smem:$0x3FDB];
	s0 =	simm.s32 @p2 $0x1  }
0x17: {  	s4 =	simm.s32 $0x1BF5;
	[smem:$0x3FB6] =	sst s0  }
0x18: {  	s0 =	sld [smem:$0x3F99];
	_ =	swait.ge [sflag:s4], $0x0  }
0x19: {  	s7 =	sld [smem:$0x3F9A]  }
0x1a: {  	s8 =	sadd.s32 $0xFFFFE003, lr  }
0x1b: {  	s9 =	sadd.s32 $0xFFFFFEF7, lr;
	s5 =	simm.s32 $0xFFFFFFFF;
	p2 =	slt.u32 s8, $0xFFFFF086  }
0x1c: {  	p1 =	slt.u32 s9, $0xF7A;
	s5 =	simm.s32 @!p2 $0x0  }
0x1d: {  	s5 =	simm.s32 @p1 $0x1;
	p0 =	seq.s32 s7, s2  }
0x1e: {  	s7 =	smul.u32 @!p0 $0xF7A, s2;
	p2 =	seq.s32 @!p0 s5, $0x0  }
0x1f: {  	s9 =	smul.u32 $0xF7A, s1;
	s8 =	simm.s32 @!p0 $0x1BF5;
	p2 =	por !p2, p0  }
0x20: {  	[sflag:s8] =	ssyncset.s32 @!p0 $0xFFFFF086;
	s6 =	sadd.s32 @!p0 s3, s7;
	s7 =	simm.s32 @!p0 $0x108  }
0x21: {  	s3 =	sadd.s32 s3, s9;
	s6 =	sadd.s32 @!p0 $0x88, s6;
	s7 =	simm.s32 @p2 $0x1082  }
0x22: {  	[simem:s7], [sflag:s8] =	dma.local @!p0 [hbm:s6], $0xF7A  }
0x23: {  	s9 =	sor.u32 $0xD0000000, s2;
	s6 =	simm.s32 $0x108;
	_ =	swait.ge @!p0 [sflag:s8], $0x0  }
0x24: {  	s3 =	sadd.s32 $0x88, s3;
	s6 =	simm.s32 @!p1 $0x1082;
	[sflag:s4] =	ssyncset.s32 $0xFFFFF086  }
0x25: {  	[simem:s6], [sflag:s4] =	dma.local [hbm:s3], $0xF7A  }
0x26: {  	[smem:$0x3F9A] =	sst s1;
	(tag) =	ssettag s2;
	_ =	strace s9  }
0x27: {  	s1 =	sld [smem:$0x3FAA]  }
0x28: {  	s2 =	sld [smem:$0x3FAB]  }
0x29: {  	s4 =	sld [smem:$0x3FAD]  }
0x2a: {  	p0 =	seq.s32 s5, $0x0;
	s5 =	sld [smem:$0x3FAE]  }
0x2b: {  	s6 =	sld [smem:$0x3FAF]  }
0x2c: {  	s7 =	sld [smem:$0x3FB0]  }
0x2d: {  	s3 =	simm.s32 $0x108;
	s8 =	sld [smem:$0x3FB1]  }
0x2e: {  	s3 =	simm.s32 @!p0 $0x1082;
	s9 =	sld [smem:$0x3FB2]  }
0x2f: {  	lr =	sadd.s32 s0, s3;
	s0 =	sld [smem:$0x3FA9]  }
0x30: {  	s3 =	sld [smem:$0x3FAC]  }
0x31: {  	[smem:$0x3FB5] =	sst s10  }
0x32: {  	s10 =	sld [smem:$0x3FB3];
	_ =	sdelay $0x3  }
0x33: {  	p0 =	seq.s32 s10, $0x1;
	s10 =	sld [smem:$0x3FB5];
	_ =	sdelay $0x3  }
0x34: {  	[smem:$0x3FB5] =	sst s10  }
0x35: {  	s10 =	sld [smem:$0x3FB4];
	_ =	sdelay $0x3  }
0x36: {  	p1 =	seq.s32 s10, $0x1;
	s10 =	sld [smem:$0x3FB5];
	_ =	sdelay $0x3  }
0x37: {  	[smem:$0x3FB5] =	sst s10  }
0x38: {  	s10 =	sld [smem:$0x3FB6]  }
0x39: {  	_ = 	snop;
	(pc) =	sbr.ind lr, $3  }
0x3a: {  	_ = 	snop  }
0x3b: {  	_ = 	snop  }
0x3c: {  	p2 =	seq.s32 s10, $0x1;
	s10 =	sld [smem:$0x3FB5]  }
0x3d: {  	_ =	shalt  }
0x3e: {  	_ =	shalt  }
0x3f: {  	_ =	shalt  }
0x40: {  	_ =	shalt  }
0x41: {  	_ =	shalt  }
0x42: {  	_ =	shalt  }
0x43: {  	_ =	shalt  }
0x44: {  	_ =	shalt  }
0x45: {  	_ =	shalt  }
0x46: {  	_ =	shalt  }
0x47: {  	_ =	shalt  }
0x48: {  	_ =	shalt  }
0x49: {  	_ =	shalt  }
0x4a: {  	_ =	shalt  }
0x4b: {  	_ =	shalt  }
0x4c: {  	_ =	shalt  }
0x4d: {  	_ =	shalt  }
0x4e: {  	_ =	shalt  }
0x4f: {  	_ =	shalt  }
0x50: {  	_ =	shalt  }
0x51: {  	_ =	shalt  }
0x52: {  	_ =	shalt  }
0x53: {  	_ =	shalt  }
0x54: {  	_ =	shalt  }
0x55: {  	_ =	shalt  }
0x56: {  	_ =	shalt  }
0x57: {  	_ =	shalt  }
0x58: {  	_ =	shalt  }
0x59: {  	_ =	shalt  }
0x5a: {  	_ =	shalt  }
0x5b: {  	_ =	shalt  }
0x5c: {  	_ =	shalt  }
0x5d: {  	_ =	shalt  }
0x5e: {  	_ =	shalt  }
0x5f: {  	_ =	shalt  }
0x60: {  	_ =	shalt  }
0x61: {  	_ =	shalt  }
0x62: {  	_ =	shalt  }
0x63: {  	_ =	shalt  }
0x64: {  	_ =	shalt  }
0x65: {  	_ =	shalt  }
0x66: {  	_ =	shalt  }
0x67: {  	_ =	shalt  }
0x68: {  	_ =	shalt  }
0x69: {  	_ =	shalt  }
0x6a: {  	_ =	shalt  }
0x6b: {  	_ =	shalt  }
0x6c: {  	_ =	shalt  }
0x6d: {  	_ =	shalt  }
0x6e: {  	_ =	shalt  }
0x6f: {  	_ =	shalt  }
0x70: {  	_ =	shalt  }
0x71: {  	_ =	shalt  }
0x72: {  	_ =	shalt  }
0x73: {  	_ =	shalt  }
0x74: {  	_ =	shalt  }
0x75: {  	_ =	shalt  }
0x76: {  	_ =	shalt  }
0x77: {  	_ =	shalt  }
0x78: {  	_ =	shalt  }
0x79: {  	_ =	shalt  }
0x7a: {  	_ =	shalt  }
0x7b: {  	_ =	shalt  }
0x7c: {  	_ =	shalt  }
0x7d: {  	_ =	shalt  }
0x7e: {  	_ =	shalt  }
0x7f: {  	_ =	shalt  }
0x80: {  	_ =	shalt  }
0x81: {  	_ =	shalt  }
0x82: {  	_ =	shalt  }
0x83: {  	_ =	shalt  }
0x84: {  	_ =	shalt  }
0x85: {  	_ =	shalt  }
0x86: {  	_ =	shalt  }
0x87: {  	_ =	shalt  }
.Lfunc_end0:
.L_simem_size_0:
called_computation.1_lowered:
.L_overlay_start_0:
0x88: {  	s2 =	sld [smem:$0x3FD9]  }
0x89: {  	s3 =	sld [smem:$0x3FFE];
	_ =	sdelay $0x1  }
0x8a: {  	s1 =	srdreg.scid  }
0x8b: {  	s0 =	sand.u32 $0x1, s1  }
0x8c: {  	s14 =	sshll.u32 s0, $0xA;
	s2 =	sadd.s32 s3, s2  }
0x8d: {  	s2 =	sadd.s32 s2, s14  }
0x8e: {  	[smem:$0x3FC1] =	sst s2  }
0x8f: {  	_ = 	snop  }
0x90: {  	s2 =	sld [smem:$0x3FD0];
	_ =	sdelay $0x2  }
0x91: {  	s15 =	simm.s32 $0xA;
	s4 =	simm.s32 $0x10  }
0x92: {  	[smem:s4], [sflag:s15] =	dma.local [hbm:s2], $0x1  }
0x93: {  	_ =	swait.eq [sflag:s15], $0x1  }
0x94: {  	[sflag:s15] =	ssyncset.done $0x0  }
0x95: {  	[sflag:s15] =	ssyncadd.s32 $0xFFFFFFFF  }
0x96: {  	s16 =	sld [smem:$0x10];
	(tm) =	ssettm $0x1  }
0x97: {  	s17 =	sld [smem:$0x3FFB];
	_ =	sdelay $0x3  }
0x98: {  	_ =	strace s17  }
0x99: {  	s3 =	sld [smem:$0x3FFC];
	_ =	sdelay $0x3  }
0x9a: {  	_ =	strace s3  }
0x9b: {  	s3 =	sld [smem:$0x3FFD];
	_ =	sdelay $0x3  }
0x9c: {  	_ =	strace s3  }
0x9d: {  	_ =	strace $0x8FFFFFFF  }
0x9e: {  	s18 =	sld [smem:$0x3FDB];
	_ =	sdelay $0x1  }
0x9f: {  	s19 =	simm.s32 $_scs_section_size  }
0xa0: {  	s5 =	simm.s32 $_size__tile_overlayer_lowered;
	s6 =	simm.s32 $_tile_overlayer_lowered  }
0xa1: {  	s22 =	simm.s32 $0x1BFF;
	s21 =	sshll.u32 s6, $0x1;
	s3 =	sadd.s32 s19, s18  }
0xa2: {  	s7 =	simm.s32 $0x0;
	s20 =	sshll.u32 s5, $0x1;
	s5 =	sadd.s32 s21, s3  }
0xa3: {  	[timem:s7], [sflag:s22] =	dma.local [hbm:s5], s20  }
0xa4: {  	_ =	swait.ge [sflag:s22], s20  }
0xa5: {  	s4 =	ssub.s32 $0x0, s20;
	[sflag:s22] =	ssyncset.done $0x0  }
0xa6: {  	[sflag:s22] =	ssyncadd.s32 s4;
	_ =	sdelay $0x1  }
0xa7: {  	s23 =	simm.s32 $0x1B8B  }
0xa8: {  	_ =	swait.ge [sflag:s23], $0x1  }
0xa9: {  	[sflag:s23] =	ssyncset.done $0x0  }
0xaa: {  	s25 =	simm.s32 $0x1B8E;
	s24 =	sld [smem:$0x3FFE];
	[sflag:s23] =	ssyncadd.s32 $0xFFFFFFFF  }
0xab: {  	s26 =	simm.s32 $execute0_lowered;
	[smem:$0x3FD2] =	sst s25  }
0xac: {  	s5 =	sshll.u32 s26, $0x1;
	_ =	strace $0x80000046;
	[dreg:$0x1] =	wrdreg $0xFFFFFFFF  }
0xad: {  	s28 =	simm.s32 $_size_execute0_lowered;
	s3 =	sadd.s32 s3, s5;
	[dreg:$0x0] =	wrdreg $0x0  }
0xae: {  	s5 =	sshll.u32 s28, $0x1;
	[dreg:$0x2] =	wrdreg s3  }
0xaf: {  	[dreg:$0x3] =	wrdreg s5  }
0xb0: {  	[dreg:$0x4] =	wrdreg $0xC0  }
0xb1: {  	_ =	task [dreg:s7], $0x5FFFF  }
0xb2: {  	[dreg:$0x1] =	wrdreg $0xFFFFFFFF  }
0xb3: {  	[dreg:$0x0] =	wrdreg $0x60  }
0xb4: {  	[dreg:$0x2] =	wrdreg s24  }
0xb5: {  	[dreg:$0x3] =	wrdreg s16  }
0xb6: {  	[dreg:$0x4] =	wrdreg $0x9  }
0xb7: {  	_ =	task.clear_ibuf [dreg:s7], $0x5FFFF;
	_ =	strace $0x90000046  }
0xb8: {  	s29 =	simm.s32 $0x9;
	_ =	strace $0x80000048  }
0xb9: {  	_ =	swait.ge [sflag:s29], $0x1  }
0xba: {  	[sflag:s29] =	ssyncadd.s32 $0xFFFFFFFF  }
0xbb: {  	_ =	strace $0x90000048  }
0xbc: {  	_ =	sfence  }
0xbd: {  	s30 =	sld [smem:$0x0];
	_ =	sdelay $0x2  }
0xbe: {  	s31 =	sshll.u32 s1, $0xD;
	s1 =	sshrl.u32 s1, $0x2  }
0xbf: {  	s3 =	sand.u32 $0x4000, s31;
	s1 =	sadd.s32 s1, s30  }
0xc0: {  	s0 =	sor.u32 s3, s0;
	s1 =	sshll.u32 s1, $0x11  }
0xc1: {  	s0 =	sor.u32 s1, s0  }
0xc2: {  	s0 =	sadd.s32 $0x8F2B, s0  }
0xc3: {  	[sflag:s0] =	ssyncadd.remote.s32 $0x1  }
0xc4: {  	_ =	sfence.sel $0xFFFF  }
0xc5: {  	[dreg:$0x0] =	wrdreg $0xFFFFFFFF;
	(pc) =	sbr.abs _section_cstart, $3  }
0xc6: {  	[dreg:$0x1] =	wrdreg $0xFFFFFFFF  }
0xc7: {  	_ =	task.clear_ibuf [dreg:s7], $0x2FFFF;
	_ =	strace $0x9FFFFFFF  }
0xc8: {  	(tm) =	ssettm $0x7FFFFFFF  }
0xc9: {  	_ =	shalt  }
tec
execute0_lowered:
.L_overlay_start_1:
0x0: {  	(tag) =	ssettag $0x1  }
0x1: {  	s0 =	rddreg [dreg:$0x0];
	s6 =	simm.s32 $0x0;
	s1 =	srdreg.scid  }
0x2: {  	s2 =	stileid.u32;
	[smem:$0x7FF] =	sst s6  }
0x3: {  	s1 =	sand.u32 $0x1, s1;
	s2 =	sshll.u32 s2, $0x1;
	s3 =	sadd.s32 $0xF43400, s0  }
0x4: {  	s22 =	sadd.s32 $0x1000, s0;
	_ =	strace $0x80000047;
	[smem:$0x7F2] =	sst s3  }
0x5: {  	s23 =	sadd.s32 $0x1AE00, s0;
	s2 =	sor.u32 s1, s2;
	[smem:$0x7F3] =	sst s22  }
0x6: {  	s5 =	sadd.s32 $0x14A00, s0;
	[smem:$0x7F4] =	sst s23;
	s7 =	smul.u32 $0x1900, s2  }
0x7: {  	s1 =	ssub.s32 $0x2, s1;
	[smem:$0x7F7] =	sst s5;
	s2 =	sshll.u32 s2, $0x2  }
0x8: {  	s24 =	sshrl.u32 s1, $0x1;
	s4 =	sadd.s32 $0x190, s7;
	[smem:$0x7FA] =	sst s7  }
0x9: {  	v0 =	vimm.s32 $0xECA86420;
	vm0 =	vcmask $0xB08;
	s0 =	sadd.s32 s2, s0;
	s29 =	sadd.s32 $0x320, s7;
	[smem:$0x7F5] =	sst s4  }
0xa: {  	vm1 =	vcmask $0x1310;
	vm2 =	vcmask $0x1B18;
	vm3 =	vcmask $0x300;
	s1 =	ssub.s32 s1, s24;
	s30 =	sadd.s32 $0x4B0, s7;
	[smem:$0x7F9] =	sst s29  }
.Ltmp0:
0xb: {  	vm4 =	vcmask $0x2320;
	vm5 =	vcmask $0x2B28;
	vm6 =	vcmask $0x3330;
	s0 =	sadd.s32 $0x1B000, s0;
	[smem:$0x7FB] =	sst s30;
	(pc) =	sbr.rel .LBB2_1-.Ltmp0, $4  }
0xc: {  	vm7 =	vcmask $0x3B38;
	v1 =	vlaneseq.u32;
	vm8 =	vmmov $0xff;
	s25 =	sshrl.u32 s7, $0x3;
	s31 =	smax.u32 s1, $0x1;
	[smem:$0x7FC] =	sst s0  }
0xd: {  	vm9 =	vcmask $0x704;
	vm11 =	vcmask $0x1714;
	v0 =	vunpack.c.l.s4.s8 v0;
	s4 =	sshrl.u32 s4, $0x3;
	s26 =	sadd.s32 s5, s25;
	[smem:$0x7FD] =	sst s31  }
0xe: {  	vm12 =	vcmask $0x1F1C;
	vm13 =	vcmask $0x2724;
	vm14 =	vcmask $0x2F2C;
	[smem:$0x7F6] =	sst s26;
	s28 =	sadd.s32 s5, s4  }
0xf: {  	vm15 =	vcmask $0x3734;
	v1 =	vmul.u32 $0x2, v1;
	v0 =	vunpack.c.0.s8.s32 v0;
	s2 =	simm.s32 $0x7;
	s1 =	simm.s32 $0x0;
	[smem:$0x7F8] =	sst s28  }
.LBB2_20:
0x10: {  	s0 =	simm.s32 $0x5  }
0x11: {  	_ =	swait.ge [sflag:s0], $0x6400  }
0x12: {  	[sflag:s0] =	ssyncset.done $0x0  }
0x13: {  	s26 =	simm.s32 $0x6;
	[sflag:s0] =	ssyncadd.s32 $0xFFFF9C00  }
0x14: {  	_ =	swait.ge [sflag:s26], $0x6400  }
0x15: {  	[sflag:s26] =	ssyncset.done $0x0  }
0x16: {  	v2 =	vmov s3;
	s28 =	sld [smem:$0x7FC];
	[sflag:s26] =	ssyncadd.s32 $0xFFFF9C00  }
0x17: {  	[tilespmem:$0x19710] =	vst v2;
	v2 =	vmov s1  }
0x18: {  	s29 =	simm.s32 $0x19710;
	s2 =	simm.s32 $0x7;
	[tilespmem:$0x19720] =	vst v2  }
0x19: {  	[hbm4b:s28+s6] =	stream.linear.scatter [tilespmem:s29], [sflag:$0x7], $0x20, $0x38;
	[tilespmem:$0x19730] =	vst v63  }
0x1a: {  	_ =	swait.ge [sflag:s2], $0x20  }
0x1b: {  	s30 =	sld [smem:$0x7EC]  }
0x1c: {  	s31 =	sld [smem:$0x7FD];
	_ =	sdelay $0x1  }
0x1d: {  	s1 =	sadd.s32 $0x1, s30  }
0x1e: {  	p0 =	sne.s32 s1, s31  }
.Ltmp1:
0x1f: {  	_ = 	snop;
	(pc) =	sbr.rel @!p0 .LBB2_21-.Ltmp1, $3  }
0x20: {  	_ =	sdelay $0x1  }
0x21: {  	vm12 =	vcmask $0x1F1C;
	vm14 =	vcmask $0x2F2C;
	[sflag:s2] =	ssyncset.done $0x0  }
0x22: {  	vm3 =	vcmask $0x300;
	vm5 =	vcmask $0x2B28;
	vm7 =	vcmask $0x3B38;
	[sflag:s2] =	ssyncadd.s32 $0xFFFFFFE0  }
.LBB2_1:
0x23: {  	s0 =	sld [smem:$0x7F4];
	_ =	sdelay $0x1  }
0x24: {  	[smem:$0x7EC] =	sst s1;
	s11 =	simm.s32 $0x19640  }
0x25: {  	[tilespmem:s11], [sflag:$0x7] =	stream.linear.gather [hbm4b:s0+s6], $0xD0, $0x38;
	[tilespmem:$0x19730] =	vst v63  }
0x26: {  	_ =	swait.ge [sflag:s2], $0xD0  }
0x27: {  	s12 =	sld [smem:$0x7F6]  }
0x28: {  	[sflag:s2] =	ssyncset.done $0x0  }
0x29: {  	[sflag:s2] =	ssyncadd.s32 $0xFFFFFF30  }
0x2a: {  	[tilespmem:s6], [sflag:$0x7] =	stream.linear.gather [hbm4b:s12+s6], $0x190, $0x38;
	[tilespmem:$0x19730] =	vst v63  }
0x2b: {  	_ =	swait.ge [sflag:s2], $0x190  }
0x2c: {  	[sflag:s2] =	ssyncset.done $0x0  }
0x2d: {  	s13 =	simm.s32 $0x0;
	[sflag:s2] =	ssyncadd.s32 $0xFFFFFE70  }
0x2e: {  	v2 =	vld [tilespmem:s13+$0x0];
	_ =	sdelay $0x4  }
0x2f: {  	v2 =	vmul.u32 $0x1F, v2;
	_ =	sdelay $0x1  }
0x30: {  	(v2sf) =	vpush v2, $0x0  }
0x31: {  	(v2sf) =	vpush v2, $0x7;
	_ =	sdelay $0x1  }
0x32: {  	(v2sf) =	vpush v2, $0x1  }
0x33: {  	(v2sf) =	vpush v2, $0x2;
	_ =	sdelay $0x1  }
0x34: {  	(v2sf) =	vpush v2, $0x5;
	_ =	sdelay $0x1  }
0x35: {  	(v2sf) =	vpush v2, $0x3  }
0x36: {  	(v2sf) =	vpush v2, $0x4;
	_ =	sdelay $0x1  }
0x37: {  	(v2sf) =	vpush v2, $0xC  }
0x38: {  	(v2sf) =	vpush v2, $0x8;
	_ =	sdelay $0x1  }
0x39: {  	(v2sf) =	vpush v2, $0x9  }
0x3a: {  	(v2sf) =	vpush v2, $0x6;
	s15 =	spop (v2sf)  }
0x3b: {  	s14 =	simm.s32 $0x0;
	s16 =	spop (v2sf);
	s20 =	smulhi.u32 $0x68DB8BAD, s15  }
0x3c: {  	[dreg:$0x7] =	wrdreg s14;
	(v2sf) =	vpush v2, $0xD;
	s19 =	smulhi.u32 $0x68DB8BAD, s16;
	s1 =	sshra.s32 s16, $0x1F  }
0x3d: {  	(v2sf) =	vpush v2, $0xE;
	s17 =	spop (v2sf);
	s1 =	smul.u32 $0x68DB8BAD, s1  }
0x3e: {  	(v2sf) =	vpush v2, $0xA;
	s3 =	spop (v2sf);
	s7 =	smulhi.u32 $0x68DB8BAD, s17  }
0x3f: {  	[smem:$0x7EF] =	sst s20;
	s2 =	sshra.s32 s17, $0x1F;
	s8 =	smulhi.u32 $0x68DB8BAD, s3  }
0x40: {  	s4 =	spop (v2sf);
	s11 =	smul.u32 $0x68DB8BAD, s2  }
0x41: {  	(v2sf) =	vpush v2, $0xF;
	s3 =	sshra.s32 s3, $0x1F;
	s5 =	sshra.s32 s4, $0x1F;
	s4 =	smulhi.u32 $0x68DB8BAD, s4  }
0x42: {  	s24 =	simm.s32 $0x10;
	s21 =	spop (v2sf);
	s13 =	smul.u32 $0x68DB8BAD, s3  }
0x43: {  	s0 =	sshra.s32 s15, $0x1F;
	(v2sf) =	vpush v2, $0xB;
	s18 =	smul.u32 $0x68DB8BAD, s5;
	s9 =	spop (v2sf)  }
0x44: {  	s2 =	smulhi.u32 $0x68DB8BAD, s21;
	[smem:$0x7ED] =	sst s4;
	s22 =	sshra.s32 s9, $0x1F  }
0x45: {  	s6 =	sshra.s32 s21, $0x1F;
	s10 =	spop (v2sf);
	s5 =	smul.u32 $0x68DB8BAD, s22  }
0x46: {  	s16 =	sadd.s32 s13, s8;
	s12 =	spop (v2sf);
	s25 =	smulhi.u32 $0x68DB8BAD, s10  }
0x47: {  	[smem:$0x7EE] =	sst s18;
	s23 =	sshra.s32 s10, $0x1F;
	s17 =	smulhi.u32 $0x68DB8BAD, s12  }
0x48: {  	s14 =	spop (v2sf);
	s12 =	sshra.s32 s12, $0x1F;
	s18 =	smul.u32 $0x68DB8BAD, s23  }
0x49: {  	s23 =	sadd.s32 s11, s7;
	s11 =	simm.s32 $0x10;
	s15 =	spop (v2sf)  }
0x4a: {  	s4 =	sadd.s32 s1, s19;
	[dreg:$0x12] =	wrdreg s11;
	s12 =	smul.u32 $0x68DB8BAD, s12  }
0x4b: {  	s30 =	sshra.s32 s4, $0x1F;
	s3 =	smulhi.u32 $0x68DB8BAD, s15;
	s22 =	spop (v2sf)  }
0x4c: {  	s7 =	sadd.s32 s18, s25;
	s25 =	sshra.s32 s15, $0x1F;
	s21 =	spop (v2sf)  }
0x4d: {  	v3 =	vld [tilespmem:s24+$0x0];
	s31 =	sshra.s32 s14, $0x1F;
	s8 =	smul.u32 $0x68DB8BAD, s25;
	s20 =	spop (v2sf)  }
0x4e: {  	s28 =	sshrl.u32 s23, $0x1F;
	s26 =	sshra.s32 s20, $0x1F;
	s19 =	smulhi.u32 $0x68DB8BAD, s20  }
0x4f: {  	s18 =	sshra.s32 s16, $0xC;
	s12 =	sadd.s32 s12, s17;
	s20 =	smul.u32 $0x68DB8BAD, s26  }
0x50: {  	s17 =	sshra.s32 s23, $0x1F;
	s1 =	spop (v2sf);
	s26 =	smulhi.u32 $0x68DB8BAD, s14  }
0x51: {  	s25 =	sshrl.u32 s12, $0x1F;
	s29 =	sshra.s32 s22, $0x1F;
	s13 =	smulhi.u32 $0x68DB8BAD, s1  }
0x52: {  	v3 =	vmul.u32 $0x1F, v3;
	s11 =	spop (v2sf);
	s1 =	sshra.s32 s1, $0x1F;
	s14 =	smul.u32 $0x68DB8BAD, s0  }
0x53: {  	s0 =	sshra.s32 s21, $0x1F;
	s24 =	sshra.s32 s11, $0x1F;
	s15 =	sadd.s32 s20, s19  }
0x54: {  	(v2sf) =	vpush v3, $0x0;
	s10 =	smul.u32 $0x68DB8BAD, s24;
	s19 =	sshra.s32 s4, $0xC;
	s4 =	sshrl.u32 s4, $0x1F  }
0x55: {  	(v2sf) =	vpush v3, $0x7;
	s24 =	sshra.s32 s12, $0xC;
	s12 =	smulhi.u32 $0x68DB8BAD, s9;
	[dreg:$0x11] =	wrdreg s19  }
0x56: {  	(v2sf) =	vpush v3, $0x1;
	s9 =	sshra.s32 s23, $0xC;
	s23 =	sshra.s32 s7, $0xC;
	[smem:$0x7F0] =	sst s4  }
0x57: {  	(v2sf) =	vpush v3, $0x2;
	s20 =	sshrl.u32 s15, $0x1F;
	s4 =	simm.s32 $0x80;
	[dreg:$0x1c] =	wrdreg s23  }
0x58: {  	vm10 =	vcmask $0xF0C;
	(v2sf) =	vpush v3, $0x5;
	s23 =	sshra.s32 s16, $0x1F;
	[smem:$0x7F1] =	sst s20;
	s20 =	sshra.s32 s15, $0xC  }
.LBB2_2:
0x59: {  	s11 =	smulhi.u32 $0x68DB8BAD, s11  }
0x5a: {  	s12 =	sadd.s32 s5, s12;
	s19 =	rddreg [dreg:$0x7];
	s31 =	smul.u32 $0x68DB8BAD, s31  }
0x5b: {  	s5 =	rddreg [dreg:$0x12];
	s8 =	sadd.s32 s8, s3;
	s3 =	smulhi.u32 $0x68DB8BAD, s22  }
0x5c: {  	v4 =	vmov s30;
	s30 =	sld [smem:$0x7EE];
	v7 =	vmov s24;
	s24 =	smul.u32 $0x68DB8BAD, s0  }
0x5d: {  	s15 =	smov.u32 s19;
	s19 =	smov.u32 s5;
	s5 =	sld [smem:$0x7EF]  }
0x5e: {  	s7 =	sshrl.u32 s7, $0x1F;
	s1 =	smul.u32 $0x68DB8BAD, s1;
	[smem:$0x7EA] =	sst s15  }
0x5f: {  	s21 =	smulhi.u32 $0x68DB8BAD, s21;
	p0 =	sne.s32 s4, $0x600;
	[dreg:$0x7] =	wrdreg s19  }
0x60: {  	s19 =	smov.u32 s4;
	s26 =	sadd.s32 s31, s26;
	s1 =	sadd.s32 s1, s13  }
0x61: {  	(v2sf) =	vpush v3, $0x3;
	s19 =	smul.u32 $0x68DB8BAD, s6;
	s6 =	sshra.s32 s12, $0xC;
	s14 =	sadd.s32 s14, s5  }
0x62: {  	(v2sf) =	vpush v3, $0x4;
	s5 =	sadd.s32 s10, s11;
	s10 =	sshra.s32 s12, $0x1F;
	s12 =	sshrl.u32 s12, $0x1F  }
0x63: {  	s19 =	sadd.s32 s19, s2;
	s15 =	sshra.s32 s14, $0xC;
	s2 =	sld [smem:$0x7ED]  }
0x64: {  	v5 =	vmov s25;
	s11 =	sshra.s32 s14, $0x1F;
	s14 =	sshrl.u32 s14, $0x1F;
	s0 =	sshrl.u32 s5, $0x1F;
	v4 =	vsel vm3, s15, v4  }
0x65: {  	(v2sf) =	vpush v3, $0xC;
	v6 =	vmov s14;
	s15 =	sshrl.u32 s16, $0x1F;
	s25 =	sshrl.u32 s19, $0x1F;
	s16 =	sshrl.u32 s8, $0x1F;
	v4 =	vsel vm9, s11, v4  }
0x66: {  	s14 =	sshra.s32 s8, $0x1F;
	s11 =	sshra.s32 s19, $0xC;
	v6 =	vnsel vm3, $0x0, v6;
	s30 =	sadd.s32 s30, s2;
	v4 =	vsel vm0, s9, v4  }
0x67: {  	(v2sf) =	vpush v3, $0x8;
	s2 =	sshra.s32 s5, $0xC;
	v6 =	vsel vm0, s28, v6;
	s9 =	sshra.s32 s30, $0x1F;
	v4 =	vsel vm10, s17, v4;
	s17 =	sshra.s32 s19, $0x1F  }
0x68: {  	s19 =	sshra.s32 s8, $0xC;
	s22 =	sshrl.u32 s30, $0x1F;
	v6 =	vsel vm1, s15, v6;
	v4 =	vsel vm1, s18, v4;
	s8 =	spop (v2sf)  }
0x69: {  	(v2sf) =	vpush v3, $0x9;
	v6 =	vsel vm2, s25, v6;
	s25 =	smul.u32 $0x68DB8BAD, s29;
	v4 =	vsel vm11, s23, v4;
	s23 =	sshrl.u32 s26, $0x1F;
	s15 =	spop (v2sf)  }
0x6a: {  	v6 =	vsel vm4, s12, v6;
	s26 =	sshra.s32 s26, $0xC;
	s12 =	sadd.s32 s24, s21;
	s24 =	sld [smem:$0x7F0]  }
0x6b: {  	v4 =	vsel vm2, s11, v4;
	s11 =	sshra.s32 s8, $0x1F;
	v5 =	vsel vm0, s23, v5;
	s23 =	sshra.s32 s15, $0x1F;
	s15 =	smulhi.u32 $0x68DB8BAD, s15  }
0x6c: {  	(v2sf) =	vpush v3, $0x6;
	s18 =	sshra.s32 s30, $0xC;
	v6 =	vsel vm5, s22, v6;
	v7 =	vsel vm0, s26, v7;
	s8 =	smulhi.u32 $0x68DB8BAD, s8;
	[smem:$0x7EB] =	sst s11  }
0x6d: {  	s3 =	sadd.s32 s25, s3;
	v4 =	vsel vm12, s17, v4;
	s17 =	spop (v2sf);
	v6 =	vsel vm6, s16, v6;
	v7 =	vsel vm1, s20, v7;
	s20 =	sld [smem:$0x7F1]  }
0x6e: {  	(v2sf) =	vpush v3, $0xD;
	v4 =	vsel vm4, s6, v4;
	s11 =	sshra.s32 s17, $0x1F;
	s22 =	spop (v2sf);
	v6 =	vsel vm7, s24, v6;
	s24 =	rddreg [dreg:$0x11]  }
0x6f: {  	v7 =	vsel vm2, s2, v7;
	s2 =	sshra.s32 s1, $0xC;
	[smem:$0x7EF] =	sst s8;
	v4 =	vsel vm13, s10, v4;
	s16 =	spop (v2sf)  }
0x70: {  	s17 =	smulhi.u32 $0x68DB8BAD, s17;
	s5 =	sshra.s32 s22, $0x1F;
	v4 =	vsel vm5, s18, v4;
	s18 =	spop (v2sf)  }
0x71: {  	(v2sf) =	vpush v3, $0xE;
	s26 =	sshra.s32 s16, $0x1F;
	s10 =	smulhi.u32 $0x68DB8BAD, s16;
	v4 =	vsel vm14, s9, v4;
	s9 =	spop (v2sf)  }
0x72: {  	s21 =	smul.u32 $0x68DB8BAD, s26;
	s26 =	rddreg [dreg:$0x1c];
	s13 =	sshra.s32 s9, $0x1F  }
0x73: {  	(v2sf) =	vpush v3, $0xA;
	[smem:$0x7ED] =	sst s10;
	s10 =	sshrl.u32 s1, $0x1F;
	v8 =	vmov s26;
	s26 =	smul.u32 $0x68DB8BAD, s11  }
0x74: {  	v4 =	vsel vm6, s19, v4;
	s1 =	spop (v2sf);
	s19 =	sshra.s32 s12, $0xC;
	s11 =	smul.u32 $0x68DB8BAD, s5  }
0x75: {  	s12 =	sshrl.u32 s12, $0x1F;
	v4 =	vsel vm15, s14, v4;
	[smem:$0x7EE] =	sst s21;
	s14 =	smul.u32 $0x68DB8BAD, s23  }
0x76: {  	(v2sf) =	vpush v3, $0xF;
	v5 =	vsel vm1, s20, v5;
	s16 =	spop (v2sf);
	s20 =	sshra.s32 s1, $0x1F;
	s5 =	smul.u32 $0x68DB8BAD, s13  }
0x77: {  	(v2sf) =	vpush v3, $0xB;
	s21 =	sshrl.u32 s3, $0x1F;
	s3 =	sshra.s32 s3, $0xC;
	v4 =	vsel vm7, s24, v4;
	s24 =	smulhi.u32 $0x68DB8BAD, s22  }
0x78: {  	v9 =	vmov s7;
	s8 =	sshra.s32 s16, $0x1F;
	s23 =	spop (v2sf);
	v8 =	vsel vm0, s3, v8;
	s7 =	smul.u32 $0x68DB8BAD, s20  }
0x79: {  	s20 =	sadd.s32 s26, s17;
	v8 =	vsel vm1, s19, v8;
	s19 =	sshra.s32 s4, $0x2;
	s26 =	smulhi.u32 $0x68DB8BAD, s23  }
0x7a: {  	v9 =	vsel vm0, s21, v9;
	s14 =	sadd.s32 s14, s15;
	s15 =	sadd.s32 $0x40, s4;
	s4 =	smulhi.u32 $0x68DB8BAD, s1  }
0x7b: {  	s6 =	sshra.s32 s18, $0x1F;
	s25 =	spop (v2sf);
	v9 =	vsel vm1, s12, v9;
	s8 =	smul.u32 $0x68DB8BAD, s8  }
0x7c: {  	v5 =	vsel vm2, s0, v5;
	s31 =	sshra.s32 s23, $0x1F;
	s28 =	sshrl.u32 s20, $0x1F;
	v9 =	vsel vm2, s10, v9;
	v8 =	vsel vm2, s2, v8;
	s2 =	smulhi.u32 $0x68DB8BAD, s18  }
0x7d: {  	s22 =	spop (v2sf);
	s18 =	smulhi.u32 $0x68DB8BAD, s16;
	s16 =	sadd.s32 s11, s24;
	v5 =	vcombine.low v5, v9;
	v7 =	vcombine.low v7, v8  }
0x7e: {  	v6 =	vperm.xlane v6, v1;
	v4 =	vperm.xlane v4, v1;
	[dreg:$0x12] =	wrdreg s19;
	s3 =	smulhi.u32 $0x68DB8BAD, s25;
	s30 =	sshra.s32 s14, $0x1F  }
0x7f: {  	v63 =	vld [tilespmem:s19+$0x0];
	s19 =	sshra.s32 s25, $0x1F;
	s24 =	sshra.s32 s14, $0xC;
	s25 =	sshrl.u32 s14, $0x1F;
	v5 =	vperm.xlane v5, v0;
	v7 =	vperm.xlane v7, v0  }
0x80: {  	s29 =	sshra.s32 s22, $0x1F;
	s21 =	spop (v2sf);
	[dreg:$0x11] =	wrdreg s24  }
0x81: {  	s7 =	sadd.s32 s7, s4;
	[smem:$0x7F0] =	sst s25;
	s23 =	sshra.s32 s16, $0x1F;
	v5 =	vsel vm8, v6, v5;
	v4 =	vsel vm8, v4, v7  }
0x82: {  	s8 =	sadd.s32 s8, s18;
	s14 =	sshra.s32 s7, $0xC;
	s10 =	spop (v2sf);
	v4 =	vadd.s32 v5, v4  }
0x83: {  	s18 =	sld [smem:$0x7EA];
	s12 =	sshra.s32 s10, $0x1F;
	s4 =	smulhi.u32 $0x68DB8BAD, s10;
	v4 =	vmul.u32 $0x2710, v4  }
0x84: {  	s0 =	sshra.s32 s21, $0x1F;
	[dreg:$0x1c] =	wrdreg s14;
	s12 =	smul.u32 $0x68DB8BAD, s12  }
0x85: {  	s25 =	sshrl.u32 s8, $0x1F;
	s24 =	sshra.s32 s8, $0xC;
	s13 =	spop (v2sf);
	v4 =	vsub.s32 v2, v4;
	v2 =	vmov v3;
	v3 =	vmul.u32 $0x1F, v63  }
0x86: {  	s4 =	sadd.s32 s12, s4;
	s12 =	smulhi.u32 $0x68DB8BAD, s9;
	s11 =	spop (v2sf)  }
.Ltmp2:
0x87: {  	s9 =	sshra.s32 s20, $0xC;
	s17 =	sshra.s32 s11, $0x1F;
	(v2sf) =	vpush v3, $0x0;
	(pc) =	sbr.rel @p0 .LBB2_2-.Ltmp2, $4  }
0x88: {  	vm9 =	vlt.s32 v4, $0x0;
	v5 =	vadd.s32 $0x2710, v4;
	s10 =	smul.u32 $0x68DB8BAD, s17;
	s17 =	sshra.s32 s20, $0x1F;
	s20 =	sld [smem:$0x7EB];
	(v2sf) =	vpush v3, $0x7  }
0x89: {  	s8 =	smul.u32 $0x68DB8BAD, s19;
	s1 =	sshra.s32 s13, $0x1F;
	s19 =	sshrl.u32 s4, $0x1F;
	v4 =	vsel vm9, v5, v4;
	(v2sf) =	vpush v3, $0x1  }
0x8a: {  	s13 =	smulhi.u32 $0x68DB8BAD, s13;
	[smem:$0x7F1] =	sst s19;
	[tilespmem:s18+$0x320] =	vst v4;
	s18 =	sshra.s32 s16, $0xC;
	(v2sf) =	vpush v3, $0x2  }
0x8b: {  	vm9 =	vcmask $0x704;
	s14 =	smul.u32 $0x68DB8BAD, s20;
	s20 =	sshra.s32 s4, $0xC;
	s4 =	smov.u32 s15;
	(v2sf) =	vpush v3, $0x5  }
0x8c: {  	_ = 	snop  }
0x8d: {  	s4 =	smulhi.u32 $0x68DB8BAD, s11  }
0x8e: {  	s19 =	smul.u32 $0x68DB8BAD, s6  }
0x8f: {  	(v2sf) =	vpush v3, $0x3;
	s6 =	smul.u32 $0x68DB8BAD, s31;
	[smem:$0x7C8] =	sst s4  }
0x90: {  	s11 =	smulhi.u32 $0x68DB8BAD, s22;
	[smem:$0x7C9] =	sst s19  }
0x91: {  	s0 =	smul.u32 $0x68DB8BAD, s0;
	(v2sf) =	vpush v3, $0x4;
	[smem:$0x7CA] =	sst s6  }
0x92: {  	s15 =	smul.u32 $0x68DB8BAD, s1;
	[smem:$0x7CE] =	sst s11  }
0x93: {  	s1 =	smul.u32 $0x68DB8BAD, s29;
	(v2sf) =	vpush v3, $0xC;
	[smem:$0x7CB] =	sst s0  }
0x94: {  	[smem:$0x7CD] =	sst s15;
	s4 =	smulhi.u32 $0x68DB8BAD, s21;
	(v2sf) =	vpush v3, $0x8  }
0x95: {  	[smem:$0x7CF] =	sst s1  }
0x96: {  	(v2sf) =	vpush v3, $0x9;
	[smem:$0x7CC] =	sst s4;
	s19 =	spop (v2sf)  }
0x97: {  	s5 =	sadd.s32 s5, s12;
	(v2sf) =	vpush v3, $0x6;
	s22 =	spop (v2sf);
	s12 =	smulhi.u32 $0x68DB8BAD, s19  }
0x98: {  	s0 =	spop (v2sf);
	s15 =	smulhi.u32 $0x68DB8BAD, s22  }
0x99: {  	(v2sf) =	vpush v3, $0xD;
	s11 =	sshra.s32 s22, $0x1F;
	s1 =	spop (v2sf);
	[smem:$0x7D9] =	sst s12  }
0x9a: {  	(v2sf) =	vpush v3, $0xE;
	s6 =	smul.u32 $0x68DB8BAD, s11;
	s12 =	sld [smem:$0x7ED]  }
0x9b: {  	(v2sf) =	vpush v3, $0xA;
	[smem:$0x7D4] =	sst s15;
	s22 =	spop (v2sf)  }
0x9c: {  	s21 =	smulhi.u32 $0x68DB8BAD, s0;
	s0 =	sshra.s32 s0, $0x1F;
	[smem:$0x7DB] =	sst s22  }
0x9d: {  	(v2sf) =	vpush v3, $0xF;
	s0 =	smul.u32 $0x68DB8BAD, s0;
	[smem:$0x7D5] =	sst s6  }
0x9e: {  	(v2sf) =	vpush v3, $0xB;
	s11 =	spop (v2sf);
	[smem:$0x7D2] =	sst s21  }
0x9f: {  	s22 =	smulhi.u32 $0x68DB8BAD, s1;
	[smem:$0x7DE] =	sst s11  }
0xa0: {  	s1 =	sshra.s32 s1, $0x1F;
	s15 =	spop (v2sf);
	[smem:$0x7D3] =	sst s0  }
0xa1: {  	s1 =	smul.u32 $0x68DB8BAD, s1;
	[smem:$0x7DF] =	sst s15  }
0xa2: {  	s4 =	spop (v2sf);
	[smem:$0x7D0] =	sst s22  }
0xa3: {  	s11 =	spop (v2sf);
	[smem:$0x7D1] =	sst s1  }
0xa4: {  	s15 =	sshra.s32 s4, $0x1F;
	s29 =	smulhi.u32 $0x68DB8BAD, s4;
	s4 =	sld [smem:$0x7EF]  }
0xa5: {  	s6 =	spop (v2sf);
	s1 =	smul.u32 $0x68DB8BAD, s15  }
0xa6: {  	s22 =	smulhi.u32 $0x68DB8BAD, s11;
	s0 =	sshra.s32 s11, $0x1F;
	s21 =	spop (v2sf)  }
0xa7: {  	s31 =	smul.u32 $0x68DB8BAD, s0;
	s4 =	sadd.s32 s14, s4;
	s14 =	sld [smem:$0x7C8]  }
0xa8: {  	[smem:$0x7E5] =	sst s21;
	s15 =	spop (v2sf)  }
0xa9: {  	[smem:$0x7D7] =	sst s22;
	s21 =	spop (v2sf)  }
0xaa: {  	s11 =	spop (v2sf);
	s10 =	sadd.s32 s10, s14;
	s14 =	sld [smem:$0x7EE]  }
0xab: {  	s0 =	smulhi.u32 $0x68DB8BAD, s11;
	[smem:$0x7DC] =	sst s10  }
0xac: {  	s22 =	sshra.s32 s11, $0x1F;
	s11 =	spop (v2sf);
	s10 =	sld [smem:$0x7C9]  }
0xad: {  	[smem:$0x7D8] =	sst s0;
	s0 =	spop (v2sf)  }
0xae: {  	s19 =	sshra.s32 s19, $0x1F;
	[smem:$0x7D6] =	sst s1;
	s1 =	sshra.s32 s0, $0x1F  }
0xaf: {  	s2 =	sadd.s32 s10, s2;
	s10 =	sadd.s32 s14, s12;
	s12 =	sld [smem:$0x7CA]  }
0xb0: {  	s14 =	smul.u32 $0x68DB8BAD, s19;
	s19 =	sadd.s32 s8, s3;
	s3 =	sld [smem:$0x7CB]  }
0xb1: {  	s1 =	smul.u32 $0x68DB8BAD, s1;
	s8 =	sld [smem:$0x7CC]  }
0xb2: {  	_ = 	snop  }
0xb3: {  	[smem:$0x7DA] =	sst s1;
	s26 =	sadd.s32 s12, s26;
	s12 =	smulhi.u32 $0x68DB8BAD, s6  }
0xb4: {  	s1 =	sadd.s32 s3, s8;
	s3 =	sshra.s32 s6, $0x1F;
	s6 =	sld [smem:$0x7CD]  }
0xb5: {  	_ = 	snop  }
0xb6: {  	s8 =	smulhi.u32 $0x68DB8BAD, s0  }
0xb7: {  	s0 =	sadd.s32 s6, s13;
	s6 =	smul.u32 $0x68DB8BAD, s3;
	s3 =	sld [smem:$0x7CE]  }
0xb8: {  	s13 =	sld [smem:$0x7CF]  }
0xb9: {  	[smem:$0x7DD] =	sst s1  }
0xba: {  	s1 =	sld [smem:$0x7D0]  }
0xbb: {  	s13 =	sadd.s32 s13, s3;
	s3 =	sld [smem:$0x7D1];
	_ =	sdelay $0x1  }
0xbc: {  	[smem:$0x7E0] =	sst s0;
	s0 =	sshra.s32 s21, $0x1F  }
0xbd: {  	s1 =	sadd.s32 s3, s1;
	s3 =	smul.u32 $0x68DB8BAD, s0;
	s0 =	sld [smem:$0x7D2]  }
0xbe: {  	[smem:$0x7E4] =	sst s1  }
0xbf: {  	s1 =	sld [smem:$0x7D3];
	_ =	sdelay $0x2  }
0xc0: {  	s0 =	sadd.s32 s1, s0;
	s1 =	sld [smem:$0x7D5]  }
0xc1: {  	[smem:$0x7E3] =	sst s0  }
0xc2: {  	s0 =	sld [smem:$0x7D4];
	_ =	sdelay $0x2  }
0xc3: {  	s0 =	sadd.s32 s1, s0  }
0xc4: {  	[smem:$0x7E1] =	sst s0  }
0xc5: {  	s0 =	sld [smem:$0x7D6];
	_ =	sdelay $0x2  }
0xc6: {  	s0 =	sadd.s32 s0, s29;
	s29 =	sld [smem:$0x7D7];
	_ =	sdelay $0x2  }
0xc7: {  	s31 =	sadd.s32 s31, s29;
	s29 =	sld [smem:$0x7D8]  }
0xc8: {  	s22 =	smul.u32 $0x68DB8BAD, s22  }
0xc9: {  	[smem:$0x7E2] =	sst s0;
	s0 =	smulhi.u32 $0x68DB8BAD, s15;
	s15 =	sshra.s32 s15, $0x1F  }
0xca: {  	v4 =	vmov s30;
	s30 =	sadd.s32 s22, s29;
	s22 =	smul.u32 $0x68DB8BAD, s15;
	s15 =	sshra.s32 s4, $0xC  }
0xcb: {  	v4 =	vsel vm3, s15, v4;
	s15 =	sshra.s32 s4, $0x1F  }
0xcc: {  	v4 =	vsel vm9, s15, v4;
	s15 =	sld [smem:$0x7D9]  }
0xcd: {  	v6 =	vmov s25;
	s25 =	sshrl.u32 s19, $0x1F;
	s21 =	smulhi.u32 $0x68DB8BAD, s21  }
0xce: {  	s6 =	sadd.s32 s6, s12;
	s1 =	smulhi.u32 $0x68DB8BAD, s11;
	s11 =	sshra.s32 s11, $0x1F  }
0xcf: {  	s11 =	smul.u32 $0x68DB8BAD, s11;
	v4 =	vsel vm0, s9, v4;
	s15 =	sadd.s32 s14, s15;
	s14 =	sld [smem:$0x7DA]  }
0xd0: {  	s12 =	sshra.s32 s5, $0x1F;
	s3 =	sadd.s32 s3, s21;
	s4 =	sshrl.u32 s4, $0x1F;
	v4 =	vsel vm10, s17, v4  }
0xd1: {  	s21 =	sshrl.u32 s2, $0x1F;
	v5 =	vmov s4;
	s9 =	sadd.s32 s11, s1;
	v4 =	vsel vm1, s18, v4;
	s18 =	sshra.s32 s19, $0xC  }
0xd2: {  	v5 =	vnsel vm3, $0x0, v5;
	s4 =	sadd.s32 s14, s8;
	s14 =	sadd.s32 s22, s0;
	s0 =	sshrl.u32 s7, $0x1F  }
0xd3: {  	v5 =	vsel vm0, s28, v5;
	s8 =	sshrl.u32 s16, $0x1F;
	s7 =	sshra.s32 s19, $0x1F;
	s19 =	sld [smem:$0x7DB]  }
0xd4: {  	s11 =	sshra.s32 s5, $0xC;
	s5 =	sshrl.u32 s5, $0x1F;
	v4 =	vsel vm11, s23, v4;
	s22 =	sshra.s32 s2, $0xC;
	v5 =	vsel vm1, s8, v5  }
0xd5: {  	s23 =	sshrl.u32 s10, $0x1F;
	s2 =	sshra.s32 s2, $0x1F;
	v4 =	vsel vm2, s22, v4;
	s22 =	sld [smem:$0x7F0];
	v5 =	vsel vm2, s21, v5  }
0xd6: {  	v4 =	vsel vm12, s2, v4;
	v5 =	vsel vm4, s5, v5;
	s21 =	sshra.s32 s19, $0x1F;
	s16 =	smulhi.u32 $0x68DB8BAD, s19;
	s19 =	rddreg [dreg:$0x1c]  }
0xd7: {  	v4 =	vsel vm4, s11, v4;
	v5 =	vsel vm5, s23, v5;
	s23 =	sld [smem:$0x7DC]  }
0xd8: {  	s17 =	sshra.s32 s10, $0x1F;
	v4 =	vsel vm13, s12, v4;
	s12 =	smul.u32 $0x68DB8BAD, s21;
	s21 =	sld [smem:$0x7DE]  }
0xd9: {  	s5 =	sshra.s32 s26, $0xC;
	s11 =	sshrl.u32 s26, $0x1F;
	v9 =	vmov s19;
	s19 =	sld [smem:$0x7E1]  }
0xda: {  	s26 =	sshra.s32 s13, $0xC;
	v5 =	vsel vm6, s25, v5;
	s25 =	sshrl.u32 s13, $0x1F;
	s13 =	sld [smem:$0x7DD]  }
0xdb: {  	v7 =	vmov s24;
	s10 =	sshra.s32 s10, $0xC;
	v5 =	vsel vm7, s22, v5;
	s22 =	sld [smem:$0x7F1];
	s24 =	sshra.s32 s23, $0xC  }
0xdc: {  	v7 =	vsel vm0, s5, v7;
	v4 =	vsel vm5, s10, v4;
	s8 =	sshrl.u32 s23, $0x1F;
	s2 =	sshra.s32 s21, $0x1F;
	s10 =	smulhi.u32 $0x68DB8BAD, s21  }
0xdd: {  	v8 =	vmov s0;
	v7 =	vsel vm1, s20, v7;
	s5 =	sshra.s32 s13, $0xC;
	s20 =	sshrl.u32 s13, $0x1F;
	s13 =	sld [smem:$0x7DF]  }
0xde: {  	v9 =	vsel vm0, s26, v9;
	v8 =	vsel vm0, s25, v8;
	s26 =	sshra.s32 s19, $0x1F;
	s21 =	sshrl.u32 s31, $0x1F;
	v7 =	vsel vm2, s24, v7;
	s24 =	sld [smem:$0x7E0]  }
0xdf: {  	v10 =	vmov s26;
	v11 =	vmov s21;
	s21 =	sld [smem:$0x7E3];
	s26 =	sshrl.u32 s14, $0x1F;
	v8 =	vsel vm1, s20, v8;
	s20 =	sshra.s32 s15, $0xC  }
0xe0: {  	v6 =	vsel vm0, s11, v6;
	v9 =	vsel vm1, s5, v9;
	s5 =	sshra.s32 s3, $0xC;
	v10 =	vsel vm3, s20, v10;
	s20 =	sld [smem:$0x7E2];
	s23 =	sshra.s32 s13, $0x1F  }
0xe1: {  	v4 =	vsel vm14, s17, v4;
	v6 =	vsel vm1, s22, v6;
	s25 =	sshrl.u32 s24, $0x1F;
	s11 =	sshra.s32 s24, $0xC;
	s13 =	smulhi.u32 $0x68DB8BAD, s13  }
0xe2: {  	v4 =	vsel vm6, s18, v4;
	v5 =	vperm.xlane v5, v1;
	v6 =	vsel vm2, s8, v6;
	s24 =	sshra.s32 s21, $0xC;
	s0 =	smul.u32 $0x68DB8BAD, s23;
	s23 =	sshra.s32 s15, $0x1F  }
0xe3: {  	v8 =	vsel vm2, s25, v8;
	v9 =	vsel vm2, s11, v9;
	s25 =	sshrl.u32 s6, $0x1F;
	s11 =	sshra.s32 s31, $0xC;
	s15 =	sshrl.u32 s15, $0x1F;
	v10 =	vsel vm9, s23, v10  }
0xe4: {  	s22 =	sshrl.u32 s20, $0x1F;
	v11 =	vsel vm0, s25, v11;
	s23 =	sshrl.u32 s3, $0x1F;
	v13 =	vmov s11;
	s25 =	sshrl.u32 s4, $0x1F;
	v6 =	vcombine.low v6, v8  }
0xe5: {  	v7 =	vcombine.low v7, v9;
	v12 =	vmov s22;
	v10 =	vsel vm0, s24, v10;
	s22 =	sshrl.u32 s30, $0x1F;
	s24 =	sshra.s32 s20, $0xC;
	s20 =	sld [smem:$0x7E4]  }
0xe6: {  	s11 =	sshra.s32 s21, $0x1F;
	v62 =	vmov s15;
	s0 =	sadd.s32 s0, s13;
	s13 =	rddreg [dreg:$0x11];
	v12 =	vsel vm0, s26, v12;
	v11 =	vsel vm1, s22, v11  }
0xe7: {  	s26 =	sshrl.u32 s9, $0x1F;
	v58 =	vmov s24;
	s24 =	sshra.s32 s6, $0xC;
	v59 =	vsel vm10, s11, v10;
	v12 =	vsel vm1, s23, v12;
	s23 =	smul.u32 $0x68DB8BAD, s2  }
0xe8: {  	s11 =	sld [smem:$0x7E5];
	v11 =	vsel vm2, s25, v11;
	s25 =	sshra.s32 s14, $0xC;
	v60 =	vsel vm0, s24, v13;
	v57 =	vsel vm2, s26, v12;
	s22 =	sshra.s32 s20, $0xC  }
0xe9: {  	s8 =	sshra.s32 s20, $0x1F;
	s26 =	sshra.s32 s30, $0xC;
	v61 =	vsel vm0, s25, v58;
	v8 =	vcombine.low v11, v57;
	s1 =	sadd.s32 s23, s10;
	v9 =	vsel vm1, s22, v59  }
0xea: {  	s6 =	sshra.s32 s4, $0xC;
	v10 =	vsel vm1, s26, v60;
	s10 =	sshra.s32 s9, $0xC;
	v11 =	vsel vm1, s5, v61;
	s22 =	sshra.s32 s1, $0xC;
	v9 =	vsel vm11, s8, v9  }
0xeb: {  	s25 =	sshrl.u32 s21, $0x1F;
	s14 =	smulhi.u32 $0x68DB8BAD, s11;
	v10 =	vsel vm2, s6, v10;
	v11 =	vsel vm2, s10, v11;
	s24 =	sshra.s32 s1, $0x1F;
	v9 =	vsel vm2, s22, v9  }
0xec: {  	s23 =	sshra.s32 s11, $0x1F;
	s26 =	sshra.s32 s0, $0xC;
	s11 =	sshrl.u32 s20, $0x1F;
	v10 =	vcombine.low v10, v11;
	v11 =	vnsel vm3, $0x0, v62;
	v9 =	vsel vm12, s24, v9  }
0xed: {  	v4 =	vsel vm15, s7, v4;
	s3 =	smul.u32 $0x68DB8BAD, s23;
	s8 =	sshra.s32 s0, $0x1F;
	s10 =	sadd.s32 s12, s16;
	v11 =	vsel vm0, s25, v11;
	v9 =	vsel vm4, s26, v9  }
0xee: {  	v4 =	vsel vm7, s13, v4;
	s1 =	sshrl.u32 s1, $0x1F;
	s12 =	sshra.s32 s10, $0xC;
	v11 =	vsel vm1, s11, v11;
	v9 =	vsel vm13, s8, v9  }
0xef: {  	v6 =	vperm.xlane v6, v0;
	s0 =	sshrl.u32 s0, $0x1F;
	s2 =	sadd.s32 s3, s14;
	s14 =	sshra.s32 s10, $0x1F;
	v11 =	vsel vm2, s1, v11;
	v9 =	vsel vm5, s12, v9  }
0xf0: {  	v7 =	vperm.xlane v7, v0;
	s16 =	sshrl.u32 s10, $0x1F;
	s15 =	sshra.s32 s2, $0xC;
	v11 =	vsel vm4, s0, v11;
	v9 =	vsel vm14, s14, v9  }
0xf1: {  	v4 =	vperm.xlane v4, v1;
	s17 =	sshrl.u32 s2, $0x1F;
	s2 =	sshra.s32 s2, $0x1F;
	v11 =	vsel vm5, s16, v11;
	v9 =	vsel vm6, s15, v9  }
0xf2: {  	s18 =	sshra.s32 s19, $0xC;
	s20 =	sshrl.u32 s19, $0x1F;
	v8 =	vperm.xlane v8, v0;
	v11 =	vsel vm6, s17, v11;
	v9 =	vsel vm15, s2, v9  }
0xf3: {  	v10 =	vperm.xlane v10, v0;
	v11 =	vsel vm7, s20, v11;
	v9 =	vsel vm7, s18, v9  }
0xf4: {  	v11 =	vperm.xlane v11, v1;
	v9 =	vperm.xlane v9, v1  }
0xf5: {  	v5 =	vsel vm8, v5, v6;
	v4 =	vsel vm8, v4, v7  }
0xf6: {  	v4 =	vadd.s32 v5, v4;
	v5 =	vsel vm8, v11, v8;
	v63 =	vsel vm8, v9, v10  }
0xf7: {  	v4 =	vmul.u32 $0x2710, v4;
	v5 =	vadd.s32 v5, v63  }
0xf8: {  	v5 =	vmul.u32 $0x2710, v5  }
0xf9: {  	vm10 =	vmmov vm9;
	v2 =	vsub.s32 v2, v4  }
0xfa: {  	s21 =	rddreg [dreg:$0x7];
	vm9 =	vlt.s32 v2, $0x0;
	v4 =	vadd.s32 $0x2710, v2;
	v3 =	vsub.s32 v3, v5  }
0xfb: {  	s24 =	sld [smem:$0x7F2];
	v2 =	vsel vm9, v4, v2;
	vm9 =	vlt.s32 v3, $0x0;
	v4 =	vadd.s32 $0x2710, v3  }
0xfc: {  	s23 =	simm.s32 $0x0;
	s22 =	rddreg [dreg:$0x12];
	[tilespmem:s21+$0x320] =	vst v2;
	v3 =	vsel vm9, v4, v3  }
0xfd: {  	s25 =	simm.s32 $0x190;
	s3 =	sld [smem:$0x7F8];
	s26 =	simm.s32 $0x640;
	[tilespmem:s22+$0x320] =	vst v3  }
0xfe: {  	[tilespmem:s26], [sflag:$0x1] =	stream.indirect.gather [hbm4b:s24+s25], $0x40, s23, s25, $0xb8;
	[tilespmem:$0x19730] =	vst v63  }
0xff: {  	s4 =	simm.s32 $0x7  }
0x100: {  	[tilespmem:s25], [sflag:$0x7] =	stream.linear.gather [hbm4b:s3+s23], $0x190, $0x38;
	[tilespmem:$0x19730] =	vst v63  }
0x101: {  	_ =	swait.ge [sflag:s4], $0x190  }
0x102: {  	[sflag:s4] =	ssyncset.done $0x0  }
0x103: {  	s5 =	simm.s32 $0x0;
	[sflag:s4] =	ssyncadd.s32 $0xFFFFFE70  }
0x104: {  	v2 =	vld [tilespmem:s5+$0x190];
	_ =	sdelay $0x4  }
0x105: {  	v2 =	vmul.u32 $0x1F, v2;
	_ =	sdelay $0x1  }
0x106: {  	(v2sf) =	vpush v2, $0x0  }
0x107: {  	(v2sf) =	vpush v2, $0x7;
	_ =	sdelay $0x1  }
0x108: {  	(v2sf) =	vpush v2, $0x1  }
0x109: {  	(v2sf) =	vpush v2, $0x2;
	_ =	sdelay $0x1  }
0x10a: {  	(v2sf) =	vpush v2, $0x5;
	_ =	sdelay $0x2  }
0x10b: {  	(v2sf) =	vpush v2, $0x3  }
0x10c: {  	(v2sf) =	vpush v2, $0x4;
	_ =	sdelay $0x1  }
0x10d: {  	(v2sf) =	vpush v2, $0xC  }
0x10e: {  	(v2sf) =	vpush v2, $0x8;
	_ =	sdelay $0x1  }
0x10f: {  	(v2sf) =	vpush v2, $0x9;
	s7 =	spop (v2sf)  }
0x110: {  	s6 =	simm.s32 $0x0;
	s8 =	spop (v2sf)  }
0x111: {  	[dreg:$0x8] =	wrdreg s6;
	(v2sf) =	vpush v2, $0x6;
	s14 =	smulhi.u32 $0x68DB8BAD, s7;
	s1 =	sshra.s32 s8, $0x1F  }
0x112: {  	s9 =	spop (v2sf);
	s1 =	smul.u32 $0x68DB8BAD, s1  }
0x113: {  	s10 =	spop (v2sf);
	s6 =	smulhi.u32 $0x68DB8BAD, s9  }
0x114: {  	(v2sf) =	vpush v2, $0xD;
	s2 =	sshra.s32 s9, $0x1F;
	s16 =	smulhi.u32 $0x68DB8BAD, s10  }
0x115: {  	(v2sf) =	vpush v2, $0xE;
	s11 =	spop (v2sf);
	s3 =	sshra.s32 s10, $0x1F;
	s10 =	smul.u32 $0x68DB8BAD, s2  }
0x116: {  	s25 =	simm.s32 $0x10;
	(v2sf) =	vpush v2, $0xA;
	s4 =	smulhi.u32 $0x68DB8BAD, s11  }
0x117: {  	(v2sf) =	vpush v2, $0xF;
	[smem:$0x7E7] =	sst s14;
	s12 =	sshra.s32 s11, $0x1F;
	s19 =	smul.u32 $0x68DB8BAD, s3  }
0x118: {  	s0 =	sshra.s32 s7, $0x1F;
	(v2sf) =	vpush v2, $0xB;
	s15 =	spop (v2sf);
	s13 =	smul.u32 $0x68DB8BAD, s12  }
0x119: {  	s9 =	spop (v2sf);
	s2 =	smulhi.u32 $0x68DB8BAD, s15;
	s22 =	sshra.s32 s15, $0x1F  }
0x11a: {  	s12 =	sadd.s32 s10, s6;
	[dreg:$0x1d] =	wrdreg s4;
	s4 =	smulhi.u32 $0x68DB8BAD, s8  }
0x11b: {  	s8 =	spop (v2sf);
	s21 =	sshra.s32 s9, $0x1F;
	[smem:$0x7E6] =	sst s13  }
0x11c: {  	s16 =	sadd.s32 s19, s16;
	s18 =	spop (v2sf);
	s17 =	smul.u32 $0x68DB8BAD, s21  }
0x11d: {  	s23 =	sshra.s32 s8, $0x1F;
	s7 =	smulhi.u32 $0x68DB8BAD, s8;
	s28 =	sshra.s32 s16, $0x1F  }
0x11e: {  	s30 =	sshra.s32 s16, $0xC;
	s13 =	spop (v2sf);
	s15 =	smulhi.u32 $0x68DB8BAD, s18  }
0x11f: {  	s24 =	sshra.s32 s18, $0x1F;
	s11 =	smul.u32 $0x68DB8BAD, s23;
	s23 =	simm.s32 $0x10  }
0x120: {  	s4 =	sadd.s32 s1, s4;
	s14 =	spop (v2sf);
	s24 =	smul.u32 $0x68DB8BAD, s24  }
0x121: {  	s31 =	sshra.s32 s13, $0x1F;
	[dreg:$0x13] =	wrdreg s23;
	s6 =	smulhi.u32 $0x68DB8BAD, s13  }
0x122: {  	s13 =	sshra.s32 s4, $0xC;
	s3 =	smulhi.u32 $0x68DB8BAD, s14;
	s5 =	sadd.s32 s11, s7  }
0x123: {  	v3 =	vld [tilespmem:s25+$0x190];
	s14 =	sshra.s32 s14, $0x1F;
	s7 =	sshra.s32 s4, $0x1F;
	s26 =	spop (v2sf)  }
0x124: {  	[dreg:$0x16] =	wrdreg s13;
	s4 =	sshrl.u32 s4, $0x1F;
	s20 =	spop (v2sf)  }
0x125: {  	s15 =	sadd.s32 s24, s15;
	[dreg:$0x1e] =	wrdreg s4;
	s18 =	spop (v2sf)  }
0x126: {  	s21 =	sshra.s32 s18, $0x1F;
	s25 =	spop (v2sf);
	s18 =	smulhi.u32 $0x68DB8BAD, s18  }
0x127: {  	s4 =	sshrl.u32 s15, $0x1F;
	s11 =	spop (v2sf);
	s19 =	smul.u32 $0x68DB8BAD, s21  }
0x128: {  	v3 =	vmul.u32 $0x1F, v3;
	s24 =	sshra.s32 s15, $0xC;
	s10 =	smulhi.u32 $0x68DB8BAD, s25;
	s21 =	sshra.s32 s11, $0x1F  }
0x129: {  	s29 =	sshra.s32 s26, $0x1F;
	s8 =	sshra.s32 s25, $0x1F;
	s1 =	smul.u32 $0x68DB8BAD, s21  }
0x12a: {  	(v2sf) =	vpush v3, $0x0;
	s25 =	sshrl.u32 s12, $0x1F;
	[smem:$0x7E8] =	sst s10;
	s10 =	smul.u32 $0x68DB8BAD, s14  }
0x12b: {  	(v2sf) =	vpush v3, $0x7;
	s23 =	sadd.s32 s19, s18;
	s14 =	smulhi.u32 $0x68DB8BAD, s9;
	s18 =	sshra.s32 s12, $0x1F  }
0x12c: {  	(v2sf) =	vpush v3, $0x1;
	s9 =	sshra.s32 s12, $0xC;
	s12 =	smul.u32 $0x68DB8BAD, s0;
	s21 =	sshra.s32 s5, $0xC  }
0x12d: {  	(v2sf) =	vpush v3, $0x2;
	s0 =	sshra.s32 s20, $0x1F;
	s15 =	sshrl.u32 s23, $0x1F;
	[dreg:$0x19] =	wrdreg s21  }
0x12e: {  	s19 =	sshra.s32 s23, $0xC;
	s23 =	simm.s32 $0x80;
	(v2sf) =	vpush v3, $0x5;
	[smem:$0x7E9] =	sst s15  }
.LBB2_4:
0x12f: {  	s5 =	sshrl.u32 s5, $0x1F;
	s13 =	rddreg [dreg:$0x8]  }
0x130: {  	s11 =	smulhi.u32 $0x68DB8BAD, s11;
	s14 =	sadd.s32 s17, s14;
	s17 =	rddreg [dreg:$0x13]  }
0x131: {  	s15 =	smov.u32 s13;
	s13 =	rddreg [dreg:$0x1d];
	s21 =	smov.u32 s17  }
0x132: {  	s16 =	sshrl.u32 s16, $0x1F;
	s8 =	smul.u32 $0x68DB8BAD, s8;
	[dreg:$0x8] =	wrdreg s21  }
0x133: {  	s20 =	smulhi.u32 $0x68DB8BAD, s20;
	p0 =	sne.s32 s23, $0x600;
	s21 =	sld [smem:$0x7E7]  }
0x134: {  	s3 =	sadd.s32 s10, s3;
	[smem:$0x7C6] =	sst s15;
	s15 =	smov.u32 s23  }
0x135: {  	v4 =	vmov s7;
	s11 =	sadd.s32 s1, s11;
	s7 =	sshra.s32 s14, $0x1F;
	s15 =	sld [smem:$0x7E6]  }
0x136: {  	(v2sf) =	vpush v3, $0x3;
	s1 =	sshra.s32 s11, $0xC;
	s17 =	sadd.s32 s12, s21;
	s21 =	smul.u32 $0x68DB8BAD, s22  }
0x137: {  	(v2sf) =	vpush v3, $0x4;
	s12 =	sshra.s32 s14, $0xC;
	s22 =	smul.u32 $0x68DB8BAD, s31;
	s14 =	sshrl.u32 s14, $0x1F  }
0x138: {  	s13 =	sadd.s32 s15, s13;
	s2 =	sadd.s32 s21, s2;
	s21 =	sshra.s32 s17, $0xC  }
0x139: {  	v5 =	vmov s4;
	v7 =	vmov s24;
	s31 =	sshra.s32 s17, $0x1F;
	s4 =	sshra.s32 s13, $0x1F;
	s24 =	sshrl.u32 s13, $0x1F;
	v4 =	vsel vm3, s21, v4  }
0x13a: {  	vm9 =	vcmask $0xF0C;
	s15 =	sshra.s32 s13, $0xC;
	s13 =	sadd.s32 s22, s6;
	s21 =	sshrl.u32 s17, $0x1F;
	v4 =	vsel vm10, s31, v4  }
0x13b: {  	(v2sf) =	vpush v3, $0xC;
	s10 =	sshra.s32 s2, $0xC;
	s17 =	sshrl.u32 s2, $0x1F;
	s22 =	sshra.s32 s13, $0xC;
	v6 =	vmov s21;
	v4 =	vsel vm0, s9, v4  }
0x13c: {  	s21 =	sshra.s32 s3, $0xC;
	v6 =	vnsel vm3, $0x0, v6;
	v4 =	vsel vm9, s18, v4;
	s18 =	sshra.s32 s2, $0x1F;
	s2 =	smulhi.u32 $0x68DB8BAD, s26  }
0x13d: {  	(v2sf) =	vpush v3, $0x8;
	s9 =	sshrl.u32 s3, $0x1F;
	v6 =	vsel vm0, s25, v6;
	s25 =	smul.u32 $0x68DB8BAD, s0;
	s26 =	sshrl.u32 s13, $0x1F  }
0x13e: {  	(v2sf) =	vpush v3, $0x9;
	s13 =	rddreg [dreg:$0x1e];
	v6 =	vsel vm1, s16, v6;
	s16 =	sshra.s32 s3, $0x1F;
	s3 =	spop (v2sf)  }
0x13f: {  	v4 =	vsel vm1, s30, v4;
	v5 =	vsel vm0, s26, v5;
	s26 =	rddreg [dreg:$0x19];
	v6 =	vsel vm2, s17, v6;
	s17 =	smul.u32 $0x68DB8BAD, s29;
	s6 =	sshra.s32 s3, $0x1F  }
0x140: {  	s0 =	sshrl.u32 s11, $0x1F;
	v4 =	vsel vm11, s28, v4;
	s3 =	smulhi.u32 $0x68DB8BAD, s3;
	[smem:$0x7C7] =	sst s6  }
0x141: {  	(v2sf) =	vpush v3, $0x6;
	v4 =	vsel vm2, s10, v4;
	s10 =	spop (v2sf);
	v6 =	vsel vm4, s14, v6;
	s14 =	sadd.s32 s25, s20;
	s25 =	sld [smem:$0x7E8]  }
0x142: {  	v4 =	vsel vm12, s18, v4;
	s18 =	spop (v2sf);
	s2 =	sadd.s32 s17, s2;
	[smem:$0x7E7] =	sst s3  }
0x143: {  	s17 =	sshra.s32 s14, $0xC;
	v4 =	vsel vm4, s12, v4;
	s6 =	sshra.s32 s18, $0x1F;
	s12 =	spop (v2sf)  }
0x144: {  	(v2sf) =	vpush v3, $0xD;
	v7 =	vsel vm0, s22, v7;
	s18 =	smulhi.u32 $0x68DB8BAD, s18;
	v4 =	vsel vm13, s7, v4;
	s7 =	sshra.s32 s12, $0x1F;
	s11 =	spop (v2sf)  }
0x145: {  	v7 =	vsel vm1, s19, v7;
	v6 =	vsel vm5, s24, v6;
	s8 =	sadd.s32 s8, s25;
	s12 =	smulhi.u32 $0x68DB8BAD, s12;
	s19 =	spop (v2sf)  }
0x146: {  	v6 =	vsel vm6, s9, v6;
	s6 =	smul.u32 $0x68DB8BAD, s6;
	v4 =	vsel vm5, s15, v4;
	s20 =	sshra.s32 s11, $0x1F;
	s9 =	spop (v2sf)  }
0x147: {  	(v2sf) =	vpush v3, $0xE;
	v6 =	vsel vm7, s13, v6;
	s13 =	sshra.s32 s8, $0xC;
	v4 =	vsel vm14, s4, v4;
	s4 =	smulhi.u32 $0x68DB8BAD, s11;
	s11 =	sld [smem:$0x7E9]  }
0x148: {  	s8 =	sshrl.u32 s8, $0x1F;
	s15 =	smul.u32 $0x68DB8BAD, s20;
	s20 =	rddreg [dreg:$0x16];
	v4 =	vsel vm6, s21, v4  }
0x149: {  	v9 =	vmov s5;
	v7 =	vsel vm2, s1, v7;
	s21 =	sshrl.u32 s2, $0x1F;
	v4 =	vsel vm15, s16, v4;
	s16 =	sshra.s32 s10, $0x1F;
	s10 =	smulhi.u32 $0x68DB8BAD, s10  }
0x14a: {  	(v2sf) =	vpush v3, $0xA;
	v8 =	vmov s26;
	s1 =	spop (v2sf);
	s2 =	sshra.s32 s2, $0xC;
	v9 =	vsel vm0, s21, v9;
	s21 =	smul.u32 $0x68DB8BAD, s7  }
0x14b: {  	s22 =	sshra.s32 s19, $0x1F;
	[dreg:$0x1d] =	wrdreg s4;
	v8 =	vsel vm0, s2, v8;
	s2 =	smulhi.u32 $0x68DB8BAD, s19  }
0x14c: {  	(v2sf) =	vpush v3, $0xF;
	[smem:$0x7E6] =	sst s15;
	s25 =	sshra.s32 s1, $0x1F;
	s1 =	smulhi.u32 $0x68DB8BAD, s1  }
0x14d: {  	(v2sf) =	vpush v3, $0xB;
	s24 =	sshra.s32 s9, $0x1F;
	s15 =	spop (v2sf);
	v5 =	vsel vm1, s11, v5;
	s11 =	smul.u32 $0x68DB8BAD, s16  }
0x14e: {  	s4 =	sshra.s32 s15, $0x1F;
	s28 =	spop (v2sf);
	v8 =	vsel vm1, s17, v8;
	s17 =	smul.u32 $0x68DB8BAD, s24  }
0x14f: {  	v4 =	vsel vm7, s20, v4;
	s20 =	sshrl.u32 s14, $0x1F;
	s24 =	sshra.s32 s23, $0x2;
	s15 =	smulhi.u32 $0x68DB8BAD, s15  }
0x150: {  	s5 =	smul.u32 $0x68DB8BAD, s25;
	s30 =	spop (v2sf);
	s31 =	sshra.s32 s28, $0x1F  }
0x151: {  	v9 =	vsel vm1, s20, v9;
	s16 =	sadd.s32 s21, s12;
	s12 =	sadd.s32 s6, s18;
	s6 =	smulhi.u32 $0x68DB8BAD, s28  }
0x152: {  	v5 =	vsel vm2, s0, v5;
	v8 =	vsel vm2, s13, v8;
	[dreg:$0x13] =	wrdreg s24;
	s21 =	sadd.s32 $0x40, s23;
	s4 =	smul.u32 $0x68DB8BAD, s4;
	v9 =	vsel vm2, s8, v9  }
0x153: {  	s26 =	spop (v2sf);
	v7 =	vcombine.low v7, v8;
	s10 =	sadd.s32 s11, s10;
	s3 =	smulhi.u32 $0x68DB8BAD, s30;
	v5 =	vcombine.low v5, v9  }
0x154: {  	v6 =	vperm.xlane v6, v1;
	v4 =	vperm.xlane v4, v1;
	s23 =	sshra.s32 s30, $0x1F;
	s5 =	sadd.s32 s5, s1;
	s28 =	sshra.s32 s16, $0x1F  }
0x155: {  	s30 =	sshra.s32 s16, $0xC;
	s29 =	sshra.s32 s26, $0x1F;
	s25 =	sshra.s32 s10, $0xC;
	v7 =	vperm.xlane v7, v0;
	v5 =	vperm.xlane v5, v0  }
0x156: {  	v63 =	vld [tilespmem:s24+$0x190];
	s20 =	spop (v2sf);
	s24 =	sshrl.u32 s10, $0x1F;
	[dreg:$0x16] =	wrdreg s25  }
0x157: {  	s7 =	sshra.s32 s10, $0x1F;
	s10 =	sshra.s32 s5, $0xC;
	[dreg:$0x1e] =	wrdreg s24;
	v4 =	vsel vm8, v4, v7;
	v5 =	vsel vm8, v6, v5  }
0x158: {  	s0 =	sshra.s32 s20, $0x1F;
	[dreg:$0x19] =	wrdreg s10;
	s10 =	smul.u32 $0x68DB8BAD, s23;
	v4 =	vadd.s32 v5, v4  }
0x159: {  	s25 =	sadd.s32 s4, s15;
	s23 =	sld [smem:$0x7C7];
	s13 =	spop (v2sf);
	v4 =	vmul.u32 $0x2710, v4  }
0x15a: {  	s4 =	sshrl.u32 s25, $0x1F;
	s14 =	sshra.s32 s13, $0x1F;
	s13 =	smulhi.u32 $0x68DB8BAD, s13  }
0x15b: {  	s24 =	sshra.s32 s25, $0xC;
	s19 =	spop (v2sf);
	s14 =	smul.u32 $0x68DB8BAD, s14;
	v4 =	vsub.s32 v2, v4;
	v2 =	vmov v3;
	v3 =	vmul.u32 $0x1F, v63  }
0x15c: {  	s25 =	sshrl.u32 s12, $0x1F;
	s15 =	smulhi.u32 $0x68DB8BAD, s19;
	s11 =	spop (v2sf)  }
.Ltmp3:
0x15d: {  	s8 =	sshra.s32 s19, $0x1F;
	s18 =	sshra.s32 s11, $0x1F;
	(v2sf) =	vpush v3, $0x0;
	(pc) =	sbr.rel @p0 .LBB2_4-.Ltmp3, $4  }
0x15e: {  	s13 =	sadd.s32 s14, s13;
	s1 =	smul.u32 $0x68DB8BAD, s18;
	s18 =	sld [smem:$0x7C6];
	(v2sf) =	vpush v3, $0x7  }
0x15f: {  	s14 =	smulhi.u32 $0x68DB8BAD, s9;
	[smem:$0x7E8] =	sst s15;
	s19 =	sshrl.u32 s13, $0x1F;
	vm9 =	vlt.s32 v4, $0x0;
	v5 =	vadd.s32 $0x2710, v4;
	(v2sf) =	vpush v3, $0x1  }
0x160: {  	s9 =	sshra.s32 s12, $0xC;
	[smem:$0x7E9] =	sst s19;
	s19 =	sshra.s32 s13, $0xC;
	v4 =	vsel vm9, v5, v4;
	(v2sf) =	vpush v3, $0x2  }
0x161: {  	[tilespmem:s18+$0x4B0] =	vst v4;
	s18 =	sshra.s32 s12, $0x1F;
	s12 =	smul.u32 $0x68DB8BAD, s23;
	s23 =	smov.u32 s21;
	(v2sf) =	vpush v3, $0x5  }
0x162: {  	_ =	sdelay $0x1  }
0x163: {  	(v2sf) =	vpush v3, $0x3  }
0x164: {  	s11 =	smulhi.u32 $0x68DB8BAD, s11  }
0x165: {  	s31 =	smul.u32 $0x68DB8BAD, s31;
	(v2sf) =	vpush v3, $0x4  }
0x166: {  	s13 =	smulhi.u32 $0x68DB8BAD, s26  }
0x167: {  	s0 =	smul.u32 $0x68DB8BAD, s0  }
0x168: {  	s8 =	smul.u32 $0x68DB8BAD, s8;
	(v2sf) =	vpush v3, $0xC  }
0x169: {  	s15 =	smul.u32 $0x68DB8BAD, s29;
	[smem:$0x7A8] =	sst s11;
	(v2sf) =	vpush v3, $0x8  }
0x16a: {  	s20 =	smulhi.u32 $0x68DB8BAD, s20;
	[smem:$0x7A9] =	sst s31;
	(v2sf) =	vpush v3, $0x9  }
0x16b: {  	[smem:$0x7AD] =	sst s13;
	(v2sf) =	vpush v3, $0x6;
	s23 =	spop (v2sf)  }
0x16c: {  	[smem:$0x7AA] =	sst s0;
	(v2sf) =	vpush v3, $0xD;
	s0 =	spop (v2sf)  }
0x16d: {  	[smem:$0x7AE] =	sst s15;
	(v2sf) =	vpush v3, $0xE;
	s21 =	spop (v2sf)  }
0x16e: {  	[smem:$0x7AB] =	sst s20;
	(v2sf) =	vpush v3, $0xA;
	s15 =	sshra.s32 s0, $0x1F;
	s29 =	spop (v2sf)  }
0x16f: {  	(v2sf) =	vpush v3, $0xF;
	s20 =	smul.u32 $0x68DB8BAD, s15;
	s26 =	spop (v2sf)  }
0x170: {  	[smem:$0x7AC] =	sst s8;
	s13 =	smulhi.u32 $0x68DB8BAD, s26  }
0x171: {  	s31 =	sshra.s32 s26, $0x1F;
	[smem:$0x7B4] =	sst s20;
	s26 =	smulhi.u32 $0x68DB8BAD, s21  }
0x172: {  	s20 =	spop (v2sf);
	s8 =	smul.u32 $0x68DB8BAD, s31  }
0x173: {  	s31 =	smulhi.u32 $0x68DB8BAD, s29;
	[smem:$0x7B7] =	sst s13  }
0x174: {  	s29 =	sshra.s32 s29, $0x1F;
	[smem:$0x7B1] =	sst s26;
	s13 =	spop (v2sf)  }
0x175: {  	s21 =	sshra.s32 s21, $0x1F;
	s11 =	smul.u32 $0x68DB8BAD, s29;
	[smem:$0x7B8] =	sst s8  }
0x176: {  	[smem:$0x7AF] =	sst s31;
	s8 =	smul.u32 $0x68DB8BAD, s21  }
0x177: {  	s21 =	spop (v2sf);
	s15 =	sshra.s32 s13, $0x1F;
	[smem:$0x7B0] =	sst s11  }
0x178: {  	s26 =	spop (v2sf);
	s31 =	smul.u32 $0x68DB8BAD, s15  }
0x179: {  	[smem:$0x7B2] =	sst s8;
	s8 =	sshra.s32 s21, $0x1F;
	s15 =	spop (v2sf)  }
0x17a: {  	s10 =	sadd.s32 s10, s3;
	(v2sf) =	vpush v3, $0xB;
	s11 =	smul.u32 $0x68DB8BAD, s8;
	s8 =	spop (v2sf)  }
0x17b: {  	s3 =	sld [smem:$0x7A9];
	s29 =	sadd.s32 s17, s14;
	s17 =	spop (v2sf)  }
0x17c: {  	s14 =	smulhi.u32 $0x68DB8BAD, s21;
	s21 =	spop (v2sf)  }
0x17d: {  	[smem:$0x7B5] =	sst s11;
	s11 =	spop (v2sf)  }
0x17e: {  	[smem:$0x7C2] =	sst s21;
	s21 =	spop (v2sf)  }
0x17f: {  	s0 =	smulhi.u32 $0x68DB8BAD, s0;
	[smem:$0x7BF] =	sst s21  }
0x180: {  	s21 =	sld [smem:$0x7A8]  }
0x181: {  	[smem:$0x7B3] =	sst s0  }
0x182: {  	s22 =	smul.u32 $0x68DB8BAD, s22;
	s0 =	sshra.s32 s26, $0x1F;
	[smem:$0x7B6] =	sst s31  }
0x183: {  	s31 =	smulhi.u32 $0x68DB8BAD, s26;
	s26 =	sld [smem:$0x7E7];
	s1 =	sadd.s32 s1, s21  }
0x184: {  	[smem:$0x7BB] =	sst s1;
	s1 =	sadd.s32 s22, s2;
	s22 =	smulhi.u32 $0x68DB8BAD, s8  }
0x185: {  	[smem:$0x7C1] =	sst s17  }
0x186: {  	[smem:$0x7B9] =	sst s22  }
0x187: {  	s17 =	smul.u32 $0x68DB8BAD, s0;
	s12 =	sadd.s32 s12, s26;
	s22 =	sld [smem:$0x7E6]  }
0x188: {  	s0 =	sshra.s32 s11, $0x1F;
	s26 =	smulhi.u32 $0x68DB8BAD, s11;
	s11 =	rddreg [dreg:$0x1d]  }
0x189: {  	s21 =	smul.u32 $0x68DB8BAD, s0;
	s0 =	spop (v2sf)  }
0x18a: {  	s2 =	sshra.s32 s0, $0x1F;
	s8 =	sshra.s32 s8, $0x1F;
	s11 =	sadd.s32 s22, s11  }
0x18b: {  	s22 =	smul.u32 $0x68DB8BAD, s2;
	s2 =	sadd.s32 s3, s6;
	s6 =	sld [smem:$0x7AA]  }
0x18c: {  	s3 =	smul.u32 $0x68DB8BAD, s8;
	s8 =	sld [smem:$0x7AB]  }
0x18d: {  	_ = 	snop  }
0x18e: {  	[smem:$0x7BA] =	sst s2  }
0x18f: {  	s2 =	sadd.s32 s6, s8;
	s8 =	sld [smem:$0x7E8]  }
0x190: {  	s6 =	sld [smem:$0x7AC];
	_ =	sdelay $0x1  }
0x191: {  	[smem:$0x7BE] =	sst s2  }
0x192: {  	s2 =	sadd.s32 s6, s8;
	s8 =	sld [smem:$0x7AD]  }
0x193: {  	s6 =	sld [smem:$0x7AE];
	_ =	sdelay $0x2  }
0x194: {  	s8 =	sadd.s32 s6, s8;
	s6 =	sld [smem:$0x7AF]  }
0x195: {  	[smem:$0x7BD] =	sst s8  }
0x196: {  	s8 =	sld [smem:$0x7B0];
	_ =	sdelay $0x2  }
0x197: {  	s8 =	sadd.s32 s8, s6;
	s6 =	sld [smem:$0x7B1]  }
0x198: {  	[smem:$0x7C4] =	sst s8  }
0x199: {  	s8 =	sld [smem:$0x7B2];
	_ =	sdelay $0x2  }
0x19a: {  	s8 =	sadd.s32 s8, s6;
	s6 =	sld [smem:$0x7B3]  }
0x19b: {  	[smem:$0x7C3] =	sst s8  }
0x19c: {  	s8 =	sld [smem:$0x7B4];
	_ =	sdelay $0x1  }
0x19d: {  	v6 =	vmov s4;
	s4 =	sshra.s32 s10, $0x1F;
	s13 =	smulhi.u32 $0x68DB8BAD, s13  }
0x19e: {  	s0 =	smulhi.u32 $0x68DB8BAD, s0;
	[smem:$0x7BC] =	sst s2;
	s8 =	sadd.s32 s8, s6  }
0x19f: {  	s2 =	smulhi.u32 $0x68DB8BAD, s23;
	s23 =	sshra.s32 s23, $0x1F;
	[smem:$0x7C0] =	sst s8  }
0x1a0: {  	v4 =	vmov s7;
	s23 =	smul.u32 $0x68DB8BAD, s23;
	s6 =	sshra.s32 s12, $0xC;
	s8 =	sld [smem:$0x7B5]  }
0x1a1: {  	s21 =	sadd.s32 s21, s26;
	s26 =	sshra.s32 s1, $0xC;
	v4 =	vsel vm3, s6, v4;
	s6 =	sshra.s32 s12, $0x1F  }
0x1a2: {  	v7 =	vmov s24;
	s24 =	sld [smem:$0x7BC];
	s7 =	sadd.s32 s23, s2;
	s2 =	sshrl.u32 s5, $0x1F;
	v4 =	vsel vm10, s6, v4  }
0x1a3: {  	v4 =	vsel vm0, s9, v4;
	s9 =	sld [smem:$0x7B7];
	s14 =	sadd.s32 s8, s14;
	s8 =	sshra.s32 s20, $0x1F  }
0x1a4: {  	vm9 =	vcmask $0xF0C;
	[smem:$0x7C5] =	sst s14;
	s14 =	sadd.s32 s17, s31;
	s31 =	smulhi.u32 $0x68DB8BAD, s20  }
0x1a5: {  	v4 =	vsel vm9, s18, v4;
	s18 =	sadd.s32 s22, s0;
	s20 =	smulhi.u32 $0x68DB8BAD, s15;
	s17 =	sld [smem:$0x7B6]  }
0x1a6: {  	s22 =	sshrl.u32 s16, $0x1F;
	s15 =	sshra.s32 s15, $0x1F;
	s8 =	smul.u32 $0x68DB8BAD, s8;
	v4 =	vsel vm1, s30, v4  }
0x1a7: {  	s30 =	sshra.s32 s29, $0x1F;
	s6 =	smul.u32 $0x68DB8BAD, s15;
	s15 =	sld [smem:$0x7B9];
	v4 =	vsel vm11, s28, v4  }
0x1a8: {  	v4 =	vsel vm2, s26, v4;
	s17 =	sadd.s32 s17, s13;
	s13 =	sadd.s32 s8, s31;
	s31 =	sshra.s32 s1, $0x1F  }
0x1a9: {  	s28 =	sshra.s32 s29, $0xC;
	s8 =	sshrl.u32 s12, $0x1F;
	s12 =	sld [smem:$0x7B8];
	v4 =	vsel vm12, s31, v4  }
0x1aa: {  	s5 =	sshra.s32 s14, $0xC;
	v5 =	vmov s8;
	s23 =	sadd.s32 s3, s15;
	s15 =	sld [smem:$0x7C4];
	v4 =	vsel vm4, s28, v4  }
0x1ab: {  	s26 =	sshra.s32 s11, $0xC;
	s1 =	sshrl.u32 s1, $0x1F;
	v5 =	vnsel vm3, $0x0, v5;
	v4 =	vsel vm13, s30, v4;
	s30 =	sld [smem:$0x7BA]  }
0x1ac: {  	s12 =	sadd.s32 s12, s9;
	s9 =	sadd.s32 s6, s20;
	v5 =	vsel vm0, s25, v5;
	s20 =	sld [smem:$0x7BB]  }
0x1ad: {  	s8 =	sshra.s32 s11, $0x1F;
	s28 =	sshrl.u32 s10, $0x1F;
	v5 =	vsel vm1, s22, v5;
	v4 =	vsel vm5, s26, v4;
	s26 =	rddreg [dreg:$0x1e]  }
0x1ae: {  	s6 =	sshrl.u32 s29, $0x1F;
	s29 =	sshra.s32 s10, $0xC;
	v5 =	vsel vm2, s1, v5;
	v4 =	vsel vm14, s8, v4;
	s8 =	sld [smem:$0x7E9]  }
0x1af: {  	s25 =	sshrl.u32 s11, $0x1F;
	v5 =	vsel vm4, s6, v5;
	s16 =	sshra.s32 s30, $0xC;
	v4 =	vsel vm6, s29, v4;
	s29 =	sld [smem:$0x7BE]  }
0x1b0: {  	s10 =	sshrl.u32 s24, $0x1F;
	s1 =	sshra.s32 s24, $0xC;
	v5 =	vsel vm5, s25, v5;
	v7 =	vsel vm0, s16, v7;
	s25 =	sld [smem:$0x7BD]  }
0x1b1: {  	s31 =	sshrl.u32 s30, $0x1F;
	s22 =	sshra.s32 s20, $0xC;
	s30 =	sld [smem:$0x7BF];
	v7 =	vsel vm1, s19, v7  }
0x1b2: {  	s24 =	sshra.s32 s7, $0xC;
	s6 =	sshrl.u32 s20, $0x1F;
	v7 =	vsel vm2, s22, v7;
	s22 =	sld [smem:$0x7C0]  }
0x1b3: {  	v5 =	vsel vm6, s28, v5;
	s11 =	sshrl.u32 s25, $0x1F;
	s28 =	sshra.s32 s25, $0xC;
	s25 =	rddreg [dreg:$0x19]  }
0x1b4: {  	v10 =	vmov s2;
	s20 =	rddreg [dreg:$0x16];
	v4 =	vsel vm15, s4, v4;
	s4 =	sshrl.u32 s14, $0x1F;
	s16 =	sshra.s32 s29, $0xC;
	v9 =	vmov s25  }
0x1b5: {  	v13 =	vmov s5;
	v6 =	vsel vm0, s31, v6;
	s3 =	sshra.s32 s30, $0x1F;
	s31 =	sshra.s32 s22, $0x1F;
	v9 =	vsel vm0, s28, v9;
	s28 =	sld [smem:$0x7C3]  }
0x1b6: {  	v6 =	vsel vm1, s8, v6;
	v5 =	vsel vm7, s26, v5;
	s0 =	smulhi.u32 $0x68DB8BAD, s30;
	s26 =	sshra.s32 s7, $0x1F;
	s7 =	sshrl.u32 s7, $0x1F;
	v8 =	vmov s31  }
0x1b7: {  	v4 =	vsel vm7, s20, v4;
	s19 =	sshrl.u32 s29, $0x1F;
	v11 =	vmov s7;
	s3 =	smul.u32 $0x68DB8BAD, s3;
	s7 =	sshra.s32 s12, $0xC;
	v8 =	vsel vm3, s24, v8  }
0x1b8: {  	v12 =	vmov s4;
	s25 =	sld [smem:$0x7C1];
	v10 =	vsel vm0, s11, v10;
	s11 =	sshra.s32 s18, $0xC;
	v8 =	vsel vm10, s26, v8;
	s30 =	sshra.s32 s28, $0xC  }
0x1b9: {  	v6 =	vsel vm2, s6, v6;
	v4 =	vperm.xlane v4, v1;
	s18 =	sshrl.u32 s18, $0x1F;
	s8 =	sshrl.u32 s22, $0x1F;
	s31 =	sshra.s32 s28, $0x1F;
	v8 =	vsel vm0, s30, v8  }
0x1ba: {  	v5 =	vperm.xlane v5, v1;
	v10 =	vsel vm1, s19, v10;
	s20 =	smov.u32 s22;
	s19 =	sshra.s32 s15, $0x1F;
	s26 =	sshra.s32 s15, $0xC;
	v8 =	vsel vm9, s31, v8  }
0x1bb: {  	v11 =	vnsel vm3, $0x0, v11;
	s22 =	sshra.s32 s13, $0x1F;
	s0 =	sadd.s32 s3, s0;
	v9 =	vsel vm1, s16, v9;
	s16 =	sshra.s32 s21, $0xC;
	v8 =	vsel vm1, s26, v8  }
0x1bc: {  	v10 =	vsel vm2, s10, v10;
	s24 =	sld [smem:$0x7C2];
	v9 =	vsel vm2, s1, v9;
	s29 =	sshrl.u32 s28, $0x1F;
	s31 =	sshra.s32 s13, $0xC;
	v8 =	vsel vm11, s19, v8  }
0x1bd: {  	s14 =	sshra.s32 s25, $0x1F;
	s10 =	smulhi.u32 $0x68DB8BAD, s25;
	v6 =	vcombine.low v6, v10;
	v11 =	vsel vm0, s29, v11;
	s29 =	sshrl.u32 s15, $0x1F;
	v8 =	vsel vm2, s31, v8  }
0x1be: {  	s28 =	sshra.s32 s17, $0xC;
	v7 =	vcombine.low v7, v9;
	s30 =	sshra.s32 s17, $0x1F;
	s15 =	sshrl.u32 s13, $0x1F;
	v11 =	vsel vm1, s29, v11;
	v8 =	vsel vm12, s22, v8  }
0x1bf: {  	s17 =	sshrl.u32 s17, $0x1F;
	v6 =	vperm.xlane v6, v0;
	s2 =	sshra.s32 s24, $0x1F;
	s29 =	sshra.s32 s9, $0xC;
	v11 =	vsel vm2, s15, v11;
	v8 =	vsel vm4, s28, v8  }
0x1c0: {  	s24 =	smulhi.u32 $0x68DB8BAD, s24;
	s26 =	sshrl.u32 s12, $0x1F;
	v13 =	vsel vm0, s29, v13;
	v11 =	vsel vm4, s17, v11;
	v8 =	vsel vm13, s30, v8;
	s30 =	sld [smem:$0x7C5]  }
0x1c1: {  	s25 =	sshrl.u32 s23, $0x1F;
	v7 =	vperm.xlane v7, v0;
	v13 =	vsel vm1, s16, v13;
	v11 =	vsel vm5, s26, v11;
	s28 =	smul.u32 $0x68DB8BAD, s14;
	s14 =	sshrl.u32 s9, $0x1F  }
0x1c2: {  	s2 =	smul.u32 $0x68DB8BAD, s2;
	s12 =	sshra.s32 s12, $0x1F;
	s16 =	sshrl.u32 s21, $0x1F;
	v13 =	vsel vm2, s11, v13;
	v11 =	vsel vm6, s25, v11;
	v12 =	vsel vm0, s14, v12  }
0x1c3: {  	v11 =	vsel vm7, s8, v11;
	v8 =	vsel vm5, s7, v8;
	s10 =	sadd.s32 s28, s10;
	v12 =	vsel vm1, s16, v12;
	s31 =	sshrl.u32 s30, $0x1F;
	s13 =	sshra.s32 s30, $0xC  }
0x1c4: {  	s2 =	sadd.s32 s2, s24;
	v8 =	vsel vm14, s12, v8;
	s15 =	sshrl.u32 s10, $0x1F;
	s3 =	sshra.s32 s10, $0xC;
	v14 =	vmov s31;
	v15 =	vmov s13  }
0x1c5: {  	s21 =	sshra.s32 s23, $0xC;
	s17 =	sshrl.u32 s2, $0x1F;
	s2 =	sshra.s32 s2, $0xC;
	v12 =	vsel vm2, s18, v12;
	v14 =	vsel vm0, s15, v14;
	v15 =	vsel vm0, s3, v15  }
0x1c6: {  	s19 =	sshrl.u32 s0, $0x1F;
	s0 =	sshra.s32 s0, $0xC;
	s22 =	sshra.s32 s23, $0x1F;
	v8 =	vsel vm6, s21, v8;
	v14 =	vsel vm1, s17, v14;
	v15 =	vsel vm1, s2, v15  }
0x1c7: {  	s23 =	sshra.s32 s20, $0xC;
	v8 =	vsel vm15, s22, v8;
	v14 =	vsel vm2, s19, v14;
	v59 =	vsel vm2, s0, v15  }
0x1c8: {  	v8 =	vsel vm7, s23, v8;
	v60 =	vcombine.low v12, v14;
	v9 =	vcombine.low v13, v59  }
0x1c9: {  	v11 =	vperm.xlane v11, v1;
	v8 =	vperm.xlane v8, v1  }
0x1ca: {  	v10 =	vperm.xlane v60, v0;
	v9 =	vperm.xlane v9, v0  }
0x1cb: {  	v5 =	vsel vm8, v5, v6;
	v4 =	vsel vm8, v4, v7  }
0x1cc: {  	v4 =	vadd.s32 v5, v4;
	v61 =	vsel vm8, v11, v10;
	v62 =	vsel vm8, v8, v9  }
0x1cd: {  	v4 =	vmul.u32 $0x2710, v4;
	v5 =	vadd.s32 v61, v62  }
0x1ce: {  	v5 =	vmul.u32 $0x2710, v5  }
0x1cf: {  	v2 =	vsub.s32 v2, v4  }
0x1d0: {  	vm9 =	vlt.s32 v2, $0x0;
	v4 =	vadd.s32 $0x2710, v2;
	v3 =	vsub.s32 v3, v5  }
0x1d1: {  	s24 =	rddreg [dreg:$0x8];
	v2 =	vsel vm9, v4, v2;
	vm9 =	vlt.s32 v3, $0x0;
	v63 =	vadd.s32 $0x2710, v3  }
0x1d2: {  	s25 =	rddreg [dreg:$0x13];
	[tilespmem:s24+$0x4B0] =	vst v2;
	v3 =	vsel vm9, v63, v3  }
0x1d3: {  	s26 =	simm.s32 $0x1;
	[tilespmem:s25+$0x4B0] =	vst v3  }
0x1d4: {  	_ =	swait.ge [sflag:s26], $0x6400  }
0x1d5: {  	s4 =	simm.s32 $0x0;
	s28 =	sld [smem:$0x7F3]  }
0x1d6: {  	s1 =	simm.s32 $0x190;
	s29 =	simm.s32 $0x640;
	[sflag:s26] =	ssyncset.done $0x0  }
0x1d7: {  	s30 =	simm.s32 $0x320;
	s31 =	sld [smem:$0x7F2];
	[sflag:s26] =	ssyncadd.s32 $0xFFFF9C00  }
0x1d8: {  	[tilespmem:s29], [sflag:$0x3] =	stream.indirect.gather.add.f32 [hbm:s28], $0x40, s30, s1, $0xb8;
	[tilespmem:$0x19730] =	vst v63  }
0x1d9: {  	s18 =	simm.f32 $0.0e+00;
	s2 =	simm.s32 $0x6A40;
	s17 =	simm.f32 $0.0e+00  }
0x1da: {  	[tilespmem:s2], [sflag:$0x2] =	stream.indirect.gather [hbm4b:s31+s1], $0x40, s1, s1, $0xb8;
	[tilespmem:$0x19730] =	vst v63  }
.LBB2_6:
0x1db: {  	s0 =	simm.s32 $0x2  }
0x1dc: {  	_ =	swait.ge [sflag:s0], $0x6400  }
0x1dd: {  	s14 =	sld [smem:$0x7F3]  }
0x1de: {  	[sflag:s0] =	ssyncset.done $0x0  }
0x1df: {  	s3 =	simm.s32 $0x4B0;
	s15 =	simm.s32 $0x3;
	[sflag:s0] =	ssyncadd.s32 $0xFFFF9C00  }
0x1e0: {  	[tilespmem:s2], [sflag:$0x4] =	stream.indirect.gather.add.f32 [hbm:s14], $0x40, s3, s1, $0xb8;
	[tilespmem:$0x19730] =	vst v63  }
0x1e1: {  	_ =	swait.ge [sflag:s15], $0x6400  }
0x1e2: {  	p0 =	seq.s32 s4, $0x0;
	[sflag:s15] =	ssyncset.done $0x0  }
0x1e3: {  	s0 =	simm.s32 @!p0 $0x5;
	[smem:$0x7A7] =	sst s4;
	[sflag:s15] =	ssyncadd.s32 $0xFFFF9C00  }
0x1e4: {  	_ =	swait.ge @!p0 [sflag:s0], $0x6400  }
0x1e5: {  	[sflag:s0] =	ssyncset.done @!p0 $0x0  }
0x1e6: {  	s11 =	simm.s32 $0x0;
	[sflag:s0] =	ssyncadd.s32 @!p0 $0xFFFF9C00  }
0x1e7: {  	v4 =	vld [tilespmem:s11+$0x710]  }
0x1e8: {  	v2 =	vld [tilespmem:s11+$0x720]  }
0x1e9: {  	v3 =	vld [tilespmem:s11+$0x730]  }
0x1ea: {  	v8 =	vld [tilespmem:s11+$0x700]  }
0x1eb: {  	v11 =	vld [tilespmem:s11+$0x660]  }
0x1ec: {  	v12 =	vld [tilespmem:s11+$0x670]  }
0x1ed: {  	v5 =	vld [tilespmem:s11+$0x6D0]  }
0x1ee: {  	v9 =	vld [tilespmem:s11+$0x6C0]  }
0x1ef: {  	v10 =	vld [tilespmem:s11+$0x650]  }
0x1f0: {  	v13 =	vld [tilespmem:s11+$0x640]  }
0x1f1: {  	v6 =	vld [tilespmem:s11+$0x6E0];
	v14 =	vadd.f32 v4, v8  }
0x1f2: {  	v7 =	vld [tilespmem:s11+$0x6F0];
	v15 =	vadd.f32 v3, v2;
	v16 =	vmul.f32 v4, v4;
	v19 =	vmul.f32 v2, v2  }
0x1f3: {  	v20 =	vld [tilespmem:$0x19640];
	v17 =	vadd.f32 v12, v11;
	v22 =	vmul.f32 v9, v9;
	v27 =	vmul.f32 v5, v5  }
0x1f4: {  	v23 =	vld [tilespmem:$0x19650];
	v21 =	vmul.f32 v3, v3;
	v18 =	vadd.f32 v15, v14;
	v14 =	vmul.f32 v8, v8  }
0x1f5: {  	v24 =	vld [tilespmem:$0x19660];
	v15 =	vadd.f32 v10, v13;
	v22 =	vadd.f32 v27, v22  }
0x1f6: {  	v26 =	vld [tilespmem:$0x19670];
	v14 =	vadd.f32 v16, v14;
	v16 =	vadd.f32 v21, v19  }
0x1f7: {  	v25 =	vld [tilespmem:$0x19700];
	v19 =	vmul.f32 v6, v6;
	v21 =	vmul.f32 v7, v7;
	v28 =	vadd.f32 v17, v15  }
0x1f8: {  	v15 =	vmul.f32 v13, v13;
	v17 =	vmul.f32 v10, v10;
	v29 =	vadd.f32 v16, v14  }
0x1f9: {  	v14 =	vmul.f32 v11, v11;
	v16 =	vmul.f32 v12, v12;
	v19 =	vadd.f32 v21, v19  }
0x1fa: {  	v30 =	vmul.f32 v5, v23;
	v21 =	vmul.f32 v8, v20;
	v15 =	vadd.f32 v17, v15  }
0x1fb: {  	v32 =	vmul.f32 v7, v26;
	v14 =	vadd.f32 v16, v14;
	v19 =	vadd.f32 v19, v22  }
0x1fc: {  	v16 =	vmul.f32 v4, v23;
	v17 =	vadd.f32 v21, v25;
	v21 =	vmul.f32 v2, v24  }
0x1fd: {  	v22 =	vmul.f32 v3, v26;
	v27 =	vadd.f32 v14, v15;
	v15 =	vmul.f32 v9, v20  }
0x1fe: {  	v33 =	vmul.f32 v10, v23;
	v31 =	vadd.f32 v16, v17;
	v16 =	vmul.f32 v13, v20;
	v14 =	vld [tilespmem:s11+$0x690]  }
0x1ff: {  	v21 =	vadd.f32 v22, v21;
	v17 =	vmul.f32 v6, v24;
	v22 =	vadd.f32 v15, v25;
	v15 =	vld [tilespmem:s11+$0x680]  }
0x200: {  	v35 =	vmul.f32 v11, v24;
	v36 =	vmul.f32 v12, v26;
	v34 =	vadd.f32 v16, v25;
	v16 =	vld [tilespmem:s11+$0x6A0]  }
0x201: {  	v22 =	vadd.f32 v30, v22;
	v30 =	vadd.f32 v32, v17;
	v17 =	vld [tilespmem:s11+$0x6B0]  }
0x202: {  	v62 =	vadd.f32 v36, v35;
	(xrf2) =	vadd.scan.msk.f32 $0xffff, v18;
	v18 =	vadd.f32 v33, v34  }
0x203: {  	(xrf2) =	vadd.scan.msk.f32 $0xffff, v28;
	v28 =	vadd.f32 v5, v9;
	v21 =	vadd.f32 v21, v31  }
0x204: {  	(xrf2) =	vadd.scan.msk.f32 $0xffff, v29;
	v22 =	vadd.f32 v30, v22;
	v18 =	vadd.f32 v62, v18;
	v29 =	vmul.f32 v15, v20  }
0x205: {  	(xrf2) =	vadd.scan.msk.f32 $0xffff, v19;
	v63 =	vmul.f32 v14, v23;
	v30 =	vadd.f32 v7, v6;
	v19 =	vadd.f32 v14, v15  }
0x206: {  	(xrf2) =	vadd.scan.msk.f32 $0xffff, v27;
	v31 =	vmul.f32 v16, v24;
	v27 =	vmul.f32 v17, v26;
	v29 =	vadd.f32 v29, v25  }
0x207: {  	(xrf2) =	vadd.scan.msk.f32 $0xffff, v21;
	v28 =	vadd.f32 v30, v28;
	v21 =	vadd.f32 v17, v16  }
0x208: {  	(xrf2) =	vadd.scan.msk.f32 $0xffff, v22;
	v22 =	vadd.f32 v27, v31;
	v27 =	vadd.f32 v63, v29  }
0x209: {  	(xrf2) =	vadd.scan.msk.f32 $0xffff, v18;
	v18 =	vadd.f32 v21, v19  }
0x20a: {  	(xrf2) =	vadd.scan.msk.f32 $0xffff, v28;
	v28 =	vmul.f32 v17, v17;
	v19 =	vmul.f32 v15, v15;
	v22 =	vadd.f32 v22, v27  }
0x20b: {  	v21 =	vmul.f32 v14, v14;
	v27 =	vmul.f32 v16, v16;
	_ =	sdelay $0x1  }
0x20c: {  	(xrf2) =	vadd.scan.msk.f32 $0xffff, v18;
	v19 =	vadd.f32 v21, v19;
	v18, _, _ =	vpop (xrf2);
	v21 =	vadd.f32 v28, v27  }
0x20d: {  	(xrf2) =	vadd.scan.msk.f32 $0xffff, v22;
	v22, _, _ =	vpop (xrf2)  }
0x20e: {  	(v2sf) =	vpush v18, $0xF;
	v18 =	vadd.f32 v21, v19;
	v27, _, _ =	vpop (xrf2)  }
0x20f: {  	v28, _, _ =	vpop (xrf2)  }
0x210: {  	(v2sf) =	vpush v22, $0xF;
	v19, _, _ =	vpop (xrf2)  }
0x211: {  	(v2sf) =	vpush v27, $0xF;
	v21, _, _ =	vpop (xrf2)  }
0x212: {  	(xrf2) =	vadd.scan.msk.f32 $0xffff, v18;
	(v2sf) =	vpush v28, $0xF;
	v18, _, _ =	vpop (xrf2)  }
0x213: {  	(v2sf) =	vpush v19, $0xF;
	v22, _, _ =	vpop (xrf2)  }
0x214: {  	(v2sf) =	vpush v22, $0xF;
	_ =	sdelay $0x1  }
0x215: {  	(v2sf) =	vpush v21, $0xF;
	_ =	sdelay $0x1  }
0x216: {  	(v2sf) =	vpush v18, $0xF;
	_ =	sdelay $0x1  }
0x217: {  	v19, _, _ =	vpop (xrf2)  }
0x218: {  	v21, _, _ =	vpop (xrf2)  }
0x219: {  	v18, _, _ =	vpop (xrf2)  }
0x21a: {  	(v2sf) =	vpush v18, $0xF  }
0x21b: {  	s16 =	spop (v2sf)  }
0x21c: {  	v18, _, _ =	vpop (xrf2);
	s20 =	spop (v2sf)  }
0x21d: {  	(v2sf) =	vpush v18, $0xF;
	s21 =	spop (v2sf)  }
0x21e: {  	(v2sf) =	vpush v19, $0xF;
	s22 =	spop (v2sf)  }
0x21f: {  	s23 =	spop (v2sf)  }
0x220: {  	s5 =	spop (v2sf)  }
0x221: {  	(v2sf) =	vpush v21, $0xF;
	p1 =	sgt.f32 s5, $0.0e+00  }
0x222: {  	s31 =	simm.f32 $1.000000000e+00;
	s6 =	spop (v2sf)  }
0x223: {  	p2 =	sgt.f32 s6, $0.0e+00;
	s31 =	simm.s32 @!p1 $0x0  }
0x224: {  	s19 =	simm.f32 $1.000000000e+00;
	s7 =	spop (v2sf);
	s4 =	smul.f32 s31, s23  }
0x225: {  	p1 =	sgt.f32 s7, $0.0e+00;
	s25 =	smul.f32 s31, s20;
	s19 =	simm.s32 @!p2 $0x0  }
0x226: {  	s20 =	simm.f32 $1.000000000e+00;
	s2 =	smul.f32 s19, s21  }
0x227: {  	s20 =	simm.s32 @!p1 $0x0;
	s1 =	smul.f32 s19, s16  }
0x228: {  	s3 =	smul.f32 s20, s22  }
0x229: {  	s24 =	spop (v2sf);
	s4 =	smul.f32 $7.656250150e-03, s4  }
0x22a: {  	p3 =	sgt.f32 s24, $0.0e+00;
	s12 =	smul.f32 $1.093749980e-02, s25  }
0x22b: {  	s22 =	simm.f32 $1.000000000e+00;
	s2 =	smul.f32 $7.656250150e-03, s2  }
0x22c: {  	s26 =	spop (v2sf);
	s22 =	simm.s32 @!p3 $0x0;
	s21 =	smul.f32 $1.093749980e-02, s1  }
0x22d: {  	s28 =	spop (v2sf);
	s6 =	smul.f32 s22, s26  }
0x22e: {  	s7 =	smul.f32 s20, s28  }
0x22f: {  	v30 =	vld [tilespmem:$0x196A0];
	s3 =	smul.f32 $7.656250150e-03, s3  }
0x230: {  	v29 =	vld [tilespmem:$0x19680];
	s29 =	smul.f32 s12, s12;
	s8 =	spop (v2sf)  }
0x231: {  	v27 =	vld [tilespmem:$0x19690];
	s8 =	smul.f32 s22, s8  }
0x232: {  	v28 =	vld [tilespmem:$0x196B0];
	s6 =	smul.f32 $7.656250150e-03, s6  }
0x233: {  	v22 =	vld [tilespmem:$0x196C0];
	s30 =	smul.f32 $1.093749980e-02, s7  }
0x234: {  	v18 =	vld [tilespmem:$0x196F0];
	s7 =	smul.f32 s21, s21  }
0x235: {  	v19 =	vld [tilespmem:$0x196E0];
	s26 =	smul.f32 $1.093749980e-02, s8  }
0x236: {  	v21 =	vld [tilespmem:$0x196D0];
	s1 =	simm.s32 $0x400;
	s4 =	ssub.f32 s4, s29;
	s5 =	smul.f32 s30, s30  }
.LBB2_7:
0x237: {  	[dreg:$0xb] =	wrdreg s19  }
0x238: {  	[dreg:$0xd] =	wrdreg s20  }
0x239: {  	[dreg:$0x3] =	wrdreg s17  }
0x23a: {  	s13 =	smul.f32 $6.999999880e-01, s19;
	s7 =	ssub.f32 s2, s7  }
0x23b: {  	s8 =	smul.f32 s26, s26;
	s5 =	ssub.f32 s3, s5  }
0x23c: {  	s20 =	smul.f32 $6.999999880e-01, s20;
	s16 =	sadd.f32 $9.999999740e-06, s4  }
0x23d: {  	s19 =	smul.f32 $6.999999880e-01, s22;
	s6 =	ssub.f32 s6, s8  }
0x23e: {  	s2 =	smul.f32 $6.999999880e-01, s31;
	s7 =	sadd.f32 $9.999999740e-06, s7  }
0x23f: {  	s3 =	smul.f32 $5.000000000e-01, s16;
	s9 =	sadd.f32 $9.999999740e-06, s5;
	s17 =	sshrl.u32 s16, $0x1  }
0x240: {  	s8 =	ssub.s32 $0x5F3759DF, s17;
	s4 =	smul.f32 $5.000000000e-01, s7  }
0x241: {  	s24 =	sshra.s32 s1, $0x2;
	s10 =	sadd.f32 $9.999999740e-06, s6;
	s6 =	smul.f32 $5.000000000e-01, s9  }
0x242: {  	v32 =	vld [tilespmem:s24+$0x710];
	s7 =	sshrl.u32 s7, $0x1;
	s16 =	smul.f32 s8, s3  }
0x243: {  	v31 =	vld [tilespmem:s24+$0x720];
	s9 =	sshrl.u32 s9, $0x1;
	s7 =	ssub.s32 $0x5F3759DF, s7;
	s5 =	smul.f32 $5.000000000e-01, s10  }
0x244: {  	[dreg:$0x4] =	wrdreg s18;
	v33 =	vld [tilespmem:s24+$0x730];
	s18 =	ssub.s32 $0x5F3759DF, s9;
	s14 =	smul.f32 s7, s4  }
0x245: {  	v34 =	vld [tilespmem:s24+$0x700];
	s10 =	sshrl.u32 s10, $0x1;
	s25 =	smul.f32 s18, s6  }
0x246: {  	v40 =	vld [tilespmem:s24+$0x650];
	s16 =	smul.f32 s8, s16;
	s15 =	ssub.s32 $0x5F3759DF, s10  }
0x247: {  	v39 =	vld [tilespmem:s24+$0x660];
	s28 =	smul.f32 s15, s5  }
0x248: {  	[dreg:$0xf] =	wrdreg s22;
	v41 =	vld [tilespmem:s24+$0x670];
	s9 =	smul.f32 s7, s14  }
0x249: {  	v42 =	vld [tilespmem:s24+$0x640];
	s16 =	ssub.f32 $1.500000000e+00, s16;
	s23 =	smul.f32 s18, s25  }
0x24a: {  	v35 =	vld [tilespmem:s24+$0x6D0];
	s22 =	smul.f32 s15, s28;
	s9 =	ssub.f32 $1.500000000e+00, s9  }
0x24b: {  	v36 =	vld [tilespmem:s24+$0x6C0];
	s29 =	smul.f32 s8, s16;
	s0 =	ssub.f32 $1.500000000e+00, s23  }
0x24c: {  	v37 =	vld [tilespmem:s24+$0x6E0];
	s9 =	smul.f32 s7, s9  }
0x24d: {  	v38 =	vld [tilespmem:s24+$0x6F0];
	s14 =	ssub.f32 $1.500000000e+00, s22;
	s8 =	smul.f32 s18, s0  }
0x24e: {  	v43 =	vadd.f32 v32, v34;
	v44 =	vadd.f32 v33, v31;
	v63 =	vmul.f32 v34, v34;
	s22 =	smul.f32 s29, s3  }
0x24f: {  	v45 =	vadd.f32 v40, v42;
	v47 =	vmul.f32 v32, v32;
	v48 =	vmul.f32 v31, v31;
	s15 =	smul.f32 s15, s14  }
0x250: {  	v46 =	vadd.f32 v41, v39;
	v49 =	vmul.f32 v33, v33;
	v53 =	vmul.f32 v36, v36;
	s23 =	smul.f32 s9, s4  }
0x251: {  	v54 =	vmul.f32 v35, v35;
	v56 =	vmul.f32 v37, v37;
	v43 =	vadd.f32 v44, v43;
	s25 =	smul.f32 s8, s6  }
0x252: {  	v57 =	vmul.f32 v38, v38;
	v58 =	vmul.f32 v42, v42;
	v52 =	vadd.f32 v46, v45;
	s16 =	smul.f32 s22, s29  }
0x253: {  	v59 =	vmul.f32 v40, v40;
	v61 =	vmul.f32 v39, v39;
	(xrf2) =	vadd.scan.msk.f32 $0xffff, v43;
	s28 =	smul.f32 s15, s5  }
0x254: {  	v62 =	vmul.f32 v41, v41;
	v44 =	vadd.f32 v47, v63;
	v55 =	vadd.f32 v49, v48;
	(xrf2) =	vadd.scan.msk.f32 $0xffff, v52;
	s17 =	smul.f32 s23, s9  }
0x255: {  	v51 =	vmul.f32 v34, v20;
	v45 =	vadd.f32 v54, v53;
	v60 =	vadd.f32 v57, v56;
	s16 =	ssub.f32 $1.500000000e+00, s16;
	s18 =	smul.f32 s25, s8  }
0x256: {  	v53 =	vmul.f32 v32, v23;
	v54 =	vmul.f32 v31, v24;
	v44 =	vadd.f32 v55, v44;
	s22 =	smul.f32 s28, s15;
	s17 =	ssub.f32 $1.500000000e+00, s17  }
0x257: {  	v56 =	vmul.f32 v36, v20;
	v63 =	vadd.f32 v60, v45;
	v45 =	vadd.f32 v51, v25;
	s10 =	smul.f32 s16, s29;
	s29 =	ssub.f32 $1.500000000e+00, s18  }
0x258: {  	v57 =	vmul.f32 v35, v23;
	v43 =	vadd.f32 v59, v58;
	v55 =	vmul.f32 v33, v26;
	(xrf2) =	vadd.scan.msk.f32 $0xffff, v44;
	s9 =	smul.f32 s17, s9  }
0x259: {  	v59 =	vmul.f32 v37, v24;
	v52 =	vadd.f32 v62, v61;
	v45 =	vadd.f32 v53, v45;
	(xrf2) =	vadd.scan.msk.f32 $0xffff, v63;
	s0 =	ssub.f32 $1.500000000e+00, s22;
	s8 =	smul.f32 s29, s8  }
0x25a: {  	v61 =	vmul.f32 v42, v20;
	v58 =	vadd.f32 v55, v54;
	v44 =	vadd.f32 v56, v25;
	s3 =	smul.f32 s10, s3  }
0x25b: {  	v47 =	vld [tilespmem:s24+$0x6B0];
	v43 =	vadd.f32 v52, v43;
	v63 =	vmul.f32 v39, v24;
	v52 =	vmul.f32 v41, v26;
	s7 =	smul.f32 s0, s15  }
0x25c: {  	v60 =	vmul.f32 v38, v26;
	v45 =	vadd.f32 v58, v45;
	v46 =	vadd.f32 v57, v44;
	v44 =	vld [tilespmem:s24+$0x690];
	s4 =	smul.f32 s9, s4  }
0x25d: {  	v62 =	vmul.f32 v40, v23;
	v49 =	vadd.f32 v52, v63;
	v52 =	vld [tilespmem:s24+$0x680];
	v50, _, _ =	vpop (xrf2);
	(xrf2) =	vadd.scan.msk.f32 $0xffff, v43;
	v43 =	vadd.f32 v61, v25;
	s6 =	smul.f32 s8, s6  }
0x25e: {  	v53 =	vadd.f32 v60, v59;
	v51, _, _ =	vpop (xrf2);
	(xrf2) =	vadd.scan.msk.f32 $0xffff, v45;
	v45 =	vld [tilespmem:s24+$0x6A0];
	s3 =	smul.f32 s3, s10  }
0x25f: {  	v43 =	vadd.f32 v62, v43;
	s5 =	smul.f32 s7, s5  }
0x260: {  	v60 =	vmul.f32 v47, v47;
	v46 =	vadd.f32 v53, v46;
	s4 =	smul.f32 s4, s9  }
0x261: {  	v53 =	vadd.f32 v35, v36;
	v57 =	vmul.f32 v44, v44;
	v43 =	vadd.f32 v49, v43;
	s3 =	ssub.f32 $1.500000000e+00, s3;
	s6 =	smul.f32 s6, s8  }
0x262: {  	v54 =	vmul.f32 v52, v52;
	(v2sf) =	vpush v50, $0xF;
	v48, _, _ =	vpop (xrf2);
	(xrf2) =	vadd.scan.msk.f32 $0xffff, v46;
	v62 =	vadd.f32 v38, v37;
	s5 =	smul.f32 s5, s7;
	s4 =	ssub.f32 $1.500000000e+00, s4  }
0x263: {  	v61 =	vmul.f32 v52, v20;
	v49, _, _ =	vpop (xrf2);
	(xrf2) =	vadd.scan.msk.f32 $0xffff, v43;
	v43 =	vadd.f32 v44, v52;
	v55 =	vadd.f32 v47, v45;
	s3 =	smul.f32 s3, s10;
	s6 =	ssub.f32 $1.500000000e+00, s6  }
0x264: {  	v54 =	vadd.f32 v57, v54;
	(v2sf) =	vpush v51, $0xF;
	v58 =	vmul.f32 v45, v45;
	s4 =	smul.f32 s4, s9  }
0x265: {  	v59 =	vmul.f32 v45, v24;
	v46 =	vadd.f32 v55, v43;
	v43 =	vmul.f32 v47, v26;
	s6 =	smul.f32 s6, s8  }
0x266: {  	v57 =	vadd.f32 v60, v58;
	v58 =	vadd.f32 v61, v25;
	v60 =	vmul.f32 v44, v23;
	s5 =	ssub.f32 $1.500000000e+00, s5;
	s2 =	smul.f32 s3, s2  }
0x267: {  	(v2sf) =	vpush v48, $0xF;
	v53 =	vadd.f32 v62, v53;
	s3 =	smul.f32 s3, s12  }
0x268: {  	v62 =	vadd.f32 v43, v59;
	v58 =	vadd.f32 v60, v58;
	s5 =	smul.f32 s5, s7  }
0x269: {  	v43 =	vadd.f32 v57, v54;
	v57 =	vmul.f32 s2, v13;
	s10 =	smul.f32 s4, s13;
	v59 =	vmul.f32 s2, v11  }
0x26a: {  	v56, _, _ =	vpop (xrf2);
	v60 =	vmul.f32 s2, v12;
	s12 =	smul.f32 s4, s21;
	v48 =	vadd.f32 v62, v58;
	v58 =	vmul.f32 s2, v10  }
0x26b: {  	(v2sf) =	vpush v49, $0xF;
	v11 =	vmovc v39;
	v12 =	vmovc v41;
	s13 =	smul.f32 s6, s20;
	v39 =	vmul.f32 s10, v8;
	v41 =	vmul.f32 s10, v4  }
0x26c: {  	(v2sf) =	vpush v56, $0xF;
	s14 =	smul.f32 s6, s30;
	v8 =	vmovc v34;
	v34 =	vmul.f32 s10, v2;
	v51 =	vmul.f32 s10, v3  }
0x26d: {  	v61 =	vmov s3;
	v2 =	vmovc v31;
	v3 =	vmovc v33;
	s15 =	smul.f32 s5, s26;
	v31 =	vmul.f32 s13, v9;
	v33 =	vmul.f32 s13, v5  }
0x26e: {  	v10 =	vmovc v40;
	v62 =	vmov s12;
	v5 =	vmovc v35;
	s5 =	smul.f32 s5, s19;
	v35 =	vmov s14;
	v56 =	vsub.f32 v57, v61  }
0x26f: {  	v4 =	vmovc v32;
	v9 =	vmovc v36;
	v36 =	vmul.f32 s13, v6;
	v40 =	vsub.f32 v59, v61;
	v32 =	vsub.f32 v60, v61  }
0x270: {  	v57 =	vsub.f32 v58, v61;
	v58 =	vmov s15;
	v59 =	vmul.f32 s5, v15  }
0x271: {  	v55, _, _ =	vpop (xrf2);
	v60 =	vmul.f32 s5, v14;
	v39 =	vsub.f32 v39, v62;
	v41 =	vsub.f32 v41, v62  }
0x272: {  	v63, _, _ =	vpop (xrf2);
	v61 =	vmul.f32 s5, v16;
	v34 =	vsub.f32 v34, v62;
	v51 =	vsub.f32 v51, v62  }
0x273: {  	v13 =	vmovc v42;
	v6 =	vmovc v37;
	v62 =	vmul.f32 s5, v17;
	v31 =	vsub.f32 v31, v35;
	v33 =	vsub.f32 v33, v35  }
0x274: {  	v37 =	vmul.f32 v56, v29;
	v36 =	vsub.f32 v36, v35;
	v40 =	vmul.f32 v40, v30;
	v54, _, _ =	vpop (xrf2)  }
0x275: {  	v15 =	vmovc v52;
	v14 =	vmovc v44;
	v32 =	vmul.f32 v32, v28;
	(v2sf) =	vpush v54, $0xF;
	v39 =	vmul.f32 v39, v29  }
0x276: {  	v16 =	vmovc v45;
	v42 =	vsub.f32 v59, v58;
	v41 =	vmul.f32 v41, v27;
	v34 =	vmul.f32 v34, v30  }
0x277: {  	(xrf2) =	vadd.scan.msk.f32 $0xffff, v53;
	v52 =	vmul.f32 v51, v28;
	v44 =	vsub.f32 v61, v58;
	v45 =	vsub.f32 v62, v58  }
0x278: {  	v31 =	vmul.f32 v31, v29;
	v37 =	vadd.f32 v37, v22;
	v40 =	vadd.f32 v40, v19  }
0x279: {  	v33 =	vmul.f32 v33, v27;
	v32 =	vadd.f32 v32, v18;
	(v2sf) =	vpush v55, $0xF  }
0x27a: {  	(xrf2) =	vadd.scan.msk.f32 $0xffff, v46;
	(v2sf) =	vpush v63, $0xF;
	v63 =	vmul.f32 s13, v7;
	v7 =	vmovc v38;
	v38 =	vmul.f32 v57, v27  }
0x27b: {  	v17 =	vmovc v47;
	v36 =	vmul.f32 v36, v30;
	v39 =	vadd.f32 v39, v22;
	v41 =	vadd.f32 v41, v21  }
0x27c: {  	(xrf2) =	vadd.scan.msk.f32 $0xffff, v48;
	v42 =	vmul.f32 v42, v29;
	v34 =	vadd.f32 v34, v19;
	v38 =	vadd.f32 v38, v21  }
0x27d: {  	[tilespmem:s11+$0xCE40] =	vst v37;
	v47 =	vadd.f32 v52, v18;
	v37 =	vmul.f32 v37, v37;
	v55 =	vmul.f32 v40, v40  }
0x27e: {  	v31 =	vadd.f32 v31, v22;
	v56 =	vmul.f32 v32, v32;
	[tilespmem:s11+$0xCE60] =	vst v40;
	v54 =	vmul.f32 v38, v38  }
0x27f: {  	v44 =	vmul.f32 v44, v30;
	v33 =	vadd.f32 v33, v21;
	[tilespmem:s11+$0xCE70] =	vst v32;
	v32 =	vadd.f32 v36, v19  }
0x280: {  	v45 =	vmul.f32 v45, v28;
	[tilespmem:s11+$0xCE50] =	vst v38;
	v38 =	vadd.f32 v56, v55;
	v37 =	vadd.f32 v54, v37  }
0x281: {  	v35 =	vsub.f32 v63, v35;
	v63 =	vsub.f32 v60, v58;
	v57 =	vmul.f32 v39, v39;
	v40, _, _ =	vpop (xrf2);
	(xrf2) =	vadd.scan.msk.f32 $0xffff, v43  }
0x282: {  	s16 =	spop (v2sf);
	v58 =	vmul.f32 v41, v41;
	v59 =	vmul.f32 v34, v34;
	v37 =	vadd.f32 v38, v37  }
0x283: {  	s17 =	spop (v2sf);
	[tilespmem:s11+$0xCEC0] =	vst v31;
	v42 =	vadd.f32 v42, v22;
	v60 =	vmul.f32 v47, v47;
	v35 =	vmul.f32 v35, v28  }
0x284: {  	s18 =	spop (v2sf);
	v31 =	vmul.f32 v31, v31;
	v44 =	vadd.f32 v44, v19;
	v53 =	vmul.f32 v63, v27;
	v46, _, _ =	vpop (xrf2);
	(xrf2) =	vadd.scan.msk.f32 $0xffff, v37  }
0x285: {  	s19 =	spop (v2sf);
	[tilespmem:s11+$0xCED0] =	vst v33;
	v33 =	vmul.f32 v33, v33;
	v36 =	vadd.f32 v58, v57;
	v35 =	vadd.f32 v35, v18  }
0x286: {  	[tilespmem:s11+$0xCE80] =	vst v42;
	v63 =	vmul.f32 v32, v32;
	v42 =	vmul.f32 v42, v42;
	v61 =	vadd.f32 v53, v21;
	s20 =	spop (v2sf)  }
0x287: {  	v31 =	vadd.f32 v33, v31;
	v53 =	vadd.f32 v45, v18;
	v52 =	vmul.f32 v35, v35;
	s21 =	spop (v2sf)  }
0x288: {  	v62 =	vadd.f32 v60, v59;
	v56 =	vmul.f32 v44, v44;
	v38 =	vmul.f32 v61, v61;
	v54, _, _ =	vpop (xrf2);
	s22 =	spop (v2sf)  }
0x289: {  	v57 =	vmul.f32 v53, v53;
	v55 =	vadd.f32 v52, v63;
	s23 =	spop (v2sf);
	(v2sf) =	vpush v54, $0xF  }
0x28a: {  	v36 =	vadd.f32 v62, v36;
	v59 =	vadd.f32 v38, v42  }
0x28b: {  	v60 =	vadd.f32 v57, v56;
	v58 =	vadd.f32 v55, v31;
	v31, _, _ =	vpop (xrf2)  }
0x28c: {  	(v2sf) =	vpush v31, $0xF  }
0x28d: {  	[tilespmem:s11+$0xCE90] =	vst v61;
	(xrf2) =	vadd.scan.msk.f32 $0xffff, v36;
	v61 =	vadd.f32 v60, v59;
	(v2sf) =	vpush v40, $0xF  }
0x28e: {  	(xrf2) =	vadd.scan.msk.f32 $0xffff, v58;
	v31, _, _ =	vpop (xrf2);
	(v2sf) =	vpush v46, $0xF  }
0x28f: {  	(xrf2) =	vadd.scan.msk.f32 $0xffff, v61;
	(v2sf) =	vpush v31, $0xF  }
0x290: {  	[tilespmem:s11+$0xCEE0] =	vst v32  }
0x291: {  	[tilespmem:s11+$0xCF00] =	vst v39  }
0x292: {  	[tilespmem:s11+$0xCF10] =	vst v41  }
0x293: {  	[tilespmem:s11+$0xCF20] =	vst v34  }
0x294: {  	[tilespmem:s11+$0xCF30] =	vst v47;
	p3 =	sgt.f32 s21, $0.0e+00  }
0x295: {  	s6 =	simm.f32 $1.000000000e+00;
	[tilespmem:s11+$0xCEA0] =	vst v44  }
0x296: {  	s4 =	simm.f32 $1.000000000e+00;
	[tilespmem:s11+$0xCEB0] =	vst v53;
	p2 =	sgt.f32 s22, $0.0e+00;
	s6 =	simm.s32 @!p3 $0x0  }
0x297: {  	[tilespmem:s11+$0xCEF0] =	vst v35;
	s11 =	smov.u32 s24;
	p4 =	sgt.f32 s23, $0.0e+00;
	s25 =	smul.f32 s6, s20;
	v62, _, _ =	vpop (xrf2)  }
0x298: {  	s26 =	smul.f32 s6, s17;
	s4 =	simm.s32 @!p2 $0x0;
	v63, _, _ =	vpop (xrf2);
	s24 =	spop (v2sf);
	(v2sf) =	vpush v62, $0xF  }
0x299: {  	s7 =	simm.f32 $1.000000000e+00;
	s3 =	smul.f32 s4, s18;
	v31, _, _ =	vpop (xrf2);
	(v2sf) =	vpush v63, $0xF  }
0x29a: {  	s7 =	simm.s32 @!p4 $0x0;
	s0 =	smul.f32 s4, s16;
	(v2sf) =	vpush v31, $0xF  }
0x29b: {  	s28 =	smul.f32 s7, s19;
	s29 =	spop (v2sf)  }
0x29c: {  	s5 =	smul.f32 $7.656250150e-03, s25;
	s9 =	spop (v2sf)  }
0x29d: {  	s2 =	smul.f32 $7.656250150e-03, s3;
	s12 =	spop (v2sf)  }
0x29e: {  	s13 =	simm.f32 $1.000000000e+00;
	s21 =	smul.f32 $1.093749980e-02, s0;
	s18 =	spop (v2sf)  }
0x29f: {  	p3 =	sgt.f32 s24, $0.0e+00;
	s20 =	smul.f32 $5.000000000e-01, s18;
	s14 =	sshrl.u32 s18, $0x1  }
0x2a0: {  	s3 =	smul.f32 $7.656250150e-03, s28;
	s25 =	ssub.s32 $0x5F3759DF, s14  }
0x2a1: {  	s13 =	simm.s32 @!p3 $0x0;
	s28 =	smul.f32 s25, s20  }
0x2a2: {  	s10 =	smul.f32 s13, s29  }
0x2a3: {  	s28 =	smul.f32 s25, s28  }
0x2a4: {  	s8 =	smul.f32 s7, s9  }
0x2a5: {  	s9 =	smul.f32 s13, s12;
	s28 =	ssub.f32 $1.500000000e+00, s28  }
0x2a6: {  	s12 =	smul.f32 $1.093749980e-02, s26  }
0x2a7: {  	s16 =	spop (v2sf);
	s25 =	smul.f32 s25, s28  }
0x2a8: {  	s22 =	smul.f32 $5.000000000e-01, s16;
	s17 =	spop (v2sf)  }
0x2a9: {  	s15 =	sshrl.u32 s16, $0x1;
	s23 =	smul.f32 $5.000000000e-01, s17;
	s19 =	spop (v2sf)  }
0x2aa: {  	s29 =	sshrl.u32 s17, $0x1;
	s26 =	ssub.s32 $0x5F3759DF, s15;
	s24 =	smul.f32 $5.000000000e-01, s19  }
0x2ab: {  	s29 =	ssub.s32 $0x5F3759DF, s29;
	s14 =	smul.f32 s26, s22  }
0x2ac: {  	s30 =	sshrl.u32 s19, $0x1;
	s15 =	smul.f32 s29, s23  }
0x2ad: {  	s30 =	ssub.s32 $0x5F3759DF, s30;
	s14 =	smul.f32 s26, s14  }
0x2ae: {  	s0 =	smul.f32 s30, s24  }
0x2af: {  	s15 =	smul.f32 s29, s15;
	s14 =	ssub.f32 $1.500000000e+00, s14  }
0x2b0: {  	s0 =	smul.f32 s30, s0  }
0x2b1: {  	s15 =	ssub.f32 $1.500000000e+00, s15;
	s14 =	smul.f32 s26, s14  }
0x2b2: {  	s0 =	ssub.f32 $1.500000000e+00, s0;
	s26 =	smul.f32 s25, s20  }
0x2b3: {  	s15 =	smul.f32 s29, s15  }
0x2b4: {  	s0 =	smul.f32 s30, s0  }
0x2b5: {  	s28 =	smul.f32 s14, s22  }
0x2b6: {  	s26 =	smul.f32 s26, s25  }
0x2b7: {  	s29 =	smul.f32 s15, s23  }
0x2b8: {  	s30 =	smul.f32 s0, s24  }
0x2b9: {  	s28 =	smul.f32 s28, s14  }
0x2ba: {  	s26 =	ssub.f32 $1.500000000e+00, s26;
	s29 =	smul.f32 s29, s15  }
0x2bb: {  	s30 =	smul.f32 s30, s0;
	s28 =	ssub.f32 $1.500000000e+00, s28  }
0x2bc: {  	s25 =	smul.f32 s26, s25  }
0x2bd: {  	s14 =	smul.f32 s28, s14  }
0x2be: {  	s26 =	ssub.f32 $1.500000000e+00, s29;
	s20 =	smul.f32 s25, s20  }
0x2bf: {  	s29 =	ssub.f32 $1.500000000e+00, s30;
	s30 =	smul.f32 $1.093749980e-02, s8  }
0x2c0: {  	s15 =	smul.f32 s26, s15  }
0x2c1: {  	s0 =	smul.f32 s29, s0  }
0x2c2: {  	p4 =	sgt.f32 s18, $0.0e+00;
	s22 =	smul.f32 s14, s22  }
0x2c3: {  	p2 =	sgt.f32 s16, $0.0e+00;
	s20 =	smul.f32 s20, s25  }
0x2c4: {  	p3 =	sgt.f32 s17, $0.0e+00;
	s23 =	smul.f32 s15, s23  }
0x2c5: {  	p5 =	sgt.f32 s19, $0.0e+00;
	s24 =	smul.f32 s0, s24  }
0x2c6: {  	s28 =	rddreg [dreg:$0xb];
	s22 =	smul.f32 s22, s14  }
0x2c7: {  	s20 =	ssub.f32 $1.500000000e+00, s20;
	s23 =	smul.f32 s23, s15  }
0x2c8: {  	s24 =	smul.f32 s24, s0;
	s22 =	ssub.f32 $1.500000000e+00, s22  }
0x2c9: {  	s20 =	smul.f32 s20, s25;
	s25 =	rddreg [dreg:$0xd]  }
0x2ca: {  	s23 =	ssub.f32 $1.500000000e+00, s23;
	s14 =	smul.f32 s22, s14  }
0x2cb: {  	s24 =	ssub.f32 $1.500000000e+00, s24;
	s18 =	smul.f32 s20, s18  }
0x2cc: {  	s22 =	rddreg [dreg:$0x4];
	s15 =	smul.f32 s23, s15  }
0x2cd: {  	s23 =	rddreg [dreg:$0x3];
	s0 =	smul.f32 s24, s0  }
0x2ce: {  	s29 =	smul.f32 s12, s12;
	s20 =	smov.u32 s7;
	s24 =	rddreg [dreg:$0xf]  }
0x2cf: {  	s18 =	simm.s32 @!p4 $0x0;
	s0 =	smul.f32 s0, s19;
	s19 =	sadd.f32 s31, s22  }
0x2d0: {  	s7 =	smul.f32 s21, s21;
	s31 =	smov.u32 s6;
	s6 =	sadd.f32 s18, s23  }
0x2d1: {  	p1 =	sne.s32 s1, $0x18C00;
	s15 =	smul.f32 s15, s17;
	s17 =	sadd.f32 s24, s19  }
0x2d2: {  	s0 =	simm.s32 @!p5 $0x0;
	s19 =	smov.u32 s4;
	s4 =	ssub.f32 s5, s29  }
.Ltmp4:
0x2d3: {  	s22 =	smov.u32 s13;
	s0 =	sadd.f32 s0, s6;
	(pc) =	sbr.rel @p1 .LBB2_7-.Ltmp4, $4  }
0x2d4: {  	s13 =	smul.f32 s14, s16;
	s15 =	simm.s32 @!p3 $0x0;
	s26 =	sadd.f32 s25, s17  }
0x2d5: {  	s5 =	smul.f32 s30, s30;
	s0 =	sadd.f32 s15, s0  }
0x2d6: {  	s13 =	simm.s32 @!p2 $0x0;
	s6 =	smul.f32 $7.656250150e-03, s10;
	s18 =	sadd.f32 s28, s26  }
0x2d7: {  	s1 =	sadd.s32 $0x400, s1;
	s26 =	smul.f32 $1.093749980e-02, s9;
	s17 =	sadd.f32 s13, s0  }
0x2d8: {  	s1 =	ssub.f32 s2, s7  }
0x2d9: {  	s9 =	ssub.f32 s3, s5;
	s25 =	smul.f32 $6.999999880e-01, s19  }
0x2da: {  	s10 =	sadd.f32 $9.999999740e-06, s4;
	s28 =	smul.f32 $6.999999880e-01, s20  }
0x2db: {  	s0 =	smul.f32 s26, s26;
	s1 =	sadd.f32 $9.999999740e-06, s1  }
0x2dc: {  	s4 =	smul.f32 $5.000000000e-01, s10;
	s2 =	sadd.f32 $9.999999740e-06, s9  }
0x2dd: {  	s3 =	sshrl.u32 s10, $0x1;
	s0 =	ssub.f32 s6, s0;
	s5 =	smul.f32 $5.000000000e-01, s1  }
0x2de: {  	s3 =	ssub.s32 $0x5F3759DF, s3;
	s6 =	smul.f32 $5.000000000e-01, s2;
	s1 =	sshrl.u32 s1, $0x1  }
0x2df: {  	s8 =	smul.f32 s3, s4;
	s2 =	sshrl.u32 s2, $0x1;
	s1 =	ssub.s32 $0x5F3759DF, s1  }
0x2e0: {  	s2 =	ssub.s32 $0x5F3759DF, s2;
	s9 =	smul.f32 s1, s5  }
0x2e1: {  	s0 =	sadd.f32 $9.999999740e-06, s0;
	s10 =	smul.f32 s2, s6  }
0x2e2: {  	s8 =	smul.f32 s3, s8  }
0x2e3: {  	s7 =	smul.f32 $5.000000000e-01, s0  }
0x2e4: {  	s0 =	sshrl.u32 s0, $0x1;
	s9 =	smul.f32 s1, s9  }
0x2e5: {  	s0 =	ssub.s32 $0x5F3759DF, s0;
	s8 =	ssub.f32 $1.500000000e+00, s8;
	s10 =	smul.f32 s2, s10  }
0x2e6: {  	s13 =	smul.f32 s0, s7  }
0x2e7: {  	s3 =	smul.f32 s3, s8  }
0x2e8: {  	s8 =	smul.f32 $6.999999880e-01, s31;
	s9 =	ssub.f32 $1.500000000e+00, s9  }
0x2e9: {  	s13 =	smul.f32 s0, s13  }
0x2ea: {  	s10 =	ssub.f32 $1.500000000e+00, s10;
	s1 =	smul.f32 s1, s9  }
0x2eb: {  	s14 =	smul.f32 s3, s4  }
0x2ec: {  	s2 =	smul.f32 s2, s10  }
0x2ed: {  	s15 =	smul.f32 s14, s3  }
0x2ee: {  	s13 =	ssub.f32 $1.500000000e+00, s13;
	s16 =	smul.f32 s1, s5  }
0x2ef: {  	s23 =	smul.f32 s2, s6  }
0x2f0: {  	s0 =	smul.f32 s0, s13  }
0x2f1: {  	s10 =	smul.f32 s16, s1  }
0x2f2: {  	s9 =	ssub.f32 $1.500000000e+00, s15;
	s13 =	smul.f32 s23, s2  }
0x2f3: {  	s24 =	smul.f32 s0, s7  }
0x2f4: {  	s3 =	smul.f32 s9, s3;
	s10 =	ssub.f32 $1.500000000e+00, s10  }
0x2f5: {  	s13 =	ssub.f32 $1.500000000e+00, s13;
	s9 =	smul.f32 s24, s0  }
0x2f6: {  	s1 =	smul.f32 s10, s1  }
0x2f7: {  	s2 =	smul.f32 s13, s2  }
0x2f8: {  	s4 =	smul.f32 s3, s4  }
0x2f9: {  	s5 =	smul.f32 s1, s5  }
0x2fa: {  	s9 =	ssub.f32 $1.500000000e+00, s9;
	s6 =	smul.f32 s2, s6  }
0x2fb: {  	s4 =	smul.f32 s4, s3  }
0x2fc: {  	s0 =	smul.f32 s9, s0  }
0x2fd: {  	s5 =	smul.f32 s5, s1  }
0x2fe: {  	s4 =	ssub.f32 $1.500000000e+00, s4;
	s6 =	smul.f32 s6, s2  }
0x2ff: {  	s7 =	smul.f32 s0, s7  }
0x300: {  	s5 =	ssub.f32 $1.500000000e+00, s5;
	s3 =	smul.f32 s4, s3  }
0x301: {  	s6 =	ssub.f32 $1.500000000e+00, s6;
	s7 =	smul.f32 s7, s0  }
0x302: {  	s1 =	smul.f32 s5, s1  }
0x303: {  	s2 =	smul.f32 s6, s2  }
0x304: {  	s8 =	smul.f32 s3, s8  }
0x305: {  	s3 =	smul.f32 s3, s12  }
0x306: {  	v13 =	vmul.f32 s8, v13;
	v10 =	vmul.f32 s8, v10;
	s5 =	smul.f32 s1, s25  }
0x307: {  	v11 =	vmul.f32 s8, v11;
	v12 =	vmul.f32 s8, v12;
	s1 =	smul.f32 s1, s21  }
0x308: {  	s14 =	smul.f32 s2, s28;
	v8 =	vmul.f32 s5, v8;
	v4 =	vmul.f32 s5, v4  }
0x309: {  	s7 =	ssub.f32 $1.500000000e+00, s7;
	v20 =	vmov s3;
	s2 =	smul.f32 s2, s30;
	v2 =	vmul.f32 s5, v2;
	v3 =	vmul.f32 s5, v3  }
0x30a: {  	v9 =	vmul.f32 s14, v9;
	v5 =	vmul.f32 s14, v5;
	v23 =	vmov s1  }
0x30b: {  	s0 =	smul.f32 s7, s0;
	v24 =	vmov s2;
	v13 =	vsub.f32 v13, v20;
	v10 =	vsub.f32 v10, v20  }
0x30c: {  	s29 =	smul.f32 $6.999999880e-01, s22;
	v6 =	vmul.f32 s14, v6;
	v11 =	vsub.f32 v11, v20;
	v12 =	vsub.f32 v12, v20  }
0x30d: {  	v7 =	vmul.f32 s14, v7;
	s15 =	smul.f32 s0, s26;
	v8 =	vsub.f32 v8, v23;
	v4 =	vsub.f32 v4, v23  }
0x30e: {  	s0 =	smul.f32 s0, s29;
	v2 =	vsub.f32 v2, v23;
	v3 =	vsub.f32 v3, v23;
	v13 =	vmul.f32 v13, v29  }
0x30f: {  	v9 =	vsub.f32 v9, v24;
	v10 =	vmul.f32 v10, v27;
	v11 =	vmul.f32 v11, v30  }
0x310: {  	v5 =	vsub.f32 v5, v24;
	v12 =	vmul.f32 v12, v28;
	v15 =	vmul.f32 s0, v15  }
0x311: {  	v6 =	vsub.f32 v6, v24;
	v14 =	vmul.f32 s0, v14;
	v16 =	vmul.f32 s0, v16  }
0x312: {  	v7 =	vsub.f32 v7, v24;
	v17 =	vmul.f32 s0, v17;
	v8 =	vmul.f32 v8, v29  }
0x313: {  	v25 =	vmov s15;
	v4 =	vmul.f32 v4, v27;
	v2 =	vmul.f32 v2, v30  }
0x314: {  	v36 =	vmul.f32 v3, v28;
	v13 =	vadd.f32 v13, v22;
	v10 =	vadd.f32 v10, v21  }
0x315: {  	v9 =	vmul.f32 v9, v29;
	v11 =	vadd.f32 v11, v19;
	v12 =	vadd.f32 v12, v18  }
0x316: {  	v37 =	vmul.f32 v5, v27;
	v15 =	vsub.f32 v15, v25;
	v14 =	vsub.f32 v14, v25  }
0x317: {  	v6 =	vmul.f32 v6, v30;
	v3 =	vsub.f32 v16, v25;
	v17 =	vsub.f32 v17, v25  }
0x318: {  	v7 =	vmul.f32 v7, v28;
	v39 =	vadd.f32 v8, v22;
	v4 =	vadd.f32 v4, v21  }
0x319: {  	v41 =	vmul.f32 v13, v13;
	v42 =	vmul.f32 v10, v10;
	v9 =	vadd.f32 v9, v22  }
0x31a: {  	v43 =	vmul.f32 v11, v11;
	v44 =	vmul.f32 v12, v12;
	v16 =	vadd.f32 v37, v21  }
0x31b: {  	v6 =	vadd.f32 v6, v19;
	v15 =	vmul.f32 v15, v29;
	v14 =	vmul.f32 v14, v27  }
0x31c: {  	v7 =	vadd.f32 v7, v18;
	v38 =	vmul.f32 v3, v30;
	v40 =	vmul.f32 v17, v28  }
0x31d: {  	v3 =	vadd.f32 v2, v19;
	v2 =	vadd.f32 v36, v18;
	v26 =	vmul.f32 v39, v39  }
0x31e: {  	v17 =	vadd.f32 v42, v41;
	v46 =	vmul.f32 v4, v4;
	v49 =	vmul.f32 v9, v9  }
0x31f: {  	v45 =	vadd.f32 v44, v43;
	v50 =	vmul.f32 v16, v16;
	v52 =	vmul.f32 v6, v6  }
0x320: {  	v53 =	vmul.f32 v7, v7;
	v15 =	vadd.f32 v15, v22;
	v14 =	vadd.f32 v14, v21  }
0x321: {  	v47 =	vmul.f32 v3, v3;
	v51 =	vadd.f32 v38, v19;
	v8 =	vadd.f32 v40, v18  }
0x322: {  	v48 =	vmul.f32 v2, v2;
	v24 =	vadd.f32 v46, v26;
	v17 =	vadd.f32 v45, v17  }
0x323: {  	v21 =	vadd.f32 v50, v49;
	v23 =	vadd.f32 v53, v52  }
0x324: {  	v22 =	vadd.f32 v48, v47;
	v54 =	vmul.f32 v15, v15;
	v55 =	vmul.f32 v14, v14  }
0x325: {  	v56 =	vmul.f32 v51, v51;
	v57 =	vmul.f32 v8, v8;
	(xrf2) =	vadd.scan.msk.f32 $0xffff, v17  }
0x326: {  	v59 =	vadd.f32 v23, v21;
	v22 =	vadd.f32 v22, v24  }
0x327: {  	v18 =	vadd.f32 v55, v54;
	v58 =	vadd.f32 v57, v56  }
0x328: {  	(xrf2) =	vadd.scan.msk.f32 $0xffff, v22  }
0x329: {  	v18 =	vadd.f32 v58, v18;
	(xrf2) =	vadd.scan.msk.f32 $0xffff, v59;
	_ =	sdelay $0x1  }
0x32a: {  	(xrf2) =	vadd.scan.msk.f32 $0xffff, v18;
	_ =	sdelay $0x3  }
0x32b: {  	v60, _, _ =	vpop (xrf2)  }
0x32c: {  	(v2sf) =	vpush v60, $0xF;
	_ =	sdelay $0x1  }
0x32d: {  	v61, _, _ =	vpop (xrf2)  }
0x32e: {  	v62, _, _ =	vpop (xrf2);
	(v2sf) =	vpush v61, $0xF  }
0x32f: {  	(v2sf) =	vpush v62, $0xF  }
0x330: {  	v63, _, _ =	vpop (xrf2)  }
0x331: {  	(v2sf) =	vpush v63, $0xF;
	_ =	sdelay $0x8  }
0x332: {  	s4 =	spop (v2sf)  }
0x333: {  	s0 =	smul.f32 $5.000000000e-01, s4;
	s16 =	sshrl.u32 s4, $0x1  }
0x334: {  	s6 =	ssub.s32 $0x5F3759DF, s16  }
0x335: {  	s1 =	spop (v2sf);
	s23 =	smul.f32 s6, s0  }
0x336: {  	s5 =	smul.f32 $5.000000000e-01, s1;
	s2 =	spop (v2sf)  }
0x337: {  	s7 =	smul.f32 $5.000000000e-01, s2  }
0x338: {  	s21 =	sshrl.u32 s1, $0x1;
	s3 =	spop (v2sf);
	s10 =	smul.f32 s6, s23  }
0x339: {  	s24 =	sshrl.u32 s2, $0x1;
	s9 =	ssub.s32 $0x5F3759DF, s21;
	s8 =	smul.f32 $5.000000000e-01, s3  }
0x33a: {  	s25 =	sshrl.u32 s3, $0x1;
	s12 =	ssub.s32 $0x5F3759DF, s24;
	s14 =	smul.f32 s9, s5  }
0x33b: {  	s13 =	ssub.s32 $0x5F3759DF, s25;
	s15 =	smul.f32 s12, s7  }
0x33c: {  	s16 =	smul.f32 s13, s8  }
0x33d: {  	s10 =	ssub.f32 $1.500000000e+00, s10;
	s14 =	smul.f32 s9, s14  }
0x33e: {  	s15 =	smul.f32 s12, s15  }
0x33f: {  	s6 =	smul.f32 s6, s10  }
0x340: {  	s16 =	smul.f32 s13, s16;
	s14 =	ssub.f32 $1.500000000e+00, s14  }
0x341: {  	s28 =	smul.f32 s6, s0;
	s29 =	ssub.f32 $1.500000000e+00, s15  }
0x342: {  	s16 =	ssub.f32 $1.500000000e+00, s16;
	s9 =	smul.f32 s9, s14  }
0x343: {  	s12 =	smul.f32 s12, s29  }
0x344: {  	s26 =	smul.f32 s13, s16  }
0x345: {  	s13 =	smul.f32 s28, s6  }
0x346: {  	s16 =	smul.f32 s26, s8  }
0x347: {  	s15 =	smul.f32 s9, s5  }
0x348: {  	s13 =	ssub.f32 $1.500000000e+00, s13;
	s30 =	smul.f32 s16, s26  }
0x349: {  	s16 =	smul.f32 s12, s7  }
0x34a: {  	s6 =	smul.f32 s13, s6  }
0x34b: {  	s14 =	ssub.f32 $1.500000000e+00, s30;
	s13 =	smul.f32 s16, s12  }
0x34c: {  	s0 =	smul.f32 s6, s0  }
0x34d: {  	s10 =	smul.f32 s14, s26  }
0x34e: {  	s14 =	smul.f32 s15, s9  }
0x34f: {  	s0 =	smul.f32 s0, s6;
	s13 =	ssub.f32 $1.500000000e+00, s13  }
0x350: {  	s8 =	smul.f32 s10, s8  }
0x351: {  	s14 =	ssub.f32 $1.500000000e+00, s14;
	s12 =	smul.f32 s13, s12  }
0x352: {  	s0 =	ssub.f32 $1.500000000e+00, s0;
	s8 =	smul.f32 s8, s10  }
0x353: {  	p1 =	sgt.f32 s4, $0.0e+00;
	s9 =	smul.f32 s14, s9  }
0x354: {  	[tilespmem:s11+$0xCE40] =	vst v13;
	s23 =	sadd.f32 s31, s18;
	s0 =	smul.f32 s0, s6  }
0x355: {  	[tilespmem:s11+$0xCE50] =	vst v10;
	p2 =	sgt.f32 s3, $0.0e+00;
	s7 =	smul.f32 s12, s7  }
0x356: {  	[tilespmem:s11+$0xCE60] =	vst v11;
	s25 =	sld [smem:$0x7A7];
	s5 =	smul.f32 s9, s5  }
0x357: {  	[tilespmem:s11+$0xCE70] =	vst v12;
	s8 =	ssub.f32 $1.500000000e+00, s8;
	s7 =	smul.f32 s7, s12  }
0x358: {  	[tilespmem:s11+$0xCEC0] =	vst v9;
	s29 =	rddreg [dreg:$0x1];
	s0 =	smul.f32 s0, s4  }
0x359: {  	[tilespmem:s11+$0xCED0] =	vst v16;
	s28 =	sld [smem:$0x7FA];
	s21 =	smul.f32 s8, s10  }
0x35a: {  	[tilespmem:s11+$0xCEE0] =	vst v6;
	s4 =	sadd.f32 s22, s23;
	s5 =	smul.f32 s5, s9  }
0x35b: {  	[tilespmem:s11+$0xCEF0] =	vst v7;
	s7 =	ssub.f32 $1.500000000e+00, s7;
	s0 =	simm.s32 @!p1 $0x0;
	p1 =	sgt.f32 s2, $0.0e+00  }
0x35c: {  	[tilespmem:s11+$0xCF00] =	vst v39;
	s8 =	smul.u32 $0x320, s25;
	s4 =	sadd.f32 s20, s4  }
0x35d: {  	[tilespmem:s11+$0xCF10] =	vst v4;
	s0 =	sadd.f32 s0, s17;
	s24 =	smul.f32 s7, s12  }
0x35e: {  	[tilespmem:s11+$0xCF20] =	vst v3;
	s31 =	simm.s32 $0xCE40;
	s3 =	smul.f32 s21, s3;
	s5 =	ssub.f32 $1.500000000e+00, s5  }
0x35f: {  	[tilespmem:s11+$0xCF30] =	vst v2;
	s30 =	simm.s32 $0x0;
	s18 =	sadd.f32 s19, s4;
	s2 =	smul.f32 s24, s2  }
0x360: {  	[tilespmem:s11+$0xCE80] =	vst v15;
	s3 =	simm.s32 @!p2 $0x0;
	s26 =	smul.f32 s5, s9;
	s5 =	sadd.s32 s28, s8  }
0x361: {  	[tilespmem:s11+$0xCE90] =	vst v14;
	s0 =	sadd.f32 s3, s0;
	s2 =	simm.s32 @!p1 $0x0;
	p1 =	sne.s32 s25, $0x7  }
.Ltmp5:
0x362: {  	[tilespmem:s11+$0xCEA0] =	vst v51;
	p2 =	sgt.f32 s1, $0.0e+00;
	s5 =	sshll.u32 s5, $0x3;
	(pc) =	sbr.rel @p1 .LBB2_10-.Ltmp5, $4  }
0x363: {  	[tilespmem:s11+$0xCEB0] =	vst v8;
	s1 =	smul.f32 s26, s1;
	s0 =	sadd.f32 s2, s0;
	s2 =	sadd.s32 s29, s5  }
0x364: {  	[hbm4b:s2+s30] =	stream.linear.scatter [tilespmem:s31], [sflag:$0x5], $0x6400, $0x38;
	[tilespmem:$0x19730] =	vst v63  }
0x365: {  	[smem:$0x7A6] =	sst s8;
	s1 =	simm.s32 @!p2 $0x0  }
0x366: {  	vm9 =	vcmask $0x704;
	s17 =	sadd.f32 s1, s0  }
.Ltmp6:
0x367: {  	(pc) =	sbr.rel .LBB2_13-.Ltmp6, $4  }
0x368: {  	s0 =	simm.s32 $0x4  }
0x369: {  	_ =	swait.ge [sflag:s0], $0x6400  }
0x36a: {  	[sflag:s0] =	ssyncset.done $0x0  }
0x36b: {  	[sflag:s0] =	ssyncadd.s32 $0xFFFF9C00  }
.LBB2_10:
0x36c: {  	s0 =	sld [smem:$0x7F9];
	_ =	sdelay $0x1  }
0x36d: {  	s1 =	sld [smem:$0x7F7]  }
0x36e: {  	s0 =	sadd.s32 s8, s0  }
0x36f: {  	[dreg:$0x6] =	wrdreg s18;
	s11 =	simm.s32 $0x0;
	s0 =	sshrl.u32 s0, $0x3  }
0x370: {  	s12 =	simm.s32 $0x7;
	[dreg:$0x5] =	wrdreg s17;
	s0 =	sadd.s32 s1, s0  }
0x371: {  	[tilespmem:s11], [sflag:$0x7] =	stream.linear.gather [hbm4b:s0+s11], $0x190, $0x38;
	[tilespmem:$0x19730] =	vst v63  }
0x372: {  	_ =	swait.ge [sflag:s12], $0x190  }
0x373: {  	[sflag:s12] =	ssyncset.done $0x0  }
0x374: {  	s13 =	simm.s32 $0x0;
	[sflag:s12] =	ssyncadd.s32 $0xFFFFFE70  }
0x375: {  	v2 =	vld [tilespmem:s13+$0x0];
	_ =	sdelay $0x4  }
0x376: {  	v2 =	vmul.u32 $0x1F, v2;
	_ =	sdelay $0x1  }
0x377: {  	(v2sf) =	vpush v2, $0x0  }
0x378: {  	(v2sf) =	vpush v2, $0x7;
	_ =	sdelay $0x2  }
0x379: {  	(v2sf) =	vpush v2, $0x1  }
0x37a: {  	(v2sf) =	vpush v2, $0x2;
	_ =	sdelay $0x1  }
0x37b: {  	(v2sf) =	vpush v2, $0x5;
	_ =	sdelay $0x2  }
0x37c: {  	(v2sf) =	vpush v2, $0x3  }
0x37d: {  	(v2sf) =	vpush v2, $0x4  }
0x37e: {  	(v2sf) =	vpush v2, $0xC;
	_ =	sdelay $0x1  }
0x37f: {  	(v2sf) =	vpush v2, $0x8  }
0x380: {  	(v2sf) =	vpush v2, $0x9;
	s15 =	spop (v2sf)  }
0x381: {  	s16 =	spop (v2sf);
	s30 =	smulhi.u32 $0x68DB8BAD, s15  }
0x382: {  	(v2sf) =	vpush v2, $0x6;
	s19 =	sshra.s32 s15, $0x1F;
	s18 =	smulhi.u32 $0x68DB8BAD, s16  }
0x383: {  	s1 =	sshra.s32 s16, $0x1F;
	s19 =	smul.u32 $0x68DB8BAD, s19  }
0x384: {  	(v2sf) =	vpush v2, $0xD;
	s2 =	spop (v2sf);
	s1 =	smul.u32 $0x68DB8BAD, s1  }
0x385: {  	(v2sf) =	vpush v2, $0xE;
	s3 =	spop (v2sf);
	s6 =	smulhi.u32 $0x68DB8BAD, s2  }
0x386: {  	(v2sf) =	vpush v2, $0xA;
	s2 =	sshra.s32 s2, $0x1F;
	s23 =	smulhi.u32 $0x68DB8BAD, s3  }
0x387: {  	s14 =	simm.s32 $0x0;
	s4 =	spop (v2sf);
	s11 =	smul.u32 $0x68DB8BAD, s2  }
0x388: {  	(v2sf) =	vpush v2, $0xF;
	s3 =	sshra.s32 s3, $0x1F;
	s5 =	sshra.s32 s4, $0x1F;
	s4 =	smulhi.u32 $0x68DB8BAD, s4  }
0x389: {  	s21 =	simm.s32 $0x10;
	[dreg:$0x9] =	wrdreg s14;
	(v2sf) =	vpush v2, $0xB;
	s12 =	smul.u32 $0x68DB8BAD, s3  }
0x38a: {  	s22 =	spop (v2sf);
	s1 =	sadd.s32 s1, s18;
	s17 =	smul.u32 $0x68DB8BAD, s5  }
0x38b: {  	s7 =	spop (v2sf);
	s2 =	smulhi.u32 $0x68DB8BAD, s22;
	s29 =	sshra.s32 s22, $0x1F  }
0x38c: {  	[dreg:$0x1f] =	wrdreg s4;
	s9 =	spop (v2sf);
	s25 =	sshra.s32 s7, $0x1F  }
0x38d: {  	s6 =	sadd.s32 s11, s6;
	[smem:$0x7A2] =	sst s17;
	s16 =	smul.u32 $0x68DB8BAD, s25  }
0x38e: {  	s28 =	sshrl.u32 s6, $0x1F;
	s24 =	spop (v2sf);
	s22 =	smulhi.u32 $0x68DB8BAD, s9  }
0x38f: {  	s26 =	sshra.s32 s9, $0x1F;
	s13 =	spop (v2sf);
	s17 =	smulhi.u32 $0x68DB8BAD, s24  }
0x390: {  	s0 =	sshra.s32 s24, $0x1F;
	s15 =	smul.u32 $0x68DB8BAD, s26;
	s26 =	sadd.s32 s12, s23  }
0x391: {  	s24 =	simm.s32 $0x10;
	s14 =	spop (v2sf);
	s10 =	sshra.s32 s13, $0x1F  }
0x392: {  	[dreg:$0x14] =	wrdreg s24;
	s0 =	smul.u32 $0x68DB8BAD, s0;
	s5 =	sshra.s32 s26, $0x1F  }
0x393: {  	s4 =	smulhi.u32 $0x68DB8BAD, s14;
	s18 =	sadd.s32 s15, s22;
	s3 =	spop (v2sf)  }
0x394: {  	v3 =	vld [tilespmem:s21+$0x0];
	s22 =	smulhi.u32 $0x68DB8BAD, s13;
	s14 =	sshra.s32 s14, $0x1F;
	s20 =	spop (v2sf)  }
0x395: {  	s0 =	sadd.s32 s0, s17;
	s14 =	smul.u32 $0x68DB8BAD, s14;
	s31 =	spop (v2sf)  }
0x396: {  	s17 =	sshra.s32 s1, $0x1F;
	s23 =	sshra.s32 s31, $0x1F;
	s31 =	smulhi.u32 $0x68DB8BAD, s31  }
0x397: {  	s9 =	sshra.s32 s0, $0xC;
	s25 =	spop (v2sf);
	s12 =	smul.u32 $0x68DB8BAD, s23  }
0x398: {  	s15 =	spop (v2sf);
	s13 =	smulhi.u32 $0x68DB8BAD, s25;
	s23 =	sshra.s32 s1, $0xC  }
0x399: {  	v3 =	vmul.u32 $0x1F, v3;
	s1 =	sshrl.u32 s1, $0x1F;
	s21 =	sshra.s32 s15, $0x1F;
	[dreg:$0x17] =	wrdreg s23  }
0x39a: {  	vm12 =	vmmov vm11;
	[smem:$0x7A3] =	sst s1;
	s23 =	sshrl.u32 s0, $0x1F;
	s0 =	sshra.s32 s6, $0x1F  }
0x39b: {  	vm11 =	vcmask $0xF0C;
	vm14 =	vmmov vm13;
	(v2sf) =	vpush v3, $0x0;
	s6 =	sshra.s32 s6, $0xC;
	s1 =	sshra.s32 s20, $0x1F;
	s8 =	sadd.s32 s12, s31  }
0x39c: {  	vm13 =	vcmask $0x1F1C;
	vm3 =	vmmov vm15;
	(v2sf) =	vpush v3, $0x7;
	s12 =	sshra.s32 s25, $0x1F;
	s11 =	smul.u32 $0x68DB8BAD, s21;
	s31 =	sshra.s32 s18, $0xC  }
0x39d: {  	vm15 =	vcmask $0x2F2C;
	vm5 =	vmmov vm4;
	(v2sf) =	vpush v3, $0x1;
	s21 =	smulhi.u32 $0x68DB8BAD, s7;
	s24 =	sshrl.u32 s8, $0x1F;
	[dreg:$0x1a] =	wrdreg s31  }
0x39e: {  	vm4 =	vcmask $0x300;
	vm7 =	vmmov vm6;
	(v2sf) =	vpush v3, $0x2;
	s7 =	sshra.s32 s3, $0x1F;
	s25 =	sshra.s32 s8, $0xC;
	[smem:$0x7A4] =	sst s24  }
0x39f: {  	vm6 =	vcmask $0x2B28;
	vm10 =	vcmask $0x3B38;
	(v2sf) =	vpush v3, $0x5;
	s8 =	sshra.s32 s26, $0xC;
	[smem:$0x7A5] =	sst s25;
	s25 =	simm.s32 $0x80  }
.LBB2_11:
0x3a0: {  	s24 =	smulhi.u32 $0x68DB8BAD, s15;
	s16 =	sadd.s32 s16, s21;
	s21 =	rddreg [dreg:$0x9]  }
0x3a1: {  	s15 =	rddreg [dreg:$0x14];
	s3 =	smulhi.u32 $0x68DB8BAD, s3  }
0x3a2: {  	s18 =	sshrl.u32 s18, $0x1F;
	v4 =	vmov s17;
	s17 =	sld [smem:$0x7A2];
	s12 =	smul.u32 $0x68DB8BAD, s12  }
0x3a3: {  	v5 =	vmov s23;
	s23 =	sshrl.u32 s26, $0x1F;
	s20 =	smulhi.u32 $0x68DB8BAD, s20;
	p1 =	sne.s32 s25, $0x600  }
0x3a4: {  	s31 =	smov.u32 s21;
	s21 =	smov.u32 s25;
	s4 =	sadd.s32 s14, s4  }
0x3a5: {  	v9 =	vmov s18;
	s18 =	sshra.s32 s25, $0x2;
	[smem:$0x79F] =	sst s31;
	s31 =	smov.u32 s15  }
0x3a6: {  	v7 =	vmov s9;
	s19 =	sadd.s32 s19, s30;
	s15 =	sshra.s32 s16, $0xC;
	s9 =	sshra.s32 s4, $0xC  }
0x3a7: {  	s12 =	sadd.s32 s12, s13;
	[dreg:$0x9] =	wrdreg s31;
	s31 =	smul.u32 $0x68DB8BAD, s29  }
0x3a8: {  	[dreg:$0x14] =	wrdreg s18;
	s30 =	sadd.s32 $0x40, s25;
	s29 =	smul.u32 $0x68DB8BAD, s10  }
0x3a9: {  	s10 =	sadd.s32 s11, s24;
	s24 =	sshra.s32 s19, $0x1F;
	s11 =	sshra.s32 s16, $0x1F  }
0x3aa: {  	s16 =	sshrl.u32 s16, $0x1F;
	s21 =	sadd.s32 s31, s2;
	s31 =	sshra.s32 s19, $0xC  }
0x3ab: {  	(v2sf) =	vpush v3, $0x3;
	s2 =	rddreg [dreg:$0x1f];
	s19 =	sshrl.u32 s19, $0x1F;
	s26 =	sadd.s32 s29, s22;
	v4 =	vsel vm4, s31, v4  }
0x3ac: {  	s22 =	smul.u32 $0x68DB8BAD, s7;
	s17 =	sadd.s32 s17, s2;
	s2 =	sshra.s32 s10, $0xC;
	v6 =	vmov s19;
	v4 =	vsel vm9, s24, v4  }
0x3ad: {  	(v2sf) =	vpush v3, $0x4;
	s14 =	sshra.s32 s21, $0xC;
	s31 =	sshrl.u32 s21, $0x1F;
	s19 =	sshrl.u32 s26, $0x1F;
	v6 =	vnsel vm4, $0x0, v6;
	v4 =	vsel vm0, s6, v4  }
0x3ae: {  	s24 =	sshrl.u32 s4, $0x1F;
	s3 =	sadd.s32 s22, s3;
	s6 =	sshra.s32 s17, $0x1F;
	v6 =	vsel vm0, s28, v6;
	v4 =	vsel vm11, s0, v4  }
0x3af: {  	s0 =	sshra.s32 s21, $0x1F;
	s21 =	sshrl.u32 s17, $0x1F;
	v6 =	vsel vm1, s23, v6;
	v4 =	vsel vm1, s8, v4;
	s8 =	sshra.s32 s17, $0xC  }
0x3b0: {  	(v2sf) =	vpush v3, $0xC;
	s17 =	smul.u32 $0x68DB8BAD, s1;
	v6 =	vsel vm2, s31, v6;
	s31 =	sshra.s32 s26, $0xC;
	s1 =	sshrl.u32 s10, $0x1F  }
0x3b1: {  	(v2sf) =	vpush v3, $0x8;
	s26 =	sld [smem:$0x7A3];
	v4 =	vsel vm12, s5, v4;
	s5 =	sshra.s32 s4, $0x1F;
	s4 =	spop (v2sf)  }
0x3b2: {  	v7 =	vsel vm0, s31, v7;
	s31 =	sld [smem:$0x7A5];
	v4 =	vsel vm2, s14, v4;
	s14 =	spop (v2sf);
	s7 =	sshra.s32 s4, $0x1F  }
0x3b3: {  	(v2sf) =	vpush v3, $0x9;
	v6 =	vsel vm5, s16, v6;
	s16 =	sadd.s32 s17, s20;
	s20 =	sld [smem:$0x7A4];
	s4 =	smulhi.u32 $0x68DB8BAD, s4  }
0x3b4: {  	v6 =	vsel vm6, s21, v6;
	v4 =	vsel vm13, s0, v4;
	[smem:$0x7A0] =	sst s7;
	s23 =	spop (v2sf);
	s21 =	sshra.s32 s14, $0x1F  }
0x3b5: {  	(v2sf) =	vpush v3, $0x6;
	v6 =	vsel vm7, s24, v6;
	s13 =	smulhi.u32 $0x68DB8BAD, s14;
	v4 =	vsel vm5, s15, v4;
	s7 =	sshra.s32 s23, $0x1F;
	s15 =	spop (v2sf)  }
0x3b6: {  	(v2sf) =	vpush v3, $0xD;
	v5 =	vsel vm0, s19, v5;
	v6 =	vsel vm10, s26, v6;
	[smem:$0x7A1] =	sst s4;
	s26 =	sshrl.u32 s3, $0x1F;
	s19 =	smul.u32 $0x68DB8BAD, s21  }
0x3b7: {  	(v2sf) =	vpush v3, $0xE;
	v7 =	vsel vm1, s31, v7;
	s31 =	rddreg [dreg:$0x1a];
	s22 =	smulhi.u32 $0x68DB8BAD, s23;
	s3 =	sshra.s32 s3, $0xC  }
0x3b8: {  	(v2sf) =	vpush v3, $0xA;
	v4 =	vsel vm14, s11, v4;
	s11 =	sshra.s32 s15, $0x1F;
	s24 =	spop (v2sf);
	v7 =	vsel vm2, s2, v7;
	s2 =	sshra.s32 s12, $0xC  }
0x3b9: {  	(v2sf) =	vpush v3, $0xF;
	s12 =	sshrl.u32 s12, $0x1F;
	v5 =	vsel vm1, s20, v5;
	s20 =	sshra.s32 s16, $0xC;
	s15 =	smulhi.u32 $0x68DB8BAD, s15  }
0x3ba: {  	v8 =	vmov s31;
	v9 =	vsel vm0, s26, v9;
	s26 =	sshrl.u32 s16, $0x1F;
	v4 =	vsel vm6, s8, v4;
	s8 =	spop (v2sf);
	s10 =	smulhi.u32 $0x68DB8BAD, s24  }
0x3bb: {  	s17 =	sshra.s32 s24, $0x1F;
	s24 =	rddreg [dreg:$0x17];
	v8 =	vsel vm0, s3, v8;
	s31 =	smul.u32 $0x68DB8BAD, s11  }
0x3bc: {  	s13 =	sadd.s32 s19, s13;
	v4 =	vsel vm15, s6, v4;
	s6 =	spop (v2sf);
	s0 =	smul.u32 $0x68DB8BAD, s17;
	v8 =	vsel vm1, s20, v8  }
0x3bd: {  	v4 =	vsel vm7, s9, v4;
	s9 =	sshra.s32 s6, $0x1F;
	[dreg:$0x1f] =	wrdreg s10;
	v8 =	vsel vm2, s2, v8;
	s2 =	smulhi.u32 $0x68DB8BAD, s8  }
0x3be: {  	(v2sf) =	vpush v3, $0xB;
	s29 =	sshra.s32 s8, $0x1F;
	v4 =	vsel vm3, s5, v4;
	[smem:$0x7A2] =	sst s0;
	s16 =	smul.u32 $0x68DB8BAD, s9  }
0x3bf: {  	s25 =	sshra.s32 s13, $0xC;
	s0 =	spop (v2sf);
	v4 =	vsel vm10, s24, v4;
	s24 =	smul.u32 $0x68DB8BAD, s7  }
0x3c0: {  	s14 =	spop (v2sf);
	s17 =	sshra.s32 s0, $0x1F;
	s0 =	smulhi.u32 $0x68DB8BAD, s0  }
0x3c1: {  	v9 =	vsel vm1, s26, v9;
	[dreg:$0x17] =	wrdreg s25;
	s5 =	sshra.s32 s14, $0x1F;
	s14 =	smulhi.u32 $0x68DB8BAD, s14  }
0x3c2: {  	v5 =	vsel vm2, s1, v5;
	v9 =	vsel vm2, s12, v9;
	s26 =	sadd.s32 s31, s15;
	s21 =	spop (v2sf);
	s31 =	smul.u32 $0x68DB8BAD, s17  }
0x3c3: {  	v5 =	vcombine.low v5, v9;
	s17 =	sshra.s32 s13, $0x1F;
	s24 =	sadd.s32 s24, s22;
	s22 =	smulhi.u32 $0x68DB8BAD, s21  }
0x3c4: {  	v7 =	vcombine.low v7, v8;
	s23 =	spop (v2sf);
	s10 =	sshra.s32 s21, $0x1F;
	s5 =	smul.u32 $0x68DB8BAD, s5  }
0x3c5: {  	v6 =	vperm.xlane v6, v1;
	v5 =	vperm.xlane v5, v0;
	s3 =	spop (v2sf);
	s4 =	smulhi.u32 $0x68DB8BAD, s23;
	s21 =	sshra.s32 s23, $0x1F  }
0x3c6: {  	v63 =	vld [tilespmem:s18+$0x0];
	v4 =	vperm.xlane v4, v1;
	v7 =	vperm.xlane v7, v0;
	s18 =	sadd.s32 s31, s0;
	s31 =	sshrl.u32 s13, $0x1F;
	s20 =	spop (v2sf)  }
0x3c7: {  	s28 =	sshrl.u32 s24, $0x1F;
	s0 =	sshra.s32 s24, $0x1F;
	s8 =	spop (v2sf)  }
0x3c8: {  	v5 =	vsel vm8, v6, v5;
	v4 =	vsel vm8, v4, v7;
	[smem:$0x7A3] =	sst s31;
	s11 =	sshra.s32 s8, $0x1F;
	s25 =	smulhi.u32 $0x68DB8BAD, s8  }
0x3c9: {  	s7 =	sshra.s32 s3, $0x1F;
	v4 =	vadd.s32 v5, v4;
	s9 =	spop (v2sf);
	s31 =	smul.u32 $0x68DB8BAD, s11  }
0x3ca: {  	v4 =	vmul.u32 $0x2710, v4;
	s8 =	sadd.s32 s5, s14;
	s14 =	sshra.s32 s18, $0xC;
	s13 =	smulhi.u32 $0x68DB8BAD, s9  }
0x3cb: {  	s1 =	sshra.s32 s20, $0x1F;
	[dreg:$0x1a] =	wrdreg s14;
	s14 =	smul.u32 $0x68DB8BAD, s21  }
0x3cc: {  	v4 =	vsub.s32 v2, v4;
	v2 =	vmov v3;
	v3 =	vmul.u32 $0x1F, v63;
	s5 =	sshra.s32 s26, $0x1F;
	s12 =	sshra.s32 s9, $0x1F;
	s21 =	smulhi.u32 $0x68DB8BAD, s6  }
0x3cd: {  	s6 =	sshra.s32 s24, $0xC;
	s24 =	sld [smem:$0x7A0];
	s15 =	spop (v2sf)  }
.Ltmp7:
0x3ce: {  	(v2sf) =	vpush v3, $0x0;
	s25 =	sadd.s32 s31, s25;
	s19 =	sshra.s32 s15, $0x1F;
	(pc) =	sbr.rel @p1 .LBB2_11-.Ltmp7, $4  }
0x3cf: {  	(v2sf) =	vpush v3, $0x7;
	s31 =	sshrl.u32 s25, $0x1F;
	s11 =	smul.u32 $0x68DB8BAD, s19;
	s19 =	sld [smem:$0x79F]  }
0x3d0: {  	vm9 =	vlt.s32 v4, $0x0;
	v5 =	vadd.s32 $0x2710, v4;
	s23 =	sshrl.u32 s8, $0x1F;
	s9 =	sshra.s32 s8, $0xC;
	(v2sf) =	vpush v3, $0x1;
	[smem:$0x7A4] =	sst s31  }
0x3d1: {  	v4 =	vsel vm9, v5, v4;
	s31 =	sshra.s32 s25, $0xC;
	s25 =	smov.u32 s30;
	s30 =	sld [smem:$0x7A1];
	(v2sf) =	vpush v3, $0x2  }
0x3d2: {  	s8 =	sshra.s32 s26, $0xC;
	vm9 =	vcmask $0x704;
	[smem:$0x7A5] =	sst s31;
	(v2sf) =	vpush v3, $0x5;
	[tilespmem:s19+$0x320] =	vst v4;
	s19 =	smul.u32 $0x68DB8BAD, s24  }
0x3d3: {  	_ =	sdelay $0x1  }
0x3d4: {  	s15 =	smulhi.u32 $0x68DB8BAD, s15  }
0x3d5: {  	(v2sf) =	vpush v3, $0x3;
	s31 =	smul.u32 $0x68DB8BAD, s29  }
0x3d6: {  	s10 =	smul.u32 $0x68DB8BAD, s10;
	(v2sf) =	vpush v3, $0x4  }
0x3d7: {  	s3 =	smulhi.u32 $0x68DB8BAD, s3;
	[smem:$0x781] =	sst s15  }
0x3d8: {  	s1 =	smul.u32 $0x68DB8BAD, s1;
	(v2sf) =	vpush v3, $0xC;
	[smem:$0x782] =	sst s31  }
0x3d9: {  	s24 =	smulhi.u32 $0x68DB8BAD, s20;
	[smem:$0x783] =	sst s10;
	(v2sf) =	vpush v3, $0x8  }
0x3da: {  	[smem:$0x787] =	sst s3;
	s10 =	smul.u32 $0x68DB8BAD, s12  }
0x3db: {  	[smem:$0x784] =	sst s1;
	s12 =	smul.u32 $0x68DB8BAD, s7;
	(v2sf) =	vpush v3, $0x9  }
0x3dc: {  	[smem:$0x785] =	sst s24;
	(v2sf) =	vpush v3, $0x6;
	s29 =	spop (v2sf)  }
0x3dd: {  	[smem:$0x786] =	sst s10;
	(v2sf) =	vpush v3, $0xD;
	s3 =	spop (v2sf)  }
0x3de: {  	[smem:$0x788] =	sst s12;
	(v2sf) =	vpush v3, $0xE;
	s15 =	spop (v2sf)  }
0x3df: {  	(v2sf) =	vpush v3, $0xA;
	s20 =	sshra.s32 s3, $0x1F;
	s3 =	smulhi.u32 $0x68DB8BAD, s3;
	s7 =	spop (v2sf)  }
0x3e0: {  	(v2sf) =	vpush v3, $0xF;
	s24 =	smulhi.u32 $0x68DB8BAD, s15;
	s25 =	spop (v2sf)  }
0x3e1: {  	[smem:$0x78D] =	sst s3;
	s31 =	sshra.s32 s25, $0x1F;
	s1 =	smulhi.u32 $0x68DB8BAD, s25  }
0x3e2: {  	[smem:$0x78B] =	sst s24;
	s12 =	smul.u32 $0x68DB8BAD, s31  }
0x3e3: {  	s31 =	smulhi.u32 $0x68DB8BAD, s7;
	[smem:$0x791] =	sst s1  }
0x3e4: {  	s25 =	sshra.s32 s15, $0x1F;
	s1 =	smul.u32 $0x68DB8BAD, s20;
	s20 =	spop (v2sf)  }
0x3e5: {  	s7 =	sshra.s32 s7, $0x1F;
	[smem:$0x792] =	sst s12;
	s12 =	spop (v2sf)  }
0x3e6: {  	s10 =	smul.u32 $0x68DB8BAD, s7;
	[smem:$0x78E] =	sst s1;
	s15 =	sshra.s32 s12, $0x1F  }
0x3e7: {  	s3 =	spop (v2sf);
	s7 =	smul.u32 $0x68DB8BAD, s15  }
0x3e8: {  	s1 =	smul.u32 $0x68DB8BAD, s25;
	s24 =	spop (v2sf);
	s25 =	sshra.s32 s3, $0x1F  }
0x3e9: {  	[smem:$0x790] =	sst s7;
	s7 =	smul.u32 $0x68DB8BAD, s25  }
0x3ea: {  	[smem:$0x789] =	sst s31;
	s15 =	spop (v2sf)  }
0x3eb: {  	[smem:$0x78F] =	sst s7;
	s7 =	spop (v2sf)  }
0x3ec: {  	[smem:$0x78C] =	sst s1;
	s31 =	spop (v2sf)  }
0x3ed: {  	s21 =	sadd.s32 s16, s21;
	[smem:$0x79A] =	sst s31;
	s16 =	spop (v2sf)  }
0x3ee: {  	s1 =	sshra.s32 s24, $0x1F;
	s31 =	smulhi.u32 $0x68DB8BAD, s24;
	s25 =	spop (v2sf)  }
0x3ef: {  	s24 =	smulhi.u32 $0x68DB8BAD, s3;
	s3 =	sadd.s32 s19, s30;
	s30 =	spop (v2sf)  }
0x3f0: {  	[smem:$0x798] =	sst s30  }
0x3f1: {  	s30 =	sld [smem:$0x782]  }
0x3f2: {  	[smem:$0x78A] =	sst s10  }
0x3f3: {  	s10 =	sld [smem:$0x781]  }
0x3f4: {  	s2 =	sadd.s32 s30, s2;
	s30 =	sld [smem:$0x7A2]  }
0x3f5: {  	[smem:$0x79B] =	sst s16  }
0x3f6: {  	s16 =	smul.u32 $0x68DB8BAD, s1;
	s1 =	sadd.s32 s11, s10;
	s10 =	rddreg [dreg:$0x1f]  }
0x3f7: {  	s10 =	sadd.s32 s30, s10;
	s30 =	sld [smem:$0x783];
	_ =	sdelay $0x2  }
0x3f8: {  	s4 =	sadd.s32 s14, s4;
	s14 =	sadd.s32 s30, s22;
	s22 =	sld [smem:$0x784]  }
0x3f9: {  	s19 =	sshra.s32 s25, $0x1F;
	s30 =	sld [smem:$0x785]  }
0x3fa: {  	s11 =	smul.u32 $0x68DB8BAD, s19  }
0x3fb: {  	s19 =	smulhi.u32 $0x68DB8BAD, s7;
	s7 =	sshra.s32 s7, $0x1F;
	[smem:$0x794] =	sst s14  }
0x3fc: {  	s14 =	smul.u32 $0x68DB8BAD, s7;
	s7 =	sadd.s32 s22, s30;
	s30 =	sld [smem:$0x786]  }
0x3fd: {  	(v2sf) =	vpush v3, $0xB  }
0x3fe: {  	s22 =	sld [smem:$0x788]  }
0x3ff: {  	[smem:$0x797] =	sst s7;
	s7 =	sadd.s32 s30, s13  }
0x400: {  	[smem:$0x796] =	sst s7  }
0x401: {  	s7 =	sld [smem:$0x787];
	_ =	sdelay $0x2  }
0x402: {  	s30 =	sadd.s32 s22, s7;
	s7 =	smulhi.u32 $0x68DB8BAD, s12;
	s12 =	sld [smem:$0x789]  }
0x403: {  	s22 =	sld [smem:$0x78A];
	_ =	sdelay $0x2  }
0x404: {  	s12 =	sadd.s32 s22, s12;
	s22 =	sld [smem:$0x78C]  }
0x405: {  	[smem:$0x79D] =	sst s12  }
0x406: {  	s12 =	sld [smem:$0x78B]  }
0x407: {  	s25 =	smulhi.u32 $0x68DB8BAD, s25;
	[smem:$0x795] =	sst s1  }
0x408: {  	v4 =	vmov s17;
	s1 =	spop (v2sf);
	s17 =	sadd.s32 s16, s31;
	[smem:$0x793] =	sst s19  }
0x409: {  	s31 =	sshra.s32 s3, $0xC;
	s12 =	sadd.s32 s22, s12;
	s22 =	sld [smem:$0x78E]  }
0x40a: {  	s16 =	sshra.s32 s20, $0x1F;
	v4 =	vsel vm4, s31, v4;
	s31 =	smulhi.u32 $0x68DB8BAD, s15;
	[smem:$0x79C] =	sst s12  }
0x40b: {  	s16 =	smul.u32 $0x68DB8BAD, s16;
	s12 =	sld [smem:$0x78D]  }
0x40c: {  	s19 =	sshra.s32 s1, $0x1F;
	s1 =	smulhi.u32 $0x68DB8BAD, s1;
	s11 =	sadd.s32 s11, s25  }
0x40d: {  	s25 =	sld [smem:$0x790];
	s13 =	smulhi.u32 $0x68DB8BAD, s29;
	s29 =	sshra.s32 s29, $0x1F  }
0x40e: {  	s29 =	smul.u32 $0x68DB8BAD, s29;
	s12 =	sadd.s32 s22, s12;
	s22 =	sld [smem:$0x78F]  }
0x40f: {  	v6 =	vmov s23;
	s23 =	sld [smem:$0x7A5];
	s19 =	smul.u32 $0x68DB8BAD, s19  }
0x410: {  	s29 =	sadd.s32 s29, s13;
	[smem:$0x799] =	sst s12;
	s12 =	sshra.s32 s3, $0x1F  }
0x411: {  	v4 =	vsel vm9, s12, v4;
	s24 =	sadd.s32 s22, s24;
	s22 =	sshra.s32 s15, $0x1F;
	s15 =	sadd.s32 s25, s7  }
0x412: {  	v4 =	vsel vm0, s6, v4;
	s6 =	sadd.s32 s19, s1;
	s19 =	sshrl.u32 s3, $0x1F;
	s3 =	sshrl.u32 s18, $0x1F  }
0x413: {  	s25 =	sshrl.u32 s26, $0x1F;
	s26 =	sshra.s32 s2, $0xC;
	s7 =	sld [smem:$0x795]  }
0x414: {  	s18 =	sshra.s32 s2, $0x1F;
	[smem:$0x79E] =	sst s24;
	s24 =	smulhi.u32 $0x68DB8BAD, s20;
	v4 =	vsel vm11, s0, v4;
	v5 =	vmov s19  }
0x415: {  	s2 =	sshrl.u32 s2, $0x1F;
	s12 =	smul.u32 $0x68DB8BAD, s22;
	s20 =	sld [smem:$0x791];
	v4 =	vsel vm1, s8, v4;
	v5 =	vnsel vm4, $0x0, v5  }
0x416: {  	s22 =	sld [smem:$0x792];
	s19 =	sshrl.u32 s21, $0x1F;
	s13 =	sadd.s32 s16, s24;
	v4 =	vsel vm12, s5, v4;
	v5 =	vsel vm0, s28, v5  }
0x417: {  	s24 =	sld [smem:$0x793];
	s8 =	sadd.s32 s12, s31;
	s31 =	sshra.s32 s21, $0xC;
	v4 =	vsel vm2, s26, v4;
	v5 =	vsel vm1, s25, v5  }
0x418: {  	s12 =	sshra.s32 s21, $0x1F;
	s21 =	sshrl.u32 s10, $0x1F;
	s26 =	sld [smem:$0x794];
	v4 =	vsel vm13, s18, v4;
	v5 =	vsel vm2, s2, v5  }
0x419: {  	s16 =	sshrl.u32 s30, $0x1F;
	s18 =	sshra.s32 s30, $0xC;
	s30 =	rddreg [dreg:$0x17];
	v4 =	vsel vm5, s31, v4;
	v5 =	vsel vm5, s19, v5  }
0x41a: {  	s1 =	sadd.s32 s22, s20;
	s22 =	sshra.s32 s10, $0xC;
	v4 =	vsel vm14, s12, v4;
	v5 =	vsel vm6, s21, v5;
	s21 =	sld [smem:$0x796]  }
0x41b: {  	s0 =	sadd.s32 s14, s24;
	s24 =	sshrl.u32 s4, $0x1F;
	v4 =	vsel vm6, s22, v4;
	s22 =	sld [smem:$0x7A3]  }
0x41c: {  	s20 =	sshra.s32 s10, $0x1F;
	s28 =	sshrl.u32 s26, $0x1F;
	v5 =	vsel vm7, s24, v5;
	s24 =	sld [smem:$0x797]  }
0x41d: {  	v7 =	vmov s9;
	s25 =	sshra.s32 s4, $0xC;
	s31 =	sshra.s32 s26, $0xC;
	v6 =	vsel vm0, s28, v6;
	s28 =	sld [smem:$0x7A4];
	v4 =	vsel vm15, s20, v4  }
0x41e: {  	s9 =	sshrl.u32 s7, $0x1F;
	s4 =	sshra.s32 s4, $0x1F;
	v7 =	vsel vm0, s31, v7;
	v4 =	vsel vm7, s25, v4;
	s25 =	sld [smem:$0x798]  }
0x41f: {  	s14 =	sshra.s32 s17, $0xC;
	s12 =	sshra.s32 s7, $0xC;
	v7 =	vsel vm1, s23, v7;
	v5 =	vsel vm10, s22, v5;
	s22 =	sld [smem:$0x799]  }
0x420: {  	s7 =	sshrl.u32 s17, $0x1F;
	s31 =	sshra.s32 s29, $0xC;
	v7 =	vsel vm2, s12, v7;
	s12 =	rddreg [dreg:$0x1a]  }
0x421: {  	v10 =	vmov s3;
	s19 =	sshra.s32 s24, $0xC;
	s20 =	sshrl.u32 s24, $0x1F;
	v4 =	vsel vm3, s4, v4;
	s24 =	sld [smem:$0x79A]  }
0x422: {  	v10 =	vsel vm0, s16, v10;
	s23 =	sshra.s32 s29, $0x1F;
	v4 =	vsel vm10, s30, v4;
	s30 =	sld [smem:$0x79D];
	s26 =	sshra.s32 s22, $0x1F  }
0x423: {  	v13 =	vmov s14;
	s2 =	sshra.s32 s21, $0xC;
	s10 =	sshrl.u32 s21, $0x1F;
	v9 =	vmov s12;
	v8 =	vmov s26;
	s26 =	sld [smem:$0x79C]  }
0x424: {  	v12 =	vmov s7;
	v9 =	vsel vm0, s18, v9;
	v10 =	vsel vm1, s20, v10;
	s4 =	sshra.s32 s25, $0x1F;
	s5 =	smulhi.u32 $0x68DB8BAD, s25;
	s25 =	sshrl.u32 s29, $0x1F  }
0x425: {  	v9 =	vsel vm1, s19, v9;
	s19 =	sshra.s32 s11, $0xC;
	v10 =	vsel vm2, s10, v10;
	s10 =	sshrl.u32 s15, $0x1F;
	s21 =	sshra.s32 s24, $0x1F;
	v8 =	vsel vm4, s31, v8  }
0x426: {  	v6 =	vsel vm1, s28, v6;
	v11 =	vmov s25;
	s4 =	smul.u32 $0x68DB8BAD, s4;
	s25 =	sshra.s32 s8, $0xC;
	v8 =	vsel vm9, s23, v8;
	s29 =	sshra.s32 s26, $0xC  }
0x427: {  	v6 =	vsel vm2, s9, v6;
	v5 =	vperm.xlane v5, v1;
	s20 =	sshra.s32 s30, $0xC;
	s23 =	sld [smem:$0x79B];
	s12 =	sshra.s32 s26, $0x1F;
	v8 =	vsel vm0, s29, v8  }
0x428: {  	v4 =	vperm.xlane v4, v1;
	v11 =	vnsel vm4, $0x0, v11;
	s31 =	sshra.s32 s30, $0x1F;
	s28 =	sshrl.u32 s26, $0x1F;
	s26 =	sshra.s32 s15, $0xC;
	v8 =	vsel vm11, s12, v8  }
0x429: {  	v9 =	vsel vm2, s2, v9;
	v11 =	vsel vm0, s28, v11;
	s28 =	sshrl.u32 s30, $0x1F;
	s29 =	sshra.s32 s15, $0x1F;
	s12 =	smulhi.u32 $0x68DB8BAD, s24;
	v8 =	vsel vm1, s20, v8  }
0x42a: {  	v6 =	vcombine.low v6, v10;
	v13 =	vsel vm0, s25, v13;
	s30 =	sshra.s32 s13, $0xC;
	s3 =	sshra.s32 s23, $0x1F;
	s15 =	smulhi.u32 $0x68DB8BAD, s23;
	v8 =	vsel vm12, s31, v8  }
0x42b: {  	v7 =	vcombine.low v7, v9;
	v11 =	vsel vm1, s28, v11;
	s24 =	smul.u32 $0x68DB8BAD, s21;
	s31 =	sshrl.u32 s13, $0x1F;
	s13 =	sshra.s32 s13, $0x1F;
	v8 =	vsel vm2, s30, v8  }
0x42c: {  	s16 =	sshrl.u32 s6, $0x1F;
	v13 =	vsel vm1, s19, v13;
	s23 =	sshrl.u32 s1, $0x1F;
	s3 =	smul.u32 $0x68DB8BAD, s3;
	v11 =	vsel vm2, s31, v11;
	v8 =	vsel vm13, s13, v8  }
0x42d: {  	v6 =	vperm.xlane v6, v0;
	s30 =	sadd.s32 s24, s12;
	s12 =	sshrl.u32 s8, $0x1F;
	v11 =	vsel vm5, s10, v11;
	v8 =	vsel vm5, s26, v8;
	s26 =	sld [smem:$0x79E]  }
0x42e: {  	s14 =	sshrl.u32 s11, $0x1F;
	s18 =	sshrl.u32 s0, $0x1F;
	v7 =	vperm.xlane v7, v0;
	s31 =	sshra.s32 s6, $0xC;
	v12 =	vsel vm0, s12, v12;
	v11 =	vsel vm6, s23, v11  }
0x42f: {  	s17 =	sshrl.u32 s22, $0x1F;
	s4 =	sadd.s32 s4, s5;
	s3 =	sadd.s32 s3, s15;
	v13 =	vsel vm2, s31, v13;
	v12 =	vsel vm1, s14, v12;
	v11 =	vsel vm7, s18, v11  }
0x430: {  	v8 =	vsel vm14, s29, v8;
	s29 =	sshra.s32 s1, $0xC;
	v12 =	vsel vm2, s16, v12;
	v11 =	vsel vm10, s17, v11;
	s28 =	sshrl.u32 s26, $0x1F;
	s10 =	sshra.s32 s26, $0xC  }
0x431: {  	s13 =	sshrl.u32 s30, $0x1F;
	s5 =	sshra.s32 s30, $0xC;
	s1 =	sshra.s32 s1, $0x1F;
	v8 =	vsel vm6, s29, v8;
	v14 =	vmov s28;
	v15 =	vmov s10  }
0x432: {  	s19 =	sshra.s32 s0, $0xC;
	s15 =	sshrl.u32 s3, $0x1F;
	s3 =	sshra.s32 s3, $0xC;
	v8 =	vsel vm15, s1, v8;
	v14 =	vsel vm0, s13, v14;
	v15 =	vsel vm0, s5, v15  }
0x433: {  	s0 =	sshra.s32 s0, $0x1F;
	s18 =	sshra.s32 s4, $0xC;
	s17 =	sshrl.u32 s4, $0x1F;
	v8 =	vsel vm7, s19, v8;
	v14 =	vsel vm1, s15, v14;
	v15 =	vsel vm1, s3, v15  }
0x434: {  	s20 =	sshra.s32 s22, $0xC;
	v8 =	vsel vm3, s0, v8;
	v14 =	vsel vm2, s17, v14;
	v59 =	vsel vm2, s18, v15  }
0x435: {  	v8 =	vsel vm10, s20, v8;
	v60 =	vcombine.low v12, v14;
	v9 =	vcombine.low v13, v59  }
0x436: {  	v11 =	vperm.xlane v11, v1;
	v8 =	vperm.xlane v8, v1  }
0x437: {  	v10 =	vperm.xlane v60, v0;
	v9 =	vperm.xlane v9, v0  }
0x438: {  	v5 =	vsel vm8, v5, v6;
	v4 =	vsel vm8, v4, v7  }
0x439: {  	v4 =	vadd.s32 v5, v4;
	v61 =	vsel vm8, v11, v10;
	v62 =	vsel vm8, v8, v9  }
0x43a: {  	v4 =	vmul.u32 $0x2710, v4;
	v5 =	vadd.s32 v61, v62  }
0x43b: {  	v5 =	vmul.u32 $0x2710, v5  }
0x43c: {  	v2 =	vsub.s32 v2, v4  }
0x43d: {  	s21 =	rddreg [dreg:$0x9];
	vm9 =	vlt.s32 v2, $0x0;
	v4 =	vadd.s32 $0x2710, v2;
	v3 =	vsub.s32 v3, v5  }
0x43e: {  	s24 =	sld [smem:$0x7F2];
	v2 =	vsel vm9, v4, v2;
	vm9 =	vlt.s32 v3, $0x0;
	v63 =	vadd.s32 $0x2710, v3  }
0x43f: {  	s25 =	simm.s32 $0x190;
	s22 =	rddreg [dreg:$0x14];
	[tilespmem:s21+$0x320] =	vst v2;
	v2 =	vsel vm9, v63, v3  }
0x440: {  	s23 =	simm.s32 $0x0;
	s26 =	simm.s32 $0x640;
	s28 =	simm.s32 $0x1;
	[tilespmem:s22+$0x320] =	vst v2  }
0x441: {  	[tilespmem:s26], [sflag:$0x1] =	stream.indirect.gather [hbm4b:s24+s25], $0x40, s23, s25, $0xb8;
	[tilespmem:$0x19730] =	vst v63  }
0x442: {  	_ =	swait.ge [sflag:s28], $0x6400  }
0x443: {  	s29 =	sld [smem:$0x7F3]  }
0x444: {  	s30 =	simm.s32 $0x320;
	[sflag:s28] =	ssyncset.done $0x0  }
.Ltmp8:
0x445: {  	s31 =	simm.s32 $0x4;
	[sflag:s28] =	ssyncadd.s32 $0xFFFF9C00;
	(pc) =	sbr.rel @p0 .LBB2_14-.Ltmp8, $4  }
0x446: {  	[tilespmem:s26], [sflag:$0x3] =	stream.indirect.gather.add.f32 [hbm:s29], $0x40, s30, s25, $0xb8;
	[tilespmem:$0x19730] =	vst v63  }
0x447: {  	_ =	swait.ge [sflag:s31], $0x6400  }
0x448: {  	vm4 =	vmmov vm5;
	vm11 =	vmmov vm12;
	vm13 =	vmmov vm14;
	[sflag:s31] =	ssyncset.done $0x0;
	s17 =	rddreg [dreg:$0x5]  }
0x449: {  	vm6 =	vmmov vm7;
	vm15 =	vmmov vm3;
	vm9 =	vcmask $0x704;
	s18 =	rddreg [dreg:$0x6];
	[sflag:s31] =	ssyncadd.s32 $0xFFFF9C00  }
.LBB2_13:
0x44a: {  	s0 =	simm.s32 $0x6  }
0x44b: {  	_ =	swait.ge [sflag:s0], $0x6400  }
0x44c: {  	[sflag:s0] =	ssyncset.done $0x0  }
0x44d: {  	[sflag:s0] =	ssyncadd.s32 $0xFFFF9C00  }
.LBB2_14:
0x44e: {  	s11 =	simm.s32 $0x0  }
0x44f: {  	v4 =	vld [tilespmem:s11+$0x6B10]  }
0x450: {  	v2 =	vld [tilespmem:s11+$0x6B20]  }
0x451: {  	v3 =	vld [tilespmem:s11+$0x6B30]  }
0x452: {  	v8 =	vld [tilespmem:s11+$0x6B00]  }
0x453: {  	v11 =	vld [tilespmem:s11+$0x6A60]  }
0x454: {  	v12 =	vld [tilespmem:s11+$0x6A70]  }
0x455: {  	v5 =	vld [tilespmem:s11+$0x6AD0]  }
0x456: {  	v9 =	vld [tilespmem:s11+$0x6AC0]  }
0x457: {  	v10 =	vld [tilespmem:s11+$0x6A50]  }
0x458: {  	v13 =	vld [tilespmem:s11+$0x6A40]  }
0x459: {  	v6 =	vld [tilespmem:s11+$0x6AE0];
	v14 =	vadd.f32 v4, v8  }
0x45a: {  	v7 =	vld [tilespmem:s11+$0x6AF0];
	v15 =	vadd.f32 v3, v2;
	v16 =	vmul.f32 v4, v4;
	v19 =	vmul.f32 v2, v2  }
0x45b: {  	v20 =	vld [tilespmem:$0x19640];
	v17 =	vadd.f32 v12, v11;
	v22 =	vmul.f32 v9, v9;
	v27 =	vmul.f32 v5, v5  }
0x45c: {  	v23 =	vld [tilespmem:$0x19650];
	v21 =	vmul.f32 v3, v3;
	v18 =	vadd.f32 v15, v14;
	v14 =	vmul.f32 v8, v8  }
0x45d: {  	v24 =	vld [tilespmem:$0x19660];
	v15 =	vadd.f32 v10, v13;
	v22 =	vadd.f32 v27, v22  }
0x45e: {  	v26 =	vld [tilespmem:$0x19670];
	v14 =	vadd.f32 v16, v14;
	v16 =	vadd.f32 v21, v19  }
0x45f: {  	v25 =	vld [tilespmem:$0x19700];
	v19 =	vmul.f32 v6, v6;
	v21 =	vmul.f32 v7, v7;
	v28 =	vadd.f32 v17, v15  }
0x460: {  	v15 =	vmul.f32 v13, v13;
	v17 =	vmul.f32 v10, v10;
	v29 =	vadd.f32 v16, v14  }
0x461: {  	v14 =	vmul.f32 v11, v11;
	v16 =	vmul.f32 v12, v12;
	v19 =	vadd.f32 v21, v19  }
0x462: {  	v30 =	vmul.f32 v5, v23;
	v21 =	vmul.f32 v8, v20;
	v15 =	vadd.f32 v17, v15  }
0x463: {  	v32 =	vmul.f32 v7, v26;
	v14 =	vadd.f32 v16, v14;
	v19 =	vadd.f32 v19, v22  }
0x464: {  	v16 =	vmul.f32 v4, v23;
	v17 =	vadd.f32 v21, v25;
	v21 =	vmul.f32 v2, v24  }
0x465: {  	v22 =	vmul.f32 v3, v26;
	v27 =	vadd.f32 v14, v15;
	v15 =	vmul.f32 v9, v20  }
0x466: {  	v33 =	vmul.f32 v10, v23;
	v31 =	vadd.f32 v16, v17;
	v16 =	vmul.f32 v13, v20;
	v14 =	vld [tilespmem:s11+$0x6A90]  }
0x467: {  	v21 =	vadd.f32 v22, v21;
	v17 =	vmul.f32 v6, v24;
	v22 =	vadd.f32 v15, v25;
	v15 =	vld [tilespmem:s11+$0x6A80]  }
0x468: {  	v35 =	vmul.f32 v11, v24;
	v36 =	vmul.f32 v12, v26;
	v34 =	vadd.f32 v16, v25;
	v16 =	vld [tilespmem:s11+$0x6AA0]  }
0x469: {  	v22 =	vadd.f32 v30, v22;
	v30 =	vadd.f32 v32, v17;
	v17 =	vld [tilespmem:s11+$0x6AB0]  }
0x46a: {  	v62 =	vadd.f32 v36, v35;
	(xrf2) =	vadd.scan.msk.f32 $0xffff, v18;
	v18 =	vadd.f32 v33, v34  }
0x46b: {  	(xrf2) =	vadd.scan.msk.f32 $0xffff, v28;
	v28 =	vadd.f32 v5, v9;
	v21 =	vadd.f32 v21, v31  }
0x46c: {  	(xrf2) =	vadd.scan.msk.f32 $0xffff, v29;
	v22 =	vadd.f32 v30, v22;
	v18 =	vadd.f32 v62, v18;
	v29 =	vmul.f32 v15, v20  }
0x46d: {  	(xrf2) =	vadd.scan.msk.f32 $0xffff, v19;
	v63 =	vmul.f32 v14, v23;
	v30 =	vadd.f32 v7, v6;
	v19 =	vadd.f32 v14, v15  }
0x46e: {  	(xrf2) =	vadd.scan.msk.f32 $0xffff, v27;
	v31 =	vmul.f32 v16, v24;
	v27 =	vmul.f32 v17, v26;
	v29 =	vadd.f32 v29, v25  }
0x46f: {  	(xrf2) =	vadd.scan.msk.f32 $0xffff, v21;
	v28 =	vadd.f32 v30, v28;
	v21 =	vadd.f32 v17, v16  }
0x470: {  	(xrf2) =	vadd.scan.msk.f32 $0xffff, v22;
	v22 =	vadd.f32 v27, v31;
	v27 =	vadd.f32 v63, v29  }
0x471: {  	(xrf2) =	vadd.scan.msk.f32 $0xffff, v18;
	v18 =	vadd.f32 v21, v19  }
0x472: {  	(xrf2) =	vadd.scan.msk.f32 $0xffff, v28;
	v28 =	vmul.f32 v17, v17;
	v19 =	vmul.f32 v15, v15;
	v22 =	vadd.f32 v22, v27  }
0x473: {  	v21 =	vmul.f32 v14, v14;
	v27 =	vmul.f32 v16, v16;
	_ =	sdelay $0x1  }
0x474: {  	(xrf2) =	vadd.scan.msk.f32 $0xffff, v18;
	v19 =	vadd.f32 v21, v19;
	v18, _, _ =	vpop (xrf2);
	v21 =	vadd.f32 v28, v27  }
0x475: {  	(xrf2) =	vadd.scan.msk.f32 $0xffff, v22;
	v22, _, _ =	vpop (xrf2)  }
0x476: {  	(v2sf) =	vpush v18, $0xF;
	v18 =	vadd.f32 v21, v19;
	v27, _, _ =	vpop (xrf2)  }
0x477: {  	v28, _, _ =	vpop (xrf2)  }
0x478: {  	(v2sf) =	vpush v22, $0xF;
	v19, _, _ =	vpop (xrf2)  }
0x479: {  	(v2sf) =	vpush v27, $0xF;
	v21, _, _ =	vpop (xrf2)  }
0x47a: {  	(xrf2) =	vadd.scan.msk.f32 $0xffff, v18;
	(v2sf) =	vpush v28, $0xF;
	v18, _, _ =	vpop (xrf2)  }
0x47b: {  	(v2sf) =	vpush v19, $0xF;
	v22, _, _ =	vpop (xrf2)  }
0x47c: {  	(v2sf) =	vpush v22, $0xF;
	_ =	sdelay $0x1  }
0x47d: {  	(v2sf) =	vpush v21, $0xF  }
0x47e: {  	v19, _, _ =	vpop (xrf2)  }
0x47f: {  	v21, _, _ =	vpop (xrf2);
	(v2sf) =	vpush v18, $0xF  }
0x480: {  	v18, _, _ =	vpop (xrf2)  }
0x481: {  	(v2sf) =	vpush v18, $0xF;
	_ =	sdelay $0x1  }
0x482: {  	v18, _, _ =	vpop (xrf2)  }
0x483: {  	(v2sf) =	vpush v18, $0xF  }
0x484: {  	s0 =	spop (v2sf)  }
0x485: {  	s1 =	spop (v2sf)  }
0x486: {  	s2 =	spop (v2sf)  }
0x487: {  	(v2sf) =	vpush v19, $0xF;
	s3 =	spop (v2sf)  }
0x488: {  	s4 =	spop (v2sf)  }
0x489: {  	s5 =	spop (v2sf)  }
0x48a: {  	p0 =	sgt.f32 s5, $0.0e+00  }
0x48b: {  	s31 =	simm.f32 $1.000000000e+00;
	s6 =	spop (v2sf)  }
0x48c: {  	(v2sf) =	vpush v21, $0xF;
	p1 =	sgt.f32 s6, $0.0e+00;
	s31 =	simm.s32 @!p0 $0x0  }
0x48d: {  	s20 =	simm.f32 $1.000000000e+00;
	s7 =	spop (v2sf);
	s4 =	smul.f32 s31, s4  }
0x48e: {  	p0 =	sgt.f32 s7, $0.0e+00;
	s19 =	smul.f32 s31, s1;
	s20 =	simm.s32 @!p1 $0x0  }
0x48f: {  	s22 =	simm.f32 $1.000000000e+00;
	s16 =	spop (v2sf);
	s2 =	smul.f32 s20, s2  }
0x490: {  	p2 =	sgt.f32 s16, $0.0e+00;
	s22 =	simm.s32 @!p0 $0x0;
	s0 =	smul.f32 s20, s0  }
0x491: {  	s23 =	simm.f32 $1.000000000e+00;
	s21 =	smul.f32 s22, s3  }
0x492: {  	s24 =	spop (v2sf);
	s23 =	simm.s32 @!p2 $0x0;
	s4 =	smul.f32 $7.656250150e-03, s4  }
0x493: {  	s25 =	smul.f32 s23, s24  }
0x494: {  	s24 =	smul.f32 $1.093749980e-02, s19  }
0x495: {  	s3 =	smul.f32 $7.656250150e-03, s2  }
0x496: {  	s26 =	spop (v2sf);
	s12 =	smul.f32 $1.093749980e-02, s0  }
0x497: {  	s8 =	smul.f32 s22, s26  }
0x498: {  	v30 =	vld [tilespmem:$0x196A0];
	s2 =	smul.f32 $7.656250150e-03, s21  }
0x499: {  	v29 =	vld [tilespmem:$0x19680];
	s5 =	smul.f32 $7.656250150e-03, s25  }
0x49a: {  	v27 =	vld [tilespmem:$0x19690];
	s29 =	smul.f32 s24, s24  }
0x49b: {  	v28 =	vld [tilespmem:$0x196B0];
	s28 =	spop (v2sf);
	s6 =	smul.f32 s12, s12  }
0x49c: {  	v22 =	vld [tilespmem:$0x196C0];
	s9 =	smul.f32 s23, s28  }
0x49d: {  	v18 =	vld [tilespmem:$0x196F0];
	s19 =	smul.f32 $1.093749980e-02, s8  }
0x49e: {  	v19 =	vld [tilespmem:$0x196E0];
	s30 =	smul.f32 $1.093749980e-02, s9  }
0x49f: {  	v21 =	vld [tilespmem:$0x196D0];
	s21 =	simm.s32 $0x400;
	s0 =	ssub.f32 s4, s29;
	s4 =	smul.f32 s19, s19  }
.LBB2_15:
0x4a0: {  	[dreg:$0xc] =	wrdreg s20  }
0x4a1: {  	[dreg:$0x5] =	wrdreg s17  }
0x4a2: {  	s13 =	smul.f32 $6.999999880e-01, s22;
	s3 =	ssub.f32 s3, s6  }
0x4a3: {  	s7 =	smul.f32 s30, s30;
	s4 =	ssub.f32 s2, s4  }
0x4a4: {  	s6 =	smul.f32 $6.999999880e-01, s31;
	s16 =	sadd.f32 $9.999999740e-06, s0  }
0x4a5: {  	s2 =	smul.f32 $6.999999880e-01, s20;
	s5 =	ssub.f32 s5, s7  }
0x4a6: {  	s20 =	smul.f32 $6.999999880e-01, s23;
	s8 =	sadd.f32 $9.999999740e-06, s3  }
0x4a7: {  	s0 =	smul.f32 $5.000000000e-01, s16;
	s9 =	sadd.f32 $9.999999740e-06, s4;
	s17 =	sshrl.u32 s16, $0x1  }
0x4a8: {  	s7 =	ssub.s32 $0x5F3759DF, s17;
	s3 =	smul.f32 $5.000000000e-01, s8  }
0x4a9: {  	s26 =	sshra.s32 s21, $0x2;
	s10 =	sadd.f32 $9.999999740e-06, s5;
	s5 =	smul.f32 $5.000000000e-01, s9  }
0x4aa: {  	v32 =	vld [tilespmem:s26+$0x6B10];
	s8 =	sshrl.u32 s8, $0x1;
	s16 =	smul.f32 s7, s0  }
0x4ab: {  	v31 =	vld [tilespmem:s26+$0x6B20];
	s9 =	sshrl.u32 s9, $0x1;
	s8 =	ssub.s32 $0x5F3759DF, s8;
	s4 =	smul.f32 $5.000000000e-01, s10  }
0x4ac: {  	[dreg:$0x6] =	wrdreg s18;
	v33 =	vld [tilespmem:s26+$0x6B30];
	s18 =	ssub.s32 $0x5F3759DF, s9;
	s14 =	smul.f32 s8, s3  }
0x4ad: {  	[dreg:$0x10] =	wrdreg s23;
	v34 =	vld [tilespmem:s26+$0x6B00];
	s10 =	sshrl.u32 s10, $0x1;
	s23 =	smul.f32 s18, s5  }
0x4ae: {  	v40 =	vld [tilespmem:s26+$0x6A50];
	s16 =	smul.f32 s7, s16;
	s15 =	ssub.s32 $0x5F3759DF, s10  }
0x4af: {  	v39 =	vld [tilespmem:s26+$0x6A60];
	s25 =	smul.f32 s15, s4  }
0x4b0: {  	[dreg:$0xe] =	wrdreg s22;
	v41 =	vld [tilespmem:s26+$0x6A70];
	s9 =	smul.f32 s8, s14  }
0x4b1: {  	v42 =	vld [tilespmem:s26+$0x6A40];
	s16 =	ssub.f32 $1.500000000e+00, s16;
	s28 =	smul.f32 s18, s23  }
0x4b2: {  	v35 =	vld [tilespmem:s26+$0x6AD0];
	s22 =	smul.f32 s15, s25;
	s9 =	ssub.f32 $1.500000000e+00, s9  }
0x4b3: {  	v36 =	vld [tilespmem:s26+$0x6AC0];
	s10 =	smul.f32 s7, s16;
	s29 =	ssub.f32 $1.500000000e+00, s28  }
0x4b4: {  	v37 =	vld [tilespmem:s26+$0x6AE0];
	s9 =	smul.f32 s8, s9  }
0x4b5: {  	v38 =	vld [tilespmem:s26+$0x6AF0];
	s1 =	ssub.f32 $1.500000000e+00, s22;
	s14 =	smul.f32 s18, s29  }
0x4b6: {  	v43 =	vadd.f32 v32, v34;
	v44 =	vadd.f32 v33, v31;
	v63 =	vmul.f32 v34, v34;
	s22 =	smul.f32 s10, s0  }
0x4b7: {  	v45 =	vadd.f32 v40, v42;
	v47 =	vmul.f32 v32, v32;
	v48 =	vmul.f32 v31, v31;
	s15 =	smul.f32 s15, s1  }
0x4b8: {  	v46 =	vadd.f32 v41, v39;
	v49 =	vmul.f32 v33, v33;
	v53 =	vmul.f32 v36, v36;
	s23 =	smul.f32 s9, s3  }
0x4b9: {  	v54 =	vmul.f32 v35, v35;
	v56 =	vmul.f32 v37, v37;
	v43 =	vadd.f32 v44, v43;
	s25 =	smul.f32 s14, s5  }
0x4ba: {  	v57 =	vmul.f32 v38, v38;
	v58 =	vmul.f32 v42, v42;
	v52 =	vadd.f32 v46, v45;
	s16 =	smul.f32 s22, s10  }
0x4bb: {  	v59 =	vmul.f32 v40, v40;
	v61 =	vmul.f32 v39, v39;
	(xrf2) =	vadd.scan.msk.f32 $0xffff, v43;
	s28 =	smul.f32 s15, s4  }
0x4bc: {  	v62 =	vmul.f32 v41, v41;
	v44 =	vadd.f32 v47, v63;
	v55 =	vadd.f32 v49, v48;
	(xrf2) =	vadd.scan.msk.f32 $0xffff, v52;
	s17 =	smul.f32 s23, s9  }
0x4bd: {  	v51 =	vmul.f32 v34, v20;
	v45 =	vadd.f32 v54, v53;
	v60 =	vadd.f32 v57, v56;
	s16 =	ssub.f32 $1.500000000e+00, s16;
	s18 =	smul.f32 s25, s14  }
0x4be: {  	v53 =	vmul.f32 v32, v23;
	v54 =	vmul.f32 v31, v24;
	v44 =	vadd.f32 v55, v44;
	s22 =	smul.f32 s28, s15;
	s17 =	ssub.f32 $1.500000000e+00, s17  }
0x4bf: {  	v56 =	vmul.f32 v36, v20;
	v63 =	vadd.f32 v60, v45;
	v45 =	vadd.f32 v51, v25;
	s10 =	smul.f32 s16, s10;
	s29 =	ssub.f32 $1.500000000e+00, s18  }
0x4c0: {  	v57 =	vmul.f32 v35, v23;
	v43 =	vadd.f32 v59, v58;
	v55 =	vmul.f32 v33, v26;
	(xrf2) =	vadd.scan.msk.f32 $0xffff, v44;
	s9 =	smul.f32 s17, s9  }
0x4c1: {  	v59 =	vmul.f32 v37, v24;
	v52 =	vadd.f32 v62, v61;
	v45 =	vadd.f32 v53, v45;
	(xrf2) =	vadd.scan.msk.f32 $0xffff, v63;
	s1 =	ssub.f32 $1.500000000e+00, s22;
	s8 =	smul.f32 s29, s14  }
0x4c2: {  	v61 =	vmul.f32 v42, v20;
	v58 =	vadd.f32 v55, v54;
	v44 =	vadd.f32 v56, v25;
	s0 =	smul.f32 s10, s0  }
0x4c3: {  	v47 =	vld [tilespmem:s26+$0x6AB0];
	v43 =	vadd.f32 v52, v43;
	v63 =	vmul.f32 v39, v24;
	v52 =	vmul.f32 v41, v26;
	s7 =	smul.f32 s1, s15  }
0x4c4: {  	v60 =	vmul.f32 v38, v26;
	v45 =	vadd.f32 v58, v45;
	v46 =	vadd.f32 v57, v44;
	v44 =	vld [tilespmem:s26+$0x6A90];
	s3 =	smul.f32 s9, s3  }
0x4c5: {  	v62 =	vmul.f32 v40, v23;
	v49 =	vadd.f32 v52, v63;
	v52 =	vld [tilespmem:s26+$0x6A80];
	v50, _, _ =	vpop (xrf2);
	(xrf2) =	vadd.scan.msk.f32 $0xffff, v43;
	v43 =	vadd.f32 v61, v25;
	s5 =	smul.f32 s8, s5  }
0x4c6: {  	v53 =	vadd.f32 v60, v59;
	v51, _, _ =	vpop (xrf2);
	(xrf2) =	vadd.scan.msk.f32 $0xffff, v45;
	v45 =	vld [tilespmem:s26+$0x6AA0];
	s0 =	smul.f32 s0, s10  }
0x4c7: {  	v43 =	vadd.f32 v62, v43;
	s4 =	smul.f32 s7, s4  }
0x4c8: {  	v60 =	vmul.f32 v47, v47;
	v46 =	vadd.f32 v53, v46;
	s3 =	smul.f32 s3, s9  }
0x4c9: {  	v53 =	vadd.f32 v35, v36;
	v57 =	vmul.f32 v44, v44;
	v43 =	vadd.f32 v49, v43;
	s0 =	ssub.f32 $1.500000000e+00, s0;
	s5 =	smul.f32 s5, s8  }
0x4ca: {  	v54 =	vmul.f32 v52, v52;
	(v2sf) =	vpush v50, $0xF;
	v48, _, _ =	vpop (xrf2);
	(xrf2) =	vadd.scan.msk.f32 $0xffff, v46;
	v62 =	vadd.f32 v38, v37;
	s4 =	smul.f32 s4, s7;
	s3 =	ssub.f32 $1.500000000e+00, s3  }
0x4cb: {  	v61 =	vmul.f32 v52, v20;
	v49, _, _ =	vpop (xrf2);
	(xrf2) =	vadd.scan.msk.f32 $0xffff, v43;
	v43 =	vadd.f32 v44, v52;
	v55 =	vadd.f32 v47, v45;
	s0 =	smul.f32 s0, s10;
	s5 =	ssub.f32 $1.500000000e+00, s5  }
0x4cc: {  	v54 =	vadd.f32 v57, v54;
	(v2sf) =	vpush v51, $0xF;
	v58 =	vmul.f32 v45, v45;
	s3 =	smul.f32 s3, s9  }
0x4cd: {  	v59 =	vmul.f32 v45, v24;
	v46 =	vadd.f32 v55, v43;
	v43 =	vmul.f32 v47, v26;
	s5 =	smul.f32 s5, s8  }
0x4ce: {  	v57 =	vadd.f32 v60, v58;
	v58 =	vadd.f32 v61, v25;
	v60 =	vmul.f32 v44, v23;
	s4 =	ssub.f32 $1.500000000e+00, s4;
	s6 =	smul.f32 s0, s6  }
0x4cf: {  	(v2sf) =	vpush v48, $0xF;
	v53 =	vadd.f32 v62, v53;
	s0 =	smul.f32 s0, s24  }
0x4d0: {  	v62 =	vadd.f32 v43, v59;
	v58 =	vadd.f32 v60, v58;
	s4 =	smul.f32 s4, s7  }
0x4d1: {  	v43 =	vadd.f32 v57, v54;
	v57 =	vmul.f32 s6, v13;
	s2 =	smul.f32 s3, s2;
	v59 =	vmul.f32 s6, v11  }
0x4d2: {  	v56, _, _ =	vpop (xrf2);
	v60 =	vmul.f32 s6, v12;
	s3 =	smul.f32 s3, s12;
	v48 =	vadd.f32 v62, v58;
	v58 =	vmul.f32 s6, v10  }
0x4d3: {  	(v2sf) =	vpush v49, $0xF;
	v11 =	vmovc v39;
	v12 =	vmovc v41;
	s10 =	smul.f32 s5, s13;
	v39 =	vmul.f32 s2, v8;
	v41 =	vmul.f32 s2, v4  }
0x4d4: {  	(v2sf) =	vpush v56, $0xF;
	s12 =	smul.f32 s5, s19;
	v8 =	vmovc v34;
	v34 =	vmul.f32 s2, v2;
	v51 =	vmul.f32 s2, v3  }
0x4d5: {  	v61 =	vmov s0;
	v2 =	vmovc v31;
	v3 =	vmovc v33;
	s13 =	smul.f32 s4, s30;
	v31 =	vmul.f32 s10, v9;
	v33 =	vmul.f32 s10, v5  }
0x4d6: {  	v10 =	vmovc v40;
	v62 =	vmov s3;
	v5 =	vmovc v35;
	s14 =	smul.f32 s4, s20;
	v35 =	vmov s12;
	v56 =	vsub.f32 v57, v61  }
0x4d7: {  	v4 =	vmovc v32;
	v9 =	vmovc v36;
	v36 =	vmul.f32 s10, v6;
	v40 =	vsub.f32 v59, v61;
	v32 =	vsub.f32 v60, v61  }
0x4d8: {  	v57 =	vsub.f32 v58, v61;
	v58 =	vmov s13;
	v59 =	vmul.f32 s14, v15  }
0x4d9: {  	v55, _, _ =	vpop (xrf2);
	v60 =	vmul.f32 s14, v14;
	v39 =	vsub.f32 v39, v62;
	v41 =	vsub.f32 v41, v62  }
0x4da: {  	v63, _, _ =	vpop (xrf2);
	v61 =	vmul.f32 s14, v16;
	v34 =	vsub.f32 v34, v62;
	v51 =	vsub.f32 v51, v62  }
0x4db: {  	v13 =	vmovc v42;
	v6 =	vmovc v37;
	v62 =	vmul.f32 s14, v17;
	v31 =	vsub.f32 v31, v35;
	v33 =	vsub.f32 v33, v35  }
0x4dc: {  	v37 =	vmul.f32 v56, v29;
	v36 =	vsub.f32 v36, v35;
	v40 =	vmul.f32 v40, v30;
	v54, _, _ =	vpop (xrf2)  }
0x4dd: {  	v15 =	vmovc v52;
	v14 =	vmovc v44;
	v32 =	vmul.f32 v32, v28;
	(v2sf) =	vpush v54, $0xF;
	v39 =	vmul.f32 v39, v29  }
0x4de: {  	v16 =	vmovc v45;
	v42 =	vsub.f32 v59, v58;
	v41 =	vmul.f32 v41, v27;
	v34 =	vmul.f32 v34, v30  }
0x4df: {  	(xrf2) =	vadd.scan.msk.f32 $0xffff, v53;
	v52 =	vmul.f32 v51, v28;
	v44 =	vsub.f32 v61, v58;
	v45 =	vsub.f32 v62, v58  }
0x4e0: {  	v31 =	vmul.f32 v31, v29;
	v37 =	vadd.f32 v37, v22;
	v40 =	vadd.f32 v40, v19  }
0x4e1: {  	v33 =	vmul.f32 v33, v27;
	v32 =	vadd.f32 v32, v18;
	(v2sf) =	vpush v55, $0xF  }
0x4e2: {  	(xrf2) =	vadd.scan.msk.f32 $0xffff, v46;
	(v2sf) =	vpush v63, $0xF;
	v63 =	vmul.f32 s10, v7;
	v7 =	vmovc v38;
	v38 =	vmul.f32 v57, v27  }
0x4e3: {  	v17 =	vmovc v47;
	v36 =	vmul.f32 v36, v30;
	v39 =	vadd.f32 v39, v22;
	v41 =	vadd.f32 v41, v21  }
0x4e4: {  	(xrf2) =	vadd.scan.msk.f32 $0xffff, v48;
	v42 =	vmul.f32 v42, v29;
	v34 =	vadd.f32 v34, v19;
	v38 =	vadd.f32 v38, v21  }
0x4e5: {  	[tilespmem:s11+$0x13240] =	vst v37;
	v47 =	vadd.f32 v52, v18;
	v37 =	vmul.f32 v37, v37;
	v55 =	vmul.f32 v40, v40  }
0x4e6: {  	v31 =	vadd.f32 v31, v22;
	v56 =	vmul.f32 v32, v32;
	[tilespmem:s11+$0x13260] =	vst v40;
	v54 =	vmul.f32 v38, v38  }
0x4e7: {  	v44 =	vmul.f32 v44, v30;
	v33 =	vadd.f32 v33, v21;
	[tilespmem:s11+$0x13270] =	vst v32;
	v32 =	vadd.f32 v36, v19  }
0x4e8: {  	v45 =	vmul.f32 v45, v28;
	[tilespmem:s11+$0x13250] =	vst v38;
	v38 =	vadd.f32 v56, v55;
	v37 =	vadd.f32 v54, v37  }
0x4e9: {  	v35 =	vsub.f32 v63, v35;
	v63 =	vsub.f32 v60, v58;
	v57 =	vmul.f32 v39, v39;
	v40, _, _ =	vpop (xrf2);
	(xrf2) =	vadd.scan.msk.f32 $0xffff, v43  }
0x4ea: {  	s15 =	spop (v2sf);
	v58 =	vmul.f32 v41, v41;
	v59 =	vmul.f32 v34, v34;
	v37 =	vadd.f32 v38, v37  }
0x4eb: {  	s16 =	spop (v2sf);
	[tilespmem:s11+$0x132C0] =	vst v31;
	v42 =	vadd.f32 v42, v22;
	v60 =	vmul.f32 v47, v47;
	v35 =	vmul.f32 v35, v28  }
0x4ec: {  	s17 =	spop (v2sf);
	v31 =	vmul.f32 v31, v31;
	v44 =	vadd.f32 v44, v19;
	v53 =	vmul.f32 v63, v27;
	v46, _, _ =	vpop (xrf2);
	(xrf2) =	vadd.scan.msk.f32 $0xffff, v37  }
0x4ed: {  	s18 =	spop (v2sf);
	[tilespmem:s11+$0x132D0] =	vst v33;
	v33 =	vmul.f32 v33, v33;
	v36 =	vadd.f32 v58, v57;
	v35 =	vadd.f32 v35, v18  }
0x4ee: {  	[tilespmem:s11+$0x13280] =	vst v42;
	v63 =	vmul.f32 v32, v32;
	v42 =	vmul.f32 v42, v42;
	v61 =	vadd.f32 v53, v21;
	s19 =	spop (v2sf)  }
0x4ef: {  	v31 =	vadd.f32 v33, v31;
	v53 =	vadd.f32 v45, v18;
	v52 =	vmul.f32 v35, v35;
	s20 =	spop (v2sf)  }
0x4f0: {  	v62 =	vadd.f32 v60, v59;
	v56 =	vmul.f32 v44, v44;
	v38 =	vmul.f32 v61, v61;
	v54, _, _ =	vpop (xrf2);
	s22 =	spop (v2sf)  }
0x4f1: {  	v57 =	vmul.f32 v53, v53;
	v55 =	vadd.f32 v52, v63;
	s23 =	spop (v2sf);
	(v2sf) =	vpush v54, $0xF  }
0x4f2: {  	v36 =	vadd.f32 v62, v36;
	v59 =	vadd.f32 v38, v42  }
0x4f3: {  	v60 =	vadd.f32 v57, v56;
	v58 =	vadd.f32 v55, v31;
	v31, _, _ =	vpop (xrf2)  }
0x4f4: {  	(v2sf) =	vpush v31, $0xF  }
0x4f5: {  	[tilespmem:s11+$0x13290] =	vst v61;
	(xrf2) =	vadd.scan.msk.f32 $0xffff, v36;
	v61 =	vadd.f32 v60, v59;
	(v2sf) =	vpush v40, $0xF  }
0x4f6: {  	(xrf2) =	vadd.scan.msk.f32 $0xffff, v58;
	v31, _, _ =	vpop (xrf2);
	(v2sf) =	vpush v46, $0xF  }
0x4f7: {  	(xrf2) =	vadd.scan.msk.f32 $0xffff, v61;
	(v2sf) =	vpush v31, $0xF  }
0x4f8: {  	[tilespmem:s11+$0x132E0] =	vst v32  }
0x4f9: {  	[tilespmem:s11+$0x13300] =	vst v39  }
0x4fa: {  	[tilespmem:s11+$0x13310] =	vst v41  }
0x4fb: {  	[tilespmem:s11+$0x13320] =	vst v34  }
0x4fc: {  	[tilespmem:s11+$0x13330] =	vst v47;
	p2 =	sgt.f32 s20, $0.0e+00  }
0x4fd: {  	s5 =	simm.f32 $1.000000000e+00;
	[tilespmem:s11+$0x132A0] =	vst v44  }
0x4fe: {  	s0 =	simm.f32 $1.000000000e+00;
	[tilespmem:s11+$0x132B0] =	vst v53;
	p1 =	sgt.f32 s22, $0.0e+00;
	s5 =	simm.s32 @!p2 $0x0  }
0x4ff: {  	[tilespmem:s11+$0x132F0] =	vst v35;
	s11 =	smov.u32 s26;
	p3 =	sgt.f32 s23, $0.0e+00;
	s25 =	smul.f32 s5, s19;
	v62, _, _ =	vpop (xrf2)  }
0x500: {  	s26 =	smul.f32 s5, s16;
	s0 =	simm.s32 @!p1 $0x0;
	v63, _, _ =	vpop (xrf2);
	s24 =	spop (v2sf);
	(v2sf) =	vpush v62, $0xF  }
0x501: {  	s6 =	simm.f32 $1.000000000e+00;
	s3 =	smul.f32 s0, s17;
	v31, _, _ =	vpop (xrf2);
	(v2sf) =	vpush v63, $0xF  }
0x502: {  	s6 =	simm.s32 @!p3 $0x0;
	s1 =	smul.f32 s0, s15;
	(v2sf) =	vpush v31, $0xF  }
0x503: {  	s28 =	smul.f32 s6, s18;
	s29 =	spop (v2sf)  }
0x504: {  	s4 =	smul.f32 $7.656250150e-03, s25;
	s8 =	spop (v2sf)  }
0x505: {  	s3 =	smul.f32 $7.656250150e-03, s3;
	s12 =	spop (v2sf)  }
0x506: {  	s10 =	simm.f32 $1.000000000e+00;
	s2 =	smul.f32 $7.656250150e-03, s28;
	s17 =	spop (v2sf)  }
0x507: {  	p2 =	sgt.f32 s24, $0.0e+00;
	s19 =	smul.f32 $5.000000000e-01, s17;
	s14 =	sshrl.u32 s17, $0x1  }
0x508: {  	s24 =	smul.f32 $1.093749980e-02, s26;
	s25 =	ssub.s32 $0x5F3759DF, s14  }
0x509: {  	s10 =	simm.s32 @!p2 $0x0;
	s28 =	smul.f32 s25, s19  }
0x50a: {  	s9 =	smul.f32 s10, s29  }
0x50b: {  	s28 =	smul.f32 s25, s28  }
0x50c: {  	s7 =	smul.f32 s6, s8  }
0x50d: {  	s8 =	smul.f32 s10, s12;
	s28 =	ssub.f32 $1.500000000e+00, s28  }
0x50e: {  	s12 =	smul.f32 $1.093749980e-02, s1  }
0x50f: {  	s13 =	spop (v2sf);
	s25 =	smul.f32 s25, s28  }
0x510: {  	s20 =	smul.f32 $5.000000000e-01, s13;
	s16 =	spop (v2sf)  }
0x511: {  	s15 =	sshrl.u32 s13, $0x1;
	s22 =	smul.f32 $5.000000000e-01, s16;
	s18 =	spop (v2sf)  }
0x512: {  	s29 =	sshrl.u32 s16, $0x1;
	s26 =	ssub.s32 $0x5F3759DF, s15;
	s23 =	smul.f32 $5.000000000e-01, s18  }
0x513: {  	s29 =	ssub.s32 $0x5F3759DF, s29;
	s14 =	smul.f32 s26, s20  }
0x514: {  	s30 =	sshrl.u32 s18, $0x1;
	s15 =	smul.f32 s29, s22  }
0x515: {  	s30 =	ssub.s32 $0x5F3759DF, s30;
	s14 =	smul.f32 s26, s14  }
0x516: {  	s1 =	smul.f32 s30, s23  }
0x517: {  	s15 =	smul.f32 s29, s15;
	s14 =	ssub.f32 $1.500000000e+00, s14  }
0x518: {  	s1 =	smul.f32 s30, s1  }
0x519: {  	s15 =	ssub.f32 $1.500000000e+00, s15;
	s14 =	smul.f32 s26, s14  }
0x51a: {  	s1 =	ssub.f32 $1.500000000e+00, s1;
	s26 =	smul.f32 s25, s19  }
0x51b: {  	s15 =	smul.f32 s29, s15  }
0x51c: {  	s1 =	smul.f32 s30, s1  }
0x51d: {  	s28 =	smul.f32 s14, s20  }
0x51e: {  	s26 =	smul.f32 s26, s25  }
0x51f: {  	s29 =	smul.f32 s15, s22  }
0x520: {  	s30 =	smul.f32 s1, s23  }
0x521: {  	s28 =	smul.f32 s28, s14  }
0x522: {  	s26 =	ssub.f32 $1.500000000e+00, s26;
	s29 =	smul.f32 s29, s15  }
0x523: {  	s30 =	smul.f32 s30, s1;
	s28 =	ssub.f32 $1.500000000e+00, s28  }
0x524: {  	s25 =	smul.f32 s26, s25  }
0x525: {  	s26 =	ssub.f32 $1.500000000e+00, s29;
	s14 =	smul.f32 s28, s14  }
0x526: {  	s29 =	ssub.f32 $1.500000000e+00, s30;
	s19 =	smul.f32 s25, s19  }
0x527: {  	s15 =	smul.f32 s26, s15  }
0x528: {  	s1 =	smul.f32 s29, s1  }
0x529: {  	p3 =	sgt.f32 s17, $0.0e+00;
	s20 =	smul.f32 s14, s20  }
0x52a: {  	p1 =	sgt.f32 s13, $0.0e+00;
	s19 =	smul.f32 s19, s25  }
0x52b: {  	p2 =	sgt.f32 s16, $0.0e+00;
	s22 =	smul.f32 s15, s22  }
0x52c: {  	p4 =	sgt.f32 s18, $0.0e+00;
	s23 =	smul.f32 s1, s23  }
0x52d: {  	s28 =	rddreg [dreg:$0xc];
	s20 =	smul.f32 s20, s14  }
0x52e: {  	s19 =	ssub.f32 $1.500000000e+00, s19;
	s22 =	smul.f32 s22, s15  }
0x52f: {  	s23 =	smul.f32 s23, s1;
	s20 =	ssub.f32 $1.500000000e+00, s20  }
0x530: {  	s19 =	smul.f32 s19, s25;
	s25 =	rddreg [dreg:$0xe]  }
0x531: {  	s22 =	ssub.f32 $1.500000000e+00, s22;
	s14 =	smul.f32 s20, s14  }
0x532: {  	s23 =	ssub.f32 $1.500000000e+00, s23;
	s17 =	smul.f32 s19, s17  }
0x533: {  	s20 =	rddreg [dreg:$0x6];
	s15 =	smul.f32 s22, s15  }
0x534: {  	s22 =	rddreg [dreg:$0x5];
	s1 =	smul.f32 s23, s1  }
0x535: {  	p0 =	sne.s32 s21, $0x18C00;
	s29 =	smul.f32 s24, s24;
	s23 =	rddreg [dreg:$0x10]  }
0x536: {  	s17 =	simm.s32 @!p3 $0x0;
	s1 =	smul.f32 s1, s18;
	s18 =	sadd.f32 s31, s20  }
0x537: {  	s30 =	smul.f32 $1.093749980e-02, s8;
	s31 =	smov.u32 s5;
	s5 =	sadd.f32 s17, s22  }
0x538: {  	s15 =	smul.f32 s15, s16;
	s20 =	smov.u32 s0;
	s0 =	ssub.f32 s4, s29  }
0x539: {  	s19 =	smul.f32 $1.093749980e-02, s7;
	s1 =	simm.s32 @!p4 $0x0;
	s16 =	sadd.f32 s23, s18  }
.Ltmp9:
0x53a: {  	s15 =	simm.s32 @!p2 $0x0;
	s1 =	sadd.f32 s1, s5;
	(pc) =	sbr.rel @p0 .LBB2_15-.Ltmp9, $4  }
0x53b: {  	s23 =	smov.u32 s10;
	s10 =	smul.f32 s14, s13;
	s26 =	sadd.f32 s25, s16  }
0x53c: {  	s22 =	smov.u32 s6;
	s6 =	smul.f32 s12, s12;
	s1 =	sadd.f32 s15, s1  }
0x53d: {  	s4 =	smul.f32 s19, s19;
	s10 =	simm.s32 @!p1 $0x0;
	s18 =	sadd.f32 s28, s26  }
0x53e: {  	s21 =	sadd.s32 $0x400, s21;
	s5 =	smul.f32 $7.656250150e-03, s9;
	s17 =	sadd.f32 s10, s1  }
0x53f: {  	s3 =	ssub.f32 s3, s6  }
0x540: {  	s1 =	smul.f32 s30, s30;
	s2 =	ssub.f32 s2, s4  }
0x541: {  	s0 =	sadd.f32 $9.999999740e-06, s0  }
0x542: {  	s28 =	smul.f32 $6.999999880e-01, s20;
	s1 =	ssub.f32 s5, s1  }
0x543: {  	s29 =	smul.f32 $6.999999880e-01, s22;
	s3 =	sadd.f32 $9.999999740e-06, s3  }
0x544: {  	s4 =	smul.f32 $5.000000000e-01, s0;
	s2 =	sadd.f32 $9.999999740e-06, s2;
	s0 =	sshrl.u32 s0, $0x1  }
0x545: {  	s0 =	ssub.s32 $0x5F3759DF, s0;
	s5 =	smul.f32 $5.000000000e-01, s3  }
0x546: {  	s1 =	sadd.f32 $9.999999740e-06, s1;
	s6 =	smul.f32 $5.000000000e-01, s2  }
0x547: {  	s3 =	sshrl.u32 s3, $0x1;
	s8 =	smul.f32 s0, s4  }
0x548: {  	s2 =	sshrl.u32 s2, $0x1;
	s3 =	ssub.s32 $0x5F3759DF, s3;
	s7 =	smul.f32 $5.000000000e-01, s1  }
0x549: {  	s2 =	ssub.s32 $0x5F3759DF, s2;
	s9 =	smul.f32 s3, s5  }
0x54a: {  	s1 =	sshrl.u32 s1, $0x1;
	s10 =	smul.f32 s2, s6  }
0x54b: {  	s8 =	smul.f32 s0, s8;
	s1 =	ssub.s32 $0x5F3759DF, s1  }
0x54c: {  	s13 =	smul.f32 s1, s7  }
0x54d: {  	s9 =	smul.f32 s3, s9;
	s8 =	ssub.f32 $1.500000000e+00, s8  }
0x54e: {  	s10 =	smul.f32 s2, s10  }
0x54f: {  	s0 =	smul.f32 s0, s8  }
0x550: {  	s8 =	smul.f32 $6.999999880e-01, s31;
	s9 =	ssub.f32 $1.500000000e+00, s9  }
0x551: {  	s13 =	smul.f32 s1, s13;
	s10 =	ssub.f32 $1.500000000e+00, s10  }
0x552: {  	s3 =	smul.f32 s3, s9  }
0x553: {  	s14 =	ssub.f32 $1.500000000e+00, s13;
	s2 =	smul.f32 s2, s10  }
0x554: {  	s15 =	smul.f32 s0, s4  }
0x555: {  	s1 =	smul.f32 s1, s14  }
0x556: {  	s16 =	smul.f32 s15, s0  }
0x557: {  	s21 =	smul.f32 s3, s5  }
0x558: {  	s25 =	smul.f32 s2, s6  }
0x559: {  	s14 =	smul.f32 $6.999999880e-01, s23  }
0x55a: {  	s10 =	smul.f32 s21, s3  }
0x55b: {  	s9 =	ssub.f32 $1.500000000e+00, s16;
	s26 =	smul.f32 s1, s7  }
0x55c: {  	s13 =	smul.f32 s25, s2  }
0x55d: {  	s0 =	smul.f32 s9, s0;
	s10 =	ssub.f32 $1.500000000e+00, s10  }
0x55e: {  	s9 =	smul.f32 s26, s1;
	s13 =	ssub.f32 $1.500000000e+00, s13  }
0x55f: {  	s3 =	smul.f32 s10, s3  }
0x560: {  	s9 =	ssub.f32 $1.500000000e+00, s9;
	s2 =	smul.f32 s13, s2  }
0x561: {  	s4 =	smul.f32 s0, s4  }
0x562: {  	s1 =	smul.f32 s9, s1  }
0x563: {  	s5 =	smul.f32 s3, s5  }
0x564: {  	s6 =	smul.f32 s2, s6  }
0x565: {  	s4 =	smul.f32 s4, s0  }
0x566: {  	s7 =	smul.f32 s1, s7  }
0x567: {  	s5 =	smul.f32 s5, s3  }
0x568: {  	s4 =	ssub.f32 $1.500000000e+00, s4;
	s6 =	smul.f32 s6, s2  }
0x569: {  	s7 =	smul.f32 s7, s1;
	s5 =	ssub.f32 $1.500000000e+00, s5  }
0x56a: {  	s0 =	smul.f32 s4, s0;
	s15 =	ssub.f32 $1.500000000e+00, s6  }
0x56b: {  	s3 =	smul.f32 s5, s3  }
0x56c: {  	s2 =	smul.f32 s15, s2  }
0x56d: {  	s16 =	ssub.f32 $1.500000000e+00, s7;
	s21 =	smul.f32 s0, s8  }
0x56e: {  	s0 =	smul.f32 s0, s24  }
0x56f: {  	s1 =	smul.f32 s16, s1  }
0x570: {  	v13 =	vmul.f32 s21, v13;
	v10 =	vmul.f32 s21, v10;
	s5 =	smul.f32 s3, s28  }
0x571: {  	v11 =	vmul.f32 s21, v11;
	v12 =	vmul.f32 s21, v12;
	s3 =	smul.f32 s3, s12  }
0x572: {  	s24 =	smul.f32 s2, s29;
	v8 =	vmul.f32 s5, v8;
	v4 =	vmul.f32 s5, v4  }
0x573: {  	v20 =	vmov s0;
	s25 =	smul.f32 s2, s19;
	v2 =	vmul.f32 s5, v2;
	v3 =	vmul.f32 s5, v3  }
0x574: {  	s26 =	smul.f32 s1, s30;
	v9 =	vmul.f32 s24, v9;
	v5 =	vmul.f32 s24, v5;
	v23 =	vmov s3  }
0x575: {  	s1 =	smul.f32 s1, s14;
	v24 =	vmov s25;
	v6 =	vmul.f32 s24, v6;
	v13 =	vsub.f32 v13, v20  }
0x576: {  	v7 =	vmul.f32 s24, v7;
	v10 =	vsub.f32 v10, v20;
	v11 =	vsub.f32 v11, v20  }
0x577: {  	v12 =	vsub.f32 v12, v20;
	v25 =	vmov s26;
	v15 =	vmul.f32 s1, v15  }
0x578: {  	v14 =	vmul.f32 s1, v14;
	v8 =	vsub.f32 v8, v23;
	v4 =	vsub.f32 v4, v23  }
0x579: {  	v16 =	vmul.f32 s1, v16;
	v2 =	vsub.f32 v2, v23;
	v3 =	vsub.f32 v3, v23  }
0x57a: {  	v17 =	vmul.f32 s1, v17;
	v9 =	vsub.f32 v9, v24;
	v5 =	vsub.f32 v5, v24  }
0x57b: {  	v13 =	vmul.f32 v13, v29;
	v10 =	vmul.f32 v10, v27;
	v6 =	vsub.f32 v6, v24  }
0x57c: {  	v11 =	vmul.f32 v11, v30;
	v12 =	vmul.f32 v12, v28;
	v7 =	vsub.f32 v7, v24  }
0x57d: {  	v15 =	vsub.f32 v15, v25;
	v8 =	vmul.f32 v8, v29;
	v4 =	vmul.f32 v4, v27  }
0x57e: {  	v14 =	vsub.f32 v14, v25;
	v2 =	vmul.f32 v2, v30;
	v35 =	vmul.f32 v3, v28  }
0x57f: {  	v3 =	vsub.f32 v16, v25;
	v9 =	vmul.f32 v9, v29;
	v36 =	vmul.f32 v5, v27  }
0x580: {  	v17 =	vsub.f32 v17, v25;
	v6 =	vmul.f32 v6, v30;
	v13 =	vadd.f32 v13, v22  }
0x581: {  	v7 =	vmul.f32 v7, v28;
	v10 =	vadd.f32 v10, v21;
	v11 =	vadd.f32 v11, v19  }
0x582: {  	v12 =	vadd.f32 v12, v18;
	v15 =	vmul.f32 v15, v29;
	v14 =	vmul.f32 v14, v27  }
0x583: {  	v37 =	vmul.f32 v3, v30;
	v38 =	vadd.f32 v8, v22;
	v3 =	vadd.f32 v4, v21  }
0x584: {  	v39 =	vmul.f32 v17, v28;
	v40 =	vadd.f32 v2, v19;
	v2 =	vadd.f32 v35, v18  }
0x585: {  	v41 =	vmul.f32 v13, v13;
	v42 =	vmul.f32 v10, v10;
	v9 =	vadd.f32 v9, v22  }
0x586: {  	v43 =	vmul.f32 v11, v11;
	v44 =	vmul.f32 v12, v12;
	v16 =	vadd.f32 v36, v21  }
0x587: {  	v6 =	vadd.f32 v6, v19;
	v7 =	vadd.f32 v7, v18;
	v26 =	vmul.f32 v38, v38  }
0x588: {  	v17 =	vadd.f32 v42, v41;
	v45 =	vadd.f32 v44, v43;
	v46 =	vmul.f32 v3, v3  }
0x589: {  	v15 =	vadd.f32 v15, v22;
	v47 =	vmul.f32 v40, v40;
	v48 =	vmul.f32 v2, v2  }
0x58a: {  	v14 =	vadd.f32 v14, v21;
	v49 =	vmul.f32 v9, v9;
	v50 =	vmul.f32 v16, v16  }
0x58b: {  	v51 =	vadd.f32 v37, v19;
	v52 =	vmul.f32 v6, v6;
	v8 =	vadd.f32 v39, v18  }
0x58c: {  	v53 =	vmul.f32 v7, v7;
	v24 =	vadd.f32 v46, v26;
	v22 =	vadd.f32 v48, v47  }
0x58d: {  	v17 =	vadd.f32 v45, v17;
	v54 =	vmul.f32 v15, v15;
	v55 =	vmul.f32 v14, v14  }
0x58e: {  	v56 =	vmul.f32 v51, v51;
	v57 =	vmul.f32 v8, v8;
	v21 =	vadd.f32 v50, v49  }
0x58f: {  	v23 =	vadd.f32 v53, v52;
	v22 =	vadd.f32 v22, v24  }
0x590: {  	v18 =	vadd.f32 v55, v54;
	v58 =	vadd.f32 v57, v56;
	(xrf2) =	vadd.scan.msk.f32 $0xffff, v17  }
0x591: {  	v59 =	vadd.f32 v23, v21;
	(xrf2) =	vadd.scan.msk.f32 $0xffff, v22  }
0x592: {  	v18 =	vadd.f32 v58, v18  }
0x593: {  	(xrf2) =	vadd.scan.msk.f32 $0xffff, v59  }
0x594: {  	(xrf2) =	vadd.scan.msk.f32 $0xffff, v18;
	_ =	sdelay $0x5  }
0x595: {  	v60, _, _ =	vpop (xrf2)  }
0x596: {  	(v2sf) =	vpush v60, $0xF;
	v61, _, _ =	vpop (xrf2)  }
0x597: {  	(v2sf) =	vpush v61, $0xF  }
0x598: {  	v62, _, _ =	vpop (xrf2)  }
0x599: {  	v63, _, _ =	vpop (xrf2);
	(v2sf) =	vpush v62, $0xF  }
0x59a: {  	(v2sf) =	vpush v63, $0xF;
	_ =	sdelay $0xa  }
0x59b: {  	s1 =	spop (v2sf)  }
0x59c: {  	s5 =	smul.f32 $5.000000000e-01, s1;
	s28 =	sshrl.u32 s1, $0x1;
	s0 =	spop (v2sf)  }
0x59d: {  	s6 =	ssub.s32 $0x5F3759DF, s28;
	s4 =	smul.f32 $5.000000000e-01, s0  }
0x59e: {  	s2 =	spop (v2sf);
	s30 =	smul.f32 s6, s5  }
0x59f: {  	s29 =	sshrl.u32 s0, $0x1;
	s7 =	smul.f32 $5.000000000e-01, s2;
	s3 =	spop (v2sf)  }
0x5a0: {  	s9 =	ssub.s32 $0x5F3759DF, s29;
	s8 =	smul.f32 $5.000000000e-01, s3  }
0x5a1: {  	s19 =	sshrl.u32 s2, $0x1;
	s14 =	smul.f32 s9, s4  }
0x5a2: {  	s21 =	sshrl.u32 s3, $0x1;
	s12 =	ssub.s32 $0x5F3759DF, s19;
	s10 =	smul.f32 s6, s30  }
0x5a3: {  	s13 =	ssub.s32 $0x5F3759DF, s21;
	s15 =	smul.f32 s12, s7  }
0x5a4: {  	s16 =	smul.f32 s13, s8  }
0x5a5: {  	s14 =	smul.f32 s9, s14;
	s10 =	ssub.f32 $1.500000000e+00, s10  }
0x5a6: {  	s15 =	smul.f32 s12, s15  }
0x5a7: {  	s6 =	smul.f32 s6, s10  }
0x5a8: {  	s16 =	smul.f32 s13, s16;
	s14 =	ssub.f32 $1.500000000e+00, s14  }
0x5a9: {  	s26 =	ssub.f32 $1.500000000e+00, s15;
	s25 =	smul.f32 s6, s5  }
0x5aa: {  	s16 =	ssub.f32 $1.500000000e+00, s16;
	s9 =	smul.f32 s9, s14  }
0x5ab: {  	s12 =	smul.f32 s12, s26  }
0x5ac: {  	s24 =	smul.f32 s13, s16  }
0x5ad: {  	s13 =	smul.f32 s25, s6  }
0x5ae: {  	s30 =	smul.f32 s9, s4  }
0x5af: {  	s15 =	smul.f32 s12, s7  }
0x5b0: {  	s16 =	smul.f32 s24, s8  }
0x5b1: {  	s13 =	ssub.f32 $1.500000000e+00, s13;
	s14 =	smul.f32 s30, s9  }
0x5b2: {  	s28 =	smul.f32 s16, s24  }
0x5b3: {  	s6 =	smul.f32 s13, s6  }
0x5b4: {  	s13 =	smul.f32 s15, s12;
	s14 =	ssub.f32 $1.500000000e+00, s14  }
0x5b5: {  	s29 =	ssub.f32 $1.500000000e+00, s28;
	s5 =	smul.f32 s6, s5  }
0x5b6: {  	p0 =	sgt.f32 s1, $0.0e+00;
	s9 =	smul.f32 s14, s9  }
0x5b7: {  	s13 =	ssub.f32 $1.500000000e+00, s13;
	s10 =	smul.f32 s29, s24  }
0x5b8: {  	p1 =	sgt.f32 s2, $0.0e+00;
	s5 =	smul.f32 s5, s6  }
0x5b9: {  	s21 =	sadd.f32 s31, s18;
	s12 =	smul.f32 s13, s12  }
0x5ba: {  	s31 =	sld [smem:$0x7A7];
	s4 =	smul.f32 s9, s4  }
0x5bb: {  	s26 =	sld [smem:$0x7F5];
	s8 =	smul.f32 s10, s8  }
0x5bc: {  	[tilespmem:s11+$0x13240] =	vst v13;
	s5 =	ssub.f32 $1.500000000e+00, s5;
	s19 =	smul.f32 s12, s7  }
0x5bd: {  	[tilespmem:s11+$0x13250] =	vst v10;
	s24 =	sadd.f32 s23, s21;
	s8 =	smul.f32 s8, s10  }
0x5be: {  	[tilespmem:s11+$0x13260] =	vst v11;
	s29 =	rddreg [dreg:$0x1];
	s5 =	smul.f32 s5, s6  }
0x5bf: {  	[tilespmem:s11+$0x13270] =	vst v12;
	s4 =	smul.f32 s4, s9;
	s7 =	sld [smem:$0x7A6]  }
0x5c0: {  	[tilespmem:s11+$0x132C0] =	vst v9;
	s8 =	ssub.f32 $1.500000000e+00, s8;
	s5 =	smul.f32 s5, s1  }
0x5c1: {  	[tilespmem:s11+$0x132D0] =	vst v16;
	s4 =	ssub.f32 $1.500000000e+00, s4;
	s1 =	smul.f32 s19, s12  }
0x5c2: {  	[tilespmem:s11+$0x132E0] =	vst v6;
	s28 =	sadd.f32 s22, s24;
	s16 =	smul.f32 s8, s10  }
0x5c3: {  	[tilespmem:s11+$0x132F0] =	vst v7;
	s4 =	smul.f32 s4, s9;
	s1 =	ssub.f32 $1.500000000e+00, s1  }
0x5c4: {  	[tilespmem:s11+$0x13300] =	vst v38;
	s5 =	simm.s32 @!p0 $0x0;
	p0 =	sgt.f32 s3, $0.0e+00;
	s3 =	smul.f32 s16, s3  }
0x5c5: {  	[tilespmem:s11+$0x13310] =	vst v3;
	s5 =	sadd.f32 s5, s17;
	s1 =	smul.f32 s1, s12  }
0x5c6: {  	[tilespmem:s11+$0x13320] =	vst v40;
	s3 =	simm.s32 @!p0 $0x0;
	p0 =	sgt.f32 s0, $0.0e+00;
	s0 =	smul.f32 s4, s0  }
0x5c7: {  	[tilespmem:s11+$0x13330] =	vst v2;
	s1 =	smul.f32 s1, s2;
	s25 =	sadd.f32 s3, s5  }
0x5c8: {  	[tilespmem:s11+$0x13280] =	vst v15;
	s3 =	sadd.s32 s7, s26;
	s0 =	simm.s32 @!p0 $0x0;
	p0 =	seq.s32 s31, $0x7  }
.Ltmp10:
0x5c9: {  	[tilespmem:s11+$0x13290] =	vst v14;
	s3 =	sshll.u32 s3, $0x3;
	s1 =	simm.s32 @!p1 $0x0;
	(pc) =	sbr.rel @p0 .LBB2_20-.Ltmp10, $4  }
0x5ca: {  	[tilespmem:s11+$0x132A0] =	vst v51;
	s30 =	simm.s32 $0x13240;
	s3 =	sand.u32 $0x1FFFFF80, s3;
	s1 =	sadd.f32 s1, s25  }
0x5cb: {  	[tilespmem:s11+$0x132B0] =	vst v8;
	s6 =	simm.s32 $0x0;
	s2 =	sadd.s32 s29, s3;
	s3 =	sadd.f32 s20, s28  }
0x5cc: {  	[hbm4b:s2+s6] =	stream.linear.scatter [tilespmem:s30], [sflag:$0x6], $0x6400, $0x38;
	[tilespmem:$0x19730] =	vst v63  }
0x5cd: {  	s1 =	sadd.f32 s0, s1  }
0x5ce: {  	s0 =	sld [smem:$0x7FB];
	_ =	sdelay $0x1  }
0x5cf: {  	s14 =	sld [smem:$0x7F7]  }
0x5d0: {  	[dreg:$0x4] =	wrdreg s3;
	s0 =	sadd.s32 s7, s0  }
0x5d1: {  	s15 =	simm.s32 $0x0;
	s2 =	simm.s32 $0x190;
	s0 =	sshrl.u32 s0, $0x3  }
0x5d2: {  	s16 =	simm.s32 $0x7;
	[dreg:$0x3] =	wrdreg s1;
	s0 =	sadd.s32 s14, s0  }
0x5d3: {  	[tilespmem:s2], [sflag:$0x7] =	stream.linear.gather [hbm4b:s0+s15], $0x190, $0x38;
	[tilespmem:$0x19730] =	vst v63  }
0x5d4: {  	_ =	swait.ge [sflag:s16], $0x190  }
0x5d5: {  	[sflag:s16] =	ssyncset.done $0x0  }
0x5d6: {  	s17 =	simm.s32 $0x0;
	[sflag:s16] =	ssyncadd.s32 $0xFFFFFE70  }
0x5d7: {  	v2 =	vld [tilespmem:s17+$0x190];
	_ =	sdelay $0x4  }
0x5d8: {  	v2 =	vmul.u32 $0x1F, v2;
	_ =	sdelay $0x1  }
0x5d9: {  	(v2sf) =	vpush v2, $0x0  }
0x5da: {  	(v2sf) =	vpush v2, $0x7;
	_ =	sdelay $0x1  }
0x5db: {  	(v2sf) =	vpush v2, $0x1  }
0x5dc: {  	(v2sf) =	vpush v2, $0x2;
	_ =	sdelay $0x1  }
0x5dd: {  	(v2sf) =	vpush v2, $0x5;
	_ =	sdelay $0x3  }
0x5de: {  	(v2sf) =	vpush v2, $0x3  }
0x5df: {  	(v2sf) =	vpush v2, $0x4  }
0x5e0: {  	(v2sf) =	vpush v2, $0xC;
	_ =	sdelay $0x2  }
0x5e1: {  	(v2sf) =	vpush v2, $0x8;
	s19 =	spop (v2sf)  }
0x5e2: {  	s20 =	spop (v2sf)  }
0x5e3: {  	(v2sf) =	vpush v2, $0x9;
	s30 =	smulhi.u32 $0x68DB8BAD, s19;
	s1 =	sshra.s32 s20, $0x1F  }
0x5e4: {  	s21 =	spop (v2sf);
	s1 =	smul.u32 $0x68DB8BAD, s1  }
0x5e5: {  	(v2sf) =	vpush v2, $0x6;
	s22 =	spop (v2sf);
	s6 =	smulhi.u32 $0x68DB8BAD, s21  }
0x5e6: {  	s2 =	sshra.s32 s21, $0x1F;
	s8 =	smulhi.u32 $0x68DB8BAD, s22  }
0x5e7: {  	(v2sf) =	vpush v2, $0xD;
	s4 =	spop (v2sf);
	s11 =	smul.u32 $0x68DB8BAD, s2  }
0x5e8: {  	(v2sf) =	vpush v2, $0xE;
	s3 =	sshra.s32 s22, $0x1F;
	s5 =	sshra.s32 s4, $0x1F;
	s4 =	smulhi.u32 $0x68DB8BAD, s4  }
0x5e9: {  	s18 =	simm.s32 $0x0;
	(v2sf) =	vpush v2, $0xA;
	s12 =	smul.u32 $0x68DB8BAD, s3  }
0x5ea: {  	[dreg:$0xa] =	wrdreg s18;
	s23 =	smul.u32 $0x68DB8BAD, s5  }
0x5eb: {  	s0 =	sshra.s32 s19, $0x1F;
	(v2sf) =	vpush v2, $0xF;
	s24 =	spop (v2sf);
	s5 =	smulhi.u32 $0x68DB8BAD, s20  }
0x5ec: {  	(v2sf) =	vpush v2, $0xB;
	s7 =	spop (v2sf);
	s26 =	smulhi.u32 $0x68DB8BAD, s24;
	s29 =	sshra.s32 s24, $0x1F  }
0x5ed: {  	s6 =	sadd.s32 s11, s6;
	[smem:$0x77C] =	sst s4;
	s9 =	spop (v2sf)  }
0x5ee: {  	s25 =	sshra.s32 s7, $0x1F;
	s24 =	sadd.s32 s12, s8;
	s8 =	simm.s32 $0x10  }
0x5ef: {  	s28 =	sshrl.u32 s6, $0x1F;
	s31 =	sshra.s32 s6, $0x1F;
	[smem:$0x77D] =	sst s23  }
0x5f0: {  	s6 =	sshra.s32 s6, $0xC;
	s10 =	spop (v2sf);
	s16 =	smul.u32 $0x68DB8BAD, s25  }
0x5f1: {  	[smem:$0x77E] =	sst s26;
	s2 =	sshra.s32 s9, $0x1F;
	s21 =	smulhi.u32 $0x68DB8BAD, s9  }
0x5f2: {  	s23 =	simm.s32 $0x10;
	s13 =	spop (v2sf);
	s18 =	smulhi.u32 $0x68DB8BAD, s10  }
0x5f3: {  	s14 =	sshra.s32 s10, $0x1F;
	s17 =	smul.u32 $0x68DB8BAD, s2;
	[dreg:$0x15] =	wrdreg s23  }
0x5f4: {  	s5 =	sadd.s32 s1, s5;
	s15 =	spop (v2sf);
	s25 =	smul.u32 $0x68DB8BAD, s14  }
0x5f5: {  	s4 =	smulhi.u32 $0x68DB8BAD, s15;
	s17 =	sadd.s32 s17, s21;
	s15 =	sshra.s32 s15, $0x1F  }
0x5f6: {  	v3 =	vld [tilespmem:s8+$0x190];
	s21 =	sadd.s32 s25, s18;
	s12 =	smul.u32 $0x68DB8BAD, s15;
	s3 =	spop (v2sf)  }
0x5f7: {  	s15 =	smul.u32 $0x68DB8BAD, s0;
	s23 =	sshrl.u32 s21, $0x1F;
	s20 =	spop (v2sf)  }
0x5f8: {  	s9 =	sshra.s32 s21, $0xC;
	s21 =	sshra.s32 s17, $0xC;
	s19 =	spop (v2sf)  }
0x5f9: {  	[dreg:$0x1b] =	wrdreg s21;
	s22 =	sshra.s32 s19, $0x1F;
	s2 =	smulhi.u32 $0x68DB8BAD, s19  }
0x5fa: {  	s10 =	sshra.s32 s13, $0x1F;
	s26 =	spop (v2sf);
	s19 =	smul.u32 $0x68DB8BAD, s22  }
0x5fb: {  	s18 =	sshra.s32 s5, $0x1F;
	v3 =	vmul.u32 $0x1F, v3;
	s14 =	spop (v2sf);
	s22 =	smulhi.u32 $0x68DB8BAD, s13  }
0x5fc: {  	vm12 =	vmmov vm11;
	s13 =	smulhi.u32 $0x68DB8BAD, s26;
	s11 =	sshra.s32 s26, $0x1F;
	s26 =	sshra.s32 s5, $0xC  }
0x5fd: {  	vm11 =	vcmask $0xF0C;
	vm14 =	vmmov vm13;
	(v2sf) =	vpush v3, $0x0;
	s5 =	sshrl.u32 s5, $0x1F;
	s25 =	sshra.s32 s14, $0x1F;
	[dreg:$0x18] =	wrdreg s26  }
0x5fe: {  	vm13 =	vcmask $0x1F1C;
	vm3 =	vmmov vm15;
	s0 =	sshra.s32 s20, $0x1F;
	(v2sf) =	vpush v3, $0x7;
	[smem:$0x77F] =	sst s5;
	s1 =	smul.u32 $0x68DB8BAD, s25  }
0x5ff: {  	vm15 =	vcmask $0x2F2C;
	vm5 =	vmmov vm4;
	(v2sf) =	vpush v3, $0x1;
	s5 =	sshra.s32 s24, $0x1F;
	s8 =	sadd.s32 s19, s2;
	s19 =	smulhi.u32 $0x68DB8BAD, s7  }
0x600: {  	vm4 =	vcmask $0x300;
	vm7 =	vmmov vm6;
	(v2sf) =	vpush v3, $0x2;
	s25 =	simm.s32 $0x80;
	s7 =	sshrl.u32 s8, $0x1F;
	s26 =	sshra.s32 s8, $0xC  }
0x601: {  	vm6 =	vcmask $0x2B28;
	vm10 =	vcmask $0x3B38;
	(v2sf) =	vpush v3, $0x5;
	s8 =	sshra.s32 s24, $0xC;
	[smem:$0x780] =	sst s7;
	s7 =	sshra.s32 s3, $0x1F  }
.LBB2_18:
0x602: {  	s21 =	smulhi.u32 $0x68DB8BAD, s14  }
0x603: {  	s11 =	smul.u32 $0x68DB8BAD, s11  }
0x604: {  	s17 =	sshrl.u32 s17, $0x1F;
	s2 =	rddreg [dreg:$0xa];
	s7 =	smul.u32 $0x68DB8BAD, s7  }
0x605: {  	v4 =	vmov s18;
	s18 =	sld [smem:$0x77D];
	s20 =	smulhi.u32 $0x68DB8BAD, s20;
	p0 =	sne.s32 s25, $0x600  }
0x606: {  	s16 =	sadd.s32 s16, s19;
	s19 =	smov.u32 s2;
	s2 =	rddreg [dreg:$0x15]  }
0x607: {  	s4 =	sadd.s32 s12, s4;
	[smem:$0x779] =	sst s19;
	s19 =	smov.u32 s2  }
0x608: {  	v5 =	vmov s23;
	s14 =	sshra.s32 s16, $0xC;
	s2 =	sld [smem:$0x77E];
	s23 =	sshrl.u32 s4, $0x1F  }
0x609: {  	s11 =	sadd.s32 s11, s13;
	[dreg:$0xa] =	wrdreg s19;
	s19 =	smov.u32 s25  }
0x60a: {  	s13 =	sshra.s32 s11, $0xC;
	s19 =	sadd.s32 s15, s30;
	s15 =	smul.u32 $0x68DB8BAD, s29  }
0x60b: {  	s11 =	sshrl.u32 s11, $0x1F;
	s29 =	smul.u32 $0x68DB8BAD, s10;
	s10 =	sadd.s32 s1, s21  }
0x60c: {  	(v2sf) =	vpush v3, $0x3;
	s1 =	sld [smem:$0x77C];
	s21 =	sshra.s32 s19, $0x1F;
	s30 =	sshra.s32 s19, $0xC  }
0x60d: {  	s19 =	sshrl.u32 s19, $0x1F;
	s2 =	sadd.s32 s15, s2;
	s15 =	sshra.s32 s16, $0x1F  }
0x60e: {  	s16 =	sshrl.u32 s16, $0x1F;
	v4 =	vsel vm4, s30, v4;
	v6 =	vmov s19;
	s19 =	sshrl.u32 s24, $0x1F;
	s24 =	sshra.s32 s4, $0xC  }
0x60f: {  	s22 =	sadd.s32 s29, s22;
	s18 =	sadd.s32 s18, s1;
	v4 =	vsel vm9, s21, v4;
	s12 =	sshra.s32 s2, $0xC  }
0x610: {  	v7 =	vmov s9;
	s21 =	sshrl.u32 s2, $0x1F;
	v6 =	vnsel vm4, $0x0, v6;
	s9 =	sshra.s32 s2, $0x1F;
	s2 =	smulhi.u32 $0x68DB8BAD, s3;
	v4 =	vsel vm0, s6, v4  }
0x611: {  	(v2sf) =	vpush v3, $0x4;
	s1 =	sshra.s32 s10, $0xC;
	s6 =	sshra.s32 s18, $0x1F;
	v6 =	vsel vm0, s28, v6;
	s28 =	sshrl.u32 s18, $0x1F;
	v4 =	vsel vm11, s31, v4  }
0x612: {  	(v2sf) =	vpush v3, $0xC;
	v6 =	vsel vm1, s19, v6;
	s19 =	sshrl.u32 s22, $0x1F;
	s2 =	sadd.s32 s7, s2;
	v4 =	vsel vm1, s8, v4;
	s8 =	sshra.s32 s18, $0xC  }
0x613: {  	s18 =	smul.u32 $0x68DB8BAD, s0;
	s3 =	spop (v2sf);
	v6 =	vsel vm2, s21, v6;
	s21 =	sshra.s32 s22, $0xC  }
0x614: {  	(v2sf) =	vpush v3, $0x8;
	s0 =	sshrl.u32 s10, $0x1F;
	s10 =	rddreg [dreg:$0x18];
	s22 =	sshra.s32 s3, $0x1F  }
0x615: {  	(v2sf) =	vpush v3, $0x9;
	v4 =	vsel vm12, s5, v4;
	s5 =	sshra.s32 s4, $0x1F;
	s3 =	smulhi.u32 $0x68DB8BAD, s3;
	[smem:$0x77B] =	sst s22  }
0x616: {  	v6 =	vsel vm5, s16, v6;
	v7 =	vsel vm0, s21, v7;
	v4 =	vsel vm2, s12, v4;
	s12 =	spop (v2sf);
	s16 =	sadd.s32 s18, s20;
	s20 =	sld [smem:$0x77F]  }
0x617: {  	v7 =	vsel vm1, s26, v7;
	v4 =	vsel vm13, s9, v4;
	s9 =	spop (v2sf);
	s26 =	sshra.s32 s12, $0x1F;
	s12 =	smulhi.u32 $0x68DB8BAD, s12  }
0x618: {  	(v2sf) =	vpush v3, $0x6;
	v6 =	vsel vm6, s28, v6;
	v4 =	vsel vm5, s14, v4;
	s4 =	sshra.s32 s9, $0x1F;
	s14 =	spop (v2sf);
	s9 =	smulhi.u32 $0x68DB8BAD, s9  }
0x619: {  	(v2sf) =	vpush v3, $0xD;
	v6 =	vsel vm7, s23, v6;
	[smem:$0x77A] =	sst s3;
	v4 =	vsel vm14, s15, v4;
	s15 =	sshra.s32 s14, $0x1F;
	s14 =	smulhi.u32 $0x68DB8BAD, s14  }
0x61a: {  	s23 =	spop (v2sf);
	v6 =	vsel vm10, s20, v6;
	s20 =	sshrl.u32 s2, $0x1F;
	s4 =	smul.u32 $0x68DB8BAD, s4  }
0x61b: {  	(v2sf) =	vpush v3, $0xE;
	s21 =	sshra.s32 s23, $0x1F;
	s18 =	spop (v2sf);
	s22 =	smulhi.u32 $0x68DB8BAD, s23  }
0x61c: {  	v9 =	vmov s17;
	(v2sf) =	vpush v3, $0xA;
	v4 =	vsel vm6, s8, v4;
	s23 =	sld [smem:$0x780];
	s8 =	smul.u32 $0x68DB8BAD, s26;
	s26 =	sshra.s32 s16, $0xC  }
0x61d: {  	v9 =	vsel vm0, s20, v9;
	s16 =	sshrl.u32 s16, $0x1F;
	s15 =	smul.u32 $0x68DB8BAD, s15;
	s29 =	sshra.s32 s18, $0x1F  }
0x61e: {  	(v2sf) =	vpush v3, $0xF;
	v4 =	vsel vm15, s6, v4;
	v9 =	vsel vm1, s16, v9;
	s16 =	smulhi.u32 $0x68DB8BAD, s18;
	s18 =	sshra.s32 s25, $0x2;
	[smem:$0x77C] =	sst s22  }
0x61f: {  	s2 =	sshra.s32 s2, $0xC;
	v4 =	vsel vm7, s24, v4;
	s24 =	smul.u32 $0x68DB8BAD, s21;
	[dreg:$0x15] =	wrdreg s18  }
0x620: {  	s6 =	spop (v2sf);
	s30 =	sadd.s32 s4, s9;
	[smem:$0x77E] =	sst s16  }
0x621: {  	v5 =	vsel vm0, s19, v5;
	v7 =	vsel vm2, s1, v7;
	(v2sf) =	vpush v3, $0xB;
	s19 =	sshra.s32 s6, $0x1F;
	s1 =	spop (v2sf);
	[smem:$0x77D] =	sst s24  }
0x622: {  	s8 =	sadd.s32 s8, s12;
	s16 =	smul.u32 $0x68DB8BAD, s19;
	s24 =	rddreg [dreg:$0x1b]  }
0x623: {  	s21 =	spop (v2sf);
	s22 =	sshra.s32 s1, $0x1F;
	s1 =	smulhi.u32 $0x68DB8BAD, s1;
	v8 =	vmov s24  }
0x624: {  	s28 =	sshrl.u32 s30, $0x1F;
	v4 =	vsel vm3, s5, v4;
	s5 =	sshra.s32 s21, $0x1F;
	s21 =	smulhi.u32 $0x68DB8BAD, s21;
	v8 =	vsel vm0, s2, v8  }
0x625: {  	v5 =	vsel vm1, s23, v5;
	s23 =	spop (v2sf);
	s24 =	sadd.s32 s15, s14;
	s15 =	smul.u32 $0x68DB8BAD, s22;
	v8 =	vsel vm1, s26, v8  }
0x626: {  	v9 =	vsel vm2, s11, v9;
	v63 =	vld [tilespmem:s18+$0x190];
	s31 =	sshra.s32 s30, $0x1F;
	s18 =	sshra.s32 s8, $0x1F;
	v5 =	vsel vm2, s0, v5;
	s22 =	smulhi.u32 $0x68DB8BAD, s23;
	v8 =	vsel vm2, s13, v8  }
0x627: {  	v4 =	vsel vm10, s10, v4;
	s17 =	spop (v2sf);
	s10 =	sshra.s32 s23, $0x1F;
	v5 =	vcombine.low v5, v9;
	s5 =	smul.u32 $0x68DB8BAD, s5;
	v7 =	vcombine.low v7, v8  }
0x628: {  	v6 =	vperm.xlane v6, v1;
	v4 =	vperm.xlane v4, v1;
	s23 =	sshra.s32 s8, $0xC;
	s3 =	spop (v2sf);
	s4 =	smulhi.u32 $0x68DB8BAD, s17  }
0x629: {  	s2 =	sadd.s32 $0x40, s25;
	s25 =	sshra.s32 s17, $0x1F;
	[dreg:$0x18] =	wrdreg s23;
	v5 =	vperm.xlane v5, v0;
	v7 =	vperm.xlane v7, v0  }
0x62a: {  	s7 =	sshra.s32 s3, $0x1F;
	s20 =	spop (v2sf);
	s17 =	sadd.s32 s15, s1  }
0x62b: {  	s21 =	sadd.s32 s5, s21;
	s5 =	sshra.s32 s24, $0x1F;
	s13 =	spop (v2sf);
	v5 =	vsel vm8, v6, v5;
	v4 =	vsel vm8, v4, v7  }
0x62c: {  	s0 =	sshra.s32 s20, $0x1F;
	s23 =	sshrl.u32 s21, $0x1F;
	s26 =	sshra.s32 s13, $0x1F;
	v4 =	vadd.s32 v5, v4  }
0x62d: {  	s15 =	smulhi.u32 $0x68DB8BAD, s13;
	s13 =	sshrl.u32 s8, $0x1F;
	s19 =	spop (v2sf);
	v4 =	vmul.u32 $0x2710, v4  }
0x62e: {  	[smem:$0x77F] =	sst s13;
	s26 =	smul.u32 $0x68DB8BAD, s26;
	s13 =	sshra.s32 s17, $0xC  }
0x62f: {  	s9 =	sshra.s32 s21, $0xC;
	s11 =	sshra.s32 s19, $0x1F;
	[dreg:$0x1b] =	wrdreg s13;
	v4 =	vsub.s32 v2, v4;
	v2 =	vmov v3;
	v3 =	vmul.u32 $0x1F, v63  }
0x630: {  	s13 =	smulhi.u32 $0x68DB8BAD, s19;
	s21 =	sadd.s32 s26, s15;
	s14 =	spop (v2sf)  }
.Ltmp11:
0x631: {  	s26 =	sld [smem:$0x77B];
	s12 =	sshra.s32 s14, $0x1F;
	(v2sf) =	vpush v3, $0x0;
	(pc) =	sbr.rel @p0 .LBB2_18-.Ltmp11, $4  }
0x632: {  	s19 =	sld [smem:$0x779];
	s15 =	sshrl.u32 s21, $0x1F;
	s1 =	smul.u32 $0x68DB8BAD, s12;
	(v2sf) =	vpush v3, $0x7  }
0x633: {  	s8 =	sshra.s32 s24, $0xC;
	[smem:$0x780] =	sst s15;
	s12 =	smul.u32 $0x68DB8BAD, s25;
	vm9 =	vlt.s32 v4, $0x0;
	v5 =	vadd.s32 $0x2710, v4;
	(v2sf) =	vpush v3, $0x1  }
0x634: {  	s15 =	smul.u32 $0x68DB8BAD, s26;
	s26 =	sshra.s32 s21, $0xC;
	s25 =	smov.u32 s2;
	v4 =	vsel vm9, v5, v4;
	(v2sf) =	vpush v3, $0x2  }
0x635: {  	vm9 =	vcmask $0x704;
	[tilespmem:s19+$0x4B0] =	vst v4;
	s19 =	smulhi.u32 $0x68DB8BAD, s6;
	s6 =	sshra.s32 s30, $0xC;
	s30 =	sld [smem:$0x77A];
	(v2sf) =	vpush v3, $0x5  }
0x636: {  	_ =	sdelay $0x1  }
0x637: {  	(v2sf) =	vpush v3, $0x3;
	s2 =	smulhi.u32 $0x68DB8BAD, s14  }
0x638: {  	s25 =	smul.u32 $0x68DB8BAD, s29  }
0x639: {  	s29 =	smul.u32 $0x68DB8BAD, s10;
	[smem:$0x75A] =	sst s2  }
0x63a: {  	s3 =	smulhi.u32 $0x68DB8BAD, s3;
	(v2sf) =	vpush v3, $0x4;
	[smem:$0x75B] =	sst s25  }
0x63b: {  	s0 =	smul.u32 $0x68DB8BAD, s0;
	[smem:$0x75C] =	sst s29  }
0x63c: {  	s10 =	smul.u32 $0x68DB8BAD, s11;
	(v2sf) =	vpush v3, $0xC;
	[smem:$0x760] =	sst s3  }
0x63d: {  	s11 =	smul.u32 $0x68DB8BAD, s7;
	[smem:$0x75D] =	sst s0  }
0x63e: {  	s14 =	smulhi.u32 $0x68DB8BAD, s20;
	[smem:$0x75F] =	sst s10;
	(v2sf) =	vpush v3, $0x8  }
0x63f: {  	[smem:$0x761] =	sst s11;
	(v2sf) =	vpush v3, $0x9;
	s21 =	spop (v2sf)  }
0x640: {  	[smem:$0x75E] =	sst s14;
	(v2sf) =	vpush v3, $0x6;
	s0 =	spop (v2sf)  }
0x641: {  	s12 =	sadd.s32 s12, s4;
	s4 =	sld [smem:$0x75C];
	(v2sf) =	vpush v3, $0xD;
	s25 =	spop (v2sf)  }
0x642: {  	(v2sf) =	vpush v3, $0xE;
	s11 =	sshra.s32 s0, $0x1F;
	s0 =	smulhi.u32 $0x68DB8BAD, s0;
	s2 =	spop (v2sf)  }
0x643: {  	s14 =	smul.u32 $0x68DB8BAD, s11;
	s20 =	spop (v2sf)  }
0x644: {  	[smem:$0x766] =	sst s0;
	s7 =	smulhi.u32 $0x68DB8BAD, s20  }
0x645: {  	(v2sf) =	vpush v3, $0xA;
	s29 =	sshra.s32 s20, $0x1F;
	[smem:$0x767] =	sst s14;
	s20 =	smulhi.u32 $0x68DB8BAD, s25  }
0x646: {  	s14 =	spop (v2sf);
	s10 =	smul.u32 $0x68DB8BAD, s29  }
0x647: {  	s29 =	sshra.s32 s25, $0x1F;
	[smem:$0x76B] =	sst s7;
	s7 =	smulhi.u32 $0x68DB8BAD, s2  }
0x648: {  	[smem:$0x764] =	sst s20;
	s0 =	smul.u32 $0x68DB8BAD, s29  }
0x649: {  	s2 =	sshra.s32 s2, $0x1F;
	[smem:$0x76C] =	sst s10;
	s10 =	spop (v2sf)  }
0x64a: {  	s2 =	smul.u32 $0x68DB8BAD, s2;
	[smem:$0x762] =	sst s7  }
0x64b: {  	[smem:$0x765] =	sst s0;
	s0 =	spop (v2sf);
	s11 =	sshra.s32 s10, $0x1F  }
0x64c: {  	(v2sf) =	vpush v3, $0xF;
	[smem:$0x763] =	sst s2;
	s29 =	smul.u32 $0x68DB8BAD, s11;
	s3 =	sshra.s32 s0, $0x1F  }
0x64d: {  	s20 =	spop (v2sf);
	s7 =	smul.u32 $0x68DB8BAD, s3  }
0x64e: {  	s25 =	sadd.s32 s16, s19;
	s11 =	spop (v2sf);
	s19 =	smulhi.u32 $0x68DB8BAD, s20  }
0x64f: {  	[smem:$0x76A] =	sst s29;
	s3 =	spop (v2sf)  }
0x650: {  	[smem:$0x768] =	sst s7;
	s16 =	spop (v2sf)  }
0x651: {  	[smem:$0x769] =	sst s19;
	s29 =	spop (v2sf)  }
0x652: {  	[smem:$0x776] =	sst s29  }
0x653: {  	s29 =	sld [smem:$0x75A]  }
0x654: {  	s15 =	sadd.s32 s15, s30;
	s19 =	smulhi.u32 $0x68DB8BAD, s0;
	s2 =	spop (v2sf)  }
0x655: {  	s7 =	sshra.s32 s2, $0x1F;
	s30 =	smulhi.u32 $0x68DB8BAD, s2;
	s2 =	sld [smem:$0x77E]  }
0x656: {  	s0 =	sadd.s32 s1, s29;
	s29 =	smul.u32 $0x68DB8BAD, s7;
	s7 =	sld [smem:$0x75B]  }
0x657: {  	[smem:$0x76F] =	sst s0  }
0x658: {  	s0 =	sld [smem:$0x77C]  }
0x659: {  	s2 =	sadd.s32 s7, s2;
	s7 =	sld [smem:$0x77D]  }
0x65a: {  	s20 =	sshra.s32 s20, $0x1F;
	[smem:$0x775] =	sst s16  }
0x65b: {  	s16 =	smul.u32 $0x68DB8BAD, s20;
	s20 =	spop (v2sf)  }
0x65c: {  	[smem:$0x773] =	sst s20;
	s20 =	smulhi.u32 $0x68DB8BAD, s3;
	s7 =	sadd.s32 s7, s0  }
0x65d: {  	s0 =	sshra.s32 s3, $0x1F;
	s3 =	sadd.s32 s4, s22;
	s4 =	sld [smem:$0x75E]  }
0x65e: {  	[smem:$0x76E] =	sst s3  }
0x65f: {  	s3 =	sld [smem:$0x75D];
	_ =	sdelay $0x2  }
0x660: {  	s22 =	smul.u32 $0x68DB8BAD, s0;
	s0 =	sadd.s32 s3, s4;
	s4 =	sld [smem:$0x75F]  }
0x661: {  	s3 =	sld [smem:$0x760]  }
0x662: {  	[smem:$0x772] =	sst s0  }
0x663: {  	s0 =	sadd.s32 s4, s13;
	s4 =	sld [smem:$0x761]  }
0x664: {  	(v2sf) =	vpush v3, $0xB  }
0x665: {  	[smem:$0x770] =	sst s0  }
0x666: {  	s0 =	sadd.s32 s4, s3;
	s4 =	smulhi.u32 $0x68DB8BAD, s10;
	s10 =	sld [smem:$0x762]  }
0x667: {  	[smem:$0x771] =	sst s0  }
0x668: {  	s13 =	smulhi.u32 $0x68DB8BAD, s21;
	s0 =	sshra.s32 s21, $0x1F;
	s21 =	sld [smem:$0x763]  }
0x669: {  	_ =	sdelay $0x1  }
0x66a: {  	s3 =	sadd.s32 s21, s10;
	s10 =	sld [smem:$0x764]  }
0x66b: {  	s21 =	sld [smem:$0x765]  }
0x66c: {  	[smem:$0x777] =	sst s3  }
0x66d: {  	s3 =	smul.u32 $0x68DB8BAD, s0;
	s0 =	sld [smem:$0x766]  }
0x66e: {  	s10 =	sadd.s32 s21, s10;
	s21 =	sld [smem:$0x767];
	_ =	sdelay $0x2  }
0x66f: {  	s0 =	sadd.s32 s21, s0;
	s21 =	sld [smem:$0x768]  }
0x670: {  	s1 =	spop (v2sf);
	[smem:$0x76D] =	sst s20  }
0x671: {  	v4 =	vmov s18;
	s18 =	smulhi.u32 $0x68DB8BAD, s14;
	s20 =	sshra.s32 s1, $0x1F;
	[smem:$0x774] =	sst s0  }
0x672: {  	s20 =	smul.u32 $0x68DB8BAD, s20;
	s0 =	sadd.s32 s21, s19;
	s21 =	sld [smem:$0x769]  }
0x673: {  	s3 =	sadd.s32 s3, s13;
	s19 =	smulhi.u32 $0x68DB8BAD, s1;
	s1 =	sshra.s32 s14, $0x1F  }
0x674: {  	s14 =	sadd.s32 s29, s30;
	[smem:$0x778] =	sst s0;
	s0 =	sshra.s32 s15, $0xC  }
0x675: {  	s29 =	smul.u32 $0x68DB8BAD, s1;
	v4 =	vsel vm4, s0, v4;
	s16 =	sadd.s32 s16, s21;
	s21 =	sshra.s32 s15, $0x1F  }
0x676: {  	s0 =	smulhi.u32 $0x68DB8BAD, s11;
	s11 =	sshra.s32 s11, $0x1F;
	v4 =	vsel vm9, s21, v4;
	s21 =	sld [smem:$0x76A]  }
0x677: {  	s30 =	smul.u32 $0x68DB8BAD, s11;
	v4 =	vsel vm0, s6, v4;
	s6 =	sadd.s32 s20, s19;
	s19 =	sld [smem:$0x76D]  }
0x678: {  	s13 =	sadd.s32 s29, s18;
	s18 =	sld [smem:$0x76C];
	v4 =	vsel vm11, s31, v4;
	s31 =	sshrl.u32 s15, $0x1F  }
0x679: {  	s29 =	sshrl.u32 s25, $0x1F;
	s20 =	sshrl.u32 s24, $0x1F;
	s24 =	sshra.s32 s25, $0x1F;
	v5 =	vmov s31;
	v4 =	vsel vm1, s8, v4  }
0x67a: {  	s1 =	sadd.s32 s21, s4;
	s21 =	sshra.s32 s2, $0xC;
	s31 =	sadd.s32 s22, s19;
	v4 =	vsel vm12, s5, v4;
	v5 =	vnsel vm4, $0x0, v5  }
0x67b: {  	s22 =	sshra.s32 s25, $0xC;
	s25 =	sld [smem:$0x76F];
	v5 =	vsel vm0, s28, v5;
	v4 =	vsel vm2, s21, v4;
	s28 =	sshra.s32 s2, $0x1F  }
0x67c: {  	s15 =	sld [smem:$0x76B];
	s8 =	sadd.s32 s30, s0;
	s30 =	sshra.s32 s7, $0x1F;
	v4 =	vsel vm13, s28, v4  }
0x67d: {  	s19 =	sshra.s32 s7, $0xC;
	s2 =	sshrl.u32 s2, $0x1F;
	v5 =	vsel vm1, s20, v5;
	v4 =	vsel vm5, s22, v4;
	s22 =	sld [smem:$0x76E]  }
0x67e: {  	v7 =	vmov s9;
	v5 =	vsel vm2, s2, v5;
	s28 =	sshra.s32 s25, $0xC;
	s9 =	sshrl.u32 s25, $0x1F;
	s25 =	sld [smem:$0x780];
	v4 =	vsel vm14, s24, v4  }
0x67f: {  	s11 =	sadd.s32 s18, s15;
	s18 =	sshrl.u32 s7, $0x1F;
	v5 =	vsel vm5, s29, v5;
	s29 =	sld [smem:$0x770];
	v4 =	vsel vm6, s19, v4  }
0x680: {  	s20 =	sshrl.u32 s12, $0x1F;
	v5 =	vsel vm6, s18, v5;
	v4 =	vsel vm15, s30, v4;
	s30 =	sld [smem:$0x771]  }
0x681: {  	v6 =	vmov s23;
	s23 =	sshrl.u32 s22, $0x1F;
	v5 =	vsel vm7, s20, v5;
	s20 =	sld [smem:$0x77F]  }
0x682: {  	s21 =	sshra.s32 s12, $0xC;
	v6 =	vsel vm0, s23, v6;
	s23 =	sld [smem:$0x773]  }
0x683: {  	s12 =	sshra.s32 s12, $0x1F;
	s24 =	sshra.s32 s22, $0xC;
	s22 =	sld [smem:$0x772]  }
0x684: {  	s2 =	sshra.s32 s29, $0xC;
	s7 =	sshrl.u32 s29, $0x1F;
	v4 =	vsel vm7, s21, v4;
	s29 =	rddreg [dreg:$0x1b]  }
0x685: {  	v7 =	vsel vm0, s24, v7;
	v4 =	vsel vm3, s12, v4;
	s12 =	sshra.s32 s23, $0x1F;
	s5 =	smulhi.u32 $0x68DB8BAD, s23;
	s23 =	sld [smem:$0x774]  }
0x686: {  	s0 =	sshrl.u32 s17, $0x1F;
	v7 =	vsel vm1, s26, v7;
	s26 =	rddreg [dreg:$0x18]  }
0x687: {  	v10 =	vmov s0;
	s15 =	sshrl.u32 s16, $0x1F;
	s16 =	sshra.s32 s16, $0xC;
	v6 =	vsel vm1, s25, v6;
	s25 =	sld [smem:$0x775]  }
0x688: {  	v12 =	vmov s15;
	v13 =	vmov s16;
	s16 =	sshrl.u32 s8, $0x1F;
	v9 =	vmov s29;
	s29 =	sld [smem:$0x777];
	s24 =	sshra.s32 s23, $0x1F  }
0x689: {  	v12 =	vsel vm0, s16, v12;
	s17 =	sshrl.u32 s30, $0x1F;
	s21 =	sshra.s32 s30, $0xC;
	v7 =	vsel vm2, s28, v7;
	s28 =	sshra.s32 s3, $0xC;
	v8 =	vmov s24  }
0x68a: {  	v5 =	vsel vm10, s20, v5;
	s18 =	sshra.s32 s22, $0xC;
	s19 =	sshrl.u32 s22, $0x1F;
	v4 =	vsel vm10, s26, v4;
	s30 =	sshra.s32 s3, $0x1F;
	v8 =	vsel vm4, s28, v8  }
0x68b: {  	s3 =	sshrl.u32 s3, $0x1F;
	s26 =	sshra.s32 s10, $0xC;
	v6 =	vsel vm2, s9, v6;
	s9 =	sshra.s32 s11, $0xC;
	v10 =	vsel vm0, s17, v10;
	v8 =	vsel vm9, s30, v8  }
0x68c: {  	v9 =	vsel vm0, s21, v9;
	s21 =	sshrl.u32 s10, $0x1F;
	v11 =	vmov s3;
	s20 =	sshra.s32 s25, $0x1F;
	s28 =	sshra.s32 s10, $0x1F;
	v8 =	vsel vm0, s26, v8  }
0x68d: {  	v10 =	vsel vm1, s19, v10;
	v9 =	vsel vm1, s18, v9;
	s22 =	sshra.s32 s29, $0xC;
	s18 =	sshra.s32 s14, $0xC;
	s19 =	sshra.s32 s1, $0xC;
	v8 =	vsel vm11, s28, v8  }
0x68e: {  	v5 =	vperm.xlane v5, v1;
	v11 =	vnsel vm4, $0x0, v11;
	s4 =	smulhi.u32 $0x68DB8BAD, s25;
	s24 =	sld [smem:$0x776];
	s30 =	sshra.s32 s29, $0x1F;
	v8 =	vsel vm1, s22, v8  }
0x68f: {  	v4 =	vperm.xlane v4, v1;
	v11 =	vsel vm0, s21, v11;
	s21 =	sshrl.u32 s31, $0x1F;
	s26 =	sshrl.u32 s29, $0x1F;
	s29 =	sshra.s32 s13, $0xC;
	v8 =	vsel vm12, s30, v8  }
0x690: {  	v10 =	vsel vm2, s7, v10;
	v9 =	vsel vm2, s2, v9;
	s25 =	smul.u32 $0x68DB8BAD, s20;
	s30 =	sshrl.u32 s13, $0x1F;
	s13 =	sshra.s32 s13, $0x1F;
	v8 =	vsel vm2, s29, v8  }
0x691: {  	s20 =	sshrl.u32 s6, $0x1F;
	v6 =	vcombine.low v6, v10;
	s0 =	sshra.s32 s24, $0x1F;
	s17 =	smulhi.u32 $0x68DB8BAD, s24;
	v11 =	vsel vm1, s26, v11;
	v8 =	vsel vm13, s13, v8  }
0x692: {  	v7 =	vcombine.low v7, v9;
	s28 =	sshra.s32 s1, $0x1F;
	s1 =	sshrl.u32 s1, $0x1F;
	s26 =	sshra.s32 s8, $0xC;
	v11 =	vsel vm2, s30, v11;
	v8 =	vsel vm5, s19, v8  }
0x693: {  	s0 =	smul.u32 $0x68DB8BAD, s0;
	s22 =	sshrl.u32 s11, $0x1F;
	v13 =	vsel vm0, s26, v13;
	v11 =	vsel vm5, s1, v11;
	v8 =	vsel vm14, s28, v8;
	s28 =	sld [smem:$0x778]  }
0x694: {  	s2 =	sadd.s32 s25, s4;
	s10 =	sshrl.u32 s23, $0x1F;
	v6 =	vperm.xlane v6, v0;
	v13 =	vsel vm1, s18, v13;
	s18 =	sshrl.u32 s14, $0x1F;
	v11 =	vsel vm6, s22, v11  }
0x695: {  	v7 =	vperm.xlane v7, v0;
	s24 =	smul.u32 $0x68DB8BAD, s12;
	s12 =	sshra.s32 s6, $0xC;
	s0 =	sadd.s32 s0, s17;
	v12 =	vsel vm1, s18, v12;
	v11 =	vsel vm7, s21, v11  }
0x696: {  	s17 =	sshrl.u32 s2, $0x1F;
	v13 =	vsel vm2, s12, v13;
	v12 =	vsel vm2, s20, v12;
	v11 =	vsel vm10, s10, v11;
	s29 =	sshrl.u32 s28, $0x1F;
	s15 =	sshra.s32 s28, $0xC  }
0x697: {  	s2 =	sshra.s32 s2, $0xC;
	s30 =	sadd.s32 s24, s5;
	s13 =	sshra.s32 s11, $0x1F;
	v8 =	vsel vm6, s9, v8;
	v14 =	vmov s29;
	v15 =	vmov s15  }
0x698: {  	s24 =	sshra.s32 s31, $0xC;
	s19 =	sshrl.u32 s0, $0x1F;
	s0 =	sshra.s32 s0, $0xC;
	v8 =	vsel vm15, s13, v8;
	v14 =	vsel vm0, s17, v14;
	v15 =	vsel vm0, s2, v15  }
0x699: {  	s25 =	sshra.s32 s31, $0x1F;
	s22 =	sshra.s32 s30, $0xC;
	s21 =	sshrl.u32 s30, $0x1F;
	v8 =	vsel vm7, s24, v8;
	v14 =	vsel vm1, s19, v14;
	v15 =	vsel vm1, s0, v15  }
0x69a: {  	s26 =	sshra.s32 s23, $0xC;
	v8 =	vsel vm3, s25, v8;
	v14 =	vsel vm2, s21, v14;
	v59 =	vsel vm2, s22, v15  }
0x69b: {  	v8 =	vsel vm10, s26, v8;
	v60 =	vcombine.low v12, v14;
	v9 =	vcombine.low v13, v59  }
0x69c: {  	v11 =	vperm.xlane v11, v1;
	v8 =	vperm.xlane v8, v1  }
0x69d: {  	v10 =	vperm.xlane v60, v0;
	v9 =	vperm.xlane v9, v0  }
0x69e: {  	v5 =	vsel vm8, v5, v6;
	v4 =	vsel vm8, v4, v7  }
0x69f: {  	v4 =	vadd.s32 v5, v4;
	v61 =	vsel vm8, v11, v10;
	v62 =	vsel vm8, v8, v9  }
0x6a0: {  	v4 =	vmul.u32 $0x2710, v4;
	v5 =	vadd.s32 v61, v62  }
0x6a1: {  	s31 =	sld [smem:$0x7A7];
	v5 =	vmul.u32 $0x2710, v5  }
0x6a2: {  	v2 =	vsub.s32 v2, v4;
	s18 =	rddreg [dreg:$0x4]  }
.Ltmp12:
0x6a3: {  	vm9 =	vlt.s32 v2, $0x0;
	v4 =	vadd.s32 $0x2710, v2;
	s30 =	sld [smem:$0x7F2];
	v3 =	vsub.s32 v3, v5;
	(pc) =	sbr.rel .LBB2_6-.Ltmp12, $4  }
0x6a4: {  	v2 =	vsel vm9, v4, v2;
	s28 =	rddreg [dreg:$0xa];
	vm9 =	vlt.s32 v3, $0x0;
	v63 =	vadd.s32 $0x2710, v3  }
0x6a5: {  	s1 =	simm.s32 $0x190;
	[tilespmem:s28+$0x4B0] =	vst v2;
	s29 =	rddreg [dreg:$0x15];
	v2 =	vsel vm9, v63, v3  }
0x6a6: {  	vm4 =	vmmov vm5;
	vm11 =	vmmov vm12;
	s4 =	sadd.s32 $0x1, s31;
	s2 =	simm.s32 $0x6A40;
	s17 =	rddreg [dreg:$0x3];
	[tilespmem:s29+$0x4B0] =	vst v2  }
0x6a7: {  	vm13 =	vmmov vm14;
	vm6 =	vmmov vm7;
	vm15 =	vmmov vm3;
	[tilespmem:s2], [sflag:$0x2] =	stream.indirect.gather [hbm4b:s30+s1], $0x40, s1, s1, $0xb8;
	[tilespmem:$0x19730] =	vst v63  }
.LBB2_21:
0x6a8: {  	_ =	sfence.sel $0x180000  }
0x6a9: {  	[bflag:$0x0] =	sbarrier.arrive $0xFFFF  }
0x6aa: {  	_ =	strace $0x90000047  }
0x6ab: {  	s0 =	stileid.u32;
	[bflag:$0x2] =	sbarrier.arrive $0xFFFF  }
0x6ac: {  	p0 =	sne.s32 s0, $0x0;
	s0 =	rddreg [dreg:$0x2]  }
0x6ad: {  	s0 =	sadd.s32 @!p0 $0x100000, s0  }
0x6ae: {  	[sflag:s0] =	ssyncadd.tile.s32 @!p0 $0x1;
	_ =	shalt  }
.Lfunc_end2:
_tile_overlayer_lowered:
.L_overlay_start_2:
0x6af: {  	(tag) =	ssettag $0x2  }
0x6b0: {  	s0 =	rddreg [dreg:$0x0];
	s2 =	stileid.u32  }
0x6b1: {  	s1 =	rddreg [dreg:$0x1];
	p0 =	sne.s32 s2, $0x0  }
0x6b2: {  	s3 =	rddreg [dreg:$0x2];
	[bflag:$0x3] =	sbarrier.arrive $0xFFFF;
	s2 =	simm.s32 @!p0 $0x1C07  }
0x6b3: {  	[timem:s3], [sflag:s2] =	dma.local @!p0 [hbm:s0], s1  }
0x6b4: {  	s0 =	simm.s32 @!p0 $0x7  }
0x6b5: {  	_ =	swait.ge @!p0 [sflag:s0], s1  }
0x6b6: {  	s1 =	ssub.s32 @!p0 $0x0, s1;
	[sflag:s0] =	ssyncset.done @!p0 $0x0  }
0x6b7: {  	[sflag:s0] =	ssyncadd.s32 @!p0 s1  }
0x6b8: {  	[bflag:$0x3] =	sbarrier.arrive $0xFFFF  }
0x6b9: {  	_ =	shalt  }

// kernel: sparse-core-data-format-call.cloned.1.call-start
scs
called_computation_lowered:
.L_overlay_start_0:
0x0: {  	s2 =	sld [smem:$0x3FD9]  }
0x1: {  	s3 =	sld [smem:$0x3FFE];
	_ =	sdelay $0x1  }
0x2: {  	s1 =	srdreg.scid  }
0x3: {  	s0 =	sand.u32 $0x1, s1  }
0x4: {  	s15 =	sshll.u32 s0, $0xA;
	s2 =	sadd.s32 s3, s2  }
0x5: {  	s2 =	sadd.s32 s2, s15  }
0x6: {  	[smem:$0x3FC1] =	sst s2  }
0x7: {  	_ = 	snop  }
0x8: {  	s2 =	sld [smem:$0x3FD0];
	_ =	sdelay $0x2  }
0x9: {  	s16 =	simm.s32 $0xA;
	s4 =	simm.s32 $0x10  }
0xa: {  	[smem:s4], [sflag:s16] =	dma.local [hbm:s2], $0x1  }
0xb: {  	_ =	swait.eq [sflag:s16], $0x1  }
0xc: {  	[sflag:s16] =	ssyncset.done $0x0  }
0xd: {  	[sflag:s16] =	ssyncadd.s32 $0xFFFFFFFF  }
0xe: {  	s17 =	sld [smem:$0x10];
	(tm) =	ssettm $0x1  }
0xf: {  	s18 =	sld [smem:$0x3FFB];
	_ =	sdelay $0x3  }
0x10: {  	_ =	strace s18  }
0x11: {  	s3 =	sld [smem:$0x3FFC];
	_ =	sdelay $0x3  }
0x12: {  	_ =	strace s3  }
0x13: {  	s3 =	sld [smem:$0x3FFD];
	_ =	sdelay $0x3  }
0x14: {  	_ =	strace s3  }
0x15: {  	_ =	strace $0x8FFFFFFF  }
0x16: {  	s19 =	sld [smem:$0x3FDB];
	_ =	sdelay $0x1  }
0x17: {  	s20 =	simm.s32 $_scs_section_size  }
0x18: {  	s5 =	simm.s32 $_size__tile_overlayer_lowered;
	s6 =	simm.s32 $_tile_overlayer_lowered  }
0x19: {  	s23 =	simm.s32 $0x1BFF;
	s22 =	sshll.u32 s6, $0x1;
	s3 =	sadd.s32 s20, s19  }
0x1a: {  	s7 =	simm.s32 $0x0;
	s21 =	sshll.u32 s5, $0x1;
	s5 =	sadd.s32 s22, s3  }
0x1b: {  	[timem:s7], [sflag:s23] =	dma.local [hbm:s5], s21  }
0x1c: {  	_ =	swait.ge [sflag:s23], s21  }
0x1d: {  	s4 =	ssub.s32 $0x0, s21;
	[sflag:s23] =	ssyncset.done $0x0  }
0x1e: {  	[sflag:s23] =	ssyncadd.s32 s4;
	_ =	sdelay $0x1  }
0x1f: {  	s24 =	simm.s32 $0x1B8B  }
0x20: {  	_ =	swait.ge [sflag:s24], $0x1  }
0x21: {  	[sflag:s24] =	ssyncset.done $0x0  }
0x22: {  	s26 =	simm.s32 $0x1B8E;
	s25 =	sld [smem:$0x3FFE];
	[sflag:s24] =	ssyncadd.s32 $0xFFFFFFFF  }
0x23: {  	s27 =	simm.s32 $execute0_lowered;
	[smem:$0x3FD2] =	sst s26  }
0x24: {  	s5 =	sshll.u32 s27, $0x1;
	_ =	strace $0x80000049;
	[dreg:$0x1] =	wrdreg $0xFFFFFFFF  }
0x25: {  	s28 =	simm.s32 $_size_execute0_lowered;
	s3 =	sadd.s32 s3, s5;
	[dreg:$0x0] =	wrdreg $0x0  }
0x26: {  	s5 =	sshll.u32 s28, $0x1;
	[dreg:$0x2] =	wrdreg s3  }
0x27: {  	[dreg:$0x3] =	wrdreg s5  }
0x28: {  	[dreg:$0x4] =	wrdreg $0xC0  }
0x29: {  	_ =	task [dreg:s7], $0x5FFFF  }
0x2a: {  	[dreg:$0x1] =	wrdreg $0xFFFFFFFF  }
0x2b: {  	[dreg:$0x0] =	wrdreg $0x60  }
0x2c: {  	[dreg:$0x2] =	wrdreg s25  }
0x2d: {  	[dreg:$0x3] =	wrdreg s17  }
0x2e: {  	[dreg:$0x4] =	wrdreg $0x9  }
0x2f: {  	_ =	task.clear_ibuf [dreg:s7], $0x5FFFF;
	_ =	strace $0x90000049  }
0x30: {  	s29 =	simm.s32 $0x9;
	_ =	strace $0x8000004B  }
0x31: {  	_ =	swait.ge [sflag:s29], $0x1  }
0x32: {  	[sflag:s29] =	ssyncadd.s32 $0xFFFFFFFF  }
0x33: {  	_ =	strace $0x9000004B  }
0x34: {  	_ =	sfence  }
0x35: {  	s30 =	sld [smem:$0x0];
	_ =	sdelay $0x2  }
0x36: {  	s31 =	sshll.u32 s1, $0xD;
	s1 =	sshrl.u32 s1, $0x2  }
0x37: {  	s3 =	sand.u32 $0x4000, s31;
	s1 =	sadd.s32 s1, s30  }
0x38: {  	s0 =	sor.u32 s3, s0;
	s1 =	sshll.u32 s1, $0x11  }
0x39: {  	s0 =	sor.u32 s1, s0  }
0x3a: {  	s0 =	sadd.s32 $0x8F2B, s0  }
0x3b: {  	[sflag:s0] =	ssyncadd.remote.s32 $0x1  }
0x3c: {  	_ =	sfence.sel $0xFFFF  }
0x3d: {  	[dreg:$0x0] =	wrdreg $0xFFFFFFFF;
	(pc) =	sbr.abs _section_cstart, $3  }
0x3e: {  	[dreg:$0x1] =	wrdreg $0xFFFFFFFF  }
0x3f: {  	_ =	task.clear_ibuf [dreg:s7], $0x2FFFF;
	_ =	strace $0x9FFFFFFF  }
0x40: {  	(tm) =	ssettm $0x7FFFFFFF  }
0x41: {  	_ =	shalt  }
tec
execute0_lowered:
.L_overlay_start_1:
0x0: {  	(tag) =	ssettag $0x1  }
0x1: {  	s0 =	stileid.u32;
	s6 =	rddreg [dreg:$0x0]  }
0x2: {  	s2 =	rddreg [dreg:$0x1];
	s5 =	srdreg.scid  }
0x3: {  	s31 =	simm.s32 $0x2;
	s13 =	simm.s32 $0x0;
	s1 =	sshll.u32 s0, $0x7  }
0x4: {  	s14 =	simm.s32 $0x0;
	s12 =	simm.s32 $0x0;
	s3 =	sand.u32 $0x380, s1  }
0x5: {  	s5 =	sshll.u32 s5, $0x4;
	s6 =	sadd.s32 $0x1B200, s6;
	s4 =	ssub.s32 $0x400, s3  }
0x6: {  	s1 =	rddreg [dreg:$0x2];
	_ =	strace $0x8000004A;
	s7 =	sand.u32 $0x380, s4  }
0x7: {  	s5 =	sand.u32 $0x10, s5;
	p0 =	sne.s32 s7, $0x0;
	s7 =	simm.s32 $0x1  }
.Ltmp0:
0x8: {  	s8 =	sshrl.u32 s4, $0xA;
	s7 =	simm.s32 @!p0 $0x0;
	(pc) =	sbr.rel .LBB1_1-.Ltmp0, $4  }
0x9: {  	s9 =	sor.u32 s0, s5;
	s4 =	simm.s32 $0x1;
	s30 =	sadd.s32 s7, s8  }
0xa: {  	s11 =	smov.u32 s3;
	[sflag:s4] =	ssyncpa.u1 $0x0;
	s5 =	smul.u32 $0x32, s30  }
0xb: {  	[sflag:s31] =	ssyncpa.u1 $0x0;
	p0 =	por $0x0, $0x0;
	s7 =	sshrl.u32 s9, $0x3  }
0xc: {  	s9 =	simm.s32 $0x2000;
	s10 =	smov.u32 s7;
	s8 =	sor.u32 $0x1, s5  }
.LBB1_4:
0xd: {  	s17 =	sand.u32 $0x1F80, s14;
	s13 =	sshll.u32 s13, $0xD  }
0xe: {  	[tilespmem:s16+$0x810 ss:$0x81] =	vst.msk $0xffff, v2;
	s18 =	sshrl.u32 s14, $0x3;
	s31 =	sand.u32 $0x7, s14;
	s17 =	sadd.s32 s2, s17  }
0xf: {  	[tilespmem:s16+$0x1020 ss:$0x81] =	vst.msk $0xffff, v0;
	s18 =	sand.u32 $0xF, s18;
	s14 =	sshll.u32 s31, $0x12;
	s13 =	sadd.s32 s13, s17  }
0x10: {  	[tilespmem:s16+$0x0 ss:$0x81] =	vst.msk $0xffff, v1;
	s14 =	sor.u32 $0x400, s14;
	s13 =	sadd.s32 s18, s13  }
0x11: {  	[hbm4b:s13+s14] =	stream.strided.scatter [tilespmem:s15], [sflag:$0x2], $0x2000, s9, s14, $0x20;
	[tilespmem:$0x8080] =	vst v63  }
.LBB1_5:
0x12: {  	s15 =	sadd.s32 $0x4, s10  }
0x13: {  	s13 =	sadd.s32 $0x400, s11;
	s17 =	smov.u32 s11;
	p2 =	sgt.s32 s15, $0xC7  }
0x14: {  	s17 =	smov.u32 @p2 s13  }
0x15: {  	s15 =	smov.u32 @p2 s7;
	p2 =	sgt.s32 s17, $0x3FF  }
0x16: {  	s17 =	smov.u32 @p2 s3;
	p2 =	sne.s32 s12, s8  }
.Ltmp1:
0x17: {  	p1 =	slt.u32 s12, $0x2;
	(pc) =	sbr.rel @!p2 .LBB1_6-.Ltmp1, $4  }
0x18: {  	s16 =	simm.s32 @!p1 $0x2  }
0x19: {  	s14 =	smov.u32 s11;
	p0 =	por !p0, !p0;
	_ =	swait.ge @!p1 [sflag:s16], $0x2000  }
0x1a: {  	s13 =	smov.u32 s10;
	[sflag:s16] =	ssyncset.done @!p1 $0x0;
	s10 =	smov.u32 s15  }
0x1b: {  	s12 =	sadd.s32 $0x1, s12;
	[sflag:s16] =	ssyncadd.s32 @!p1 $0xFFFFE000;
	s11 =	smov.u32 s17  }
.LBB1_1:
0x1c: {  	p1 =	sge.u32 s12, s5  }
0x1d: {  	s15 =	sand.u32 @!p1 $0x1FFFFFF, s10  }
0x1e: {  	s16 =	smulhi.u32 @!p1 $0x147AE15, s15;
	_ =	sdelay $0x1  }
0x1f: {  	s16 =	smul.u32 @!p1 $0xC8, s16  }
0x20: {  	s17 =	sxor.u32 @!p1 $0xFFFFFFFF, s12;
	s18 =	smul.u32 @!p1 $0xC80, s11  }
0x21: {  	s31 =	sadd.s32 $0xFFFFFFFF, s12;
	s17 =	sshll.u32 @!p1 s17, $0xD;
	s15 =	ssub.s32 @!p1 s15, s16  }
0x22: {  	s16 =	sand.u32 @!p1 $0x2000, s17;
	s17 =	sadd.s32 @!p1 s6, s18;
	s15 =	sshll.u32 @!p1 s15, $0x4  }
0x23: {  	s18 =	simm.s32 @!p1 $0x6400;
	s15 =	sadd.s32 @!p1 s15, s17;
	s17 =	simm.s32 @!p1 $0x40  }
0x24: {  	[tilespmem:s16], [sflag:$0x1] =	stream.strided.gather @!p1 [hbm4b:s15+s17], $0x2000, s18, s17, $0x38;
	[tilespmem:$0x8080] =	vst v63  }
0x25: {  	p1 =	sge.u32 s31, s5  }
.Ltmp2:
0x26: {  	_ = 	snop;
	(pc) =	sbr.rel @p1 .LBB1_5-.Ltmp2, $1  }
0x27: {  	_ =	sdelay $0x3  }
0x28: {  	s15 =	simm.s32 $0x1  }
0x29: {  	_ =	swait.ge [sflag:s4], $0x2000;
	s15 =	simm.s32 @!p0 $0x0  }
0x2a: {  	[sflag:s4] =	ssyncset.done $0x0;
	s16 =	sshll.u32 s15, $0xD  }
0x2b: {  	[sflag:s4] =	ssyncadd.s32 $0xFFFFE000;
	s19 =	sor.u32 $0x20, s16  }
0x2c: {  	s15 =	smul.u32 $0x8100, s15;
	v3 =	vld [tilespmem:s19+$0x10]  }
0x2d: {  	s30 =	sand.u32 $0x1, s12;
	v2 =	vld [tilespmem:s19+$0xFFFFFFF0]  }
0x2e: {  	s16 =	smul.u32 $0x8100, s30;
	s15 =	sshrl.u32 s15, $0x2;
	v0 =	vld [tilespmem:s19+$0x0]  }
0x2f: {  	v1 =	vld [tilespmem:s19+$0xFFFFFFE0];
	s17 =	sor.u32 $0x4000, s15  }
0x30: {  	s31 =	sshrl.u32 s16, $0x2;
	s16 =	sadd.s32 $0x0, s17  }
0x31: {  	s18 =	simm.s32 $0x4;
	s19 =	sadd.s32 $0x40, s19;
	s15 =	sor.u32 $0x4000, s31;
	[tilespmem:s16+$0x1830 ss:$0x81] =	vst.msk $0xffff, v3  }
.LBB1_3:
0x32: {  	v3 =	vld [tilespmem:s19+$0x10];
	p1 =	sne.s32 s18, $0x1FC;
	[tilespmem:s16+$0x810 ss:$0x81] =	vst.msk $0xffff, v2;
	s20 =	smov.u32 s18;
	s18 =	sadd.s32 $0x4, s18  }
.Ltmp3:
0x33: {  	v2 =	vld [tilespmem:s19+$0xFFFFFFF0];
	[tilespmem:s16+$0x1020 ss:$0x81] =	vst.msk $0xffff, v0;
	(pc) =	sbr.rel @p1 .LBB1_3-.Ltmp3, $4  }
0x34: {  	v0 =	vld [tilespmem:s19+$0x0];
	[tilespmem:s16+$0x0 ss:$0x81] =	vst.msk $0xffff, v1  }
0x35: {  	s16 =	sshra.s32 s20, $0x2;
	v1 =	vld [tilespmem:s19+$0xFFFFFFE0]  }
0x36: {  	s16 =	sadd.s32 s16, s17  }
0x37: {  	s19 =	sadd.s32 $0x40, s19;
	[tilespmem:s16+$0x1830 ss:$0x81] =	vst.msk $0xffff, v3  }
.Ltmp4:
0x38: {  	_ = 	snop;
	(pc) =	sbr.rel .LBB1_4-.Ltmp4, $1  }
0x39: {  	_ =	sdelay $0x3  }
.LBB1_6:
0x3a: {  	_ =	sfence.sel $0x180000  }
0x3b: {  	s2 =	simm.s32 $0x1;
	[bflag:$0x0] =	sbarrier.arrive $0xFFFF  }
0x3c: {  	s31 =	simm.s32 $0x2;
	[sflag:s2] =	ssyncpa.u1 $0x1  }
0x3d: {  	[sflag:s31] =	ssyncpa.u1 $0x1  }
0x3e: {  	p0 =	sne.s32 s0, $0x0;
	_ =	strace $0x9000004A  }
0x3f: {  	s0 =	sadd.s32 @!p0 $0x100000, s1;
	[bflag:$0x2] =	sbarrier.arrive $0xFFFF  }
0x40: {  	[sflag:s0] =	ssyncadd.tile.s32 @!p0 $0x1;
	_ =	shalt  }
.Lfunc_end1:
_tile_overlayer_lowered:
.L_overlay_start_2:
0x41: {  	(tag) =	ssettag $0x2  }
0x42: {  	s0 =	rddreg [dreg:$0x0];
	s2 =	stileid.u32  }
0x43: {  	s1 =	rddreg [dreg:$0x1];
	p0 =	sne.s32 s2, $0x0  }
0x44: {  	s3 =	rddreg [dreg:$0x2];
	[bflag:$0x3] =	sbarrier.arrive $0xFFFF;
	s2 =	simm.s32 @!p0 $0x1C01  }
0x45: {  	[timem:s3], [sflag:s2] =	dma.local @!p0 [hbm:s0], s1  }
0x46: {  	s0 =	simm.s32 @!p0 $0x1  }
0x47: {  	_ =	swait.ge @!p0 [sflag:s0], s1  }
0x48: {  	s1 =	ssub.s32 @!p0 $0x0, s1;
	[sflag:s0] =	ssyncset.done @!p0 $0x0  }
0x49: {  	[sflag:s0] =	ssyncadd.s32 @!p0 s1  }
0x4a: {  	[bflag:$0x3] =	sbarrier.arrive $0xFFFF  }
0x4b: {  	_ =	shalt  }

</sc_bundles>
